<compile_context>
chip_gen: v7x
topology: tpu7x:2x2x1
jax: 0.10.2.dev20260603
libtpu: 0.0.44.dev20260713+nightly
codegen_flags: <defaults>
</compile_context>

<pallas_src>
import functools

import jax
import jax.numpy as jnp
from jax import lax
from jax.experimental import pallas as pl
from jax.experimental.pallas import tpu as pltpu
from jax.experimental.pallas import tpu_sc as plsc

NROW = 5
DIM = 256
BN = 16384

_info = plsc.get_sparse_core_info()
_NC, _NS = _info.num_cores, _info.num_subcores
_NW = _NC * _NS
_B_PER_W = BN // _NW
_CHUNK = 128
_NCHUNK = _B_PER_W // _CHUNK
_NBUF = 3
_NCOL = DIM // 16

_mesh = plsc.VectorSubcoreMesh(core_axis_name="c", subcore_axis_name="s")


@functools.partial(
    pl.kernel,
    mesh=_mesh,
    out_type=jax.ShapeDtypeStruct((BN, DIM), jnp.float32),
    compiler_params=pltpu.CompilerParams(needs_layout_passes=False),
    scratch_types=[
        pltpu.VMEM((NROW, DIM), jnp.float32),
        pltpu.VMEM((_NCHUNK, _CHUNK), jnp.int32),
        pltpu.VMEM((_NBUF, _CHUNK, DIM), jnp.float32),
        pltpu.SemaphoreType.DMA,
        pltpu.SemaphoreType.DMA,
        pltpu.SemaphoreType.DMA,
        pltpu.SemaphoreType.DMA,
    ],
)
def _embed_build(idx_hbm, table_hbm, out_hbm, table_v, idx_v, rows_v,
                 s0, s1, s2, stg):
    ssems = (s0, s1, s2)
    wid = lax.axis_index("s") * _NC + lax.axis_index("c")
    base = wid * _B_PER_W
    tcp = pltpu.async_copy(table_hbm, table_v, stg)
    icp = pltpu.async_copy(idx_hbm.at[wid], idx_v, stg)
    tcp.wait()
    icp.wait()

    cols = [lax.iota(jnp.int32, 16) + 16 * j for j in range(_NCOL)]

    def build_chunk(ch, buf):
        chv = jnp.full((16,), ch, jnp.int32)

        @plsc.parallel_loop(0, _CHUNK, step=1, unroll=4)
        def row_body(r):
            rv = jnp.full((16,), r, jnp.int32)
            row_splat = plsc.load_gather(idx_v, [chv, rv])
            for j in range(_NCOL):
                val = plsc.load_gather(table_v, [row_splat, cols[j]])
                plsc.store_scatter(rows_v.at[buf], [rv, cols[j]], val)

    def scatter(ch):
        return pltpu.async_copy(
            rows_v.at[ch % _NBUF],
            out_hbm.at[pl.ds(base + ch * _CHUNK, _CHUNK)],
            ssems[ch % _NBUF])

    ss = {}
    for ch in range(_NCHUNK):
        buf = ch % _NBUF
        if ch >= _NBUF:
            ss.pop(ch - _NBUF).wait()
        build_chunk(ch, buf)
        ss[ch] = scatter(ch)
    for ch in sorted(ss):
        ss[ch].wait()


def kernel(cam_indices, source_embed):
    idx = cam_indices.astype(jnp.int32).reshape(_NW, _NCHUNK, _CHUNK)
    return _embed_build(idx, source_embed)

# --- scband reference (transcript-rebuilt; emitter-appended) ---
"""Pipeline reference for scband-camera-idembedding-15083925143764 (READ-ONLY COPY).

The authoritative reference and input builder live on the scoring server;
editing this copy changes nothing except your own understanding.
"""

import jax, jax.numpy as jnp
import numpy as np

N_SOURCE = 5
DIM = 256
BN = 16384

def setup_inputs(seed: int = 0) -> dict:
    key = jax.random.key(seed)
    k1, k2 = jax.random.split(key)
    cam_indices = jax.random.randint(k1, (BN,), 0, N_SOURCE, dtype=jnp.int64 if jax.config.jax_enable_x64 else jnp.int32)
    source_embed = jax.random.normal(k2, (N_SOURCE, DIM), dtype=jnp.float32) * 0.02
    return {"cam_indices": cam_indices, "source_embed": source_embed}

def reference(cam_indices, source_embed):
    # CameraIDEmbedding.get_source_pe: nn.Embedding lookup -> table[idx]
    return jnp.take(source_embed, cam_indices, axis=0)

if __name__ == "__main__":
    import jax
    _d = setup_inputs()
    print(jax.jit(kernel)(*tuple(_d.values())))

</pallas_src>

<mosaic_0001>
#map = affine_map<(d0, d1) -> (0, 0, 0)>
#map1 = affine_map<(d0, d1) -> (0, 0)>
module attributes {stable_mosaic.version = 14 : i64} {
  func.func @_embed_build(%arg0: i32, %arg1: i32, %arg2: memref<32x4x128xi32, #tpu.memory_space<hbm>>, %arg3: memref<5x256xf32, #tpu.memory_space<hbm>>, %arg4: memref<16384x256xf32, #tpu.memory_space<hbm>>, %arg5: memref<5x256xf32, #tpu.memory_space<vmem>>, %arg6: memref<4x128xi32, #tpu.memory_space<vmem>>, %arg7: memref<3x128x256xf32, #tpu.memory_space<vmem>>, %arg8: memref<!tpu.dma_semaphore, #tpu.memory_space<semaphore_mem>>, %arg9: memref<!tpu.dma_semaphore, #tpu.memory_space<semaphore_mem>>, %arg10: memref<!tpu.dma_semaphore, #tpu.memory_space<semaphore_mem>>, %arg11: memref<!tpu.dma_semaphore, #tpu.memory_space<semaphore_mem>>) attributes {dimension_semantics = [#tpu.dimension_semantics<core_parallel>, #tpu.dimension_semantics<subcore_parallel>], iteration_bounds = array<i64: 2, 16>, scalar_prefetch = 0 : i64, scratch_operands = 7 : i64, tpu.core_type = #tpu.core_type<sc_vector_subcore>, window_params = [{transform_indices = #map}, {transform_indices = #map1}, {transform_indices = #map1}]} {
    %mul3A = arith.constant 2 : i32
    %mul3A_0 = arith.muli %arg1, %mul3A : i32
    %add3A = arith.addi %mul3A_0, %arg0 : i32
    %mul3A_1 = arith.constant 512 : i32
    %mul3A_2 = arith.muli %add3A, %mul3A_1 : i32
    tpu.enqueue_dma source(%arg3 : memref<5x256xf32, #tpu.memory_space<hbm>>) target(%arg5 : memref<5x256xf32, #tpu.memory_space<vmem>>) target_semaphore(%arg11 : memref<!tpu.dma_semaphore, #tpu.memory_space<semaphore_mem>>)
    %dma_start3A = arith.constant 0 : i32
    %dma_start3A_3 = arith.constant 0 : i32
    %dma_start3A_4 = tpu.memref_slice %arg2[%add3A, %dma_start3A, %dma_start3A_3] : memref<32x4x128xi32, #tpu.memory_space<hbm>> -> memref<1x4x128xi32, #tpu.memory_space<hbm>>
    %dma_start3A_5 = tpu.memref_squeeze %dma_start3A_4 : memref<1x4x128xi32, #tpu.memory_space<hbm>> -> memref<4x128xi32, #tpu.memory_space<hbm>>
    %dma_start3A_6 = arith.constant 0 : i32
    %dma_start3A_7 = arith.constant 0 : i32
    %dma_start3A_8 = tpu.memref_slice %arg2[%add3A, %dma_start3A_6, %dma_start3A_7] : memref<32x4x128xi32, #tpu.memory_space<hbm>> -> memref<1x4x128xi32, #tpu.memory_space<hbm>>
    %dma_start3A_9 = tpu.memref_squeeze %dma_start3A_8 : memref<1x4x128xi32, #tpu.memory_space<hbm>> -> memref<4x128xi32, #tpu.memory_space<hbm>>
    tpu.enqueue_dma source(%dma_start3A_9 : memref<4x128xi32, #tpu.memory_space<hbm>>) target(%arg6 : memref<4x128xi32, #tpu.memory_space<vmem>>) target_semaphore(%arg11 : memref<!tpu.dma_semaphore, #tpu.memory_space<semaphore_mem>>)
    tpu.wait_dma2 semaphore(%arg11 : memref<!tpu.dma_semaphore, #tpu.memory_space<semaphore_mem>>) src(%arg3 : memref<5x256xf32, #tpu.memory_space<hbm>>) dst(%arg5 : memref<5x256xf32, #tpu.memory_space<vmem>>)
    %dma_wait3A = arith.constant 0 : i32
    %dma_wait3A_10 = arith.constant 0 : i32
    %dma_wait3A_11 = tpu.memref_slice %arg2[%add3A, %dma_wait3A, %dma_wait3A_10] : memref<32x4x128xi32, #tpu.memory_space<hbm>> -> memref<1x4x128xi32, #tpu.memory_space<hbm>>
    %dma_wait3A_12 = tpu.memref_squeeze %dma_wait3A_11 : memref<1x4x128xi32, #tpu.memory_space<hbm>> -> memref<4x128xi32, #tpu.memory_space<hbm>>
    %dma_wait3A_13 = arith.constant 0 : i32
    %dma_wait3A_14 = arith.constant 0 : i32
    %dma_wait3A_15 = tpu.memref_slice %arg2[%add3A, %dma_wait3A_13, %dma_wait3A_14] : memref<32x4x128xi32, #tpu.memory_space<hbm>> -> memref<1x4x128xi32, #tpu.memory_space<hbm>>
    %dma_wait3A_16 = tpu.memref_squeeze %dma_wait3A_15 : memref<1x4x128xi32, #tpu.memory_space<hbm>> -> memref<4x128xi32, #tpu.memory_space<hbm>>
    tpu.wait_dma2 semaphore(%arg11 : memref<!tpu.dma_semaphore, #tpu.memory_space<semaphore_mem>>) src(%dma_wait3A_16 : memref<4x128xi32, #tpu.memory_space<hbm>>) dst(%arg6 : memref<4x128xi32, #tpu.memory_space<vmem>>)
    %iota3A = tpu.iota {dimensions = array<i32: 0>} : vector<16xi32>
    %add3A_17 = arith.constant 0 : i32
    %add3A_18 = vector.broadcast %add3A_17 : i32 to vector<16xi32>
    %add3A_19 = arith.addi %iota3A, %add3A_18 : vector<16xi32>
    %iota3A_20 = tpu.iota {dimensions = array<i32: 0>} : vector<16xi32>
    %add3A_21 = arith.constant 16 : i32
    %add3A_22 = vector.broadcast %add3A_21 : i32 to vector<16xi32>
    %add3A_23 = arith.addi %iota3A_20, %add3A_22 : vector<16xi32>
    %iota3A_24 = tpu.iota {dimensions = array<i32: 0>} : vector<16xi32>
    %add3A_25 = arith.constant 32 : i32
    %add3A_26 = vector.broadcast %add3A_25 : i32 to vector<16xi32>
    %add3A_27 = arith.addi %iota3A_24, %add3A_26 : vector<16xi32>
    %iota3A_28 = tpu.iota {dimensions = array<i32: 0>} : vector<16xi32>
    %add3A_29 = arith.constant 48 : i32
    %add3A_30 = vector.broadcast %add3A_29 : i32 to vector<16xi32>
    %add3A_31 = arith.addi %iota3A_28, %add3A_30 : vector<16xi32>
    %iota3A_32 = tpu.iota {dimensions = array<i32: 0>} : vector<16xi32>
    %add3A_33 = arith.constant 64 : i32
    %add3A_34 = vector.broadcast %add3A_33 : i32 to vector<16xi32>
    %add3A_35 = arith.addi %iota3A_32, %add3A_34 : vector<16xi32>
    %iota3A_36 = tpu.iota {dimensions = array<i32: 0>} : vector<16xi32>
    %add3A_37 = arith.constant 80 : i32
    %add3A_38 = vector.broadcast %add3A_37 : i32 to vector<16xi32>
    %add3A_39 = arith.addi %iota3A_36, %add3A_38 : vector<16xi32>
    %iota3A_40 = tpu.iota {dimensions = array<i32: 0>} : vector<16xi32>
    %add3A_41 = arith.constant 96 : i32
    %add3A_42 = vector.broadcast %add3A_41 : i32 to vector<16xi32>
    %add3A_43 = arith.addi %iota3A_40, %add3A_42 : vector<16xi32>
    %iota3A_44 = tpu.iota {dimensions = array<i32: 0>} : vector<16xi32>
    %add3A_45 = arith.constant 112 : i32
    %add3A_46 = vector.broadcast %add3A_45 : i32 to vector<16xi32>
    %add3A_47 = arith.addi %iota3A_44, %add3A_46 : vector<16xi32>
    %iota3A_48 = tpu.iota {dimensions = array<i32: 0>} : vector<16xi32>
    %add3A_49 = arith.constant 128 : i32
    %add3A_50 = vector.broadcast %add3A_49 : i32 to vector<16xi32>
    %add3A_51 = arith.addi %iota3A_48, %add3A_50 : vector<16xi32>
    %iota3A_52 = tpu.iota {dimensions = array<i32: 0>} : vector<16xi32>
    %add3A_53 = arith.constant 144 : i32
    %add3A_54 = vector.broadcast %add3A_53 : i32 to vector<16xi32>
    %add3A_55 = arith.addi %iota3A_52, %add3A_54 : vector<16xi32>
    %iota3A_56 = tpu.iota {dimensions = array<i32: 0>} : vector<16xi32>
    %add3A_57 = arith.constant 160 : i32
    %add3A_58 = vector.broadcast %add3A_57 : i32 to vector<16xi32>
    %add3A_59 = arith.addi %iota3A_56, %add3A_58 : vector<16xi32>
    %iota3A_60 = tpu.iota {dimensions = array<i32: 0>} : vector<16xi32>
    %add3A_61 = arith.constant 176 : i32
    %add3A_62 = vector.broadcast %add3A_61 : i32 to vector<16xi32>
    %add3A_63 = arith.addi %iota3A_60, %add3A_62 : vector<16xi32>
    %iota3A_64 = tpu.iota {dimensions = array<i32: 0>} : vector<16xi32>
    %add3A_65 = arith.constant 192 : i32
    %add3A_66 = vector.broadcast %add3A_65 : i32 to vector<16xi32>
    %add3A_67 = arith.addi %iota3A_64, %add3A_66 : vector<16xi32>
    %iota3A_68 = tpu.iota {dimensions = array<i32: 0>} : vector<16xi32>
    %add3A_69 = arith.constant 208 : i32
    %add3A_70 = vector.broadcast %add3A_69 : i32 to vector<16xi32>
    %add3A_71 = arith.addi %iota3A_68, %add3A_70 : vector<16xi32>
    %iota3A_72 = tpu.iota {dimensions = array<i32: 0>} : vector<16xi32>
    %add3A_73 = arith.constant 224 : i32
    %add3A_74 = vector.broadcast %add3A_73 : i32 to vector<16xi32>
    %add3A_75 = arith.addi %iota3A_72, %add3A_74 : vector<16xi32>
    %iota3A_76 = tpu.iota {dimensions = array<i32: 0>} : vector<16xi32>
    %add3A_77 = arith.constant 240 : i32
    %add3A_78 = vector.broadcast %add3A_77 : i32 to vector<16xi32>
    %add3A_79 = arith.addi %iota3A_76, %add3A_78 : vector<16xi32>
    %broadcast_in_dim3A = arith.constant 0 : i32
    %broadcast_in_dim3A_80 = vector.broadcast %broadcast_in_dim3A : i32 to vector<16xi32>
    %parallel_loop3A = arith.constant 0 : i32
    %parallel_loop3A_81 = arith.constant 128 : i32
    %parallel_loop3A_82 = arith.constant 1 : i32
    scf.for %parallel_loop3A_210 = %parallel_loop3A to %parallel_loop3A_81 step %parallel_loop3A_82  : i32 {
      %parallel_loop3A_211 = vector.broadcast %parallel_loop3A_210 : i32 to vector<16xi32>
      %parallel_loop3A_212 = tpu.vector_load_idx %arg6[%broadcast_in_dim3A_80, %parallel_loop3A_211] : memref<4x128xi32, #tpu.memory_space<vmem>>[vector<16xi32>, vector<16xi32>], vector<16xi32>,
      %parallel_loop3A_213 = tpu.vector_load_idx %arg5[%parallel_loop3A_212, %add3A_19] : memref<5x256xf32, #tpu.memory_space<vmem>>[vector<16xi32>, vector<16xi32>], vector<16xf32>,
      %parallel_loop3A_214 = arith.constant 0 : i32
      %parallel_loop3A_215 = arith.constant 0 : i32
      %parallel_loop3A_216 = arith.constant 0 : i32
      %parallel_loop3A_217 = tpu.memref_slice %arg7[%parallel_loop3A_214, %parallel_loop3A_215, %parallel_loop3A_216] : memref<3x128x256xf32, #tpu.memory_space<vmem>> -> memref<1x128x256xf32, #tpu.memory_space<vmem>>
      %parallel_loop3A_218 = tpu.memref_squeeze %parallel_loop3A_217 : memref<1x128x256xf32, #tpu.memory_space<vmem>> -> memref<128x256xf32, #tpu.memory_space<vmem>>
      tpu.vector_store_idx %parallel_loop3A_218[%parallel_loop3A_211, %add3A_19], %parallel_loop3A_213 : memref<128x256xf32, #tpu.memory_space<vmem>>[vector<16xi32>, vector<16xi32>], vector<16xf32>,
      %parallel_loop3A_219 = tpu.vector_load_idx %arg5[%parallel_loop3A_212, %add3A_23] : memref<5x256xf32, #tpu.memory_space<vmem>>[vector<16xi32>, vector<16xi32>], vector<16xf32>,
      %parallel_loop3A_220 = arith.constant 0 : i32
      %parallel_loop3A_221 = arith.constant 0 : i32
      %parallel_loop3A_222 = arith.constant 0 : i32
      %parallel_loop3A_223 = tpu.memref_slice %arg7[%parallel_loop3A_220, %parallel_loop3A_221, %parallel_loop3A_222] : memref<3x128x256xf32, #tpu.memory_space<vmem>> -> memref<1x128x256xf32, #tpu.memory_space<vmem>>
      %parallel_loop3A_224 = tpu.memref_squeeze %parallel_loop3A_223 : memref<1x128x256xf32, #tpu.memory_space<vmem>> -> memref<128x256xf32, #tpu.memory_space<vmem>>
      tpu.vector_store_idx %parallel_loop3A_224[%parallel_loop3A_211, %add3A_23], %parallel_loop3A_219 : memref<128x256xf32, #tpu.memory_space<vmem>>[vector<16xi32>, vector<16xi32>], vector<16xf32>,
      %parallel_loop3A_225 = tpu.vector_load_idx %arg5[%parallel_loop3A_212, %add3A_27] : memref<5x256xf32, #tpu.memory_space<vmem>>[vector<16xi32>, vector<16xi32>], vector<16xf32>,
      %parallel_loop3A_226 = arith.constant 0 : i32
      %parallel_loop3A_227 = arith.constant 0 : i32
      %parallel_loop3A_228 = arith.constant 0 : i32
      %parallel_loop3A_229 = tpu.memref_slice %arg7[%parallel_loop3A_226, %parallel_loop3A_227, %parallel_loop3A_228] : memref<3x128x256xf32, #tpu.memory_space<vmem>> -> memref<1x128x256xf32, #tpu.memory_space<vmem>>
      %parallel_loop3A_230 = tpu.memref_squeeze %parallel_loop3A_229 : memref<1x128x256xf32, #tpu.memory_space<vmem>> -> memref<128x256xf32, #tpu.memory_space<vmem>>
      tpu.vector_store_idx %parallel_loop3A_230[%parallel_loop3A_211, %add3A_27], %parallel_loop3A_225 : memref<128x256xf32, #tpu.memory_space<vmem>>[vector<16xi32>, vector<16xi32>], vector<16xf32>,
      %parallel_loop3A_231 = tpu.vector_load_idx %arg5[%parallel_loop3A_212, %add3A_31] : memref<5x256xf32, #tpu.memory_space<vmem>>[vector<16xi32>, vector<16xi32>], vector<16xf32>,
      %parallel_loop3A_232 = arith.constant 0 : i32
      %parallel_loop3A_233 = arith.constant 0 : i32
      %parallel_loop3A_234 = arith.constant 0 : i32
      %parallel_loop3A_235 = tpu.memref_slice %arg7[%parallel_loop3A_232, %parallel_loop3A_233, %parallel_loop3A_234] : memref<3x128x256xf32, #tpu.memory_space<vmem>> -> memref<1x128x256xf32, #tpu.memory_space<vmem>>
      %parallel_loop3A_236 = tpu.memref_squeeze %parallel_loop3A_235 : memref<1x128x256xf32, #tpu.memory_space<vmem>> -> memref<128x256xf32, #tpu.memory_space<vmem>>
      tpu.vector_store_idx %parallel_loop3A_236[%parallel_loop3A_211, %add3A_31], %parallel_loop3A_231 : memref<128x256xf32, #tpu.memory_space<vmem>>[vector<16xi32>, vector<16xi32>], vector<16xf32>,
      %parallel_loop3A_237 = tpu.vector_load_idx %arg5[%parallel_loop3A_212, %add3A_35] : memref<5x256xf32, #tpu.memory_space<vmem>>[vector<16xi32>, vector<16xi32>], vector<16xf32>,
      %parallel_loop3A_238 = arith.constant 0 : i32
      %parallel_loop3A_239 = arith.constant 0 : i32
      %parallel_loop3A_240 = arith.constant 0 : i32
      %parallel_loop3A_241 = tpu.memref_slice %arg7[%parallel_loop3A_238, %parallel_loop3A_239, %parallel_loop3A_240] : memref<3x128x256xf32, #tpu.memory_space<vmem>> -> memref<1x128x256xf32, #tpu.memory_space<vmem>>
      %parallel_loop3A_242 = tpu.memref_squeeze %parallel_loop3A_241 : memref<1x128x256xf32, #tpu.memory_space<vmem>> -> memref<128x256xf32, #tpu.memory_space<vmem>>
      tpu.vector_store_idx %parallel_loop3A_242[%parallel_loop3A_211, %add3A_35], %parallel_loop3A_237 : memref<128x256xf32, #tpu.memory_space<vmem>>[vector<16xi32>, vector<16xi32>], vector<16xf32>,
      %parallel_loop3A_243 = tpu.vector_load_idx %arg5[%parallel_loop3A_212, %add3A_39] : memref<5x256xf32, #tpu.memory_space<vmem>>[vector<16xi32>, vector<16xi32>], vector<16xf32>,
      %parallel_loop3A_244 = arith.constant 0 : i32
      %parallel_loop3A_245 = arith.constant 0 : i32
      %parallel_loop3A_246 = arith.constant 0 : i32
      %parallel_loop3A_247 = tpu.memref_slice %arg7[%parallel_loop3A_244, %parallel_loop3A_245, %parallel_loop3A_246] : memref<3x128x256xf32, #tpu.memory_space<vmem>> -> memref<1x128x256xf32, #tpu.memory_space<vmem>>
      %parallel_loop3A_248 = tpu.memref_squeeze %parallel_loop3A_247 : memref<1x128x256xf32, #tpu.memory_space<vmem>> -> memref<128x256xf32, #tpu.memory_space<vmem>>
      tpu.vector_store_idx %parallel_loop3A_248[%parallel_loop3A_211, %add3A_39], %parallel_loop3A_243 : memref<128x256xf32, #tpu.memory_space<vmem>>[vector<16xi32>, vector<16xi32>], vector<16xf32>,
      %parallel_loop3A_249 = tpu.vector_load_idx %arg5[%parallel_loop3A_212, %add3A_43] : memref<5x256xf32, #tpu.memory_space<vmem>>[vector<16xi32>, vector<16xi32>], vector<16xf32>,
      %parallel_loop3A_250 = arith.constant 0 : i32
      %parallel_loop3A_251 = arith.constant 0 : i32
      %parallel_loop3A_252 = arith.constant 0 : i32
      %parallel_loop3A_253 = tpu.memref_slice %arg7[%parallel_loop3A_250, %parallel_loop3A_251, %parallel_loop3A_252] : memref<3x128x256xf32, #tpu.memory_space<vmem>> -> memref<1x128x256xf32, #tpu.memory_space<vmem>>
      %parallel_loop3A_254 = tpu.memref_squeeze %parallel_loop3A_253 : memref<1x128x256xf32, #tpu.memory_space<vmem>> -> memref<128x256xf32, #tpu.memory_space<vmem>>
      tpu.vector_store_idx %parallel_loop3A_254[%parallel_loop3A_211, %add3A_43], %parallel_loop3A_249 : memref<128x256xf32, #tpu.memory_space<vmem>>[vector<16xi32>, vector<16xi32>], vector<16xf32>,
      %parallel_loop3A_255 = tpu.vector_load_idx %arg5[%parallel_loop3A_212, %add3A_47] : memref<5x256xf32, #tpu.memory_space<vmem>>[vector<16xi32>, vector<16xi32>], vector<16xf32>,
      %parallel_loop3A_256 = arith.constant 0 : i32
      %parallel_loop3A_257 = arith.constant 0 : i32
      %parallel_loop3A_258 = arith.constant 0 : i32
      %parallel_loop3A_259 = tpu.memref_slice %arg7[%parallel_loop3A_256, %parallel_loop3A_257, %parallel_loop3A_258] : memref<3x128x256xf32, #tpu.memory_space<vmem>> -> memref<1x128x256xf32, #tpu.memory_space<vmem>>
      %parallel_loop3A_260 = tpu.memref_squeeze %parallel_loop3A_259 : memref<1x128x256xf32, #tpu.memory_space<vmem>> -> memref<128x256xf32, #tpu.memory_space<vmem>>
      tpu.vector_store_idx %parallel_loop3A_260[%parallel_loop3A_211, %add3A_47], %parallel_loop3A_255 : memref<128x256xf32, #tpu.memory_space<vmem>>[vector<16xi32>, vector<16xi32>], vector<16xf32>,
      %parallel_loop3A_261 = tpu.vector_load_idx %arg5[%parallel_loop3A_212, %add3A_51] : memref<5x256xf32, #tpu.memory_space<vmem>>[vector<16xi32>, vector<16xi32>], vector<16xf32>,
      %parallel_loop3A_262 = arith.constant 0 : i32
      %parallel_loop3A_263 = arith.constant 0 : i32
      %parallel_loop3A_264 = arith.constant 0 : i32
      %parallel_loop3A_265 = tpu.memref_slice %arg7[%parallel_loop3A_262, %parallel_loop3A_263, %parallel_loop3A_264] : memref<3x128x256xf32, #tpu.memory_space<vmem>> -> memref<1x128x256xf32, #tpu.memory_space<vmem>>
      %parallel_loop3A_266 = tpu.memref_squeeze %parallel_loop3A_265 : memref<1x128x256xf32, #tpu.memory_space<vmem>> -> memref<128x256xf32, #tpu.memory_space<vmem>>
      tpu.vector_store_idx %parallel_loop3A_266[%parallel_loop3A_211, %add3A_51], %parallel_loop3A_261 : memref<128x256xf32, #tpu.memory_space<vmem>>[vector<16xi32>, vector<16xi32>], vector<16xf32>,
      %parallel_loop3A_267 = tpu.vector_load_idx %arg5[%parallel_loop3A_212, %add3A_55] : memref<5x256xf32, #tpu.memory_space<vmem>>[vector<16xi32>, vector<16xi32>], vector<16xf32>,
      %parallel_loop3A_268 = arith.constant 0 : i32
      %parallel_loop3A_269 = arith.constant 0 : i32
      %parallel_loop3A_270 = arith.constant 0 : i32
      %parallel_loop3A_271 = tpu.memref_slice %arg7[%parallel_loop3A_268, %parallel_loop3A_269, %parallel_loop3A_270] : memref<3x128x256xf32, #tpu.memory_space<vmem>> -> memref<1x128x256xf32, #tpu.memory_space<vmem>>
      %parallel_loop3A_272 = tpu.memref_squeeze %parallel_loop3A_271 : memref<1x128x256xf32, #tpu.memory_space<vmem>> -> memref<128x256xf32, #tpu.memory_space<vmem>>
      tpu.vector_store_idx %parallel_loop3A_272[%parallel_loop3A_211, %add3A_55], %parallel_loop3A_267 : memref<128x256xf32, #tpu.memory_space<vmem>>[vector<16xi32>, vector<16xi32>], vector<16xf32>,
      %parallel_loop3A_273 = tpu.vector_load_idx %arg5[%parallel_loop3A_212, %add3A_59] : memref<5x256xf32, #tpu.memory_space<vmem>>[vector<16xi32>, vector<16xi32>], vector<16xf32>,
      %parallel_loop3A_274 = arith.constant 0 : i32
      %parallel_loop3A_275 = arith.constant 0 : i32
      %parallel_loop3A_276 = arith.constant 0 : i32
      %parallel_loop3A_277 = tpu.memref_slice %arg7[%parallel_loop3A_274, %parallel_loop3A_275, %parallel_loop3A_276] : memref<3x128x256xf32, #tpu.memory_space<vmem>> -> memref<1x128x256xf32, #tpu.memory_space<vmem>>
      %parallel_loop3A_278 = tpu.memref_squeeze %parallel_loop3A_277 : memref<1x128x256xf32, #tpu.memory_space<vmem>> -> memref<128x256xf32, #tpu.memory_space<vmem>>
      tpu.vector_store_idx %parallel_loop3A_278[%parallel_loop3A_211, %add3A_59], %parallel_loop3A_273 : memref<128x256xf32, #tpu.memory_space<vmem>>[vector<16xi32>, vector<16xi32>], vector<16xf32>,
      %parallel_loop3A_279 = tpu.vector_load_idx %arg5[%parallel_loop3A_212, %add3A_63] : memref<5x256xf32, #tpu.memory_space<vmem>>[vector<16xi32>, vector<16xi32>], vector<16xf32>,
      %parallel_loop3A_280 = arith.constant 0 : i32
      %parallel_loop3A_281 = arith.constant 0 : i32
      %parallel_loop3A_282 = arith.constant 0 : i32
      %parallel_loop3A_283 = tpu.memref_slice %arg7[%parallel_loop3A_280, %parallel_loop3A_281, %parallel_loop3A_282] : memref<3x128x256xf32, #tpu.memory_space<vmem>> -> memref<1x128x256xf32, #tpu.memory_space<vmem>>
      %parallel_loop3A_284 = tpu.memref_squeeze %parallel_loop3A_283 : memref<1x128x256xf32, #tpu.memory_space<vmem>> -> memref<128x256xf32, #tpu.memory_space<vmem>>
      tpu.vector_store_idx %parallel_loop3A_284[%parallel_loop3A_211, %add3A_63], %parallel_loop3A_279 : memref<128x256xf32, #tpu.memory_space<vmem>>[vector<16xi32>, vector<16xi32>], vector<16xf32>,
      %parallel_loop3A_285 = tpu.vector_load_idx %arg5[%parallel_loop3A_212, %add3A_67] : memref<5x256xf32, #tpu.memory_space<vmem>>[vector<16xi32>, vector<16xi32>], vector<16xf32>,
      %parallel_loop3A_286 = arith.constant 0 : i32
      %parallel_loop3A_287 = arith.constant 0 : i32
      %parallel_loop3A_288 = arith.constant 0 : i32
      %parallel_loop3A_289 = tpu.memref_slice %arg7[%parallel_loop3A_286, %parallel_loop3A_287, %parallel_loop3A_288] : memref<3x128x256xf32, #tpu.memory_space<vmem>> -> memref<1x128x256xf32, #tpu.memory_space<vmem>>
      %parallel_loop3A_290 = tpu.memref_squeeze %parallel_loop3A_289 : memref<1x128x256xf32, #tpu.memory_space<vmem>> -> memref<128x256xf32, #tpu.memory_space<vmem>>
      tpu.vector_store_idx %parallel_loop3A_290[%parallel_loop3A_211, %add3A_67], %parallel_loop3A_285 : memref<128x256xf32, #tpu.memory_space<vmem>>[vector<16xi32>, vector<16xi32>], vector<16xf32>,
      %parallel_loop3A_291 = tpu.vector_load_idx %arg5[%parallel_loop3A_212, %add3A_71] : memref<5x256xf32, #tpu.memory_space<vmem>>[vector<16xi32>, vector<16xi32>], vector<16xf32>,
      %parallel_loop3A_292 = arith.constant 0 : i32
      %parallel_loop3A_293 = arith.constant 0 : i32
      %parallel_loop3A_294 = arith.constant 0 : i32
      %parallel_loop3A_295 = tpu.memref_slice %arg7[%parallel_loop3A_292, %parallel_loop3A_293, %parallel_loop3A_294] : memref<3x128x256xf32, #tpu.memory_space<vmem>> -> memref<1x128x256xf32, #tpu.memory_space<vmem>>
      %parallel_loop3A_296 = tpu.memref_squeeze %parallel_loop3A_295 : memref<1x128x256xf32, #tpu.memory_space<vmem>> -> memref<128x256xf32, #tpu.memory_space<vmem>>
      tpu.vector_store_idx %parallel_loop3A_296[%parallel_loop3A_211, %add3A_71], %parallel_loop3A_291 : memref<128x256xf32, #tpu.memory_space<vmem>>[vector<16xi32>, vector<16xi32>], vector<16xf32>,
      %parallel_loop3A_297 = tpu.vector_load_idx %arg5[%parallel_loop3A_212, %add3A_75] : memref<5x256xf32, #tpu.memory_space<vmem>>[vector<16xi32>, vector<16xi32>], vector<16xf32>,
      %parallel_loop3A_298 = arith.constant 0 : i32
      %parallel_loop3A_299 = arith.constant 0 : i32
      %parallel_loop3A_300 = arith.constant 0 : i32
      %parallel_loop3A_301 = tpu.memref_slice %arg7[%parallel_loop3A_298, %parallel_loop3A_299, %parallel_loop3A_300] : memref<3x128x256xf32, #tpu.memory_space<vmem>> -> memref<1x128x256xf32, #tpu.memory_space<vmem>>
      %parallel_loop3A_302 = tpu.memref_squeeze %parallel_loop3A_301 : memref<1x128x256xf32, #tpu.memory_space<vmem>> -> memref<128x256xf32, #tpu.memory_space<vmem>>
      tpu.vector_store_idx %parallel_loop3A_302[%parallel_loop3A_211, %add3A_75], %parallel_loop3A_297 : memref<128x256xf32, #tpu.memory_space<vmem>>[vector<16xi32>, vector<16xi32>], vector<16xf32>,
      %parallel_loop3A_303 = tpu.vector_load_idx %arg5[%parallel_loop3A_212, %add3A_79] : memref<5x256xf32, #tpu.memory_space<vmem>>[vector<16xi32>, vector<16xi32>], vector<16xf32>,
      %parallel_loop3A_304 = arith.constant 0 : i32
      %parallel_loop3A_305 = arith.constant 0 : i32
      %parallel_loop3A_306 = arith.constant 0 : i32
      %parallel_loop3A_307 = tpu.memref_slice %arg7[%parallel_loop3A_304, %parallel_loop3A_305, %parallel_loop3A_306] : memref<3x128x256xf32, #tpu.memory_space<vmem>> -> memref<1x128x256xf32, #tpu.memory_space<vmem>>
      %parallel_loop3A_308 = tpu.memref_squeeze %parallel_loop3A_307 : memref<1x128x256xf32, #tpu.memory_space<vmem>> -> memref<128x256xf32, #tpu.memory_space<vmem>>
      tpu.vector_store_idx %parallel_loop3A_308[%parallel_loop3A_211, %add3A_79], %parallel_loop3A_303 : memref<128x256xf32, #tpu.memory_space<vmem>>[vector<16xi32>, vector<16xi32>], vector<16xf32>,
    } {sc.loop_unroll_factor = 4 : i64, sc.parallel_access}
    %add3A_83 = arith.constant 0 : i32
    %add3A_84 = arith.addi %mul3A_2, %add3A_83 : i32
    %dma_start3A_85 = arith.constant 0 : i32
    %dma_start3A_86 = arith.constant 0 : i32
    %dma_start3A_87 = arith.constant 0 : i32
    %dma_start3A_88 = tpu.memref_slice %arg7[%dma_start3A_85, %dma_start3A_86, %dma_start3A_87] : memref<3x128x256xf32, #tpu.memory_space<vmem>> -> memref<1x128x256xf32, #tpu.memory_space<vmem>>
    %dma_start3A_89 = tpu.memref_squeeze %dma_start3A_88 : memref<1x128x256xf32, #tpu.memory_space<vmem>> -> memref<128x256xf32, #tpu.memory_space<vmem>>
    %dma_start3A_90 = arith.constant 0 : i32
    %dma_start3A_91 = tpu.memref_slice %arg4[%add3A_84, %dma_start3A_90] : memref<16384x256xf32, #tpu.memory_space<hbm>> -> memref<128x256xf32, #tpu.memory_space<hbm>>
    %dma_start3A_92 = arith.constant 0 : i32
    %dma_start3A_93 = tpu.memref_slice %arg4[%add3A_84, %dma_start3A_92] : memref<16384x256xf32, #tpu.memory_space<hbm>> -> memref<128x256xf32, #tpu.memory_space<hbm>>
    %dma_start3A_94 = arith.constant 0 : i32
    %dma_start3A_95 = arith.constant 0 : i32
    %dma_start3A_96 = tpu.memref_slice %arg7[%dma_start3A_85, %dma_start3A_94, %dma_start3A_95] : memref<3x128x256xf32, #tpu.memory_space<vmem>> -> memref<1x128x256xf32, #tpu.memory_space<vmem>>
    %dma_start3A_97 = tpu.memref_squeeze %dma_start3A_96 : memref<1x128x256xf32, #tpu.memory_space<vmem>> -> memref<128x256xf32, #tpu.memory_space<vmem>>
    tpu.enqueue_dma source(%dma_start3A_97 : memref<128x256xf32, #tpu.memory_space<vmem>>) target(%dma_start3A_93 : memref<128x256xf32, #tpu.memory_space<hbm>>) target_semaphore(%arg8 : memref<!tpu.dma_semaphore, #tpu.memory_space<semaphore_mem>>)
    %broadcast_in_dim3A_98 = arith.constant 1 : i32
    %broadcast_in_dim3A_99 = vector.broadcast %broadcast_in_dim3A_98 : i32 to vector<16xi32>
    %parallel_loop3A_100 = arith.constant 0 : i32
    %parallel_loop3A_101 = arith.constant 128 : i32
    %parallel_loop3A_102 = arith.constant 1 : i32
    scf.for %parallel_loop3A_210 = %parallel_loop3A_100 to %parallel_loop3A_101 step %parallel_loop3A_102  : i32 {
      %parallel_loop3A_211 = vector.broadcast %parallel_loop3A_210 : i32 to vector<16xi32>
      %parallel_loop3A_212 = tpu.vector_load_idx %arg6[%broadcast_in_dim3A_99, %parallel_loop3A_211] : memref<4x128xi32, #tpu.memory_space<vmem>>[vector<16xi32>, vector<16xi32>], vector<16xi32>,
      %parallel_loop3A_213 = tpu.vector_load_idx %arg5[%parallel_loop3A_212, %add3A_19] : memref<5x256xf32, #tpu.memory_space<vmem>>[vector<16xi32>, vector<16xi32>], vector<16xf32>,
      %parallel_loop3A_214 = arith.constant 1 : i32
      %parallel_loop3A_215 = arith.constant 0 : i32
      %parallel_loop3A_216 = arith.constant 0 : i32
      %parallel_loop3A_217 = tpu.memref_slice %arg7[%parallel_loop3A_214, %parallel_loop3A_215, %parallel_loop3A_216] : memref<3x128x256xf32, #tpu.memory_space<vmem>> -> memref<1x128x256xf32, #tpu.memory_space<vmem>>
      %parallel_loop3A_218 = tpu.memref_squeeze %parallel_loop3A_217 : memref<1x128x256xf32, #tpu.memory_space<vmem>> -> memref<128x256xf32, #tpu.memory_space<vmem>>
      tpu.vector_store_idx %parallel_loop3A_218[%parallel_loop3A_211, %add3A_19], %parallel_loop3A_213 : memref<128x256xf32, #tpu.memory_space<vmem>>[vector<16xi32>, vector<16xi32>], vector<16xf32>,
      %parallel_loop3A_219 = tpu.vector_load_idx %arg5[%parallel_loop3A_212, %add3A_23] : memref<5x256xf32, #tpu.memory_space<vmem>>[vector<16xi32>, vector<16xi32>], vector<16xf32>,
      %parallel_loop3A_220 = arith.constant 1 : i32
      %parallel_loop3A_221 = arith.constant 0 : i32
      %parallel_loop3A_222 = arith.constant 0 : i32
      %parallel_loop3A_223 = tpu.memref_slice %arg7[%parallel_loop3A_220, %parallel_loop3A_221, %parallel_loop3A_222] : memref<3x128x256xf32, #tpu.memory_space<vmem>> -> memref<1x128x256xf32, #tpu.memory_space<vmem>>
      %parallel_loop3A_224 = tpu.memref_squeeze %parallel_loop3A_223 : memref<1x128x256xf32, #tpu.memory_space<vmem>> -> memref<128x256xf32, #tpu.memory_space<vmem>>
      tpu.vector_store_idx %parallel_loop3A_224[%parallel_loop3A_211, %add3A_23], %parallel_loop3A_219 : memref<128x256xf32, #tpu.memory_space<vmem>>[vector<16xi32>, vector<16xi32>], vector<16xf32>,
      %parallel_loop3A_225 = tpu.vector_load_idx %arg5[%parallel_loop3A_212, %add3A_27] : memref<5x256xf32, #tpu.memory_space<vmem>>[vector<16xi32>, vector<16xi32>], vector<16xf32>,
      %parallel_loop3A_226 = arith.constant 1 : i32
      %parallel_loop3A_227 = arith.constant 0 : i32
      %parallel_loop3A_228 = arith.constant 0 : i32
      %parallel_loop3A_229 = tpu.memref_slice %arg7[%parallel_loop3A_226, %parallel_loop3A_227, %parallel_loop3A_228] : memref<3x128x256xf32, #tpu.memory_space<vmem>> -> memref<1x128x256xf32, #tpu.memory_space<vmem>>
      %parallel_loop3A_230 = tpu.memref_squeeze %parallel_loop3A_229 : memref<1x128x256xf32, #tpu.memory_space<vmem>> -> memref<128x256xf32, #tpu.memory_space<vmem>>
      tpu.vector_store_idx %parallel_loop3A_230[%parallel_loop3A_211, %add3A_27], %parallel_loop3A_225 : memref<128x256xf32, #tpu.memory_space<vmem>>[vector<16xi32>, vector<16xi32>], vector<16xf32>,
      %parallel_loop3A_231 = tpu.vector_load_idx %arg5[%parallel_loop3A_212, %add3A_31] : memref<5x256xf32, #tpu.memory_space<vmem>>[vector<16xi32>, vector<16xi32>], vector<16xf32>,
      %parallel_loop3A_232 = arith.constant 1 : i32
      %parallel_loop3A_233 = arith.constant 0 : i32
      %parallel_loop3A_234 = arith.constant 0 : i32
      %parallel_loop3A_235 = tpu.memref_slice %arg7[%parallel_loop3A_232, %parallel_loop3A_233, %parallel_loop3A_234] : memref<3x128x256xf32, #tpu.memory_space<vmem>> -> memref<1x128x256xf32, #tpu.memory_space<vmem>>
      %parallel_loop3A_236 = tpu.memref_squeeze %parallel_loop3A_235 : memref<1x128x256xf32, #tpu.memory_space<vmem>> -> memref<128x256xf32, #tpu.memory_space<vmem>>
      tpu.vector_store_idx %parallel_loop3A_236[%parallel_loop3A_211, %add3A_31], %parallel_loop3A_231 : memref<128x256xf32, #tpu.memory_space<vmem>>[vector<16xi32>, vector<16xi32>], vector<16xf32>,
      %parallel_loop3A_237 = tpu.vector_load_idx %arg5[%parallel_loop3A_212, %add3A_35] : memref<5x256xf32, #tpu.memory_space<vmem>>[vector<16xi32>, vector<16xi32>], vector<16xf32>,
      %parallel_loop3A_238 = arith.constant 1 : i32
      %parallel_loop3A_239 = arith.constant 0 : i32
      %parallel_loop3A_240 = arith.constant 0 : i32
      %parallel_loop3A_241 = tpu.memref_slice %arg7[%parallel_loop3A_238, %parallel_loop3A_239, %parallel_loop3A_240] : memref<3x128x256xf32, #tpu.memory_space<vmem>> -> memref<1x128x256xf32, #tpu.memory_space<vmem>>
      %parallel_loop3A_242 = tpu.memref_squeeze %parallel_loop3A_241 : memref<1x128x256xf32, #tpu.memory_space<vmem>> -> memref<128x256xf32, #tpu.memory_space<vmem>>
      tpu.vector_store_idx %parallel_loop3A_242[%parallel_loop3A_211, %add3A_35], %parallel_loop3A_237 : memref<128x256xf32, #tpu.memory_space<vmem>>[vector<16xi32>, vector<16xi32>], vector<16xf32>,
      %parallel_loop3A_243 = tpu.vector_load_idx %arg5[%parallel_loop3A_212, %add3A_39] : memref<5x256xf32, #tpu.memory_space<vmem>>[vector<16xi32>, vector<16xi32>], vector<16xf32>,
      %parallel_loop3A_244 = arith.constant 1 : i32
      %parallel_loop3A_245 = arith.constant 0 : i32
      %parallel_loop3A_246 = arith.constant 0 : i32
      %parallel_loop3A_247 = tpu.memref_slice %arg7[%parallel_loop3A_244, %parallel_loop3A_245, %parallel_loop3A_246] : memref<3x128x256xf32, #tpu.memory_space<vmem>> -> memref<1x128x256xf32, #tpu.memory_space<vmem>>
      %parallel_loop3A_248 = tpu.memref_squeeze %parallel_loop3A_247 : memref<1x128x256xf32, #tpu.memory_space<vmem>> -> memref<128x256xf32, #tpu.memory_space<vmem>>
      tpu.vector_store_idx %parallel_loop3A_248[%parallel_loop3A_211, %add3A_39], %parallel_loop3A_243 : memref<128x256xf32, #tpu.memory_space<vmem>>[vector<16xi32>, vector<16xi32>], vector<16xf32>,
      %parallel_loop3A_249 = tpu.vector_load_idx %arg5[%parallel_loop3A_212, %add3A_43] : memref<5x256xf32, #tpu.memory_space<vmem>>[vector<16xi32>, vector<16xi32>], vector<16xf32>,
      %parallel_loop3A_250 = arith.constant 1 : i32
      %parallel_loop3A_251 = arith.constant 0 : i32
      %parallel_loop3A_252 = arith.constant 0 : i32
      %parallel_loop3A_253 = tpu.memref_slice %arg7[%parallel_loop3A_250, %parallel_loop3A_251, %parallel_loop3A_252] : memref<3x128x256xf32, #tpu.memory_space<vmem>> -> memref<1x128x256xf32, #tpu.memory_space<vmem>>
      %parallel_loop3A_254 = tpu.memref_squeeze %parallel_loop3A_253 : memref<1x128x256xf32, #tpu.memory_space<vmem>> -> memref<128x256xf32, #tpu.memory_space<vmem>>
      tpu.vector_store_idx %parallel_loop3A_254[%parallel_loop3A_211, %add3A_43], %parallel_loop3A_249 : memref<128x256xf32, #tpu.memory_space<vmem>>[vector<16xi32>, vector<16xi32>], vector<16xf32>,
      %parallel_loop3A_255 = tpu.vector_load_idx %arg5[%parallel_loop3A_212, %add3A_47] : memref<5x256xf32, #tpu.memory_space<vmem>>[vector<16xi32>, vector<16xi32>], vector<16xf32>,
      %parallel_loop3A_256 = arith.constant 1 : i32
      %parallel_loop3A_257 = arith.constant 0 : i32
      %parallel_loop3A_258 = arith.constant 0 : i32
      %parallel_loop3A_259 = tpu.memref_slice %arg7[%parallel_loop3A_256, %parallel_loop3A_257, %parallel_loop3A_258] : memref<3x128x256xf32, #tpu.memory_space<vmem>> -> memref<1x128x256xf32, #tpu.memory_space<vmem>>
      %parallel_loop3A_260 = tpu.memref_squeeze %parallel_loop3A_259 : memref<1x128x256xf32, #tpu.memory_space<vmem>> -> memref<128x256xf32, #tpu.memory_space<vmem>>
      tpu.vector_store_idx %parallel_loop3A_260[%parallel_loop3A_211, %add3A_47], %parallel_loop3A_255 : memref<128x256xf32, #tpu.memory_space<vmem>>[vector<16xi32>, vector<16xi32>], vector<16xf32>,
      %parallel_loop3A_261 = tpu.vector_load_idx %arg5[%parallel_loop3A_212, %add3A_51] : memref<5x256xf32, #tpu.memory_space<vmem>>[vector<16xi32>, vector<16xi32>], vector<16xf32>,
      %parallel_loop3A_262 = arith.constant 1 : i32
      %parallel_loop3A_263 = arith.constant 0 : i32
      %parallel_loop3A_264 = arith.constant 0 : i32
      %parallel_loop3A_265 = tpu.memref_slice %arg7[%parallel_loop3A_262, %parallel_loop3A_263, %parallel_loop3A_264] : memref<3x128x256xf32, #tpu.memory_space<vmem>> -> memref<1x128x256xf32, #tpu.memory_space<vmem>>
      %parallel_loop3A_266 = tpu.memref_squeeze %parallel_loop3A_265 : memref<1x128x256xf32, #tpu.memory_space<vmem>> -> memref<128x256xf32, #tpu.memory_space<vmem>>
      tpu.vector_store_idx %parallel_loop3A_266[%parallel_loop3A_211, %add3A_51], %parallel_loop3A_261 : memref<128x256xf32, #tpu.memory_space<vmem>>[vector<16xi32>, vector<16xi32>], vector<16xf32>,
      %parallel_loop3A_267 = tpu.vector_load_idx %arg5[%parallel_loop3A_212, %add3A_55] : memref<5x256xf32, #tpu.memory_space<vmem>>[vector<16xi32>, vector<16xi32>], vector<16xf32>,
      %parallel_loop3A_268 = arith.constant 1 : i32
      %parallel_loop3A_269 = arith.constant 0 : i32
      %parallel_loop3A_270 = arith.constant 0 : i32
      %parallel_loop3A_271 = tpu.memref_slice %arg7[%parallel_loop3A_268, %parallel_loop3A_269, %parallel_loop3A_270] : memref<3x128x256xf32, #tpu.memory_space<vmem>> -> memref<1x128x256xf32, #tpu.memory_space<vmem>>
      %parallel_loop3A_272 = tpu.memref_squeeze %parallel_loop3A_271 : memref<1x128x256xf32, #tpu.memory_space<vmem>> -> memref<128x256xf32, #tpu.memory_space<vmem>>
      tpu.vector_store_idx %parallel_loop3A_272[%parallel_loop3A_211, %add3A_55], %parallel_loop3A_267 : memref<128x256xf32, #tpu.memory_space<vmem>>[vector<16xi32>, vector<16xi32>], vector<16xf32>,
      %parallel_loop3A_273 = tpu.vector_load_idx %arg5[%parallel_loop3A_212, %add3A_59] : memref<5x256xf32, #tpu.memory_space<vmem>>[vector<16xi32>, vector<16xi32>], vector<16xf32>,
      %parallel_loop3A_274 = arith.constant 1 : i32
      %parallel_loop3A_275 = arith.constant 0 : i32
      %parallel_loop3A_276 = arith.constant 0 : i32
      %parallel_loop3A_277 = tpu.memref_slice %arg7[%parallel_loop3A_274, %parallel_loop3A_275, %parallel_loop3A_276] : memref<3x128x256xf32, #tpu.memory_space<vmem>> -> memref<1x128x256xf32, #tpu.memory_space<vmem>>
      %parallel_loop3A_278 = tpu.memref_squeeze %parallel_loop3A_277 : memref<1x128x256xf32, #tpu.memory_space<vmem>> -> memref<128x256xf32, #tpu.memory_space<vmem>>
      tpu.vector_store_idx %parallel_loop3A_278[%parallel_loop3A_211, %add3A_59], %parallel_loop3A_273 : memref<128x256xf32, #tpu.memory_space<vmem>>[vector<16xi32>, vector<16xi32>], vector<16xf32>,
      %parallel_loop3A_279 = tpu.vector_load_idx %arg5[%parallel_loop3A_212, %add3A_63] : memref<5x256xf32, #tpu.memory_space<vmem>>[vector<16xi32>, vector<16xi32>], vector<16xf32>,
      %parallel_loop3A_280 = arith.constant 1 : i32
      %parallel_loop3A_281 = arith.constant 0 : i32
      %parallel_loop3A_282 = arith.constant 0 : i32
      %parallel_loop3A_283 = tpu.memref_slice %arg7[%parallel_loop3A_280, %parallel_loop3A_281, %parallel_loop3A_282] : memref<3x128x256xf32, #tpu.memory_space<vmem>> -> memref<1x128x256xf32, #tpu.memory_space<vmem>>
      %parallel_loop3A_284 = tpu.memref_squeeze %parallel_loop3A_283 : memref<1x128x256xf32, #tpu.memory_space<vmem>> -> memref<128x256xf32, #tpu.memory_space<vmem>>
      tpu.vector_store_idx %parallel_loop3A_284[%parallel_loop3A_211, %add3A_63], %parallel_loop3A_279 : memref<128x256xf32, #tpu.memory_space<vmem>>[vector<16xi32>, vector<16xi32>], vector<16xf32>,
      %parallel_loop3A_285 = tpu.vector_load_idx %arg5[%parallel_loop3A_212, %add3A_67] : memref<5x256xf32, #tpu.memory_space<vmem>>[vector<16xi32>, vector<16xi32>], vector<16xf32>,
      %parallel_loop3A_286 = arith.constant 1 : i32
      %parallel_loop3A_287 = arith.constant 0 : i32
      %parallel_loop3A_288 = arith.constant 0 : i32
      %parallel_loop3A_289 = tpu.memref_slice %arg7[%parallel_loop3A_286, %parallel_loop3A_287, %parallel_loop3A_288] : memref<3x128x256xf32, #tpu.memory_space<vmem>> -> memref<1x128x256xf32, #tpu.memory_space<vmem>>
      %parallel_loop3A_290 = tpu.memref_squeeze %parallel_loop3A_289 : memref<1x128x256xf32, #tpu.memory_space<vmem>> -> memref<128x256xf32, #tpu.memory_space<vmem>>
      tpu.vector_store_idx %parallel_loop3A_290[%parallel_loop3A_211, %add3A_67], %parallel_loop3A_285 : memref<128x256xf32, #tpu.memory_space<vmem>>[vector<16xi32>, vector<16xi32>], vector<16xf32>,
      %parallel_loop3A_291 = tpu.vector_load_idx %arg5[%parallel_loop3A_212, %add3A_71] : memref<5x256xf32, #tpu.memory_space<vmem>>[vector<16xi32>, vector<16xi32>], vector<16xf32>,
      %parallel_loop3A_292 = arith.constant 1 : i32
      %parallel_loop3A_293 = arith.constant 0 : i32
      %parallel_loop3A_294 = arith.constant 0 : i32
      %parallel_loop3A_295 = tpu.memref_slice %arg7[%parallel_loop3A_292, %parallel_loop3A_293, %parallel_loop3A_294] : memref<3x128x256xf32, #tpu.memory_space<vmem>> -> memref<1x128x256xf32, #tpu.memory_space<vmem>>
      %parallel_loop3A_296 = tpu.memref_squeeze %parallel_loop3A_295 : memref<1x128x256xf32, #tpu.memory_space<vmem>> -> memref<128x256xf32, #tpu.memory_space<vmem>>
      tpu.vector_store_idx %parallel_loop3A_296[%parallel_loop3A_211, %add3A_71], %parallel_loop3A_291 : memref<128x256xf32, #tpu.memory_space<vmem>>[vector<16xi32>, vector<16xi32>], vector<16xf32>,
      %parallel_loop3A_297 = tpu.vector_load_idx %arg5[%parallel_loop3A_212, %add3A_75] : memref<5x256xf32, #tpu.memory_space<vmem>>[vector<16xi32>, vector<16xi32>], vector<16xf32>,
      %parallel_loop3A_298 = arith.constant 1 : i32
      %parallel_loop3A_299 = arith.constant 0 : i32
      %parallel_loop3A_300 = arith.constant 0 : i32
      %parallel_loop3A_301 = tpu.memref_slice %arg7[%parallel_loop3A_298, %parallel_loop3A_299, %parallel_loop3A_300] : memref<3x128x256xf32, #tpu.memory_space<vmem>> -> memref<1x128x256xf32, #tpu.memory_space<vmem>>
      %parallel_loop3A_302 = tpu.memref_squeeze %parallel_loop3A_301 : memref<1x128x256xf32, #tpu.memory_space<vmem>> -> memref<128x256xf32, #tpu.memory_space<vmem>>
      tpu.vector_store_idx %parallel_loop3A_302[%parallel_loop3A_211, %add3A_75], %parallel_loop3A_297 : memref<128x256xf32, #tpu.memory_space<vmem>>[vector<16xi32>, vector<16xi32>], vector<16xf32>,
      %parallel_loop3A_303 = tpu.vector_load_idx %arg5[%parallel_loop3A_212, %add3A_79] : memref<5x256xf32, #tpu.memory_space<vmem>>[vector<16xi32>, vector<16xi32>], vector<16xf32>,
      %parallel_loop3A_304 = arith.constant 1 : i32
      %parallel_loop3A_305 = arith.constant 0 : i32
      %parallel_loop3A_306 = arith.constant 0 : i32
      %parallel_loop3A_307 = tpu.memref_slice %arg7[%parallel_loop3A_304, %parallel_loop3A_305, %parallel_loop3A_306] : memref<3x128x256xf32, #tpu.memory_space<vmem>> -> memref<1x128x256xf32, #tpu.memory_space<vmem>>
      %parallel_loop3A_308 = tpu.memref_squeeze %parallel_loop3A_307 : memref<1x128x256xf32, #tpu.memory_space<vmem>> -> memref<128x256xf32, #tpu.memory_space<vmem>>
      tpu.vector_store_idx %parallel_loop3A_308[%parallel_loop3A_211, %add3A_79], %parallel_loop3A_303 : memref<128x256xf32, #tpu.memory_space<vmem>>[vector<16xi32>, vector<16xi32>], vector<16xf32>,
    } {sc.loop_unroll_factor = 4 : i64, sc.parallel_access}
    %add3A_103 = arith.constant 128 : i32
    %add3A_104 = arith.addi %mul3A_2, %add3A_103 : i32
    %dma_start3A_105 = arith.constant 1 : i32
    %dma_start3A_106 = arith.constant 0 : i32
    %dma_start3A_107 = arith.constant 0 : i32
    %dma_start3A_108 = tpu.memref_slice %arg7[%dma_start3A_105, %dma_start3A_106, %dma_start3A_107] : memref<3x128x256xf32, #tpu.memory_space<vmem>> -> memref<1x128x256xf32, #tpu.memory_space<vmem>>
    %dma_start3A_109 = tpu.memref_squeeze %dma_start3A_108 : memref<1x128x256xf32, #tpu.memory_space<vmem>> -> memref<128x256xf32, #tpu.memory_space<vmem>>
    %dma_start3A_110 = arith.constant 0 : i32
    %dma_start3A_111 = tpu.memref_slice %arg4[%add3A_104, %dma_start3A_110] : memref<16384x256xf32, #tpu.memory_space<hbm>> -> memref<128x256xf32, #tpu.memory_space<hbm>>
    %dma_start3A_112 = arith.constant 0 : i32
    %dma_start3A_113 = tpu.memref_slice %arg4[%add3A_104, %dma_start3A_112] : memref<16384x256xf32, #tpu.memory_space<hbm>> -> memref<128x256xf32, #tpu.memory_space<hbm>>
    %dma_start3A_114 = arith.constant 0 : i32
    %dma_start3A_115 = arith.constant 0 : i32
    %dma_start3A_116 = tpu.memref_slice %arg7[%dma_start3A_105, %dma_start3A_114, %dma_start3A_115] : memref<3x128x256xf32, #tpu.memory_space<vmem>> -> memref<1x128x256xf32, #tpu.memory_space<vmem>>
    %dma_start3A_117 = tpu.memref_squeeze %dma_start3A_116 : memref<1x128x256xf32, #tpu.memory_space<vmem>> -> memref<128x256xf32, #tpu.memory_space<vmem>>
    tpu.enqueue_dma source(%dma_start3A_117 : memref<128x256xf32, #tpu.memory_space<vmem>>) target(%dma_start3A_113 : memref<128x256xf32, #tpu.memory_space<hbm>>) target_semaphore(%arg9 : memref<!tpu.dma_semaphore, #tpu.memory_space<semaphore_mem>>)
    %broadcast_in_dim3A_118 = arith.constant 2 : i32
    %broadcast_in_dim3A_119 = vector.broadcast %broadcast_in_dim3A_118 : i32 to vector<16xi32>
    %parallel_loop3A_120 = arith.constant 0 : i32
    %parallel_loop3A_121 = arith.constant 128 : i32
    %parallel_loop3A_122 = arith.constant 1 : i32
    scf.for %parallel_loop3A_210 = %parallel_loop3A_120 to %parallel_loop3A_121 step %parallel_loop3A_122  : i32 {
      %parallel_loop3A_211 = vector.broadcast %parallel_loop3A_210 : i32 to vector<16xi32>
      %parallel_loop3A_212 = tpu.vector_load_idx %arg6[%broadcast_in_dim3A_119, %parallel_loop3A_211] : memref<4x128xi32, #tpu.memory_space<vmem>>[vector<16xi32>, vector<16xi32>], vector<16xi32>,
      %parallel_loop3A_213 = tpu.vector_load_idx %arg5[%parallel_loop3A_212, %add3A_19] : memref<5x256xf32, #tpu.memory_space<vmem>>[vector<16xi32>, vector<16xi32>], vector<16xf32>,
      %parallel_loop3A_214 = arith.constant 2 : i32
      %parallel_loop3A_215 = arith.constant 0 : i32
      %parallel_loop3A_216 = arith.constant 0 : i32
      %parallel_loop3A_217 = tpu.memref_slice %arg7[%parallel_loop3A_214, %parallel_loop3A_215, %parallel_loop3A_216] : memref<3x128x256xf32, #tpu.memory_space<vmem>> -> memref<1x128x256xf32, #tpu.memory_space<vmem>>
      %parallel_loop3A_218 = tpu.memref_squeeze %parallel_loop3A_217 : memref<1x128x256xf32, #tpu.memory_space<vmem>> -> memref<128x256xf32, #tpu.memory_space<vmem>>
      tpu.vector_store_idx %parallel_loop3A_218[%parallel_loop3A_211, %add3A_19], %parallel_loop3A_213 : memref<128x256xf32, #tpu.memory_space<vmem>>[vector<16xi32>, vector<16xi32>], vector<16xf32>,
      %parallel_loop3A_219 = tpu.vector_load_idx %arg5[%parallel_loop3A_212, %add3A_23] : memref<5x256xf32, #tpu.memory_space<vmem>>[vector<16xi32>, vector<16xi32>], vector<16xf32>,
      %parallel_loop3A_220 = arith.constant 2 : i32
      %parallel_loop3A_221 = arith.constant 0 : i32
      %parallel_loop3A_222 = arith.constant 0 : i32
      %parallel_loop3A_223 = tpu.memref_slice %arg7[%parallel_loop3A_220, %parallel_loop3A_221, %parallel_loop3A_222] : memref<3x128x256xf32, #tpu.memory_space<vmem>> -> memref<1x128x256xf32, #tpu.memory_space<vmem>>
      %parallel_loop3A_224 = tpu.memref_squeeze %parallel_loop3A_223 : memref<1x128x256xf32, #tpu.memory_space<vmem>> -> memref<128x256xf32, #tpu.memory_space<vmem>>
      tpu.vector_store_idx %parallel_loop3A_224[%parallel_loop3A_211, %add3A_23], %parallel_loop3A_219 : memref<128x256xf32, #tpu.memory_space<vmem>>[vector<16xi32>, vector<16xi32>], vector<16xf32>,
      %parallel_loop3A_225 = tpu.vector_load_idx %arg5[%parallel_loop3A_212, %add3A_27] : memref<5x256xf32, #tpu.memory_space<vmem>>[vector<16xi32>, vector<16xi32>], vector<16xf32>,
      %parallel_loop3A_226 = arith.constant 2 : i32
      %parallel_loop3A_227 = arith.constant 0 : i32
      %parallel_loop3A_228 = arith.constant 0 : i32
      %parallel_loop3A_229 = tpu.memref_slice %arg7[%parallel_loop3A_226, %parallel_loop3A_227, %parallel_loop3A_228] : memref<3x128x256xf32, #tpu.memory_space<vmem>> -> memref<1x128x256xf32, #tpu.memory_space<vmem>>
      %parallel_loop3A_230 = tpu.memref_squeeze %parallel_loop3A_229 : memref<1x128x256xf32, #tpu.memory_space<vmem>> -> memref<128x256xf32, #tpu.memory_space<vmem>>
      tpu.vector_store_idx %parallel_loop3A_230[%parallel_loop3A_211, %add3A_27], %parallel_loop3A_225 : memref<128x256xf32, #tpu.memory_space<vmem>>[vector<16xi32>, vector<16xi32>], vector<16xf32>,
      %parallel_loop3A_231 = tpu.vector_load_idx %arg5[%parallel_loop3A_212, %add3A_31] : memref<5x256xf32, #tpu.memory_space<vmem>>[vector<16xi32>, vector<16xi32>], vector<16xf32>,
      %parallel_loop3A_232 = arith.constant 2 : i32
      %parallel_loop3A_233 = arith.constant 0 : i32
      %parallel_loop3A_234 = arith.constant 0 : i32
      %parallel_loop3A_235 = tpu.memref_slice %arg7[%parallel_loop3A_232, %parallel_loop3A_233, %parallel_loop3A_234] : memref<3x128x256xf32, #tpu.memory_space<vmem>> -> memref<1x128x256xf32, #tpu.memory_space<vmem>>
      %parallel_loop3A_236 = tpu.memref_squeeze %parallel_loop3A_235 : memref<1x128x256xf32, #tpu.memory_space<vmem>> -> memref<128x256xf32, #tpu.memory_space<vmem>>
      tpu.vector_store_idx %parallel_loop3A_236[%parallel_loop3A_211, %add3A_31], %parallel_loop3A_231 : memref<128x256xf32, #tpu.memory_space<vmem>>[vector<16xi32>, vector<16xi32>], vector<16xf32>,
      %parallel_loop3A_237 = tpu.vector_load_idx %arg5[%parallel_loop3A_212, %add3A_35] : memref<5x256xf32, #tpu.memory_space<vmem>>[vector<16xi32>, vector<16xi32>], vector<16xf32>,
      %parallel_loop3A_238 = arith.constant 2 : i32
      %parallel_loop3A_239 = arith.constant 0 : i32
      %parallel_loop3A_240 = arith.constant 0 : i32
      %parallel_loop3A_241 = tpu.memref_slice %arg7[%parallel_loop3A_238, %parallel_loop3A_239, %parallel_loop3A_240] : memref<3x128x256xf32, #tpu.memory_space<vmem>> -> memref<1x128x256xf32, #tpu.memory_space<vmem>>
      %parallel_loop3A_242 = tpu.memref_squeeze %parallel_loop3A_241 : memref<1x128x256xf32, #tpu.memory_space<vmem>> -> memref<128x256xf32, #tpu.memory_space<vmem>>
      tpu.vector_store_idx %parallel_loop3A_242[%parallel_loop3A_211, %add3A_35], %parallel_loop3A_237 : memref<128x256xf32, #tpu.memory_space<vmem>>[vector<16xi32>, vector<16xi32>], vector<16xf32>,
      %parallel_loop3A_243 = tpu.vector_load_idx %arg5[%parallel_loop3A_212, %add3A_39] : memref<5x256xf32, #tpu.memory_space<vmem>>[vector<16xi32>, vector<16xi32>], vector<16xf32>,
      %parallel_loop3A_244 = arith.constant 2 : i32
      %parallel_loop3A_245 = arith.constant 0 : i32
      %parallel_loop3A_246 = arith.constant 0 : i32
      %parallel_loop3A_247 = tpu.memref_slice %arg7[%parallel_loop3A_244, %parallel_loop3A_245, %parallel_loop3A_246] : memref<3x128x256xf32, #tpu.memory_space<vmem>> -> memref<1x128x256xf32, #tpu.memory_space<vmem>>
      %parallel_loop3A_248 = tpu.memref_squeeze %parallel_loop3A_247 : memref<1x128x256xf32, #tpu.memory_space<vmem>> -> memref<128x256xf32, #tpu.memory_space<vmem>>
      tpu.vector_store_idx %parallel_loop3A_248[%parallel_loop3A_211, %add3A_39], %parallel_loop3A_243 : memref<128x256xf32, #tpu.memory_space<vmem>>[vector<16xi32>, vector<16xi32>], vector<16xf32>,
      %parallel_loop3A_249 = tpu.vector_load_idx %arg5[%parallel_loop3A_212, %add3A_43] : memref<5x256xf32, #tpu.memory_space<vmem>>[vector<16xi32>, vector<16xi32>], vector<16xf32>,
      %parallel_loop3A_250 = arith.constant 2 : i32
      %parallel_loop3A_251 = arith.constant 0 : i32
      %parallel_loop3A_252 = arith.constant 0 : i32
      %parallel_loop3A_253 = tpu.memref_slice %arg7[%parallel_loop3A_250, %parallel_loop3A_251, %parallel_loop3A_252] : memref<3x128x256xf32, #tpu.memory_space<vmem>> -> memref<1x128x256xf32, #tpu.memory_space<vmem>>
      %parallel_loop3A_254 = tpu.memref_squeeze %parallel_loop3A_253 : memref<1x128x256xf32, #tpu.memory_space<vmem>> -> memref<128x256xf32, #tpu.memory_space<vmem>>
      tpu.vector_store_idx %parallel_loop3A_254[%parallel_loop3A_211, %add3A_43], %parallel_loop3A_249 : memref<128x256xf32, #tpu.memory_space<vmem>>[vector<16xi32>, vector<16xi32>], vector<16xf32>,
      %parallel_loop3A_255 = tpu.vector_load_idx %arg5[%parallel_loop3A_212, %add3A_47] : memref<5x256xf32, #tpu.memory_space<vmem>>[vector<16xi32>, vector<16xi32>], vector<16xf32>,
      %parallel_loop3A_256 = arith.constant 2 : i32
      %parallel_loop3A_257 = arith.constant 0 : i32
      %parallel_loop3A_258 = arith.constant 0 : i32
      %parallel_loop3A_259 = tpu.memref_slice %arg7[%parallel_loop3A_256, %parallel_loop3A_257, %parallel_loop3A_258] : memref<3x128x256xf32, #tpu.memory_space<vmem>> -> memref<1x128x256xf32, #tpu.memory_space<vmem>>
      %parallel_loop3A_260 = tpu.memref_squeeze %parallel_loop3A_259 : memref<1x128x256xf32, #tpu.memory_space<vmem>> -> memref<128x256xf32, #tpu.memory_space<vmem>>
      tpu.vector_store_idx %parallel_loop3A_260[%parallel_loop3A_211, %add3A_47], %parallel_loop3A_255 : memref<128x256xf32, #tpu.memory_space<vmem>>[vector<16xi32>, vector<16xi32>], vector<16xf32>,
      %parallel_loop3A_261 = tpu.vector_load_idx %arg5[%parallel_loop3A_212, %add3A_51] : memref<5x256xf32, #tpu.memory_space<vmem>>[vector<16xi32>, vector<16xi32>], vector<16xf32>,
      %parallel_loop3A_262 = arith.constant 2 : i32
      %parallel_loop3A_263 = arith.constant 0 : i32
      %parallel_loop3A_264 = arith.constant 0 : i32
      %parallel_loop3A_265 = tpu.memref_slice %arg7[%parallel_loop3A_262, %parallel_loop3A_263, %parallel_loop3A_264] : memref<3x128x256xf32, #tpu.memory_space<vmem>> -> memref<1x128x256xf32, #tpu.memory_space<vmem>>
      %parallel_loop3A_266 = tpu.memref_squeeze %parallel_loop3A_265 : memref<1x128x256xf32, #tpu.memory_space<vmem>> -> memref<128x256xf32, #tpu.memory_space<vmem>>
      tpu.vector_store_idx %parallel_loop3A_266[%parallel_loop3A_211, %add3A_51], %parallel_loop3A_261 : memref<128x256xf32, #tpu.memory_space<vmem>>[vector<16xi32>, vector<16xi32>], vector<16xf32>,
      %parallel_loop3A_267 = tpu.vector_load_idx %arg5[%parallel_loop3A_212, %add3A_55] : memref<5x256xf32, #tpu.memory_space<vmem>>[vector<16xi32>, vector<16xi32>], vector<16xf32>,
      %parallel_loop3A_268 = arith.constant 2 : i32
      %parallel_loop3A_269 = arith.constant 0 : i32
      %parallel_loop3A_270 = arith.constant 0 : i32
      %parallel_loop3A_271 = tpu.memref_slice %arg7[%parallel_loop3A_268, %parallel_loop3A_269, %parallel_loop3A_270] : memref<3x128x256xf32, #tpu.memory_space<vmem>> -> memref<1x128x256xf32, #tpu.memory_space<vmem>>
      %parallel_loop3A_272 = tpu.memref_squeeze %parallel_loop3A_271 : memref<1x128x256xf32, #tpu.memory_space<vmem>> -> memref<128x256xf32, #tpu.memory_space<vmem>>
      tpu.vector_store_idx %parallel_loop3A_272[%parallel_loop3A_211, %add3A_55], %parallel_loop3A_267 : memref<128x256xf32, #tpu.memory_space<vmem>>[vector<16xi32>, vector<16xi32>], vector<16xf32>,
      %parallel_loop3A_273 = tpu.vector_load_idx %arg5[%parallel_loop3A_212, %add3A_59] : memref<5x256xf32, #tpu.memory_space<vmem>>[vector<16xi32>, vector<16xi32>], vector<16xf32>,
      %parallel_loop3A_274 = arith.constant 2 : i32
      %parallel_loop3A_275 = arith.constant 0 : i32
      %parallel_loop3A_276 = arith.constant 0 : i32
      %parallel_loop3A_277 = tpu.memref_slice %arg7[%parallel_loop3A_274, %parallel_loop3A_275, %parallel_loop3A_276] : memref<3x128x256xf32, #tpu.memory_space<vmem>> -> memref<1x128x256xf32, #tpu.memory_space<vmem>>
      %parallel_loop3A_278 = tpu.memref_squeeze %parallel_loop3A_277 : memref<1x128x256xf32, #tpu.memory_space<vmem>> -> memref<128x256xf32, #tpu.memory_space<vmem>>
      tpu.vector_store_idx %parallel_loop3A_278[%parallel_loop3A_211, %add3A_59], %parallel_loop3A_273 : memref<128x256xf32, #tpu.memory_space<vmem>>[vector<16xi32>, vector<16xi32>], vector<16xf32>,
      %parallel_loop3A_279 = tpu.vector_load_idx %arg5[%parallel_loop3A_212, %add3A_63] : memref<5x256xf32, #tpu.memory_space<vmem>>[vector<16xi32>, vector<16xi32>], vector<16xf32>,
      %parallel_loop3A_280 = arith.constant 2 : i32
      %parallel_loop3A_281 = arith.constant 0 : i32
      %parallel_loop3A_282 = arith.constant 0 : i32
      %parallel_loop3A_283 = tpu.memref_slice %arg7[%parallel_loop3A_280, %parallel_loop3A_281, %parallel_loop3A_282] : memref<3x128x256xf32, #tpu.memory_space<vmem>> -> memref<1x128x256xf32, #tpu.memory_space<vmem>>
      %parallel_loop3A_284 = tpu.memref_squeeze %parallel_loop3A_283 : memref<1x128x256xf32, #tpu.memory_space<vmem>> -> memref<128x256xf32, #tpu.memory_space<vmem>>
      tpu.vector_store_idx %parallel_loop3A_284[%parallel_loop3A_211, %add3A_63], %parallel_loop3A_279 : memref<128x256xf32, #tpu.memory_space<vmem>>[vector<16xi32>, vector<16xi32>], vector<16xf32>,
      %parallel_loop3A_285 = tpu.vector_load_idx %arg5[%parallel_loop3A_212, %add3A_67] : memref<5x256xf32, #tpu.memory_space<vmem>>[vector<16xi32>, vector<16xi32>], vector<16xf32>,
      %parallel_loop3A_286 = arith.constant 2 : i32
      %parallel_loop3A_287 = arith.constant 0 : i32
      %parallel_loop3A_288 = arith.constant 0 : i32
      %parallel_loop3A_289 = tpu.memref_slice %arg7[%parallel_loop3A_286, %parallel_loop3A_287, %parallel_loop3A_288] : memref<3x128x256xf32, #tpu.memory_space<vmem>> -> memref<1x128x256xf32, #tpu.memory_space<vmem>>
      %parallel_loop3A_290 = tpu.memref_squeeze %parallel_loop3A_289 : memref<1x128x256xf32, #tpu.memory_space<vmem>> -> memref<128x256xf32, #tpu.memory_space<vmem>>
      tpu.vector_store_idx %parallel_loop3A_290[%parallel_loop3A_211, %add3A_67], %parallel_loop3A_285 : memref<128x256xf32, #tpu.memory_space<vmem>>[vector<16xi32>, vector<16xi32>], vector<16xf32>,
      %parallel_loop3A_291 = tpu.vector_load_idx %arg5[%parallel_loop3A_212, %add3A_71] : memref<5x256xf32, #tpu.memory_space<vmem>>[vector<16xi32>, vector<16xi32>], vector<16xf32>,
      %parallel_loop3A_292 = arith.constant 2 : i32
      %parallel_loop3A_293 = arith.constant 0 : i32
      %parallel_loop3A_294 = arith.constant 0 : i32
      %parallel_loop3A_295 = tpu.memref_slice %arg7[%parallel_loop3A_292, %parallel_loop3A_293, %parallel_loop3A_294] : memref<3x128x256xf32, #tpu.memory_space<vmem>> -> memref<1x128x256xf32, #tpu.memory_space<vmem>>
      %parallel_loop3A_296 = tpu.memref_squeeze %parallel_loop3A_295 : memref<1x128x256xf32, #tpu.memory_space<vmem>> -> memref<128x256xf32, #tpu.memory_space<vmem>>
      tpu.vector_store_idx %parallel_loop3A_296[%parallel_loop3A_211, %add3A_71], %parallel_loop3A_291 : memref<128x256xf32, #tpu.memory_space<vmem>>[vector<16xi32>, vector<16xi32>], vector<16xf32>,
      %parallel_loop3A_297 = tpu.vector_load_idx %arg5[%parallel_loop3A_212, %add3A_75] : memref<5x256xf32, #tpu.memory_space<vmem>>[vector<16xi32>, vector<16xi32>], vector<16xf32>,
      %parallel_loop3A_298 = arith.constant 2 : i32
      %parallel_loop3A_299 = arith.constant 0 : i32
      %parallel_loop3A_300 = arith.constant 0 : i32
      %parallel_loop3A_301 = tpu.memref_slice %arg7[%parallel_loop3A_298, %parallel_loop3A_299, %parallel_loop3A_300] : memref<3x128x256xf32, #tpu.memory_space<vmem>> -> memref<1x128x256xf32, #tpu.memory_space<vmem>>
      %parallel_loop3A_302 = tpu.memref_squeeze %parallel_loop3A_301 : memref<1x128x256xf32, #tpu.memory_space<vmem>> -> memref<128x256xf32, #tpu.memory_space<vmem>>
      tpu.vector_store_idx %parallel_loop3A_302[%parallel_loop3A_211, %add3A_75], %parallel_loop3A_297 : memref<128x256xf32, #tpu.memory_space<vmem>>[vector<16xi32>, vector<16xi32>], vector<16xf32>,
      %parallel_loop3A_303 = tpu.vector_load_idx %arg5[%parallel_loop3A_212, %add3A_79] : memref<5x256xf32, #tpu.memory_space<vmem>>[vector<16xi32>, vector<16xi32>], vector<16xf32>,
      %parallel_loop3A_304 = arith.constant 2 : i32
      %parallel_loop3A_305 = arith.constant 0 : i32
      %parallel_loop3A_306 = arith.constant 0 : i32
      %parallel_loop3A_307 = tpu.memref_slice %arg7[%parallel_loop3A_304, %parallel_loop3A_305, %parallel_loop3A_306] : memref<3x128x256xf32, #tpu.memory_space<vmem>> -> memref<1x128x256xf32, #tpu.memory_space<vmem>>
      %parallel_loop3A_308 = tpu.memref_squeeze %parallel_loop3A_307 : memref<1x128x256xf32, #tpu.memory_space<vmem>> -> memref<128x256xf32, #tpu.memory_space<vmem>>
      tpu.vector_store_idx %parallel_loop3A_308[%parallel_loop3A_211, %add3A_79], %parallel_loop3A_303 : memref<128x256xf32, #tpu.memory_space<vmem>>[vector<16xi32>, vector<16xi32>], vector<16xf32>,
    } {sc.loop_unroll_factor = 4 : i64, sc.parallel_access}
    %add3A_123 = arith.constant 256 : i32
    %add3A_124 = arith.addi %mul3A_2, %add3A_123 : i32
    %dma_start3A_125 = arith.constant 2 : i32
    %dma_start3A_126 = arith.constant 0 : i32
    %dma_start3A_127 = arith.constant 0 : i32
    %dma_start3A_128 = tpu.memref_slice %arg7[%dma_start3A_125, %dma_start3A_126, %dma_start3A_127] : memref<3x128x256xf32, #tpu.memory_space<vmem>> -> memref<1x128x256xf32, #tpu.memory_space<vmem>>
    %dma_start3A_129 = tpu.memref_squeeze %dma_start3A_128 : memref<1x128x256xf32, #tpu.memory_space<vmem>> -> memref<128x256xf32, #tpu.memory_space<vmem>>
    %dma_start3A_130 = arith.constant 0 : i32
    %dma_start3A_131 = tpu.memref_slice %arg4[%add3A_124, %dma_start3A_130] : memref<16384x256xf32, #tpu.memory_space<hbm>> -> memref<128x256xf32, #tpu.memory_space<hbm>>
    %dma_start3A_132 = arith.constant 0 : i32
    %dma_start3A_133 = tpu.memref_slice %arg4[%add3A_124, %dma_start3A_132] : memref<16384x256xf32, #tpu.memory_space<hbm>> -> memref<128x256xf32, #tpu.memory_space<hbm>>
    %dma_start3A_134 = arith.constant 0 : i32
    %dma_start3A_135 = arith.constant 0 : i32
    %dma_start3A_136 = tpu.memref_slice %arg7[%dma_start3A_125, %dma_start3A_134, %dma_start3A_135] : memref<3x128x256xf32, #tpu.memory_space<vmem>> -> memref<1x128x256xf32, #tpu.memory_space<vmem>>
    %dma_start3A_137 = tpu.memref_squeeze %dma_start3A_136 : memref<1x128x256xf32, #tpu.memory_space<vmem>> -> memref<128x256xf32, #tpu.memory_space<vmem>>
    tpu.enqueue_dma source(%dma_start3A_137 : memref<128x256xf32, #tpu.memory_space<vmem>>) target(%dma_start3A_133 : memref<128x256xf32, #tpu.memory_space<hbm>>) target_semaphore(%arg10 : memref<!tpu.dma_semaphore, #tpu.memory_space<semaphore_mem>>)
    %dma_wait3A_138 = arith.constant 0 : i32
    %dma_wait3A_139 = arith.constant 0 : i32
    %dma_wait3A_140 = arith.constant 0 : i32
    %dma_wait3A_141 = tpu.memref_slice %arg7[%dma_wait3A_138, %dma_wait3A_139, %dma_wait3A_140] : memref<3x128x256xf32, #tpu.memory_space<vmem>> -> memref<1x128x256xf32, #tpu.memory_space<vmem>>
    %dma_wait3A_142 = tpu.memref_squeeze %dma_wait3A_141 : memref<1x128x256xf32, #tpu.memory_space<vmem>> -> memref<128x256xf32, #tpu.memory_space<vmem>>
    %dma_wait3A_143 = arith.constant 0 : i32
    %dma_wait3A_144 = tpu.memref_slice %arg4[%add3A_84, %dma_wait3A_143] : memref<16384x256xf32, #tpu.memory_space<hbm>> -> memref<128x256xf32, #tpu.memory_space<hbm>>
    %dma_wait3A_145 = arith.constant 0 : i32
    %dma_wait3A_146 = tpu.memref_slice %arg4[%add3A_84, %dma_wait3A_145] : memref<16384x256xf32, #tpu.memory_space<hbm>> -> memref<128x256xf32, #tpu.memory_space<hbm>>
    %dma_wait3A_147 = arith.constant 0 : i32
    %dma_wait3A_148 = arith.constant 0 : i32
    %dma_wait3A_149 = tpu.memref_slice %arg7[%dma_wait3A_138, %dma_wait3A_147, %dma_wait3A_148] : memref<3x128x256xf32, #tpu.memory_space<vmem>> -> memref<1x128x256xf32, #tpu.memory_space<vmem>>
    %dma_wait3A_150 = tpu.memref_squeeze %dma_wait3A_149 : memref<1x128x256xf32, #tpu.memory_space<vmem>> -> memref<128x256xf32, #tpu.memory_space<vmem>>
    tpu.wait_dma2 semaphore(%arg8 : memref<!tpu.dma_semaphore, #tpu.memory_space<semaphore_mem>>) src(%dma_wait3A_150 : memref<128x256xf32, #tpu.memory_space<vmem>>) dst(%dma_wait3A_146 : memref<128x256xf32, #tpu.memory_space<hbm>>)
    %broadcast_in_dim3A_151 = arith.constant 3 : i32
    %broadcast_in_dim3A_152 = vector.broadcast %broadcast_in_dim3A_151 : i32 to vector<16xi32>
    %parallel_loop3A_153 = arith.constant 0 : i32
    %parallel_loop3A_154 = arith.constant 128 : i32
    %parallel_loop3A_155 = arith.constant 1 : i32
    scf.for %parallel_loop3A_210 = %parallel_loop3A_153 to %parallel_loop3A_154 step %parallel_loop3A_155  : i32 {
      %parallel_loop3A_211 = vector.broadcast %parallel_loop3A_210 : i32 to vector<16xi32>
      %parallel_loop3A_212 = tpu.vector_load_idx %arg6[%broadcast_in_dim3A_152, %parallel_loop3A_211] : memref<4x128xi32, #tpu.memory_space<vmem>>[vector<16xi32>, vector<16xi32>], vector<16xi32>,
      %parallel_loop3A_213 = tpu.vector_load_idx %arg5[%parallel_loop3A_212, %add3A_19] : memref<5x256xf32, #tpu.memory_space<vmem>>[vector<16xi32>, vector<16xi32>], vector<16xf32>,
      %parallel_loop3A_214 = arith.constant 0 : i32
      %parallel_loop3A_215 = arith.constant 0 : i32
      %parallel_loop3A_216 = arith.constant 0 : i32
      %parallel_loop3A_217 = tpu.memref_slice %arg7[%parallel_loop3A_214, %parallel_loop3A_215, %parallel_loop3A_216] : memref<3x128x256xf32, #tpu.memory_space<vmem>> -> memref<1x128x256xf32, #tpu.memory_space<vmem>>
      %parallel_loop3A_218 = tpu.memref_squeeze %parallel_loop3A_217 : memref<1x128x256xf32, #tpu.memory_space<vmem>> -> memref<128x256xf32, #tpu.memory_space<vmem>>
      tpu.vector_store_idx %parallel_loop3A_218[%parallel_loop3A_211, %add3A_19], %parallel_loop3A_213 : memref<128x256xf32, #tpu.memory_space<vmem>>[vector<16xi32>, vector<16xi32>], vector<16xf32>,
      %parallel_loop3A_219 = tpu.vector_load_idx %arg5[%parallel_loop3A_212, %add3A_23] : memref<5x256xf32, #tpu.memory_space<vmem>>[vector<16xi32>, vector<16xi32>], vector<16xf32>,
      %parallel_loop3A_220 = arith.constant 0 : i32
      %parallel_loop3A_221 = arith.constant 0 : i32
      %parallel_loop3A_222 = arith.constant 0 : i32
      %parallel_loop3A_223 = tpu.memref_slice %arg7[%parallel_loop3A_220, %parallel_loop3A_221, %parallel_loop3A_222] : memref<3x128x256xf32, #tpu.memory_space<vmem>> -> memref<1x128x256xf32, #tpu.memory_space<vmem>>
      %parallel_loop3A_224 = tpu.memref_squeeze %parallel_loop3A_223 : memref<1x128x256xf32, #tpu.memory_space<vmem>> -> memref<128x256xf32, #tpu.memory_space<vmem>>
      tpu.vector_store_idx %parallel_loop3A_224[%parallel_loop3A_211, %add3A_23], %parallel_loop3A_219 : memref<128x256xf32, #tpu.memory_space<vmem>>[vector<16xi32>, vector<16xi32>], vector<16xf32>,
      %parallel_loop3A_225 = tpu.vector_load_idx %arg5[%parallel_loop3A_212, %add3A_27] : memref<5x256xf32, #tpu.memory_space<vmem>>[vector<16xi32>, vector<16xi32>], vector<16xf32>,
      %parallel_loop3A_226 = arith.constant 0 : i32
      %parallel_loop3A_227 = arith.constant 0 : i32
      %parallel_loop3A_228 = arith.constant 0 : i32
      %parallel_loop3A_229 = tpu.memref_slice %arg7[%parallel_loop3A_226, %parallel_loop3A_227, %parallel_loop3A_228] : memref<3x128x256xf32, #tpu.memory_space<vmem>> -> memref<1x128x256xf32, #tpu.memory_space<vmem>>
      %parallel_loop3A_230 = tpu.memref_squeeze %parallel_loop3A_229 : memref<1x128x256xf32, #tpu.memory_space<vmem>> -> memref<128x256xf32, #tpu.memory_space<vmem>>
      tpu.vector_store_idx %parallel_loop3A_230[%parallel_loop3A_211, %add3A_27], %parallel_loop3A_225 : memref<128x256xf32, #tpu.memory_space<vmem>>[vector<16xi32>, vector<16xi32>], vector<16xf32>,
      %parallel_loop3A_231 = tpu.vector_load_idx %arg5[%parallel_loop3A_212, %add3A_31] : memref<5x256xf32, #tpu.memory_space<vmem>>[vector<16xi32>, vector<16xi32>], vector<16xf32>,
      %parallel_loop3A_232 = arith.constant 0 : i32
      %parallel_loop3A_233 = arith.constant 0 : i32
      %parallel_loop3A_234 = arith.constant 0 : i32
      %parallel_loop3A_235 = tpu.memref_slice %arg7[%parallel_loop3A_232, %parallel_loop3A_233, %parallel_loop3A_234] : memref<3x128x256xf32, #tpu.memory_space<vmem>> -> memref<1x128x256xf32, #tpu.memory_space<vmem>>
      %parallel_loop3A_236 = tpu.memref_squeeze %parallel_loop3A_235 : memref<1x128x256xf32, #tpu.memory_space<vmem>> -> memref<128x256xf32, #tpu.memory_space<vmem>>
      tpu.vector_store_idx %parallel_loop3A_236[%parallel_loop3A_211, %add3A_31], %parallel_loop3A_231 : memref<128x256xf32, #tpu.memory_space<vmem>>[vector<16xi32>, vector<16xi32>], vector<16xf32>,
      %parallel_loop3A_237 = tpu.vector_load_idx %arg5[%parallel_loop3A_212, %add3A_35] : memref<5x256xf32, #tpu.memory_space<vmem>>[vector<16xi32>, vector<16xi32>], vector<16xf32>,
      %parallel_loop3A_238 = arith.constant 0 : i32
      %parallel_loop3A_239 = arith.constant 0 : i32
      %parallel_loop3A_240 = arith.constant 0 : i32
      %parallel_loop3A_241 = tpu.memref_slice %arg7[%parallel_loop3A_238, %parallel_loop3A_239, %parallel_loop3A_240] : memref<3x128x256xf32, #tpu.memory_space<vmem>> -> memref<1x128x256xf32, #tpu.memory_space<vmem>>
      %parallel_loop3A_242 = tpu.memref_squeeze %parallel_loop3A_241 : memref<1x128x256xf32, #tpu.memory_space<vmem>> -> memref<128x256xf32, #tpu.memory_space<vmem>>
      tpu.vector_store_idx %parallel_loop3A_242[%parallel_loop3A_211, %add3A_35], %parallel_loop3A_237 : memref<128x256xf32, #tpu.memory_space<vmem>>[vector<16xi32>, vector<16xi32>], vector<16xf32>,
      %parallel_loop3A_243 = tpu.vector_load_idx %arg5[%parallel_loop3A_212, %add3A_39] : memref<5x256xf32, #tpu.memory_space<vmem>>[vector<16xi32>, vector<16xi32>], vector<16xf32>,
      %parallel_loop3A_244 = arith.constant 0 : i32
      %parallel_loop3A_245 = arith.constant 0 : i32
      %parallel_loop3A_246 = arith.constant 0 : i32
      %parallel_loop3A_247 = tpu.memref_slice %arg7[%parallel_loop3A_244, %parallel_loop3A_245, %parallel_loop3A_246] : memref<3x128x256xf32, #tpu.memory_space<vmem>> -> memref<1x128x256xf32, #tpu.memory_space<vmem>>
      %parallel_loop3A_248 = tpu.memref_squeeze %parallel_loop3A_247 : memref<1x128x256xf32, #tpu.memory_space<vmem>> -> memref<128x256xf32, #tpu.memory_space<vmem>>
      tpu.vector_store_idx %parallel_loop3A_248[%parallel_loop3A_211, %add3A_39], %parallel_loop3A_243 : memref<128x256xf32, #tpu.memory_space<vmem>>[vector<16xi32>, vector<16xi32>], vector<16xf32>,
      %parallel_loop3A_249 = tpu.vector_load_idx %arg5[%parallel_loop3A_212, %add3A_43] : memref<5x256xf32, #tpu.memory_space<vmem>>[vector<16xi32>, vector<16xi32>], vector<16xf32>,
      %parallel_loop3A_250 = arith.constant 0 : i32
      %parallel_loop3A_251 = arith.constant 0 : i32
      %parallel_loop3A_252 = arith.constant 0 : i32
      %parallel_loop3A_253 = tpu.memref_slice %arg7[%parallel_loop3A_250, %parallel_loop3A_251, %parallel_loop3A_252] : memref<3x128x256xf32, #tpu.memory_space<vmem>> -> memref<1x128x256xf32, #tpu.memory_space<vmem>>
      %parallel_loop3A_254 = tpu.memref_squeeze %parallel_loop3A_253 : memref<1x128x256xf32, #tpu.memory_space<vmem>> -> memref<128x256xf32, #tpu.memory_space<vmem>>
      tpu.vector_store_idx %parallel_loop3A_254[%parallel_loop3A_211, %add3A_43], %parallel_loop3A_249 : memref<128x256xf32, #tpu.memory_space<vmem>>[vector<16xi32>, vector<16xi32>], vector<16xf32>,
      %parallel_loop3A_255 = tpu.vector_load_idx %arg5[%parallel_loop3A_212, %add3A_47] : memref<5x256xf32, #tpu.memory_space<vmem>>[vector<16xi32>, vector<16xi32>], vector<16xf32>,
      %parallel_loop3A_256 = arith.constant 0 : i32
      %parallel_loop3A_257 = arith.constant 0 : i32
      %parallel_loop3A_258 = arith.constant 0 : i32
      %parallel_loop3A_259 = tpu.memref_slice %arg7[%parallel_loop3A_256, %parallel_loop3A_257, %parallel_loop3A_258] : memref<3x128x256xf32, #tpu.memory_space<vmem>> -> memref<1x128x256xf32, #tpu.memory_space<vmem>>
      %parallel_loop3A_260 = tpu.memref_squeeze %parallel_loop3A_259 : memref<1x128x256xf32, #tpu.memory_space<vmem>> -> memref<128x256xf32, #tpu.memory_space<vmem>>
      tpu.vector_store_idx %parallel_loop3A_260[%parallel_loop3A_211, %add3A_47], %parallel_loop3A_255 : memref<128x256xf32, #tpu.memory_space<vmem>>[vector<16xi32>, vector<16xi32>], vector<16xf32>,
      %parallel_loop3A_261 = tpu.vector_load_idx %arg5[%parallel_loop3A_212, %add3A_51] : memref<5x256xf32, #tpu.memory_space<vmem>>[vector<16xi32>, vector<16xi32>], vector<16xf32>,
      %parallel_loop3A_262 = arith.constant 0 : i32
      %parallel_loop3A_263 = arith.constant 0 : i32
      %parallel_loop3A_264 = arith.constant 0 : i32
      %parallel_loop3A_265 = tpu.memref_slice %arg7[%parallel_loop3A_262, %parallel_loop3A_263, %parallel_loop3A_264] : memref<3x128x256xf32, #tpu.memory_space<vmem>> -> memref<1x128x256xf32, #tpu.memory_space<vmem>>
      %parallel_loop3A_266 = tpu.memref_squeeze %parallel_loop3A_265 : memref<1x128x256xf32, #tpu.memory_space<vmem>> -> memref<128x256xf32, #tpu.memory_space<vmem>>
      tpu.vector_store_idx %parallel_loop3A_266[%parallel_loop3A_211, %add3A_51], %parallel_loop3A_261 : memref<128x256xf32, #tpu.memory_space<vmem>>[vector<16xi32>, vector<16xi32>], vector<16xf32>,
      %parallel_loop3A_267 = tpu.vector_load_idx %arg5[%parallel_loop3A_212, %add3A_55] : memref<5x256xf32, #tpu.memory_space<vmem>>[vector<16xi32>, vector<16xi32>], vector<16xf32>,
      %parallel_loop3A_268 = arith.constant 0 : i32
      %parallel_loop3A_269 = arith.constant 0 : i32
      %parallel_loop3A_270 = arith.constant 0 : i32
      %parallel_loop3A_271 = tpu.memref_slice %arg7[%parallel_loop3A_268, %parallel_loop3A_269, %parallel_loop3A_270] : memref<3x128x256xf32, #tpu.memory_space<vmem>> -> memref<1x128x256xf32, #tpu.memory_space<vmem>>
      %parallel_loop3A_272 = tpu.memref_squeeze %parallel_loop3A_271 : memref<1x128x256xf32, #tpu.memory_space<vmem>> -> memref<128x256xf32, #tpu.memory_space<vmem>>
      tpu.vector_store_idx %parallel_loop3A_272[%parallel_loop3A_211, %add3A_55], %parallel_loop3A_267 : memref<128x256xf32, #tpu.memory_space<vmem>>[vector<16xi32>, vector<16xi32>], vector<16xf32>,
      %parallel_loop3A_273 = tpu.vector_load_idx %arg5[%parallel_loop3A_212, %add3A_59] : memref<5x256xf32, #tpu.memory_space<vmem>>[vector<16xi32>, vector<16xi32>], vector<16xf32>,
      %parallel_loop3A_274 = arith.constant 0 : i32
      %parallel_loop3A_275 = arith.constant 0 : i32
      %parallel_loop3A_276 = arith.constant 0 : i32
      %parallel_loop3A_277 = tpu.memref_slice %arg7[%parallel_loop3A_274, %parallel_loop3A_275, %parallel_loop3A_276] : memref<3x128x256xf32, #tpu.memory_space<vmem>> -> memref<1x128x256xf32, #tpu.memory_space<vmem>>
      %parallel_loop3A_278 = tpu.memref_squeeze %parallel_loop3A_277 : memref<1x128x256xf32, #tpu.memory_space<vmem>> -> memref<128x256xf32, #tpu.memory_space<vmem>>
      tpu.vector_store_idx %parallel_loop3A_278[%parallel_loop3A_211, %add3A_59], %parallel_loop3A_273 : memref<128x256xf32, #tpu.memory_space<vmem>>[vector<16xi32>, vector<16xi32>], vector<16xf32>,
      %parallel_loop3A_279 = tpu.vector_load_idx %arg5[%parallel_loop3A_212, %add3A_63] : memref<5x256xf32, #tpu.memory_space<vmem>>[vector<16xi32>, vector<16xi32>], vector<16xf32>,
      %parallel_loop3A_280 = arith.constant 0 : i32
      %parallel_loop3A_281 = arith.constant 0 : i32
      %parallel_loop3A_282 = arith.constant 0 : i32
      %parallel_loop3A_283 = tpu.memref_slice %arg7[%parallel_loop3A_280, %parallel_loop3A_281, %parallel_loop3A_282] : memref<3x128x256xf32, #tpu.memory_space<vmem>> -> memref<1x128x256xf32, #tpu.memory_space<vmem>>
      %parallel_loop3A_284 = tpu.memref_squeeze %parallel_loop3A_283 : memref<1x128x256xf32, #tpu.memory_space<vmem>> -> memref<128x256xf32, #tpu.memory_space<vmem>>
      tpu.vector_store_idx %parallel_loop3A_284[%parallel_loop3A_211, %add3A_63], %parallel_loop3A_279 : memref<128x256xf32, #tpu.memory_space<vmem>>[vector<16xi32>, vector<16xi32>], vector<16xf32>,
      %parallel_loop3A_285 = tpu.vector_load_idx %arg5[%parallel_loop3A_212, %add3A_67] : memref<5x256xf32, #tpu.memory_space<vmem>>[vector<16xi32>, vector<16xi32>], vector<16xf32>,
      %parallel_loop3A_286 = arith.constant 0 : i32
      %parallel_loop3A_287 = arith.constant 0 : i32
      %parallel_loop3A_288 = arith.constant 0 : i32
      %parallel_loop3A_289 = tpu.memref_slice %arg7[%parallel_loop3A_286, %parallel_loop3A_287, %parallel_loop3A_288] : memref<3x128x256xf32, #tpu.memory_space<vmem>> -> memref<1x128x256xf32, #tpu.memory_space<vmem>>
      %parallel_loop3A_290 = tpu.memref_squeeze %parallel_loop3A_289 : memref<1x128x256xf32, #tpu.memory_space<vmem>> -> memref<128x256xf32, #tpu.memory_space<vmem>>
      tpu.vector_store_idx %parallel_loop3A_290[%parallel_loop3A_211, %add3A_67], %parallel_loop3A_285 : memref<128x256xf32, #tpu.memory_space<vmem>>[vector<16xi32>, vector<16xi32>], vector<16xf32>,
      %parallel_loop3A_291 = tpu.vector_load_idx %arg5[%parallel_loop3A_212, %add3A_71] : memref<5x256xf32, #tpu.memory_space<vmem>>[vector<16xi32>, vector<16xi32>], vector<16xf32>,
      %parallel_loop3A_292 = arith.constant 0 : i32
      %parallel_loop3A_293 = arith.constant 0 : i32
      %parallel_loop3A_294 = arith.constant 0 : i32
      %parallel_loop3A_295 = tpu.memref_slice %arg7[%parallel_loop3A_292, %parallel_loop3A_293, %parallel_loop3A_294] : memref<3x128x256xf32, #tpu.memory_space<vmem>> -> memref<1x128x256xf32, #tpu.memory_space<vmem>>
      %parallel_loop3A_296 = tpu.memref_squeeze %parallel_loop3A_295 : memref<1x128x256xf32, #tpu.memory_space<vmem>> -> memref<128x256xf32, #tpu.memory_space<vmem>>
      tpu.vector_store_idx %parallel_loop3A_296[%parallel_loop3A_211, %add3A_71], %parallel_loop3A_291 : memref<128x256xf32, #tpu.memory_space<vmem>>[vector<16xi32>, vector<16xi32>], vector<16xf32>,
      %parallel_loop3A_297 = tpu.vector_load_idx %arg5[%parallel_loop3A_212, %add3A_75] : memref<5x256xf32, #tpu.memory_space<vmem>>[vector<16xi32>, vector<16xi32>], vector<16xf32>,
      %parallel_loop3A_298 = arith.constant 0 : i32
      %parallel_loop3A_299 = arith.constant 0 : i32
      %parallel_loop3A_300 = arith.constant 0 : i32
      %parallel_loop3A_301 = tpu.memref_slice %arg7[%parallel_loop3A_298, %parallel_loop3A_299, %parallel_loop3A_300] : memref<3x128x256xf32, #tpu.memory_space<vmem>> -> memref<1x128x256xf32, #tpu.memory_space<vmem>>
      %parallel_loop3A_302 = tpu.memref_squeeze %parallel_loop3A_301 : memref<1x128x256xf32, #tpu.memory_space<vmem>> -> memref<128x256xf32, #tpu.memory_space<vmem>>
      tpu.vector_store_idx %parallel_loop3A_302[%parallel_loop3A_211, %add3A_75], %parallel_loop3A_297 : memref<128x256xf32, #tpu.memory_space<vmem>>[vector<16xi32>, vector<16xi32>], vector<16xf32>,
      %parallel_loop3A_303 = tpu.vector_load_idx %arg5[%parallel_loop3A_212, %add3A_79] : memref<5x256xf32, #tpu.memory_space<vmem>>[vector<16xi32>, vector<16xi32>], vector<16xf32>,
      %parallel_loop3A_304 = arith.constant 0 : i32
      %parallel_loop3A_305 = arith.constant 0 : i32
      %parallel_loop3A_306 = arith.constant 0 : i32
      %parallel_loop3A_307 = tpu.memref_slice %arg7[%parallel_loop3A_304, %parallel_loop3A_305, %parallel_loop3A_306] : memref<3x128x256xf32, #tpu.memory_space<vmem>> -> memref<1x128x256xf32, #tpu.memory_space<vmem>>
      %parallel_loop3A_308 = tpu.memref_squeeze %parallel_loop3A_307 : memref<1x128x256xf32, #tpu.memory_space<vmem>> -> memref<128x256xf32, #tpu.memory_space<vmem>>
      tpu.vector_store_idx %parallel_loop3A_308[%parallel_loop3A_211, %add3A_79], %parallel_loop3A_303 : memref<128x256xf32, #tpu.memory_space<vmem>>[vector<16xi32>, vector<16xi32>], vector<16xf32>,
    } {sc.loop_unroll_factor = 4 : i64, sc.parallel_access}
    %add3A_156 = arith.constant 384 : i32
    %add3A_157 = arith.addi %mul3A_2, %add3A_156 : i32
    %dma_start3A_158 = arith.constant 0 : i32
    %dma_start3A_159 = arith.constant 0 : i32
    %dma_start3A_160 = arith.constant 0 : i32
    %dma_start3A_161 = tpu.memref_slice %arg7[%dma_start3A_158, %dma_start3A_159, %dma_start3A_160] : memref<3x128x256xf32, #tpu.memory_space<vmem>> -> memref<1x128x256xf32, #tpu.memory_space<vmem>>
    %dma_start3A_162 = tpu.memref_squeeze %dma_start3A_161 : memref<1x128x256xf32, #tpu.memory_space<vmem>> -> memref<128x256xf32, #tpu.memory_space<vmem>>
    %dma_start3A_163 = arith.constant 0 : i32
    %dma_start3A_164 = tpu.memref_slice %arg4[%add3A_157, %dma_start3A_163] : memref<16384x256xf32, #tpu.memory_space<hbm>> -> memref<128x256xf32, #tpu.memory_space<hbm>>
    %dma_start3A_165 = arith.constant 0 : i32
    %dma_start3A_166 = tpu.memref_slice %arg4[%add3A_157, %dma_start3A_165] : memref<16384x256xf32, #tpu.memory_space<hbm>> -> memref<128x256xf32, #tpu.memory_space<hbm>>
    %dma_start3A_167 = arith.constant 0 : i32
    %dma_start3A_168 = arith.constant 0 : i32
    %dma_start3A_169 = tpu.memref_slice %arg7[%dma_start3A_158, %dma_start3A_167, %dma_start3A_168] : memref<3x128x256xf32, #tpu.memory_space<vmem>> -> memref<1x128x256xf32, #tpu.memory_space<vmem>>
    %dma_start3A_170 = tpu.memref_squeeze %dma_start3A_169 : memref<1x128x256xf32, #tpu.memory_space<vmem>> -> memref<128x256xf32, #tpu.memory_space<vmem>>
    tpu.enqueue_dma source(%dma_start3A_170 : memref<128x256xf32, #tpu.memory_space<vmem>>) target(%dma_start3A_166 : memref<128x256xf32, #tpu.memory_space<hbm>>) target_semaphore(%arg8 : memref<!tpu.dma_semaphore, #tpu.memory_space<semaphore_mem>>)
    %dma_wait3A_171 = arith.constant 1 : i32
    %dma_wait3A_172 = arith.constant 0 : i32
    %dma_wait3A_173 = arith.constant 0 : i32
    %dma_wait3A_174 = tpu.memref_slice %arg7[%dma_wait3A_171, %dma_wait3A_172, %dma_wait3A_173] : memref<3x128x256xf32, #tpu.memory_space<vmem>> -> memref<1x128x256xf32, #tpu.memory_space<vmem>>
    %dma_wait3A_175 = tpu.memref_squeeze %dma_wait3A_174 : memref<1x128x256xf32, #tpu.memory_space<vmem>> -> memref<128x256xf32, #tpu.memory_space<vmem>>
    %dma_wait3A_176 = arith.constant 0 : i32
    %dma_wait3A_177 = tpu.memref_slice %arg4[%add3A_104, %dma_wait3A_176] : memref<16384x256xf32, #tpu.memory_space<hbm>> -> memref<128x256xf32, #tpu.memory_space<hbm>>
    %dma_wait3A_178 = arith.constant 0 : i32
    %dma_wait3A_179 = tpu.memref_slice %arg4[%add3A_104, %dma_wait3A_178] : memref<16384x256xf32, #tpu.memory_space<hbm>> -> memref<128x256xf32, #tpu.memory_space<hbm>>
    %dma_wait3A_180 = arith.constant 0 : i32
    %dma_wait3A_181 = arith.constant 0 : i32
    %dma_wait3A_182 = tpu.memref_slice %arg7[%dma_wait3A_171, %dma_wait3A_180, %dma_wait3A_181] : memref<3x128x256xf32, #tpu.memory_space<vmem>> -> memref<1x128x256xf32, #tpu.memory_space<vmem>>
    %dma_wait3A_183 = tpu.memref_squeeze %dma_wait3A_182 : memref<1x128x256xf32, #tpu.memory_space<vmem>> -> memref<128x256xf32, #tpu.memory_space<vmem>>
    tpu.wait_dma2 semaphore(%arg9 : memref<!tpu.dma_semaphore, #tpu.memory_space<semaphore_mem>>) src(%dma_wait3A_183 : memref<128x256xf32, #tpu.memory_space<vmem>>) dst(%dma_wait3A_179 : memref<128x256xf32, #tpu.memory_space<hbm>>)
    %dma_wait3A_184 = arith.constant 2 : i32
    %dma_wait3A_185 = arith.constant 0 : i32
    %dma_wait3A_186 = arith.constant 0 : i32
    %dma_wait3A_187 = tpu.memref_slice %arg7[%dma_wait3A_184, %dma_wait3A_185, %dma_wait3A_186] : memref<3x128x256xf32, #tpu.memory_space<vmem>> -> memref<1x128x256xf32, #tpu.memory_space<vmem>>
    %dma_wait3A_188 = tpu.memref_squeeze %dma_wait3A_187 : memref<1x128x256xf32, #tpu.memory_space<vmem>> -> memref<128x256xf32, #tpu.memory_space<vmem>>
    %dma_wait3A_189 = arith.constant 0 : i32
    %dma_wait3A_190 = tpu.memref_slice %arg4[%add3A_124, %dma_wait3A_189] : memref<16384x256xf32, #tpu.memory_space<hbm>> -> memref<128x256xf32, #tpu.memory_space<hbm>>
    %dma_wait3A_191 = arith.constant 0 : i32
    %dma_wait3A_192 = tpu.memref_slice %arg4[%add3A_124, %dma_wait3A_191] : memref<16384x256xf32, #tpu.memory_space<hbm>> -> memref<128x256xf32, #tpu.memory_space<hbm>>
    %dma_wait3A_193 = arith.constant 0 : i32
    %dma_wait3A_194 = arith.constant 0 : i32
    %dma_wait3A_195 = tpu.memref_slice %arg7[%dma_wait3A_184, %dma_wait3A_193, %dma_wait3A_194] : memref<3x128x256xf32, #tpu.memory_space<vmem>> -> memref<1x128x256xf32, #tpu.memory_space<vmem>>
    %dma_wait3A_196 = tpu.memref_squeeze %dma_wait3A_195 : memref<1x128x256xf32, #tpu.memory_space<vmem>> -> memref<128x256xf32, #tpu.memory_space<vmem>>
    tpu.wait_dma2 semaphore(%arg10 : memref<!tpu.dma_semaphore, #tpu.memory_space<semaphore_mem>>) src(%dma_wait3A_196 : memref<128x256xf32, #tpu.memory_space<vmem>>) dst(%dma_wait3A_192 : memref<128x256xf32, #tpu.memory_space<hbm>>)
    %dma_wait3A_197 = arith.constant 0 : i32
    %dma_wait3A_198 = arith.constant 0 : i32
    %dma_wait3A_199 = arith.constant 0 : i32
    %dma_wait3A_200 = tpu.memref_slice %arg7[%dma_wait3A_197, %dma_wait3A_198, %dma_wait3A_199] : memref<3x128x256xf32, #tpu.memory_space<vmem>> -> memref<1x128x256xf32, #tpu.memory_space<vmem>>
    %dma_wait3A_201 = tpu.memref_squeeze %dma_wait3A_200 : memref<1x128x256xf32, #tpu.memory_space<vmem>> -> memref<128x256xf32, #tpu.memory_space<vmem>>
    %dma_wait3A_202 = arith.constant 0 : i32
    %dma_wait3A_203 = tpu.memref_slice %arg4[%add3A_157, %dma_wait3A_202] : memref<16384x256xf32, #tpu.memory_space<hbm>> -> memref<128x256xf32, #tpu.memory_space<hbm>>
    %dma_wait3A_204 = arith.constant 0 : i32
    %dma_wait3A_205 = tpu.memref_slice %arg4[%add3A_157, %dma_wait3A_204] : memref<16384x256xf32, #tpu.memory_space<hbm>> -> memref<128x256xf32, #tpu.memory_space<hbm>>
    %dma_wait3A_206 = arith.constant 0 : i32
    %dma_wait3A_207 = arith.constant 0 : i32
    %dma_wait3A_208 = tpu.memref_slice %arg7[%dma_wait3A_197, %dma_wait3A_206, %dma_wait3A_207] : memref<3x128x256xf32, #tpu.memory_space<vmem>> -> memref<1x128x256xf32, #tpu.memory_space<vmem>>
    %dma_wait3A_209 = tpu.memref_squeeze %dma_wait3A_208 : memref<1x128x256xf32, #tpu.memory_space<vmem>> -> memref<128x256xf32, #tpu.memory_space<vmem>>
    tpu.wait_dma2 semaphore(%arg8 : memref<!tpu.dma_semaphore, #tpu.memory_space<semaphore_mem>>) src(%dma_wait3A_209 : memref<128x256xf32, #tpu.memory_space<vmem>>) dst(%dma_wait3A_205 : memref<128x256xf32, #tpu.memory_space<hbm>>)
    return
  }
}

</mosaic_0001>

<sc_bundles>
// kernel: kernel.3.cloned.1.call-start
scs
__scs_entry_jumppad:
0x0: {  	(pc) =	sbr.rel $0x88, $3  }
0x1: {  	(tag) =	ssettag $0x0;
	lr =	simm.s32 $0x1  }
0x2: {  	[smem:$0x3F9F] =	sst lr;
	_ =	strace $0xD0000000  }
0x3: {  	_ = 	snop  }
0x4: {  	_ = 	snop  }
0x5: {  	_ = 	snop  }
0x6: {  	_ = 	snop  }
0x7: {  	_ = 	snop  }
__scs_overlays_trampoline_lowered:
0x8: {  	[smem:$0x3FAE] =	sst s0  }
0x9: {  	[smem:$0x3FAF] =	sst s1  }
0xa: {  	[smem:$0x3FB0] =	sst s2  }
0xb: {  	[smem:$0x3FB1] =	sst s3  }
0xc: {  	[smem:$0x3FB2] =	sst s4  }
0xd: {  	[smem:$0x3FB3] =	sst s5  }
0xe: {  	[smem:$0x3FB4] =	sst s6  }
0xf: {  	[smem:$0x3FB5] =	sst s7  }
0x10: {  	[smem:$0x3FB6] =	sst s8  }
0x11: {  	[smem:$0x3FB7] =	sst s9;
	s0 =	simm.s32 @!p0 $0x0  }
0x12: {  	s1 =	sld [smem:$0x3F9D];
	s0 =	simm.s32 @p0 $0x1  }
0x13: {  	[smem:$0x3FB8] =	sst s0;
	s0 =	simm.s32 @!p1 $0x0  }
0x14: {  	s2 =	sld [smem:$0x3F9C];
	s0 =	simm.s32 @p1 $0x1  }
0x15: {  	[smem:$0x3FB9] =	sst s0;
	s0 =	simm.s32 @!p2 $0x0  }
0x16: {  	s3 =	sld [smem:$0x3FDB];
	s0 =	simm.s32 @p2 $0x1  }
0x17: {  	s4 =	simm.s32 $0x1BF5;
	[smem:$0x3FBB] =	sst s0  }
0x18: {  	s0 =	sld [smem:$0x3F9E];
	_ =	swait.ge [sflag:s4], $0x0  }
0x19: {  	s7 =	sld [smem:$0x3F9F]  }
0x1a: {  	s8 =	sadd.s32 $0xFFFFE003, lr  }
0x1b: {  	s9 =	sadd.s32 $0xFFFFFEF7, lr;
	s5 =	simm.s32 $0xFFFFFFFF;
	p2 =	slt.u32 s8, $0xFFFFF086  }
0x1c: {  	p1 =	slt.u32 s9, $0xF7A;
	s5 =	simm.s32 @!p2 $0x0  }
0x1d: {  	s5 =	simm.s32 @p1 $0x1;
	p0 =	seq.s32 s7, s2  }
0x1e: {  	s7 =	smul.u32 @!p0 $0xF7A, s2;
	p2 =	seq.s32 @!p0 s5, $0x0  }
0x1f: {  	s9 =	smul.u32 $0xF7A, s1;
	s8 =	simm.s32 @!p0 $0x1BF5;
	p2 =	por !p2, p0  }
0x20: {  	[sflag:s8] =	ssyncset.s32 @!p0 $0xFFFFF086;
	s6 =	sadd.s32 @!p0 s3, s7;
	s7 =	simm.s32 @!p0 $0x108  }
0x21: {  	s3 =	sadd.s32 s3, s9;
	s6 =	sadd.s32 @!p0 $0x88, s6;
	s7 =	simm.s32 @p2 $0x1082  }
0x22: {  	[simem:s7], [sflag:s8] =	dma.local @!p0 [hbm:s6], $0xF7A  }
0x23: {  	s9 =	sor.u32 $0xD0000000, s2;
	s6 =	simm.s32 $0x108;
	_ =	swait.ge @!p0 [sflag:s8], $0x0  }
0x24: {  	s3 =	sadd.s32 $0x88, s3;
	s6 =	simm.s32 @!p1 $0x1082;
	[sflag:s4] =	ssyncset.s32 $0xFFFFF086  }
0x25: {  	[simem:s6], [sflag:s4] =	dma.local [hbm:s3], $0xF7A  }
0x26: {  	[smem:$0x3F9F] =	sst s1;
	(tag) =	ssettag s2;
	_ =	strace s9  }
0x27: {  	s1 =	sld [smem:$0x3FAF]  }
0x28: {  	s2 =	sld [smem:$0x3FB0]  }
0x29: {  	s4 =	sld [smem:$0x3FB2]  }
0x2a: {  	p0 =	seq.s32 s5, $0x0;
	s5 =	sld [smem:$0x3FB3]  }
0x2b: {  	s6 =	sld [smem:$0x3FB4]  }
0x2c: {  	s7 =	sld [smem:$0x3FB5]  }
0x2d: {  	s3 =	simm.s32 $0x108;
	s8 =	sld [smem:$0x3FB6]  }
0x2e: {  	s3 =	simm.s32 @!p0 $0x1082;
	s9 =	sld [smem:$0x3FB7]  }
0x2f: {  	lr =	sadd.s32 s0, s3;
	s0 =	sld [smem:$0x3FAE]  }
0x30: {  	s3 =	sld [smem:$0x3FB1]  }
0x31: {  	[smem:$0x3FBA] =	sst s10  }
0x32: {  	s10 =	sld [smem:$0x3FB8];
	_ =	sdelay $0x3  }
0x33: {  	p0 =	seq.s32 s10, $0x1;
	s10 =	sld [smem:$0x3FBA];
	_ =	sdelay $0x3  }
0x34: {  	[smem:$0x3FBA] =	sst s10  }
0x35: {  	s10 =	sld [smem:$0x3FB9];
	_ =	sdelay $0x3  }
0x36: {  	p1 =	seq.s32 s10, $0x1;
	s10 =	sld [smem:$0x3FBA];
	_ =	sdelay $0x3  }
0x37: {  	[smem:$0x3FBA] =	sst s10  }
0x38: {  	s10 =	sld [smem:$0x3FBB]  }
0x39: {  	_ = 	snop;
	(pc) =	sbr.ind lr, $3  }
0x3a: {  	_ = 	snop  }
0x3b: {  	_ = 	snop  }
0x3c: {  	p2 =	seq.s32 s10, $0x1;
	s10 =	sld [smem:$0x3FBA]  }
0x3d: {  	_ =	shalt  }
0x3e: {  	_ =	shalt  }
0x3f: {  	_ =	shalt  }
0x40: {  	_ =	shalt  }
0x41: {  	_ =	shalt  }
0x42: {  	_ =	shalt  }
0x43: {  	_ =	shalt  }
0x44: {  	_ =	shalt  }
0x45: {  	_ =	shalt  }
0x46: {  	_ =	shalt  }
0x47: {  	_ =	shalt  }
0x48: {  	_ =	shalt  }
0x49: {  	_ =	shalt  }
0x4a: {  	_ =	shalt  }
0x4b: {  	_ =	shalt  }
0x4c: {  	_ =	shalt  }
0x4d: {  	_ =	shalt  }
0x4e: {  	_ =	shalt  }
0x4f: {  	_ =	shalt  }
0x50: {  	_ =	shalt  }
0x51: {  	_ =	shalt  }
0x52: {  	_ =	shalt  }
0x53: {  	_ =	shalt  }
0x54: {  	_ =	shalt  }
0x55: {  	_ =	shalt  }
0x56: {  	_ =	shalt  }
0x57: {  	_ =	shalt  }
0x58: {  	_ =	shalt  }
0x59: {  	_ =	shalt  }
0x5a: {  	_ =	shalt  }
0x5b: {  	_ =	shalt  }
0x5c: {  	_ =	shalt  }
0x5d: {  	_ =	shalt  }
0x5e: {  	_ =	shalt  }
0x5f: {  	_ =	shalt  }
0x60: {  	_ =	shalt  }
0x61: {  	_ =	shalt  }
0x62: {  	_ =	shalt  }
0x63: {  	_ =	shalt  }
0x64: {  	_ =	shalt  }
0x65: {  	_ =	shalt  }
0x66: {  	_ =	shalt  }
0x67: {  	_ =	shalt  }
0x68: {  	_ =	shalt  }
0x69: {  	_ =	shalt  }
0x6a: {  	_ =	shalt  }
0x6b: {  	_ =	shalt  }
0x6c: {  	_ =	shalt  }
0x6d: {  	_ =	shalt  }
0x6e: {  	_ =	shalt  }
0x6f: {  	_ =	shalt  }
0x70: {  	_ =	shalt  }
0x71: {  	_ =	shalt  }
0x72: {  	_ =	shalt  }
0x73: {  	_ =	shalt  }
0x74: {  	_ =	shalt  }
0x75: {  	_ =	shalt  }
0x76: {  	_ =	shalt  }
0x77: {  	_ =	shalt  }
0x78: {  	_ =	shalt  }
0x79: {  	_ =	shalt  }
0x7a: {  	_ =	shalt  }
0x7b: {  	_ =	shalt  }
0x7c: {  	_ =	shalt  }
0x7d: {  	_ =	shalt  }
0x7e: {  	_ =	shalt  }
0x7f: {  	_ =	shalt  }
0x80: {  	_ =	shalt  }
0x81: {  	_ =	shalt  }
0x82: {  	_ =	shalt  }
0x83: {  	_ =	shalt  }
0x84: {  	_ =	shalt  }
0x85: {  	_ =	shalt  }
0x86: {  	_ =	shalt  }
0x87: {  	_ =	shalt  }
.Lfunc_end0:
.L_simem_size_0:
called_computation_lowered:
.L_overlay_start_0:
0x88: {  	s2 =	sld [smem:$0x3FD9]  }
0x89: {  	s3 =	sld [smem:$0x3FFE];
	_ =	sdelay $0x1  }
0x8a: {  	s1 =	srdreg.scid  }
0x8b: {  	s0 =	sand.u32 $0x1, s1  }
0x8c: {  	s18 =	sshll.u32 s0, $0xA;
	s2 =	sadd.s32 s3, s2  }
0x8d: {  	s2 =	sadd.s32 s2, s18  }
0x8e: {  	[smem:$0x3FC6] =	sst s2  }
0x8f: {  	_ = 	snop  }
0x90: {  	s2 =	sld [smem:$0x3FC9]  }
0x91: {  	s19 =	sld [smem:$0x3FC8]  }
0x92: {  	s4 =	sld [smem:$0x3FD0];
	(tm) =	ssettm $0x1  }
0x93: {  	s5 =	sld [smem:$0x3FFB];
	_ =	sdelay $0x3  }
0x94: {  	_ =	strace s5  }
0x95: {  	s5 =	sld [smem:$0x3FFC];
	_ =	sdelay $0x3  }
0x96: {  	_ =	strace s5  }
0x97: {  	s5 =	sld [smem:$0x3FFD];
	_ =	sdelay $0x3  }
0x98: {  	_ =	strace s5  }
0x99: {  	_ =	strace $0x8FFFFFFF  }
0x9a: {  	s20 =	sld [smem:$0x3FDB];
	_ =	sdelay $0x1  }
0x9b: {  	s6 =	simm.s32 $_scs_section_size  }
0x9c: {  	s7 =	simm.s32 $_size__tile_overlayer_lowered;
	s8 =	simm.s32 $_tile_overlayer_lowered  }
0x9d: {  	s23 =	simm.s32 $0x1BFF;
	s22 =	sshll.u32 s8, $0x1;
	s5 =	sadd.s32 s6, s20  }
0x9e: {  	s9 =	simm.s32 $0x0;
	s21 =	sshll.u32 s7, $0x1;
	s7 =	sadd.s32 s22, s5  }
0x9f: {  	[timem:s9], [sflag:s23] =	dma.local [hbm:s7], s21  }
0xa0: {  	_ =	swait.ge [sflag:s23], s21  }
0xa1: {  	s6 =	ssub.s32 $0x0, s21;
	[sflag:s23] =	ssyncset.done $0x0  }
0xa2: {  	[sflag:s23] =	ssyncadd.s32 s6;
	_ =	sdelay $0x1  }
0xa3: {  	s24 =	simm.s32 $0x1B8B  }
0xa4: {  	_ =	swait.ge [sflag:s24], $0x1  }
0xa5: {  	[sflag:s24] =	ssyncset.done $0x0  }
0xa6: {  	s25 =	simm.s32 $0x1B8E;
	[sflag:s24] =	ssyncadd.s32 $0xFFFFFFFF  }
0xa7: {  	s26 =	simm.s32 $execute0_lowered;
	[smem:$0x3FD2] =	sst s25  }
0xa8: {  	s6 =	sshll.u32 s26, $0x1;
	_ =	strace $0x80000046;
	[dreg:$0x1] =	wrdreg $0xFFFFFFFF  }
0xa9: {  	s28 =	simm.s32 $_size_execute0_lowered;
	s5 =	sadd.s32 s5, s6;
	[dreg:$0x0] =	wrdreg $0x0  }
0xaa: {  	s6 =	sshll.u32 s28, $0x1;
	[dreg:$0x2] =	wrdreg s5  }
0xab: {  	[dreg:$0x3] =	wrdreg s6  }
0xac: {  	[dreg:$0x4] =	wrdreg $0xC0  }
0xad: {  	_ =	task [dreg:s9], $0x5FFFF  }
0xae: {  	[dreg:$0x1] =	wrdreg $0xFFFFFFFF  }
0xaf: {  	[dreg:$0x0] =	wrdreg $0x60  }
0xb0: {  	[dreg:$0x2] =	wrdreg s2  }
0xb1: {  	[dreg:$0x3] =	wrdreg s19  }
0xb2: {  	[dreg:$0x4] =	wrdreg s4  }
0xb3: {  	[dreg:$0x5] =	wrdreg $0x9  }
0xb4: {  	_ =	task.clear_ibuf [dreg:s9], $0x6FFFF;
	_ =	strace $0x90000046  }
0xb5: {  	s29 =	simm.s32 $0x9;
	_ =	strace $0x80000048  }
0xb6: {  	_ =	swait.ge [sflag:s29], $0x1  }
0xb7: {  	[sflag:s29] =	ssyncadd.s32 $0xFFFFFFFF  }
0xb8: {  	_ =	strace $0x90000048  }
0xb9: {  	_ =	sfence  }
0xba: {  	s30 =	sld [smem:$0x0];
	_ =	sdelay $0x2  }
0xbb: {  	s31 =	sshll.u32 s1, $0xD;
	s1 =	sshrl.u32 s1, $0x2  }
0xbc: {  	s3 =	sand.u32 $0x4000, s31;
	s1 =	sadd.s32 s1, s30  }
0xbd: {  	s0 =	sor.u32 s3, s0;
	s1 =	sshll.u32 s1, $0x11  }
0xbe: {  	s0 =	sor.u32 s1, s0  }
0xbf: {  	s0 =	sadd.s32 $0x8F2B, s0  }
0xc0: {  	[sflag:s0] =	ssyncadd.remote.s32 $0x1  }
0xc1: {  	_ =	sfence.sel $0xFFFF  }
0xc2: {  	[dreg:$0x0] =	wrdreg $0xFFFFFFFF;
	(pc) =	sbr.abs _section_cstart, $3  }
0xc3: {  	[dreg:$0x1] =	wrdreg $0xFFFFFFFF  }
0xc4: {  	_ =	task.clear_ibuf [dreg:s9], $0x2FFFF;
	_ =	strace $0x9FFFFFFF  }
0xc5: {  	(tm) =	ssettm $0x7FFFFFFF  }
tec
execute0_lowered:
.L_overlay_start_1:
0x0: {  	(tag) =	ssettag $0x1  }
0x1: {  	s5 =	rddreg [dreg:$0x0]  }
0x2: {  	s2 =	rddreg [dreg:$0x1];
	s3 =	srdreg.scid  }
0x3: {  	s4 =	rddreg [dreg:$0x2];
	v1 =	vlaneseq.u32;
	s6 =	sand.u32 $0x1, s3;
	s3 =	simm.s32 $0x0  }
0x4: {  	v0 =	vor.u32 $0x10, v1;
	[smem:$0x7FF] =	sst s3  }
0x5: {  	s0 =	rddreg [dreg:$0x3];
	v50 =	vor.u32 $0x20, v1;
	_ =	strace $0x80000047;
	[tilespmem:$0x1FF10] =	vst v0  }
0x6: {  	v51 =	vor.u32 $0x30, v1;
	[tilespmem:$0x1FF20] =	vst v50  }
0x7: {  	v52 =	vor.u32 $0x40, v1;
	[tilespmem:$0x1FF30] =	vst v51  }
0x8: {  	v53 =	vor.u32 $0x50, v1;
	[tilespmem:$0x1FF40] =	vst v52  }
0x9: {  	v54 =	vor.u32 $0x60, v1;
	[tilespmem:$0x1FF50] =	vst v53  }
0xa: {  	v55 =	vor.u32 $0x70, v1;
	[tilespmem:$0x1FF60] =	vst v54  }
0xb: {  	v56 =	vor.u32 $0x400, v1;
	[tilespmem:$0x1FF70] =	vst v55  }
0xc: {  	s1 =	stileid.u32;
	s10 =	simm.s32 $0x800;
	s11 =	simm.s32 $0x4;
	v57 =	vor.u32 $0x410, v1;
	[tilespmem:$0x1FF80] =	vst v56  }
0xd: {  	s12 =	simm.s32 $0xA00;
	s13 =	simm.s32 $0x8A00;
	s14 =	simm.s32 $0x10A00;
	v58 =	vor.u32 $0x420, v1;
	[tilespmem:$0x1FF90] =	vst v57  }
0xe: {  	s15 =	simm.s32 $0x1;
	s16 =	simm.s32 $0x2;
	s17 =	simm.s32 $0x3;
	v59 =	vor.u32 $0x430, v1;
	[tilespmem:$0x1FFA0] =	vst v58  }
0xf: {  	s7 =	sshll.u32 s1, $0xA;
	v60 =	vor.u32 $0x440, v1;
	s8 =	sshll.u32 s6, $0x9;
	s6 =	ssub.s32 $0x2, s6;
	[tilespmem:$0x1FFB0] =	vst v59  }
0x10: {  	s18 =	simm.s32 $0x0;
	v61 =	vor.u32 $0x450, v1;
	s7 =	sor.u32 s8, s7;
	s9 =	sshrl.u32 s6, $0x1;
	[tilespmem:$0x1FFC0] =	vst v60  }
0x11: {  	v62 =	vor.u32 $0x460, v1;
	[tilespmem:$0x1FFD0] =	vst v61;
	s8 =	sshll.u32 s7, $0x5;
	s7 =	sshrl.u32 s7, $0x3;
	s9 =	ssub.s32 s6, s9  }
0x12: {  	v63 =	vor.u32 $0x470, v1;
	[tilespmem:$0x1FFE0] =	vst v62;
	s4 =	sadd.s32 s4, s8;
	s5 =	sadd.s32 s5, s7;
	s9 =	smax.u32 s9, $0x1  }
0x13: {  	[tilespmem:$0x1FFF0] =	vst v63;
	s6 =	sadd.s32 $0x1000, s4;
	s7 =	sadd.s32 $0x2000, s4;
	s8 =	sadd.s32 $0x3000, s4  }
.LBB2_1:
0x14: {  	[tilespmem:s3], [sflag:$0x4] =	stream.linear.gather [hbm4b:s2+s3], $0x800, $0x38;
	[tilespmem:$0x18A00] =	vst v63  }
0x15: {  	_ = 	snop  }
0x16: {  	[tilespmem:s10], [sflag:$0x4] =	stream.linear.gather [hbm4b:s5+s3], $0x200, $0x38;
	[tilespmem:$0x18A00] =	vst v63  }
0x17: {  	_ =	swait.ge [sflag:s11], $0x800  }
0x18: {  	v0 =	vmov s3;
	s19 =	simm.s32 $0x2;
	[sflag:s11] =	ssyncset.done $0x0  }
0x19: {  	v1 =	vmov s19;
	[sflag:s11] =	ssyncadd.s32 $0xFFFFF800  }
0x1a: {  	s25 =	simm.s32 $0x1;
	_ =	swait.ge [sflag:s11], $0x200  }
0x1b: {  	v2 =	vmov s25;
	[sflag:s11] =	ssyncset.done $0x0  }
0x1c: {  	[sflag:s11] =	ssyncadd.s32 $0xFFFFFE00  }
0x1d: {  	v16 =	vld.idx.msk [tilespmem:v0+s10+$0x0], $0xffff  }
0x1e: {  	v17 =	vld.idx.msk [tilespmem:v1+s10+$0x0], $0xffff;
	_ =	sdelay $0x1  }
0x1f: {  	v20 =	vld.idx.msk [tilespmem:v2+s10+$0x0], $0xffff;
	_ =	sdelay $0x1  }
0x20: {  	v8 =	vlaneseq.u32;
	v18 =	vshll.u32 v0, $0x8;
	v22 =	vshll.u32 v16, $0x8  }
0x21: {  	v16 =	vshll.u32 v16, $0x7;
	v24 =	vshll.u32 v17, $0x8;
	v17 =	vshll.u32 v17, $0x7  }
0x22: {  	v22 =	vand.u32 $0xFFFFF800, v22;
	v16 =	vand.u32 $0x380, v16;
	v17 =	vand.u32 $0x380, v17  }
0x23: {  	v36 =	vor.u32 v16, v22;
	v16 =	vand.u32 $0xFFFFF800, v24;
	v24 =	vshll.u32 v20, $0x8  }
0x24: {  	s26 =	simm.s32 $0x3;
	v20 =	vshll.u32 v20, $0x7;
	v22 =	vor.u32 v8, v36;
	v38 =	vor.u32 v17, v16  }
0x25: {  	v21 =	vmov s26;
	v17 =	vand.u32 $0x380, v20;
	v20 =	vor.u32 v8, v38  }
0x26: {  	v23 =	vshll.u32 v1, $0x8;
	v0 =	vshll.u32 v0, $0x7;
	v1 =	vshll.u32 v1, $0x7  }
0x27: {  	v0 =	vand.u32 $0x200, v0;
	v16 =	vand.u32 $0xFFFFF800, v24;
	v24 =	vand.u32 $0x7800, v18  }
0x28: {  	v23 =	vand.u32 $0x7800, v23;
	v10 =	vld [tilespmem:$0x1FF10];
	v1 =	vand.u32 $0x300, v1;
	v24 =	vor.u32 v0, v24  }
0x29: {  	v40 =	vor.u32 v1, v23;
	v25 =	vor.u32 v8, v24;
	v22 =	vld.idx.msk [tilespmem:v22+s3+$0x0], $0xffff  }
0x2a: {  	v23 =	vor.u32 v8, v40;
	v20 =	vld.idx.msk [tilespmem:v20+s3+$0x0], $0xffff  }
0x2b: {  	v37 =	vor.u32 v17, v16;
	v16 =	vld.idx.msk [tilespmem:v21+s10+$0x0], $0xffff  }
0x2c: {  	v19 =	vshll.u32 v2, $0x8;
	v2 =	vshll.u32 v2, $0x7;
	v17 =	vor.u32 v8, v37  }
0x2d: {  	v19 =	vand.u32 $0x7800, v19;
	v2 =	vand.u32 $0x280, v2;
	v1 =	vor.u32 v10, v36  }
0x2e: {  	v35 =	vor.u32 v2, v19;
	v2 =	vor.u32 v10, v38;
	[tilespmem:v25+s12+$0x0] =	vst.idx.msk $0xffff, v22  }
0x2f: {  	[tilespmem:v23+s12+$0x0] =	vst.idx.msk $0xffff, v20  }
0x30: {  	v26 =	vshll.u32 v16, $0x8;
	v16 =	vshll.u32 v16, $0x7;
	v13 =	vld [tilespmem:$0x1FF20]  }
0x31: {  	v19 =	vor.u32 v8, v35;
	v17 =	vld.idx.msk [tilespmem:v17+s3+$0x0], $0xffff;
	v16 =	vand.u32 $0x380, v16;
	v25 =	vand.u32 $0xFFFFF800, v26  }
0x32: {  	v22 =	vor.u32 v10, v37;
	v26 =	vor.u32 v10, v24;
	v1 =	vld.idx.msk [tilespmem:v1+s3+$0x0], $0xffff;
	v39 =	vor.u32 v16, v25  }
0x33: {  	v23 =	vor.u32 v10, v40;
	v20 =	vor.u32 v8, v39;
	v2 =	vld.idx.msk [tilespmem:v2+s3+$0x0], $0xffff;
	_ =	sdelay $0x1  }
0x34: {  	v16 =	vor.u32 v13, v36  }
0x35: {  	[tilespmem:v19+s12+$0x0] =	vst.idx.msk $0xffff, v17;
	v19 =	vshll.u32 v21, $0x8;
	v21 =	vshll.u32 v21, $0x7;
	v17 =	vor.u32 v13, v38  }
0x36: {  	v19 =	vand.u32 $0x7800, v19;
	v21 =	vand.u32 $0x380, v21;
	v22 =	vld.idx.msk [tilespmem:v22+s3+$0x0], $0xffff;
	[tilespmem:v26+s12+$0x0] =	vst.idx.msk $0xffff, v1  }
0x37: {  	v25 =	vor.u32 v10, v35;
	v41 =	vor.u32 v21, v19;
	v20 =	vld.idx.msk [tilespmem:v20+s3+$0x0], $0xffff;
	[tilespmem:v23+s12+$0x0] =	vst.idx.msk $0xffff, v2  }
0x38: {  	v21 =	vor.u32 v8, v41;
	v14 =	vld [tilespmem:$0x1FF30]  }
0x39: {  	v19 =	vor.u32 v13, v24;
	v16 =	vld.idx.msk [tilespmem:v16+s3+$0x0], $0xffff  }
0x3a: {  	v1 =	vor.u32 v13, v37;
	v26 =	vor.u32 v13, v40;
	v17 =	vld.idx.msk [tilespmem:v17+s3+$0x0], $0xffff;
	_ =	sdelay $0x1  }
0x3b: {  	v23 =	vor.u32 v10, v39;
	[tilespmem:v25+s12+$0x0] =	vst.idx.msk $0xffff, v22  }
0x3c: {  	[tilespmem:v21+s12+$0x0] =	vst.idx.msk $0xffff, v20;
	v2 =	vor.u32 v14, v36  }
0x3d: {  	v27 =	vor.u32 v14, v38;
	[tilespmem:v19+s12+$0x0] =	vst.idx.msk $0xffff, v16  }
0x3e: {  	v1 =	vld.idx.msk [tilespmem:v1+s3+$0x0], $0xffff;
	[tilespmem:v26+s12+$0x0] =	vst.idx.msk $0xffff, v17  }
0x3f: {  	v22 =	vor.u32 v13, v35;
	v15 =	vld [tilespmem:$0x1FF40]  }
0x40: {  	v21 =	vor.u32 v10, v41;
	v20 =	vld.idx.msk [tilespmem:v23+s3+$0x0], $0xffff  }
0x41: {  	v23 =	vor.u32 v13, v39;
	v19 =	vor.u32 v14, v24;
	v2 =	vld.idx.msk [tilespmem:v2+s3+$0x0], $0xffff  }
0x42: {  	v16 =	vor.u32 v14, v37;
	v26 =	vor.u32 v14, v40;
	v25 =	vld.idx.msk [tilespmem:v27+s3+$0x0], $0xffff;
	_ =	sdelay $0x1  }
0x43: {  	[tilespmem:v22+s12+$0x0] =	vst.idx.msk $0xffff, v1;
	v17 =	vor.u32 v15, v36  }
0x44: {  	[tilespmem:v21+s12+$0x0] =	vst.idx.msk $0xffff, v20;
	v27 =	vor.u32 v15, v38  }
0x45: {  	v21 =	vld.idx.msk [tilespmem:v23+s3+$0x0], $0xffff;
	[tilespmem:v19+s12+$0x0] =	vst.idx.msk $0xffff, v2  }
0x46: {  	v1 =	vld.idx.msk [tilespmem:v16+s3+$0x0], $0xffff;
	v16 =	vor.u32 v14, v35;
	[tilespmem:v26+s12+$0x0] =	vst.idx.msk $0xffff, v25  }
0x47: {  	v22 =	vor.u32 v13, v41;
	v3 =	vld [tilespmem:$0x1FF50]  }
0x48: {  	v20 =	vor.u32 v15, v24;
	v19 =	vld.idx.msk [tilespmem:v17+s3+$0x0], $0xffff  }
0x49: {  	v2 =	vor.u32 v15, v37;
	v26 =	vor.u32 v15, v40;
	v25 =	vld.idx.msk [tilespmem:v27+s3+$0x0], $0xffff;
	_ =	sdelay $0x1  }
0x4a: {  	[tilespmem:v16+s12+$0x0] =	vst.idx.msk $0xffff, v1  }
0x4b: {  	v17 =	vld [tilespmem:$0x1FFF0];
	[tilespmem:v22+s12+$0x0] =	vst.idx.msk $0xffff, v21  }
0x4c: {  	v23 =	vor.u32 v3, v36;
	[tilespmem:v20+s12+$0x0] =	vst.idx.msk $0xffff, v19  }
0x4d: {  	v42 =	vor.u32 v0, v18;
	v0 =	vld.idx.msk [tilespmem:v2+s3+$0x0], $0xffff;
	v2 =	vor.u32 v14, v39;
	[tilespmem:v26+s12+$0x0] =	vst.idx.msk $0xffff, v25  }
0x4e: {  	v4 =	vld [tilespmem:$0x1FF60]  }
0x4f: {  	v1 =	vor.u32 v15, v35;
	v18 =	vor.u32 v3, v38;
	_ =	sdelay $0x1  }
0x50: {  	v21 =	vor.u32 v3, v24;
	v20 =	vor.u32 v3, v37;
	v19 =	vld.idx.msk [tilespmem:v23+s3+$0x0], $0xffff  }
0x51: {  	v22 =	vor.u32 v14, v41;
	v2 =	vld.idx.msk [tilespmem:v2+s3+$0x0], $0xffff  }
0x52: {  	s28 =	simm.s32 $0x4;
	v6 =	vld [tilespmem:$0x1FF80];
	v26 =	vor.u32 v4, v36  }
0x53: {  	s29 =	simm.s32 $0x5;
	v34 =	vmov s28;
	[tilespmem:v1+s12+$0x0] =	vst.idx.msk $0xffff, v0;
	v0 =	vld.idx.msk [tilespmem:v18+s3+$0x0], $0xffff  }
0x54: {  	s30 =	simm.s32 $0x6;
	v46 =	vmov s29;
	v45 =	vshll.u32 v34, $0x8;
	v23 =	vor.u32 v3, v40;
	v5 =	vld [tilespmem:$0x1FF70]  }
0x55: {  	v48 =	vmov s30;
	v33 =	vor.u32 v15, v39;
	v18 =	vld.idx.msk [tilespmem:v20+s3+$0x0], $0xffff;
	[tilespmem:v21+s12+$0x0] =	vst.idx.msk $0xffff, v19;
	v19 =	vor.u32 v3, v35  }
0x56: {  	v47 =	vshll.u32 v46, $0x7;
	v1 =	vor.u32 v15, v41;
	[tilespmem:v22+s12+$0x0] =	vst.idx.msk $0xffff, v2;
	v21 =	vor.u32 v4, v37  }
0x57: {  	v25 =	vor.u32 v4, v38;
	v27 =	vor.u32 v6, v35;
	v20 =	vor.u32 v4, v24;
	v26 =	vld.idx.msk [tilespmem:v26+s3+$0x0], $0xffff  }
0x58: {  	v29 =	vor.u32 v6, v40;
	v31 =	vor.u32 v6, v42;
	v30 =	vor.u32 v4, v35  }
0x59: {  	s31 =	simm.s32 $0x7;
	v32 =	vor.u32 v4, v40;
	[tilespmem:v23+s12+$0x0] =	vst.idx.msk $0xffff, v0;
	v0 =	vshll.u32 v34, $0x7;
	v23 =	vshll.u32 v46, $0x8  }
0x5a: {  	v2 =	vmov s31;
	v46 =	vld.idx.msk [tilespmem:v46+s10+$0x0], $0xffff;
	v28 =	vor.u32 v5, v24;
	v43 =	vor.u32 v5, v36;
	[tilespmem:v19+s12+$0x0] =	vst.idx.msk $0xffff, v18  }
0x5b: {  	v18 =	vand.u32 $0x7800, v23;
	v23 =	vshll.u32 v48, $0x7;
	v22 =	vld.idx.msk [tilespmem:v21+s3+$0x0], $0xffff;
	v21 =	vshll.u32 v48, $0x8  }
0x5c: {  	v24 =	vor.u32 v5, v37;
	v25 =	vld.idx.msk [tilespmem:v25+s3+$0x0], $0xffff;
	[tilespmem:v20+s12+$0x0] =	vst.idx.msk $0xffff, v26;
	v20 =	vand.u32 $0x7800, v21;
	v21 =	vand.u32 $0x300, v23  }
0x5d: {  	v55 =	vshll.u32 v2, $0x8;
	v51 =	vor.u32 v6, v36;
	v23 =	vld.idx.msk [tilespmem:v34+s10+$0x0], $0xffff;
	v21 =	vor.u32 v21, v20  }
0x5e: {  	v9 =	vor.u32 v6, v37;
	v53 =	vor.u32 v4, v39;
	v26 =	vld.idx.msk [tilespmem:v33+s3+$0x0], $0xffff;
	v7 =	vor.u32 v17, v21  }
0x5f: {  	v54 =	vor.u32 v6, v38;
	v44 =	vor.u32 v5, v38;
	v56 =	vand.u32 $0x7800, v55;
	v57 =	vld.idx.msk [tilespmem:v43+s3+$0x0], $0xffff;
	[tilespmem:$0x1FF00] =	vst v7  }
0x60: {  	v58 =	vand.u32 $0x200, v0;
	v61 =	vor.u32 v5, v35;
	v19 =	vand.u32 $0x280, v47;
	v60 =	vld.idx.msk [tilespmem:v48+s10+$0x0], $0xffff;
	[tilespmem:v30+s12+$0x0] =	vst.idx.msk $0xffff, v22  }
0x61: {  	v49 =	vor.u32 v5, v40;
	v19 =	vor.u32 v19, v18;
	v22 =	vor.u32 v3, v39;
	v24 =	vld.idx.msk [tilespmem:v24+s3+$0x0], $0xffff  }
0x62: {  	v18 =	vshll.u32 v2, $0x7;
	v7 =	vld [tilespmem:$0x1FF90];
	v50 =	vshll.u32 v23, $0x8;
	[tilespmem:v32+s12+$0x0] =	vst.idx.msk $0xffff, v25;
	v23 =	vshll.u32 v23, $0x7  }
0x63: {  	v2 =	vld.idx.msk [tilespmem:v2+s10+$0x0], $0xffff;
	[tilespmem:v1+s12+$0x0] =	vst.idx.msk $0xffff, v26;
	v1 =	vshll.u32 v46, $0x8;
	v11 =	vand.u32 $0x380, v23;
	v23 =	vshll.u32 v46, $0x7  }
0x64: {  	v20 =	vand.u32 $0x7800, v45;
	v44 =	vld.idx.msk [tilespmem:v44+s3+$0x0], $0xffff;
	[tilespmem:v28+s12+$0x0] =	vst.idx.msk $0xffff, v57;
	v1 =	vand.u32 $0xFFFFF800, v1;
	v23 =	vand.u32 $0x380, v23  }
0x65: {  	v59 =	vand.u32 $0x380, v18;
	v0 =	vor.u32 v58, v20;
	v23 =	vor.u32 v23, v1;
	v1 =	vld.idx.msk [tilespmem:v51+s3+$0x0], $0xffff  }
0x66: {  	v20 =	vor.u32 v59, v56;
	v30 =	vor.u32 v3, v41;
	v25 =	vand.u32 $0xFFFFF800, v50;
	v22 =	vld.idx.msk [tilespmem:v22+s3+$0x0], $0xffff  }
0x67: {  	v26 =	vshll.u32 v60, $0x8;
	v62 =	vor.u32 v7, v37;
	v52 =	vor.u32 v7, v36;
	[tilespmem:v61+s12+$0x0] =	vst.idx.msk $0xffff, v24  }
0x68: {  	v24 =	vshll.u32 v2, $0x8;
	v2 =	vshll.u32 v2, $0x7;
	v55 =	vand.u32 $0xFFFFF800, v26;
	v32 =	vld.idx.msk [tilespmem:v9+s3+$0x0], $0xffff  }
0x69: {  	v26 =	vor.u32 v11, v25;
	v24 =	vand.u32 $0xFFFFF800, v24;
	v2 =	vand.u32 $0x380, v2  }
0x6a: {  	[tilespmem:v49+s12+$0x0] =	vst.idx.msk $0xffff, v44;
	v25 =	vor.u32 v2, v24;
	v2 =	vor.u32 v8, v26  }
0x6b: {  	v33 =	vshll.u32 v60, $0x7;
	v24 =	vld.idx.msk [tilespmem:v54+s3+$0x0], $0xffff;
	v56 =	vor.u32 v8, v25;
	[tilespmem:v30+s12+$0x0] =	vst.idx.msk $0xffff, v22  }
0x6c: {  	v33 =	vand.u32 $0x380, v33;
	[tilespmem:v31+s12+$0x0] =	vst.idx.msk $0xffff, v1;
	v1 =	vld.idx.msk [tilespmem:v53+s3+$0x0], $0xffff  }
0x6d: {  	v30 =	vor.u32 v33, v55;
	v57 =	vld.idx.msk [tilespmem:v52+s3+$0x0], $0xffff;
	[tilespmem:v27+s12+$0x0] =	vst.idx.msk $0xffff, v32  }
0x6e: {  	v28 =	vor.u32 v58, v45;
	v45 =	vor.u32 v4, v41;
	v31 =	vor.u32 v8, v30;
	v48 =	vld.idx.msk [tilespmem:v62+s3+$0x0], $0xffff  }
0x6f: {  	v34 =	vor.u32 v8, v19;
	v59 =	vor.u32 v5, v39;
	v58 =	vor.u32 v7, v42;
	v2 =	vld.idx.msk [tilespmem:v2+s3+$0x0], $0xffff  }
0x70: {  	v60 =	vor.u32 v8, v23;
	v44 =	vor.u32 v7, v35;
	[tilespmem:v29+s12+$0x0] =	vst.idx.msk $0xffff, v24;
	v43 =	vld.idx.msk [tilespmem:v56+s3+$0x0], $0xffff  }
0x71: {  	v47 =	vor.u32 v8, v21;
	v50 =	vor.u32 v8, v0;
	v61 =	vor.u32 v8, v20;
	v8 =	vld [tilespmem:$0x1FFA0]  }
0x72: {  	v16 =	vld [tilespmem:$0x1FFE0]  }
0x73: {  	v55 =	vld.idx.msk [tilespmem:v31+s3+$0x0], $0xffff;
	[tilespmem:v45+s12+$0x0] =	vst.idx.msk $0xffff, v1  }
0x74: {  	v56 =	vor.u32 v5, v41;
	[tilespmem:v58+s12+$0x0] =	vst.idx.msk $0xffff, v57;
	v32 =	vld.idx.msk [tilespmem:v59+s3+$0x0], $0xffff  }
0x75: {  	v62 =	vor.u32 v7, v38;
	[tilespmem:v44+s12+$0x0] =	vst.idx.msk $0xffff, v48;
	v44 =	vld.idx.msk [tilespmem:v60+s3+$0x0], $0xffff  }
0x76: {  	[tilespmem:v61+s12+$0x0] =	vst.idx.msk $0xffff, v43  }
0x77: {  	v46 =	vor.u32 v10, v26;
	v11 =	vld [tilespmem:$0x1FFD0];
	[tilespmem:v50+s12+$0x0] =	vst.idx.msk $0xffff, v2  }
0x78: {  	v45 =	vor.u32 v10, v30;
	[tilespmem:v47+s12+$0x0] =	vst.idx.msk $0xffff, v55  }
0x79: {  	v54 =	vor.u32 v8, v37;
	[tilespmem:v56+s12+$0x0] =	vst.idx.msk $0xffff, v32  }
0x7a: {  	v1 =	vor.u32 v10, v25;
	v58 =	vor.u32 v7, v40;
	v43 =	vld.idx.msk [tilespmem:v62+s3+$0x0], $0xffff;
	[tilespmem:v34+s12+$0x0] =	vst.idx.msk $0xffff, v44  }
0x7b: {  	v57 =	vor.u32 v8, v36;
	v9 =	vld [tilespmem:$0x1FFB0]  }
0x7c: {  	v61 =	vor.u32 v8, v38;
	v62 =	vor.u32 v10, v0;
	v46 =	vld.idx.msk [tilespmem:v46+s3+$0x0], $0xffff  }
0x7d: {  	v45 =	vld.idx.msk [tilespmem:v45+s3+$0x0], $0xffff;
	v32 =	vor.u32 v13, v26;
	v56 =	vor.u32 v10, v21  }
0x7e: {  	v60 =	vor.u32 v6, v39;
	v2 =	vor.u32 v8, v35;
	v59 =	vld.idx.msk [tilespmem:v54+s3+$0x0], $0xffff  }
0x7f: {  	v1 =	vld.idx.msk [tilespmem:v1+s3+$0x0], $0xffff;
	[tilespmem:v58+s12+$0x0] =	vst.idx.msk $0xffff, v43;
	v43 =	vor.u32 v10, v23;
	v58 =	vor.u32 v10, v20  }
0x80: {  	v44 =	vld.idx.msk [tilespmem:v57+s3+$0x0], $0xffff;
	v57 =	vor.u32 v8, v42;
	v34 =	vor.u32 v9, v37  }
0x81: {  	v47 =	vld.idx.msk [tilespmem:v61+s3+$0x0], $0xffff;
	v61 =	vor.u32 v8, v40;
	[tilespmem:v62+s12+$0x0] =	vst.idx.msk $0xffff, v46  }
0x82: {  	[tilespmem:v56+s12+$0x0] =	vst.idx.msk $0xffff, v45;
	v32 =	vld.idx.msk [tilespmem:v32+s3+$0x0], $0xffff;
	v56 =	vor.u32 v13, v0  }
0x83: {  	v50 =	vld.idx.msk [tilespmem:v60+s3+$0x0], $0xffff;
	[tilespmem:v2+s12+$0x0] =	vst.idx.msk $0xffff, v59;
	v59 =	vor.u32 v6, v41  }
0x84: {  	[tilespmem:v58+s12+$0x0] =	vst.idx.msk $0xffff, v1;
	v43 =	vld.idx.msk [tilespmem:v43+s3+$0x0], $0xffff;
	v58 =	vor.u32 v10, v19  }
0x85: {  	[tilespmem:v57+s12+$0x0] =	vst.idx.msk $0xffff, v44;
	v57 =	vor.u32 v9, v35;
	v34 =	vld.idx.msk [tilespmem:v34+s3+$0x0], $0xffff  }
0x86: {  	[tilespmem:v61+s12+$0x0] =	vst.idx.msk $0xffff, v47  }
0x87: {  	v2 =	vor.u32 v13, v30;
	[tilespmem:v56+s12+$0x0] =	vst.idx.msk $0xffff, v32  }
0x88: {  	v60 =	vor.u32 v13, v25;
	[tilespmem:v59+s12+$0x0] =	vst.idx.msk $0xffff, v50  }
0x89: {  	v62 =	vor.u32 v9, v36;
	[tilespmem:v58+s12+$0x0] =	vst.idx.msk $0xffff, v43  }
0x8a: {  	v63 =	vor.u32 v17, v40;
	v44 =	vor.u32 v9, v38;
	[tilespmem:v57+s12+$0x0] =	vst.idx.msk $0xffff, v34  }
0x8b: {  	v12 =	vor.u32 v17, v42;
	v51 =	vor.u32 v15, v20;
	v1 =	vor.u32 v7, v39;
	v10 =	vld [tilespmem:$0x1FFC0]  }
0x8c: {  	v49 =	vor.u32 v14, v21;
	v47 =	vor.u32 v13, v23;
	v2 =	vld.idx.msk [tilespmem:v2+s3+$0x0], $0xffff;
	v59 =	vor.u32 v13, v21  }
0x8d: {  	v22 =	vor.u32 v17, v41;
	v53 =	vor.u32 v13, v20;
	v46 =	vld.idx.msk [tilespmem:v60+s3+$0x0], $0xffff;
	v50 =	vor.u32 v14, v26  }
0x8e: {  	v52 =	vor.u32 v4, v19;
	v60 =	vor.u32 v14, v30;
	v61 =	vor.u32 v9, v42;
	v45 =	vld.idx.msk [tilespmem:v62+s3+$0x0], $0xffff  }
0x8f: {  	v27 =	vor.u32 v17, v28;
	v56 =	vor.u32 v14, v25;
	v62 =	vor.u32 v9, v40;
	v44 =	vld.idx.msk [tilespmem:v44+s3+$0x0], $0xffff  }
0x90: {  	v29 =	vor.u32 v17, v35;
	v58 =	vor.u32 v7, v41;
	v1 =	vld.idx.msk [tilespmem:v1+s3+$0x0], $0xffff;
	v57 =	vor.u32 v10, v36  }
0x91: {  	v48 =	vor.u32 v6, v28;
	v7 =	vor.u32 v13, v19;
	v47 =	vld.idx.msk [tilespmem:v47+s3+$0x0], $0xffff;
	[tilespmem:v59+s12+$0x0] =	vst.idx.msk $0xffff, v2  }
0x92: {  	v50 =	vld.idx.msk [tilespmem:v50+s3+$0x0], $0xffff;
	v59 =	vor.u32 v14, v0;
	[tilespmem:v53+s12+$0x0] =	vst.idx.msk $0xffff, v46;
	v2 =	vor.u32 v10, v38  }
0x93: {  	v24 =	vor.u32 v16, v41;
	v46 =	vor.u32 v8, v39;
	[tilespmem:v61+s12+$0x0] =	vst.idx.msk $0xffff, v45;
	v32 =	vld.idx.msk [tilespmem:v60+s3+$0x0], $0xffff  }
0x94: {  	v34 =	vor.u32 v14, v23;
	[tilespmem:v62+s12+$0x0] =	vst.idx.msk $0xffff, v44;
	v61 =	vor.u32 v14, v20;
	v60 =	vld.idx.msk [tilespmem:v56+s3+$0x0], $0xffff  }
0x95: {  	[tilespmem:v58+s12+$0x0] =	vst.idx.msk $0xffff, v1;
	v1 =	vor.u32 v15, v30;
	v62 =	vor.u32 v10, v42;
	v43 =	vld.idx.msk [tilespmem:v57+s3+$0x0], $0xffff  }
0x96: {  	v33 =	vor.u32 v16, v35;
	[tilespmem:v7+s12+$0x0] =	vst.idx.msk $0xffff, v47;
	v45 =	vor.u32 v10, v37  }
0x97: {  	v31 =	vor.u32 v11, v41;
	[tilespmem:v59+s12+$0x0] =	vst.idx.msk $0xffff, v50;
	v50 =	vor.u32 v10, v40;
	v2 =	vld.idx.msk [tilespmem:v2+s3+$0x0], $0xffff  }
0x98: {  	v8 =	vor.u32 v8, v41;
	v46 =	vld.idx.msk [tilespmem:v46+s3+$0x0], $0xffff;
	[tilespmem:v49+s12+$0x0] =	vst.idx.msk $0xffff, v32;
	v57 =	vor.u32 v11, v36  }
0x99: {  	v7 =	vor.u32 v15, v26;
	[tilespmem:v61+s12+$0x0] =	vst.idx.msk $0xffff, v60;
	v60 =	vld.idx.msk [tilespmem:v34+s3+$0x0], $0xffff;
	v61 =	vor.u32 v14, v19  }
0x9a: {  	v1 =	vld.idx.msk [tilespmem:v1+s3+$0x0], $0xffff;
	[tilespmem:v62+s12+$0x0] =	vst.idx.msk $0xffff, v43;
	v43 =	vor.u32 v9, v39;
	v62 =	vor.u32 v15, v21  }
0x9b: {  	v44 =	vor.u32 v11, v38;
	v56 =	vor.u32 v15, v23;
	v58 =	vor.u32 v10, v35;
	v45 =	vld.idx.msk [tilespmem:v45+s3+$0x0], $0xffff  }
0x9c: {  	v59 =	vor.u32 v16, v40;
	[tilespmem:v50+s12+$0x0] =	vst.idx.msk $0xffff, v2;
	v2 =	vor.u32 v11, v37  }
0x9d: {  	v34 =	vor.u32 v17, v38;
	[tilespmem:v8+s12+$0x0] =	vst.idx.msk $0xffff, v46;
	v49 =	vld.idx.msk [tilespmem:v57+s3+$0x0], $0xffff;
	v57 =	vor.u32 v11, v42  }
0x9e: {  	v7 =	vld.idx.msk [tilespmem:v7+s3+$0x0], $0xffff;
	v8 =	vor.u32 v15, v0;
	[tilespmem:v61+s12+$0x0] =	vst.idx.msk $0xffff, v60;
	v60 =	vor.u32 v3, v30  }
0x9f: {  	v61 =	vor.u32 v3, v26;
	v43 =	vld.idx.msk [tilespmem:v43+s3+$0x0], $0xffff;
	[tilespmem:v62+s12+$0x0] =	vst.idx.msk $0xffff, v1;
	v1 =	vor.u32 v9, v41  }
0xa0: {  	[tilespmem:v58+s12+$0x0] =	vst.idx.msk $0xffff, v45;
	v58 =	vor.u32 v11, v40;
	v44 =	vld.idx.msk [tilespmem:v44+s3+$0x0], $0xffff;
	v62 =	vor.u32 v16, v36  }
0xa1: {  	v38 =	vor.u32 v16, v38;
	v40 =	vor.u32 v10, v41;
	v41 =	vor.u32 v11, v35;
	v2 =	vld.idx.msk [tilespmem:v2+s3+$0x0], $0xffff  }
0xa2: {  	v46 =	vor.u32 v10, v39;
	v45 =	vld.idx.msk [tilespmem:v56+s3+$0x0], $0xffff;
	[tilespmem:v57+s12+$0x0] =	vst.idx.msk $0xffff, v49;
	v49 =	vor.u32 v15, v19  }
0xa3: {  	[tilespmem:v8+s12+$0x0] =	vst.idx.msk $0xffff, v7;
	v7 =	vor.u32 v16, v37;
	v8 =	vor.u32 v3, v21;
	v50 =	vld.idx.msk [tilespmem:v60+s3+$0x0], $0xffff  }
0xa4: {  	v53 =	vld.idx.msk [tilespmem:v61+s3+$0x0], $0xffff;
	v9 =	vor.u32 v3, v23;
	[tilespmem:v1+s12+$0x0] =	vst.idx.msk $0xffff, v43;
	v1 =	vor.u32 v3, v0  }
0xa5: {  	v10 =	vor.u32 v4, v30;
	v42 =	vor.u32 v16, v42;
	[tilespmem:v58+s12+$0x0] =	vst.idx.msk $0xffff, v44;
	v56 =	vld.idx.msk [tilespmem:v62+s3+$0x0], $0xffff  }
0xa6: {  	v55 =	vor.u32 v4, v21;
	[tilespmem:v41+s12+$0x0] =	vst.idx.msk $0xffff, v2;
	v2 =	vor.u32 v4, v26;
	v62 =	vld.idx.msk [tilespmem:v38+s3+$0x0], $0xffff  }
0xa7: {  	v47 =	vor.u32 v6, v19;
	v60 =	vor.u32 v17, v36;
	v38 =	vld.idx.msk [tilespmem:v46+s3+$0x0], $0xffff;
	[tilespmem:v49+s12+$0x0] =	vst.idx.msk $0xffff, v45  }
0xa8: {  	v32 =	vor.u32 v17, v39;
	v37 =	vor.u32 v17, v37;
	v36 =	vld.idx.msk [tilespmem:v7+s3+$0x0], $0xffff;
	[tilespmem:v8+s12+$0x0] =	vst.idx.msk $0xffff, v50  }
0xa9: {  	v35 =	vor.u32 v16, v39;
	v44 =	vor.u32 v11, v39;
	v58 =	vld.idx.msk [tilespmem:v9+s3+$0x0], $0xffff;
	[tilespmem:v1+s12+$0x0] =	vst.idx.msk $0xffff, v53  }
0xaa: {  	v57 =	vor.u32 v4, v0;
	v46 =	vor.u32 v6, v21;
	v54 =	vld.idx.msk [tilespmem:v10+s3+$0x0], $0xffff;
	[tilespmem:v42+s12+$0x0] =	vst.idx.msk $0xffff, v56  }
0xab: {  	v50 =	vor.u32 v5, v0;
	v1 =	vor.u32 v3, v19;
	[tilespmem:v59+s12+$0x0] =	vst.idx.msk $0xffff, v62;
	v56 =	vld.idx.msk [tilespmem:v2+s3+$0x0], $0xffff  }
0xac: {  	s19 =	simm.s32 $0x8;
	v53 =	vor.u32 v5, v23;
	v59 =	vor.u32 v15, v25;
	v2 =	vor.u32 v4, v23;
	v43 =	vld.idx.msk [tilespmem:v60+s3+$0x0], $0xffff  }
.LBB2_2:
0xad: {  	v5 =	vld [tilespmem:$0x1FF70]  }
0xae: {  	v18 =	vld [tilespmem:$0x1FFF0]  }
0xaf: {  	v3 =	vld [tilespmem:$0x1FF50]  }
0xb0: {  	v7 =	vld [tilespmem:$0x1FF90]  }
0xb1: {  	v6 =	vld [tilespmem:$0x1FF80]  }
0xb2: {  	v4 =	vld [tilespmem:$0x1FF60]  }
0xb3: {  	v16 =	vld [tilespmem:$0x1FF10]  }
0xb4: {  	v49 =	vmov s19;
	v17 =	vld [tilespmem:$0x1FFE0];
	[tilespmem:v57+s12+$0x0] =	vst.idx.msk $0xffff, v56  }
0xb5: {  	s21 =	smov.u32 s19;
	v14 =	vld [tilespmem:$0x1FF20];
	[tilespmem:v40+s12+$0x0] =	vst.idx.msk $0xffff, v38  }
0xb6: {  	s20 =	sadd.s32 $0x1, s19;
	v42 =	vmov v20;
	v41 =	vmov v25;
	v15 =	vld [tilespmem:$0x1FF30];
	v20 =	vshll.u32 v49, $0x7;
	s31 =	sadd.s32 $0x3, s21;
	[tilespmem:v33+s12+$0x0] =	vst.idx.msk $0xffff, v36  }
0xb7: {  	v38 =	vmovc v23;
	v40 =	vshll.u32 v49, $0x8;
	v23 =	vmov s20;
	v36 =	vmovc v28;
	v28 =	vmov s31;
	[tilespmem:v55+s12+$0x0] =	vst.idx.msk $0xffff, v54;
	v25 =	vld.idx.msk [tilespmem:v44+s3+$0x0], $0xffff  }
0xb8: {  	v0 =	vmovc v19;
	s30 =	sadd.s32 $0x2, s21;
	v55 =	vand.u32 $0x200, v20;
	v60 =	vor.u32 v5, v26;
	v61 =	vor.u32 v5, v30;
	v54 =	vld.idx.msk [tilespmem:v59+s3+$0x0], $0xffff  }
0xb9: {  	v45 =	vmovc v21;
	v39 =	vmovc v26;
	v19 =	vshll.u32 v23, $0x8;
	v21 =	vshll.u32 v23, $0x7;
	v26 =	vmov s30;
	[tilespmem:v1+s12+$0x0] =	vst.idx.msk $0xffff, v58;
	v49 =	vld.idx.msk [tilespmem:v49+s10+$0x0], $0xffff  }
0xba: {  	v58 =	vshll.u32 v28, $0x8;
	v62 =	vor.u32 v5, v45;
	v10 =	vor.u32 v6, v39;
	v2 =	vld.idx.msk [tilespmem:v2+s3+$0x0], $0xffff  }
0xbb: {  	v44 =	vmovc v30;
	v1 =	vld.idx.msk [tilespmem:v37+s3+$0x0], $0xffff;
	v19 =	vand.u32 $0x7800, v19;
	v30 =	vshll.u32 v26, $0x8;
	v11 =	vshll.u32 v26, $0x7  }
0xbc: {  	v13 =	vmovc v27;
	[tilespmem:v12+s12+$0x0] =	vst.idx.msk $0xffff, v43;
	v21 =	vand.u32 $0x280, v21;
	v30 =	vand.u32 $0x7800, v30;
	v33 =	vand.u32 $0x300, v11;
	v23 =	vld.idx.msk [tilespmem:v23+s10+$0x0], $0xffff  }
0xbd: {  	v57 =	vor.u32 v4, v41;
	v19 =	vor.u32 v21, v19;
	v21 =	vor.u32 v33, v30;
	v30 =	vld.idx.msk [tilespmem:v60+s3+$0x0], $0xffff  }
0xbe: {  	v27 =	vshll.u32 v28, $0x7;
	v37 =	vand.u32 $0x7800, v58;
	v59 =	vor.u32 v6, v44;
	[tilespmem:v31+s12+$0x0] =	vst.idx.msk $0xffff, v25;
	v26 =	vld.idx.msk [tilespmem:v26+s10+$0x0], $0xffff  }
0xbf: {  	v20 =	vand.u32 $0x380, v27;
	v60 =	vand.u32 $0x7800, v40;
	v25 =	vld.idx.msk [tilespmem:v35+s3+$0x0], $0xffff;
	[tilespmem:v52+s12+$0x0] =	vst.idx.msk $0xffff, v2;
	v2 =	vor.u32 v3, v41  }
0xc0: {  	v31 =	vor.u32 v3, v42;
	v9 =	vshll.u32 v49, $0x8;
	v49 =	vshll.u32 v49, $0x7;
	v28 =	vld.idx.msk [tilespmem:v28+s10+$0x0], $0xffff  }
0xc1: {  	v43 =	vor.u32 v55, v60;
	v35 =	vor.u32 v5, v0;
	v33 =	vld.idx.msk [tilespmem:v53+s3+$0x0], $0xffff;
	[tilespmem:v29+s12+$0x0] =	vst.idx.msk $0xffff, v1  }
0xc2: {  	v11 =	vld.idx.msk [tilespmem:v61+s3+$0x0], $0xffff;
	v1 =	vand.u32 $0xFFFFF800, v9;
	v29 =	vand.u32 $0x380, v49;
	[tilespmem:v50+s12+$0x0] =	vst.idx.msk $0xffff, v30;
	v30 =	vor.u32 v6, v38  }
0xc3: {  	v34 =	vld.idx.msk [tilespmem:v34+s3+$0x0], $0xffff;
	[tilespmem:v51+s12+$0x0] =	vst.idx.msk $0xffff, v54;
	v58 =	vshll.u32 v23, $0x8;
	v23 =	vshll.u32 v23, $0x7;
	v50 =	vor.u32 v7, v39  }
0xc4: {  	v23 =	vand.u32 $0x380, v23;
	v2 =	vld.idx.msk [tilespmem:v2+s3+$0x0], $0xffff;
	[tilespmem:v24+s12+$0x0] =	vst.idx.msk $0xffff, v25;
	v24 =	vand.u32 $0xFFFFF800, v58;
	v25 =	vshll.u32 v26, $0x8  }
0xc5: {  	v60 =	vld.idx.msk [tilespmem:v10+s3+$0x0], $0xffff;
	v23 =	vor.u32 v23, v24;
	v24 =	vand.u32 $0xFFFFF800, v25;
	v25 =	vshll.u32 v26, $0x7  }
0xc6: {  	v32 =	vld.idx.msk [tilespmem:v32+s3+$0x0], $0xffff;
	[tilespmem:v35+s12+$0x0] =	vst.idx.msk $0xffff, v33;
	v61 =	vand.u32 $0x380, v25;
	v25 =	vshll.u32 v28, $0x8;
	v28 =	vshll.u32 v28, $0x7  }
0xc7: {  	[tilespmem:v62+s12+$0x0] =	vst.idx.msk $0xffff, v11;
	v26 =	vor.u32 v29, v1;
	v1 =	vand.u32 $0xFFFFF800, v25;
	v25 =	vand.u32 $0x380, v28;
	v35 =	vld.idx.msk [tilespmem:v30+s3+$0x0], $0xffff  }
0xc8: {  	v27 =	vor.u32 v18, v21;
	v9 =	vlaneseq.u32;
	v25 =	vor.u32 v25, v1;
	v1 =	vld.idx.msk [tilespmem:v59+s3+$0x0], $0xffff;
	[tilespmem:v63+s12+$0x0] =	vst.idx.msk $0xffff, v34  }
0xc9: {  	v8 =	vmov v27;
	v11 =	vld [tilespmem:$0x1FFD0];
	v29 =	vor.u32 v9, v26;
	[tilespmem:v31+s12+$0x0] =	vst.idx.msk $0xffff, v2  }
0xca: {  	v56 =	vor.u32 v6, v41;
	v20 =	vor.u32 v20, v37;
	v37 =	vor.u32 v7, v38;
	v2 =	vld [tilespmem:$0x1FF00];
	[tilespmem:$0x1FF00] =	vst v8  }
0xcb: {  	v51 =	vor.u32 v9, v43;
	v53 =	vor.u32 v9, v20;
	[tilespmem:v48+s12+$0x0] =	vst.idx.msk $0xffff, v60;
	v8 =	vld [tilespmem:$0x1FFA0]  }
0xcc: {  	v30 =	vor.u32 v61, v24;
	v62 =	vor.u32 v9, v25;
	[tilespmem:v22+s12+$0x0] =	vst.idx.msk $0xffff, v32;
	v49 =	vld.idx.msk [tilespmem:v50+s3+$0x0], $0xffff  }
0xcd: {  	v31 =	vor.u32 v4, v42;
	v33 =	vor.u32 v9, v30;
	v32 =	vld.idx.msk [tilespmem:v57+s3+$0x0], $0xffff;
	[tilespmem:v47+s12+$0x0] =	vst.idx.msk $0xffff, v35  }
0xce: {  	v50 =	vor.u32 v5, v41;
	v47 =	vor.u32 v7, v36;
	[tilespmem:v46+s12+$0x0] =	vst.idx.msk $0xffff, v1;
	v1 =	vld.idx.msk [tilespmem:v29+s3+$0x0], $0xffff  }
0xcf: {  	v63 =	vor.u32 v9, v23;
	v48 =	vor.u32 v9, v19;
	v35 =	vor.u32 v9, v21;
	v9 =	vld [tilespmem:$0x1FFB0]  }
0xd0: {  	v28 =	vor.u32 v55, v40;
	v12 =	vmov v2;
	v2 =	vor.u32 v7, v0;
	v37 =	vld.idx.msk [tilespmem:v37+s3+$0x0], $0xffff  }
0xd1: {  	v40 =	vor.u32 v16, v26;
	v27 =	vor.u32 v18, v28;
	v60 =	vor.u32 v7, v44;
	v34 =	vld.idx.msk [tilespmem:v62+s3+$0x0], $0xffff  }
0xd2: {  	v24 =	vor.u32 v17, v42;
	v46 =	vor.u32 v8, v38;
	v61 =	vld.idx.msk [tilespmem:v33+s3+$0x0], $0xffff;
	[tilespmem:v31+s12+$0x0] =	vst.idx.msk $0xffff, v32  }
0xd3: {  	v59 =	vor.u32 v16, v43;
	v22 =	vor.u32 v18, v42;
	[tilespmem:v47+s12+$0x0] =	vst.idx.msk $0xffff, v49;
	v47 =	vld.idx.msk [tilespmem:v50+s3+$0x0], $0xffff  }
0xd4: {  	v57 =	vor.u32 v7, v45;
	v29 =	vor.u32 v18, v0;
	v62 =	vor.u32 v16, v25;
	v50 =	vld.idx.msk [tilespmem:v63+s3+$0x0], $0xffff  }
0xd5: {  	v10 =	vld [tilespmem:$0x1FFC0];
	v63 =	vor.u32 v16, v30;
	[tilespmem:v2+s12+$0x0] =	vst.idx.msk $0xffff, v37;
	v2 =	vor.u32 v5, v42  }
0xd6: {  	v33 =	vor.u32 v17, v0;
	v54 =	vld.idx.msk [tilespmem:v60+s3+$0x0], $0xffff;
	v37 =	vor.u32 v8, v39;
	[tilespmem:v53+s12+$0x0] =	vst.idx.msk $0xffff, v34  }
0xd7: {  	v55 =	vor.u32 v8, v44;
	v53 =	vor.u32 v8, v0;
	[tilespmem:v51+s12+$0x0] =	vst.idx.msk $0xffff, v1;
	v46 =	vld.idx.msk [tilespmem:v46+s3+$0x0], $0xffff  }
0xd8: {  	v60 =	vor.u32 v14, v25;
	v31 =	vor.u32 v11, v42;
	[tilespmem:v35+s12+$0x0] =	vst.idx.msk $0xffff, v61;
	v58 =	vld.idx.msk [tilespmem:v40+s3+$0x0], $0xffff  }
0xd9: {  	v35 =	vor.u32 v9, v38;
	v51 =	vld.idx.msk [tilespmem:v62+s3+$0x0], $0xffff;
	v62 =	vor.u32 v16, v20;
	[tilespmem:v48+s12+$0x0] =	vst.idx.msk $0xffff, v50  }
0xda: {  	v1 =	vor.u32 v16, v23;
	v52 =	vld.idx.msk [tilespmem:v63+s3+$0x0], $0xffff;
	[tilespmem:v2+s12+$0x0] =	vst.idx.msk $0xffff, v47;
	v47 =	vor.u32 v16, v21  }
0xdb: {  	v32 =	vor.u32 v18, v41;
	[tilespmem:v57+s12+$0x0] =	vst.idx.msk $0xffff, v54;
	v2 =	vor.u32 v14, v26;
	v37 =	vld.idx.msk [tilespmem:v37+s3+$0x0], $0xffff  }
0xdc: {  	v61 =	vor.u32 v14, v30;
	v50 =	vor.u32 v8, v36;
	v54 =	vld.idx.msk [tilespmem:v56+s3+$0x0], $0xffff;
	[tilespmem:v53+s12+$0x0] =	vst.idx.msk $0xffff, v46  }
0xdd: {  	v56 =	vor.u32 v9, v39;
	v46 =	vld.idx.msk [tilespmem:v55+s3+$0x0], $0xffff;
	v53 =	vor.u32 v6, v42;
	[tilespmem:v59+s12+$0x0] =	vst.idx.msk $0xffff, v58  }
0xde: {  	v49 =	vor.u32 v17, v45;
	[tilespmem:v62+s12+$0x0] =	vst.idx.msk $0xffff, v51;
	v51 =	vor.u32 v9, v0;
	v55 =	vld.idx.msk [tilespmem:v35+s3+$0x0], $0xffff  }
0xdf: {  	v34 =	vor.u32 v18, v44;
	v1 =	vld.idx.msk [tilespmem:v1+s3+$0x0], $0xffff;
	[tilespmem:v47+s12+$0x0] =	vst.idx.msk $0xffff, v52;
	v47 =	vor.u32 v8, v45  }
0xe0: {  	v57 =	vor.u32 v14, v43;
	v63 =	vor.u32 v15, v30;
	v2 =	vld.idx.msk [tilespmem:v2+s3+$0x0], $0xffff;
	v52 =	vor.u32 v7, v41  }
0xe1: {  	[tilespmem:v50+s12+$0x0] =	vst.idx.msk $0xffff, v37;
	v50 =	vor.u32 v9, v44;
	v58 =	vld.idx.msk [tilespmem:v61+s3+$0x0], $0xffff;
	v61 =	vor.u32 v16, v19  }
0xe2: {  	v59 =	vor.u32 v15, v26;
	v56 =	vld.idx.msk [tilespmem:v56+s3+$0x0], $0xffff;
	[tilespmem:v53+s12+$0x0] =	vst.idx.msk $0xffff, v54;
	v54 =	vor.u32 v14, v21  }
0xe3: {  	v53 =	vor.u32 v14, v23;
	v16 =	vor.u32 v14, v20;
	v60 =	vld.idx.msk [tilespmem:v60+s3+$0x0], $0xffff;
	[tilespmem:v51+s12+$0x0] =	vst.idx.msk $0xffff, v55  }
0xe4: {  	v51 =	vor.u32 v7, v42;
	v7 =	vld [tilespmem:$0x1FF40];
	[tilespmem:v47+s12+$0x0] =	vst.idx.msk $0xffff, v46;
	v47 =	vor.u32 v9, v36  }
0xe5: {  	v40 =	vor.u32 v10, v42;
	v46 =	vld.idx.msk [tilespmem:v52+s3+$0x0], $0xffff;
	[tilespmem:v57+s12+$0x0] =	vst.idx.msk $0xffff, v2;
	v2 =	vor.u32 v15, v25  }
0xe6: {  	v62 =	vor.u32 v9, v45;
	v52 =	vor.u32 v10, v39;
	v50 =	vld.idx.msk [tilespmem:v50+s3+$0x0], $0xffff;
	[tilespmem:v61+s12+$0x0] =	vst.idx.msk $0xffff, v1  }
0xe7: {  	v57 =	vor.u32 v8, v41;
	v55 =	vld.idx.msk [tilespmem:v59+s3+$0x0], $0xffff;
	v59 =	vor.u32 v15, v43;
	[tilespmem:v54+s12+$0x0] =	vst.idx.msk $0xffff, v58  }
0xe8: {  	v1 =	vor.u32 v10, v44;
	v58 =	vor.u32 v14, v19;
	v53 =	vld.idx.msk [tilespmem:v53+s3+$0x0], $0xffff;
	[tilespmem:v16+s12+$0x0] =	vst.idx.msk $0xffff, v60  }
0xe9: {  	v48 =	vor.u32 v11, v0;
	v61 =	vld.idx.msk [tilespmem:v63+s3+$0x0], $0xffff;
	v16 =	vor.u32 v10, v38;
	[tilespmem:v47+s12+$0x0] =	vst.idx.msk $0xffff, v56  }
0xea: {  	v60 =	vor.u32 v15, v23;
	v63 =	vor.u32 v15, v21;
	v2 =	vld.idx.msk [tilespmem:v2+s3+$0x0], $0xffff;
	[tilespmem:v51+s12+$0x0] =	vst.idx.msk $0xffff, v46  }
0xeb: {  	v47 =	vor.u32 v7, v30;
	v56 =	vor.u32 v15, v20;
	v52 =	vld.idx.msk [tilespmem:v52+s3+$0x0], $0xffff;
	[tilespmem:v62+s12+$0x0] =	vst.idx.msk $0xffff, v50  }
0xec: {  	v50 =	vor.u32 v7, v26;
	v62 =	vor.u32 v10, v36;
	[tilespmem:v59+s12+$0x0] =	vst.idx.msk $0xffff, v55;
	v51 =	vld.idx.msk [tilespmem:v57+s3+$0x0], $0xffff  }
0xed: {  	v0 =	vor.u32 v10, v0;
	v55 =	vor.u32 v8, v42;
	v1 =	vld.idx.msk [tilespmem:v1+s3+$0x0], $0xffff;
	[tilespmem:v58+s12+$0x0] =	vst.idx.msk $0xffff, v53  }
0xee: {  	v35 =	vor.u32 v17, v41;
	v54 =	vor.u32 v10, v45;
	v46 =	vor.u32 v11, v39;
	v16 =	vld.idx.msk [tilespmem:v16+s3+$0x0], $0xffff  }
0xef: {  	v37 =	vor.u32 v18, v38;
	v53 =	vor.u32 v11, v44;
	[tilespmem:v63+s12+$0x0] =	vst.idx.msk $0xffff, v61;
	v58 =	vld.idx.msk [tilespmem:v60+s3+$0x0], $0xffff  }
0xf0: {  	v57 =	vor.u32 v9, v41;
	v59 =	vor.u32 v15, v19;
	v47 =	vld.idx.msk [tilespmem:v47+s3+$0x0], $0xffff;
	[tilespmem:v56+s12+$0x0] =	vst.idx.msk $0xffff, v2  }
0xf1: {  	v60 =	vor.u32 v7, v21;
	v2 =	vor.u32 v11, v38;
	v50 =	vld.idx.msk [tilespmem:v50+s3+$0x0], $0xffff;
	[tilespmem:v62+s12+$0x0] =	vst.idx.msk $0xffff, v52  }
0xf2: {  	v56 =	vor.u32 v7, v23;
	v52 =	vor.u32 v7, v43;
	[tilespmem:v55+s12+$0x0] =	vst.idx.msk $0xffff, v51  }
0xf3: {  	v62 =	vor.u32 v11, v36;
	v46 =	vld.idx.msk [tilespmem:v46+s3+$0x0], $0xffff;
	[tilespmem:v54+s12+$0x0] =	vst.idx.msk $0xffff, v1;
	v1 =	vor.u32 v3, v26  }
0xf4: {  	v45 =	vor.u32 v11, v45;
	v8 =	vor.u32 v3, v30;
	v53 =	vld.idx.msk [tilespmem:v53+s3+$0x0], $0xffff;
	[tilespmem:v0+s12+$0x0] =	vst.idx.msk $0xffff, v16  }
0xf5: {  	v51 =	vor.u32 v17, v39;
	v0 =	vld.idx.msk [tilespmem:v57+s3+$0x0], $0xffff;
	v16 =	vor.u32 v9, v42;
	[tilespmem:v59+s12+$0x0] =	vst.idx.msk $0xffff, v58  }
0xf6: {  	v55 =	vor.u32 v10, v41;
	v42 =	vor.u32 v17, v44;
	v2 =	vld.idx.msk [tilespmem:v2+s3+$0x0], $0xffff;
	[tilespmem:v60+s12+$0x0] =	vst.idx.msk $0xffff, v47  }
0xf7: {  	v44 =	vor.u32 v11, v41;
	v41 =	vor.u32 v7, v19;
	v56 =	vld.idx.msk [tilespmem:v56+s3+$0x0], $0xffff;
	[tilespmem:v52+s12+$0x0] =	vst.idx.msk $0xffff, v50  }
0xf8: {  	v63 =	vmov v12;
	v12 =	vmov v13;
	v50 =	vor.u32 v17, v38;
	v1 =	vld.idx.msk [tilespmem:v1+s3+$0x0], $0xffff;
	[tilespmem:v62+s12+$0x0] =	vst.idx.msk $0xffff, v46  }
0xf9: {  	v59 =	vor.u32 v3, v21;
	v57 =	vld.idx.msk [tilespmem:v8+s3+$0x0], $0xffff;
	v52 =	vor.u32 v3, v23;
	[tilespmem:v45+s12+$0x0] =	vst.idx.msk $0xffff, v53  }
0xfa: {  	v9 =	vor.u32 v4, v30;
	v8 =	vor.u32 v3, v43;
	v10 =	vld.idx.msk [tilespmem:v51+s3+$0x0], $0xffff;
	[tilespmem:v16+s12+$0x0] =	vst.idx.msk $0xffff, v0  }
0xfb: {  	v11 =	vor.u32 v4, v26;
	v62 =	vor.u32 v17, v36;
	v42 =	vld.idx.msk [tilespmem:v42+s3+$0x0], $0xffff;
	[tilespmem:v48+s12+$0x0] =	vst.idx.msk $0xffff, v2  }
0xfc: {  	p0 =	slt.u32 s19, $0x7C;
	v39 =	vor.u32 v18, v39;
	v47 =	vor.u32 v6, v19;
	v38 =	vld.idx.msk [tilespmem:v55+s3+$0x0], $0xffff;
	[tilespmem:v41+s12+$0x0] =	vst.idx.msk $0xffff, v56  }
.Ltmp0:
0xfd: {  	v46 =	vor.u32 v6, v21;
	v51 =	vor.u32 v7, v20;
	v53 =	vor.u32 v5, v23;
	v36 =	vld.idx.msk [tilespmem:v50+s3+$0x0], $0xffff;
	(pc) =	sbr.rel @p0 .LBB2_2-.Ltmp0, $4  }
0xfe: {  	v55 =	vor.u32 v4, v21;
	v48 =	vor.u32 v6, v28;
	[tilespmem:v59+s12+$0x0] =	vst.idx.msk $0xffff, v57;
	v58 =	vld.idx.msk [tilespmem:v52+s3+$0x0], $0xffff  }
0xff: {  	v2 =	vor.u32 v4, v23;
	v57 =	vor.u32 v4, v43;
	[tilespmem:v8+s12+$0x0] =	vst.idx.msk $0xffff, v1;
	v54 =	vld.idx.msk [tilespmem:v9+s3+$0x0], $0xffff  }
0x100: {  	v59 =	vor.u32 v7, v25;
	v50 =	vor.u32 v5, v43;
	v56 =	vld.idx.msk [tilespmem:v11+s3+$0x0], $0xffff;
	[tilespmem:v62+s12+$0x0] =	vst.idx.msk $0xffff, v10  }
0x101: {  	s19 =	sadd.s32 $0x4, s19;
	v52 =	vor.u32 v4, v19;
	v1 =	vor.u32 v3, v19;
	v43 =	vld.idx.msk [tilespmem:v39+s3+$0x0], $0xffff;
	[tilespmem:v49+s12+$0x0] =	vst.idx.msk $0xffff, v42  }
0x102: {  	_ =	sdelay $0x2  }
0x103: {  	v4 =	vld [tilespmem:$0x1FF50]  }
0x104: {  	v0 =	vld.idx.msk [tilespmem:v59+s3+$0x0], $0xffff;
	_ =	sdelay $0x3  }
0x105: {  	v16 =	vor.u32 v4, v25  }
0x106: {  	[tilespmem:v51+s12+$0x0] =	vst.idx.msk $0xffff, v0  }
0x107: {  	v5 =	vld [tilespmem:$0x1FF60];
	[tilespmem:v1+s12+$0x0] =	vst.idx.msk $0xffff, v58  }
0x108: {  	v6 =	vld [tilespmem:$0x1FF70]  }
0x109: {  	v2 =	vld.idx.msk [tilespmem:v2+s3+$0x0], $0xffff  }
0x10a: {  	v0 =	vor.u32 v4, v20;
	v16 =	vld.idx.msk [tilespmem:v16+s3+$0x0], $0xffff;
	_ =	sdelay $0x1  }
0x10b: {  	[tilespmem:v57+s12+$0x0] =	vst.idx.msk $0xffff, v56  }
0x10c: {  	[tilespmem:v55+s12+$0x0] =	vst.idx.msk $0xffff, v54;
	v39 =	vor.u32 v5, v25  }
0x10d: {  	v1 =	vor.u32 v6, v26;
	[tilespmem:v52+s12+$0x0] =	vst.idx.msk $0xffff, v2  }
0x10e: {  	[tilespmem:v0+s12+$0x0] =	vst.idx.msk $0xffff, v16  }
0x10f: {  	v8 =	vld [tilespmem:$0x1FF80]  }
0x110: {  	v42 =	vor.u32 v6, v19;
	v2 =	vld.idx.msk [tilespmem:v53+s3+$0x0], $0xffff;
	v0 =	vor.u32 v6, v30  }
0x111: {  	v16 =	vor.u32 v5, v20;
	v39 =	vld.idx.msk [tilespmem:v39+s3+$0x0], $0xffff  }
0x112: {  	v41 =	vor.u32 v6, v25;
	v1 =	vld.idx.msk [tilespmem:v1+s3+$0x0], $0xffff;
	_ =	sdelay $0x1  }
0x113: {  	v45 =	vor.u32 v8, v26  }
0x114: {  	v49 =	vor.u32 v6, v21;
	[tilespmem:v42+s12+$0x0] =	vst.idx.msk $0xffff, v2;
	v0 =	vld.idx.msk [tilespmem:v0+s3+$0x0], $0xffff;
	v60 =	vor.u32 v8, v23  }
0x115: {  	[tilespmem:v16+s12+$0x0] =	vst.idx.msk $0xffff, v39;
	v16 =	vor.u32 v8, v30  }
0x116: {  	v39 =	vld.idx.msk [tilespmem:v41+s3+$0x0], $0xffff;
	[tilespmem:v50+s12+$0x0] =	vst.idx.msk $0xffff, v1  }
0x117: {  	v61 =	vor.u32 v6, v20;
	v9 =	vld [tilespmem:$0x1FF90]  }
0x118: {  	v1 =	vld.idx.msk [tilespmem:v45+s3+$0x0], $0xffff  }
0x119: {  	[tilespmem:v49+s12+$0x0] =	vst.idx.msk $0xffff, v0;
	v42 =	vld.idx.msk [tilespmem:v60+s3+$0x0], $0xffff  }
0x11a: {  	v62 =	vor.u32 v8, v25;
	v16 =	vld.idx.msk [tilespmem:v16+s3+$0x0], $0xffff;
	_ =	sdelay $0x1  }
0x11b: {  	[tilespmem:v61+s12+$0x0] =	vst.idx.msk $0xffff, v39;
	v2 =	vor.u32 v9, v26  }
0x11c: {  	v0 =	vor.u32 v9, v23;
	[tilespmem:v48+s12+$0x0] =	vst.idx.msk $0xffff, v1  }
0x11d: {  	v7 =	vor.u32 v9, v30;
	[tilespmem:v47+s12+$0x0] =	vst.idx.msk $0xffff, v42  }
0x11e: {  	v41 =	vld.idx.msk [tilespmem:v62+s3+$0x0], $0xffff;
	[tilespmem:v46+s12+$0x0] =	vst.idx.msk $0xffff, v16  }
0x11f: {  	v13 =	vor.u32 v8, v20;
	v10 =	vld [tilespmem:$0x1FFA0]  }
0x120: {  	v1 =	vld.idx.msk [tilespmem:v2+s3+$0x0], $0xffff;
	v2 =	vor.u32 v9, v28  }
0x121: {  	v52 =	vor.u32 v9, v19;
	v0 =	vld.idx.msk [tilespmem:v0+s3+$0x0], $0xffff  }
0x122: {  	v54 =	vor.u32 v9, v21;
	v39 =	vld.idx.msk [tilespmem:v7+s3+$0x0], $0xffff;
	_ =	sdelay $0x1  }
0x123: {  	[tilespmem:v13+s12+$0x0] =	vst.idx.msk $0xffff, v41  }
0x124: {  	[tilespmem:v2+s12+$0x0] =	vst.idx.msk $0xffff, v1  }
0x125: {  	v14 =	vor.u32 v9, v25;
	[tilespmem:v52+s12+$0x0] =	vst.idx.msk $0xffff, v0  }
0x126: {  	v16 =	vor.u32 v10, v26;
	[tilespmem:v54+s12+$0x0] =	vst.idx.msk $0xffff, v39  }
0x127: {  	v53 =	vor.u32 v10, v23;
	v11 =	vld [tilespmem:$0x1FFB0]  }
0x128: {  	v55 =	vor.u32 v10, v30;
	_ =	sdelay $0x1  }
0x129: {  	v56 =	vor.u32 v9, v20;
	v45 =	vld.idx.msk [tilespmem:v14+s3+$0x0], $0xffff  }
0x12a: {  	v57 =	vor.u32 v10, v25;
	v1 =	vor.u32 v10, v28;
	v0 =	vld.idx.msk [tilespmem:v16+s3+$0x0], $0xffff  }
0x12b: {  	v2 =	vld.idx.msk [tilespmem:v53+s3+$0x0], $0xffff;
	v16 =	vor.u32 v10, v19;
	v58 =	vor.u32 v11, v26  }
0x12c: {  	v60 =	vor.u32 v10, v21;
	v41 =	vld.idx.msk [tilespmem:v55+s3+$0x0], $0xffff;
	v59 =	vor.u32 v11, v23;
	_ =	sdelay $0x1  }
0x12d: {  	[tilespmem:v56+s12+$0x0] =	vst.idx.msk $0xffff, v45;
	v61 =	vor.u32 v11, v30  }
0x12e: {  	v62 =	vld.idx.msk [tilespmem:v57+s3+$0x0], $0xffff;
	[tilespmem:v1+s12+$0x0] =	vst.idx.msk $0xffff, v0  }
0x12f: {  	v7 =	vor.u32 v10, v20;
	[tilespmem:v16+s12+$0x0] =	vst.idx.msk $0xffff, v2;
	v0 =	vld.idx.msk [tilespmem:v58+s3+$0x0], $0xffff  }
0x130: {  	v1 =	vor.u32 v11, v28;
	[tilespmem:v60+s12+$0x0] =	vst.idx.msk $0xffff, v41;
	v2 =	vld.idx.msk [tilespmem:v59+s3+$0x0], $0xffff  }
0x131: {  	v16 =	vor.u32 v11, v19;
	v58 =	vld [tilespmem:$0x1FFC0]  }
0x132: {  	v13 =	vor.u32 v11, v25;
	v52 =	vor.u32 v11, v21;
	v53 =	vld.idx.msk [tilespmem:v61+s3+$0x0], $0xffff;
	_ =	sdelay $0x1  }
0x133: {  	[tilespmem:v7+s12+$0x0] =	vst.idx.msk $0xffff, v62  }
0x134: {  	[tilespmem:v1+s12+$0x0] =	vst.idx.msk $0xffff, v0  }
0x135: {  	v14 =	vor.u32 v58, v26;
	[tilespmem:v16+s12+$0x0] =	vst.idx.msk $0xffff, v2  }
0x136: {  	v47 =	vld.idx.msk [tilespmem:v13+s3+$0x0], $0xffff;
	v54 =	vor.u32 v58, v23;
	[tilespmem:v52+s12+$0x0] =	vst.idx.msk $0xffff, v53  }
0x137: {  	v56 =	vor.u32 v11, v20;
	v55 =	vor.u32 v58, v30;
	v60 =	vld [tilespmem:$0x1FFD0];
	_ =	sdelay $0x2  }
0x138: {  	v57 =	vor.u32 v58, v25;
	v1 =	vor.u32 v58, v28;
	v0 =	vld.idx.msk [tilespmem:v14+s3+$0x0], $0xffff  }
0x139: {  	v59 =	vor.u32 v58, v19;
	v16 =	vld.idx.msk [tilespmem:v54+s3+$0x0], $0xffff  }
0x13a: {  	v61 =	vor.u32 v58, v21;
	[tilespmem:v56+s12+$0x0] =	vst.idx.msk $0xffff, v47;
	v42 =	vld.idx.msk [tilespmem:v55+s3+$0x0], $0xffff;
	v2 =	vor.u32 v60, v26  }
0x13b: {  	[tilespmem:v40+s12+$0x0] =	vst.idx.msk $0xffff, v38  }
0x13c: {  	[tilespmem:v33+s12+$0x0] =	vst.idx.msk $0xffff, v36;
	v62 =	vor.u32 v60, v23  }
0x13d: {  	v7 =	vor.u32 v58, v20;
	v14 =	vld.idx.msk [tilespmem:v57+s3+$0x0], $0xffff;
	[tilespmem:v1+s12+$0x0] =	vst.idx.msk $0xffff, v0  }
0x13e: {  	v48 =	vld.idx.msk [tilespmem:v44+s3+$0x0], $0xffff;
	[tilespmem:v59+s12+$0x0] =	vst.idx.msk $0xffff, v16  }
0x13f: {  	[tilespmem:v61+s12+$0x0] =	vst.idx.msk $0xffff, v42;
	v0 =	vld.idx.msk [tilespmem:v2+s3+$0x0], $0xffff  }
0x140: {  	v1 =	vor.u32 v60, v28;
	v3 =	vld [tilespmem:$0x1FFE0]  }
0x141: {  	v13 =	vor.u32 v60, v30;
	v2 =	vor.u32 v60, v19;
	v39 =	vld.idx.msk [tilespmem:v62+s3+$0x0], $0xffff  }
0x142: {  	[tilespmem:v7+s12+$0x0] =	vst.idx.msk $0xffff, v14  }
0x143: {  	v47 =	vor.u32 v60, v25;
	[tilespmem:v12+s12+$0x0] =	vst.idx.msk $0xffff, v43  }
0x144: {  	[tilespmem:v31+s12+$0x0] =	vst.idx.msk $0xffff, v48  }
0x145: {  	[tilespmem:v1+s12+$0x0] =	vst.idx.msk $0xffff, v0  }
0x146: {  	v40 =	vld.idx.msk [tilespmem:v13+s3+$0x0], $0xffff;
	v16 =	vor.u32 v3, v26;
	[tilespmem:v2+s12+$0x0] =	vst.idx.msk $0xffff, v39  }
0x147: {  	v49 =	vor.u32 v60, v21;
	v50 =	vor.u32 v3, v23;
	v62 =	vld [tilespmem:$0x1FFF0]  }
0x148: {  	v17 =	vor.u32 v60, v20;
	v33 =	vld.idx.msk [tilespmem:v47+s3+$0x0], $0xffff;
	v51 =	vor.u32 v3, v30  }
0x149: {  	v37 =	vld.idx.msk [tilespmem:v37+s3+$0x0], $0xffff;
	v31 =	vor.u32 v3, v25  }
0x14a: {  	v35 =	vld.idx.msk [tilespmem:v35+s3+$0x0], $0xffff  }
0x14b: {  	v1 =	vor.u32 v3, v28;
	v0 =	vld.idx.msk [tilespmem:v16+s3+$0x0], $0xffff  }
0x14c: {  	v2 =	vor.u32 v3, v19;
	[tilespmem:v49+s12+$0x0] =	vst.idx.msk $0xffff, v40;
	v16 =	vor.u32 v62, v26;
	v26 =	vld.idx.msk [tilespmem:v50+s3+$0x0], $0xffff  }
0x14d: {  	v21 =	vor.u32 v3, v21;
	[tilespmem:v17+s12+$0x0] =	vst.idx.msk $0xffff, v33;
	v28 =	vld.idx.msk [tilespmem:v51+s3+$0x0], $0xffff;
	v23 =	vor.u32 v62, v23  }
0x14e: {  	[tilespmem:v29+s12+$0x0] =	vst.idx.msk $0xffff, v37;
	v17 =	vor.u32 v3, v20;
	v29 =	vor.u32 v62, v30;
	v30 =	vld.idx.msk [tilespmem:v31+s3+$0x0], $0xffff  }
0x14f: {  	[tilespmem:v24+s12+$0x0] =	vst.idx.msk $0xffff, v35;
	v31 =	vld.idx.msk [tilespmem:v34+s3+$0x0], $0xffff  }
0x150: {  	v24 =	vor.u32 v62, v25;
	v25 =	vld.idx.msk [tilespmem:v32+s3+$0x0], $0xffff;
	[tilespmem:v1+s12+$0x0] =	vst.idx.msk $0xffff, v0  }
0x151: {  	v0 =	vld.idx.msk [tilespmem:v16+s3+$0x0], $0xffff;
	[tilespmem:v2+s12+$0x0] =	vst.idx.msk $0xffff, v26  }
0x152: {  	v1 =	vor.u32 v62, v19;
	[tilespmem:v21+s12+$0x0] =	vst.idx.msk $0xffff, v28;
	v2 =	vld.idx.msk [tilespmem:v23+s3+$0x0], $0xffff  }
0x153: {  	[tilespmem:v17+s12+$0x0] =	vst.idx.msk $0xffff, v30  }
0x154: {  	[tilespmem:v63+s12+$0x0] =	vst.idx.msk $0xffff, v31  }
0x155: {  	[tilespmem:v22+s12+$0x0] =	vst.idx.msk $0xffff, v25  }
0x156: {  	[tilespmem:v27+s12+$0x0] =	vst.idx.msk $0xffff, v0  }
0x157: {  	[tilespmem:v1+s12+$0x0] =	vst.idx.msk $0xffff, v2  }
0x158: {  	v2 =	vld [tilespmem:$0x1FF00];
	_ =	sdelay $0x2  }
0x159: {  	v16 =	vld.idx.msk [tilespmem:v29+s3+$0x0], $0xffff  }
0x15a: {  	s19 =	simm.s32 $0x3;
	v17 =	vor.u32 v62, v20;
	v19 =	vld.idx.msk [tilespmem:v24+s3+$0x0], $0xffff  }
0x15b: {  	v20 =	vmov s19  }
0x15c: {  	s24 =	simm.s32 $0x0;
	v0 =	vor.u32 $0x80, v20  }
0x15d: {  	v1 =	vmov s24  }
0x15e: {  	[tilespmem:v2+s12+$0x0] =	vst.idx.msk $0xffff, v16;
	v2 =	vor.u32 $0x80, v1  }
0x15f: {  	[tilespmem:v17+s12+$0x0] =	vst.idx.msk $0xffff, v19  }
0x160: {  	[hbm4b:s4+s24] =	stream.linear.scatter [tilespmem:s12], [sflag:$0x1], $0x8000, $0x38;
	[tilespmem:$0x18A00] =	vst v63  }
0x161: {  	v0 =	vld.idx.msk [tilespmem:v0+s10+$0x0], $0xffff;
	_ =	sdelay $0x1  }
0x162: {  	v2 =	vld.idx.msk [tilespmem:v2+s10+$0x0], $0xffff;
	_ =	sdelay $0x1  }
0x163: {  	s25 =	simm.s32 $0x2  }
0x164: {  	v46 =	vlaneseq.u32;
	v16 =	vmov s25;
	v18 =	vshll.u32 v0, $0x8  }
0x165: {  	v17 =	vor.u32 $0x80, v16;
	v0 =	vshll.u32 v0, $0x7;
	v18 =	vand.u32 $0xFFFFF800, v18  }
0x166: {  	v0 =	vand.u32 $0x380, v0;
	v19 =	vshll.u32 v2, $0x8;
	v2 =	vshll.u32 v2, $0x7  }
0x167: {  	v7 =	vor.u32 v0, v18;
	v0 =	vand.u32 $0xFFFFF800, v19;
	v2 =	vand.u32 $0x380, v2  }
0x168: {  	v18 =	vor.u32 v46, v7;
	v54 =	vor.u32 v2, v0  }
0x169: {  	v19 =	vor.u32 v46, v54  }
0x16a: {  	v21 =	vshll.u32 v1, $0x8;
	v0 =	vshll.u32 v20, $0x7;
	v2 =	vshll.u32 v20, $0x8  }
0x16b: {  	v1 =	vshll.u32 v1, $0x7;
	v12 =	vld [tilespmem:$0x1FF10];
	v2 =	vand.u32 $0x7800, v2;
	v0 =	vand.u32 $0x380, v0  }
0x16c: {  	s26 =	simm.s32 $0x1;
	v22 =	vand.u32 $0x7800, v21;
	v1 =	vand.u32 $0x200, v1;
	v17 =	vld.idx.msk [tilespmem:v17+s10+$0x0], $0xffff;
	v49 =	vor.u32 v0, v2  }
0x16d: {  	v25 =	vor.u32 v1, v22;
	v20 =	vmov s26;
	v2 =	vld.idx.msk [tilespmem:v18+s3+$0x0], $0xffff;
	v18 =	vor.u32 v46, v49  }
0x16e: {  	v23 =	vor.u32 v46, v25;
	v0 =	vor.u32 $0x80, v20;
	v19 =	vld.idx.msk [tilespmem:v19+s3+$0x0], $0xffff;
	_ =	sdelay $0x2  }
0x16f: {  	v24 =	vshll.u32 v17, $0x8;
	v17 =	vshll.u32 v17, $0x7  }
0x170: {  	v22 =	vor.u32 v12, v7;
	v24 =	vand.u32 $0xFFFFF800, v24;
	v17 =	vand.u32 $0x380, v17;
	[tilespmem:v18+s13+$0x0] =	vst.idx.msk $0xffff, v2  }
0x171: {  	v26 =	vor.u32 v12, v54;
	v48 =	vor.u32 v17, v24;
	v24 =	vld.idx.msk [tilespmem:v0+s10+$0x0], $0xffff;
	[tilespmem:v23+s13+$0x0] =	vst.idx.msk $0xffff, v19  }
0x172: {  	v0 =	vshll.u32 v16, $0x7;
	v16 =	vshll.u32 v16, $0x8;
	v13 =	vld [tilespmem:$0x1FF20]  }
0x173: {  	v2 =	vor.u32 v46, v48;
	v16 =	vand.u32 $0x7800, v16;
	v0 =	vand.u32 $0x300, v0  }
0x174: {  	v53 =	vor.u32 v0, v16  }
0x175: {  	v18 =	vor.u32 v12, v49;
	v22 =	vld.idx.msk [tilespmem:v22+s3+$0x0], $0xffff;
	v0 =	vor.u32 v62, v53  }
0x176: {  	v16 =	vor.u32 v12, v25;
	v26 =	vld.idx.msk [tilespmem:v26+s3+$0x0], $0xffff;
	[tilespmem:$0x1FD30] =	vst v0;
	v0 =	vor.u32 v11, v49  }
0x177: {  	[tilespmem:$0x1FEA0] =	vst v0;
	v23 =	vor.u32 v13, v7  }
0x178: {  	v56 =	vor.u32 v1, v21;
	v27 =	vshll.u32 v20, $0x8;
	v1 =	vor.u32 v46, v53;
	v2 =	vld.idx.msk [tilespmem:v2+s3+$0x0], $0xffff  }
0x179: {  	v17 =	vand.u32 $0x7800, v27;
	v27 =	vor.u32 v13, v54  }
0x17a: {  	v20 =	vshll.u32 v20, $0x7;
	v21 =	vor.u32 v12, v48;
	[tilespmem:v18+s13+$0x0] =	vst.idx.msk $0xffff, v22  }
0x17b: {  	v28 =	vshll.u32 v24, $0x8;
	v24 =	vshll.u32 v24, $0x7;
	v0 =	vor.u32 v58, v49;
	[tilespmem:v16+s13+$0x0] =	vst.idx.msk $0xffff, v26  }
0x17c: {  	v20 =	vand.u32 $0x280, v20;
	v22 =	vand.u32 $0x380, v24;
	v24 =	vor.u32 v13, v49;
	v23 =	vld.idx.msk [tilespmem:v23+s3+$0x0], $0xffff;
	[tilespmem:$0x1FED0] =	vst v0  }
0x17d: {  	v16 =	vor.u32 v20, v17;
	v14 =	vld [tilespmem:$0x1FF30];
	v0 =	vor.u32 v62, v54;
	[tilespmem:v1+s13+$0x0] =	vst.idx.msk $0xffff, v2  }
0x17e: {  	v18 =	vand.u32 $0xFFFFF800, v28;
	v26 =	vld.idx.msk [tilespmem:v27+s3+$0x0], $0xffff;
	[tilespmem:$0x1FD40] =	vst v0;
	v0 =	vor.u32 v60, v16  }
0x17f: {  	v55 =	vor.u32 v22, v18;
	v22 =	vor.u32 v13, v25;
	[tilespmem:$0x1FD50] =	vst v0;
	v0 =	vor.u32 v62, v16  }
0x180: {  	v2 =	vld.idx.msk [tilespmem:v21+s3+$0x0], $0xffff;
	[tilespmem:$0x1FD60] =	vst v0  }
0x181: {  	v0 =	vor.u32 v58, v16;
	[tilespmem:v24+s13+$0x0] =	vst.idx.msk $0xffff, v23  }
0x182: {  	[tilespmem:$0x1FD70] =	vst v0;
	v0 =	vor.u32 v11, v16  }
0x183: {  	[tilespmem:$0x1FEF0] =	vst v0  }
0x184: {  	v18 =	vor.u32 v14, v7;
	[tilespmem:v22+s13+$0x0] =	vst.idx.msk $0xffff, v26  }
0x185: {  	v27 =	vor.u32 v46, v55;
	v15 =	vld [tilespmem:$0x1FF40]  }
0x186: {  	v17 =	vor.u32 v14, v54  }
0x187: {  	v1 =	vor.u32 v12, v53  }
0x188: {  	v21 =	vor.u32 v13, v48  }
0x189: {  	v23 =	vor.u32 v14, v49;
	v0 =	vor.u32 v3, v16;
	v18 =	vld.idx.msk [tilespmem:v18+s3+$0x0], $0xffff  }
0x18a: {  	v24 =	vor.u32 v46, v16;
	v22 =	vld.idx.msk [tilespmem:v27+s3+$0x0], $0xffff;
	[tilespmem:$0x1FD80] =	vst v0;
	v26 =	vor.u32 v15, v7  }
0x18b: {  	v29 =	vor.u32 v12, v55;
	v27 =	vor.u32 v14, v25;
	v28 =	vld.idx.msk [tilespmem:v17+s3+$0x0], $0xffff  }
0x18c: {  	[tilespmem:v1+s13+$0x0] =	vst.idx.msk $0xffff, v2  }
0x18d: {  	v1 =	vor.u32 v13, v53;
	v21 =	vld.idx.msk [tilespmem:v21+s3+$0x0], $0xffff;
	v30 =	vor.u32 v15, v54  }
0x18e: {  	v52 =	vor.u32 v14, v48;
	[tilespmem:v23+s13+$0x0] =	vst.idx.msk $0xffff, v18  }
0x18f: {  	v0 =	vor.u32 v11, v54;
	[tilespmem:v24+s13+$0x0] =	vst.idx.msk $0xffff, v22;
	v24 =	vor.u32 v15, v49;
	v26 =	vld.idx.msk [tilespmem:v26+s3+$0x0], $0xffff  }
0x190: {  	[tilespmem:v27+s13+$0x0] =	vst.idx.msk $0xffff, v28;
	v27 =	vor.u32 v12, v16;
	v28 =	vld.idx.msk [tilespmem:v29+s3+$0x0], $0xffff;
	v29 =	vor.u32 v4, v7  }
0x191: {  	[tilespmem:$0x1FE70] =	vst v0  }
0x192: {  	v23 =	vor.u32 v15, v25;
	v30 =	vld.idx.msk [tilespmem:v30+s3+$0x0], $0xffff;
	[tilespmem:v1+s13+$0x0] =	vst.idx.msk $0xffff, v21;
	v1 =	vor.u32 v13, v55  }
0x193: {  	v34 =	vor.u32 v4, v25;
	v57 =	vor.u32 v4, v54;
	v31 =	vor.u32 v14, v53;
	v32 =	vld.idx.msk [tilespmem:v52+s3+$0x0], $0xffff  }
0x194: {  	v45 =	vor.u32 v6, v25;
	v44 =	vor.u32 v8, v7;
	[tilespmem:v24+s13+$0x0] =	vst.idx.msk $0xffff, v26  }
0x195: {  	v59 =	vor.u32 v15, v48;
	[tilespmem:v27+s13+$0x0] =	vst.idx.msk $0xffff, v28;
	v27 =	vor.u32 v4, v49;
	v26 =	vld.idx.msk [tilespmem:v29+s3+$0x0], $0xffff  }
0x196: {  	v50 =	vor.u32 v6, v7;
	v61 =	vor.u32 v5, v54;
	v28 =	vor.u32 v5, v7  }
0x197: {  	v47 =	vor.u32 v8, v54;
	v63 =	vor.u32 v13, v16;
	[tilespmem:v23+s13+$0x0] =	vst.idx.msk $0xffff, v30;
	v1 =	vld.idx.msk [tilespmem:v1+s3+$0x0], $0xffff  }
0x198: {  	v51 =	vor.u32 v5, v48;
	v30 =	vor.u32 v14, v55;
	[tilespmem:v31+s13+$0x0] =	vst.idx.msk $0xffff, v32;
	v31 =	vld.idx.msk [tilespmem:v57+s3+$0x0], $0xffff  }
0x199: {  	v38 =	vor.u32 v8, v49;
	v37 =	vor.u32 v5, v49;
	v35 =	vor.u32 v4, v53  }
0x19a: {  	s29 =	simm.s32 $0x5;
	v43 =	vor.u32 v14, v16;
	v33 =	vor.u32 v15, v53;
	[tilespmem:v27+s13+$0x0] =	vst.idx.msk $0xffff, v26;
	v26 =	vld.idx.msk [tilespmem:v59+s3+$0x0], $0xffff  }
0x19b: {  	v52 =	vmov s29;
	v29 =	vor.u32 v5, v25;
	v32 =	vor.u32 v4, v48;
	v25 =	vld.idx.msk [tilespmem:v28+s3+$0x0], $0xffff  }
0x19c: {  	s28 =	simm.s32 $0x4;
	s31 =	simm.s32 $0x7;
	v2 =	vor.u32 v15, v55;
	v36 =	vor.u32 v15, v16;
	v18 =	vor.u32 $0x80, v52;
	[tilespmem:v63+s13+$0x0] =	vst.idx.msk $0xffff, v1  }
0x19d: {  	v27 =	vor.u32 v6, v49;
	v1 =	vmov s28;
	v63 =	vmov s31;
	[tilespmem:v34+s13+$0x0] =	vst.idx.msk $0xffff, v31;
	v30 =	vld.idx.msk [tilespmem:v30+s3+$0x0], $0xffff  }
0x19e: {  	s30 =	simm.s32 $0x6;
	v28 =	vor.u32 v6, v54;
	v31 =	vor.u32 $0x80, v1;
	v34 =	vshll.u32 v1, $0x8;
	v39 =	vld.idx.msk [tilespmem:v61+s3+$0x0], $0xffff  }
0x19f: {  	v0 =	vor.u32 $0x80, v63;
	v1 =	vshll.u32 v1, $0x7;
	v61 =	vmov s30;
	[tilespmem:v33+s13+$0x0] =	vst.idx.msk $0xffff, v26  }
0x1a0: {  	v33 =	vor.u32 $0x80, v61;
	v32 =	vld.idx.msk [tilespmem:v32+s3+$0x0], $0xffff;
	[tilespmem:v37+s13+$0x0] =	vst.idx.msk $0xffff, v25;
	v25 =	vshll.u32 v61, $0x7;
	v61 =	vshll.u32 v61, $0x8  }
0x1a1: {  	v59 =	vand.u32 $0x7800, v34;
	v57 =	vand.u32 $0x7800, v61;
	v25 =	vand.u32 $0x300, v25  }
0x1a2: {  	v26 =	vshll.u32 v52, $0x8;
	[tilespmem:v43+s13+$0x0] =	vst.idx.msk $0xffff, v30;
	v30 =	vshll.u32 v52, $0x7;
	v50 =	vld.idx.msk [tilespmem:v50+s3+$0x0], $0xffff;
	v52 =	vor.u32 v25, v57  }
0x1a3: {  	v1 =	vand.u32 $0x200, v1;
	v37 =	vand.u32 $0x7800, v26;
	[tilespmem:v29+s13+$0x0] =	vst.idx.msk $0xffff, v39;
	v25 =	vor.u32 v62, v52  }
0x1a4: {  	v26 =	vshll.u32 v63, $0x7;
	v29 =	vand.u32 $0x280, v30;
	v30 =	vld.idx.msk [tilespmem:v31+s10+$0x0], $0xffff;
	v31 =	vshll.u32 v63, $0x8;
	[tilespmem:$0x1FD90] =	vst v25  }
0x1a5: {  	v26 =	vand.u32 $0x380, v26;
	v31 =	vand.u32 $0x7800, v31;
	v25 =	vor.u32 v6, v52;
	[tilespmem:v35+s13+$0x0] =	vst.idx.msk $0xffff, v32  }
0x1a6: {  	v57 =	vor.u32 v1, v59;
	v26 =	vor.u32 v26, v31;
	v2 =	vld.idx.msk [tilespmem:v2+s3+$0x0], $0xffff;
	[tilespmem:$0x1FDA0] =	vst v25  }
0x1a7: {  	v32 =	vld.idx.msk [tilespmem:v28+s3+$0x0], $0xffff;
	[tilespmem:v27+s13+$0x0] =	vst.idx.msk $0xffff, v50;
	v27 =	vor.u32 v1, v34;
	v1 =	vor.u32 v11, v26  }
0x1a8: {  	v40 =	vor.u32 v4, v55;
	v0 =	vld.idx.msk [tilespmem:v0+s10+$0x0], $0xffff;
	[tilespmem:$0x1FDB0] =	vst v1;
	v1 =	vor.u32 v58, v26  }
0x1a9: {  	v41 =	vor.u32 v5, v53;
	v17 =	vor.u32 v5, v16;
	v25 =	vor.u32 v3, v53;
	[tilespmem:$0x1FDC0] =	vst v1  }
0x1aa: {  	v28 =	vshll.u32 v30, $0x8;
	v30 =	vshll.u32 v30, $0x7;
	v31 =	vld.idx.msk [tilespmem:v51+s3+$0x0], $0xffff;
	[tilespmem:$0x1FDD0] =	vst v25;
	v25 =	vor.u32 v62, v49  }
0x1ab: {  	v22 =	vor.u32 v4, v16;
	v59 =	vand.u32 $0xFFFFF800, v28;
	v30 =	vand.u32 $0x380, v30;
	[tilespmem:$0x1FDE0] =	vst v25  }
0x1ac: {  	v1 =	vor.u32 v6, v48;
	v34 =	vor.u32 v30, v59;
	v35 =	vld.idx.msk [tilespmem:v44+s3+$0x0], $0xffff;
	[tilespmem:v36+s13+$0x0] =	vst.idx.msk $0xffff, v2  }
0x1ad: {  	v61 =	vmov v5;
	v2 =	vor.u32 v5, v55;
	v5 =	vor.u32 v46, v34;
	v40 =	vld.idx.msk [tilespmem:v40+s3+$0x0], $0xffff  }
0x1ae: {  	v25 =	vor.u32 v62, v34;
	v44 =	vor.u32 v9, v7;
	[tilespmem:v45+s13+$0x0] =	vst.idx.msk $0xffff, v32  }
0x1af: {  	[tilespmem:$0x1FDF0] =	vst v25  }
0x1b0: {  	v19 =	vor.u32 v6, v53;
	v51 =	vld.idx.msk [tilespmem:v47+s3+$0x0], $0xffff;
	[tilespmem:v41+s13+$0x0] =	vst.idx.msk $0xffff, v31  }
0x1b1: {  	v63 =	vshll.u32 v0, $0x8;
	v0 =	vshll.u32 v0, $0x7;
	v1 =	vld.idx.msk [tilespmem:v1+s3+$0x0], $0xffff;
	[tilespmem:v38+s13+$0x0] =	vst.idx.msk $0xffff, v35;
	v35 =	vor.u32 v29, v37  }
0x1b2: {  	v32 =	vand.u32 $0xFFFFF800, v63;
	v0 =	vand.u32 $0x380, v0;
	v63 =	vld.idx.msk [tilespmem:v5+s3+$0x0], $0xffff;
	[tilespmem:v22+s13+$0x0] =	vst.idx.msk $0xffff, v40;
	v22 =	vor.u32 v60, v35  }
0x1b3: {  	v36 =	vor.u32 v0, v32;
	v0 =	vld.idx.msk [tilespmem:v44+s3+$0x0], $0xffff;
	[tilespmem:$0x1FE00] =	vst v22;
	v22 =	vor.u32 v62, v35  }
0x1b4: {  	v42 =	vor.u32 v8, v56;
	[tilespmem:$0x1FE10] =	vst v22;
	v22 =	vor.u32 v58, v35  }
0x1b5: {  	[tilespmem:$0x1FE20] =	vst v22;
	v22 =	vor.u32 v11, v35  }
0x1b6: {  	v59 =	vor.u32 v8, v48;
	v2 =	vld.idx.msk [tilespmem:v2+s3+$0x0], $0xffff;
	[tilespmem:$0x1FE30] =	vst v22;
	v22 =	vor.u32 v3, v35  }
0x1b7: {  	v24 =	vor.u32 v9, v49;
	v29 =	vor.u32 v46, v36;
	[tilespmem:$0x1FE40] =	vst v22  }
0x1b8: {  	v30 =	vor.u32 v9, v54;
	v5 =	vor.u32 v46, v57;
	[tilespmem:v19+s13+$0x0] =	vst.idx.msk $0xffff, v1  }
0x1b9: {  	v50 =	vor.u32 v12, v34;
	[tilespmem:v42+s13+$0x0] =	vst.idx.msk $0xffff, v51;
	v19 =	vor.u32 v62, v55  }
0x1ba: {  	v33 =	vld.idx.msk [tilespmem:v33+s10+$0x0], $0xffff;
	[tilespmem:$0x1FE50] =	vst v19  }
0x1bb: {  	v23 =	vor.u32 v8, v53;
	v19 =	vld.idx.msk [tilespmem:v59+s3+$0x0], $0xffff  }
0x1bc: {  	v38 =	vor.u32 v46, v26;
	v29 =	vld.idx.msk [tilespmem:v29+s3+$0x0], $0xffff;
	[tilespmem:v24+s13+$0x0] =	vst.idx.msk $0xffff, v0  }
0x1bd: {  	v20 =	vor.u32 v9, v48;
	v21 =	vor.u32 v9, v56;
	v0 =	vld.idx.msk [tilespmem:v30+s3+$0x0], $0xffff;
	[tilespmem:v5+s13+$0x0] =	vst.idx.msk $0xffff, v63  }
0x1be: {  	v32 =	vor.u32 v6, v55;
	[tilespmem:v17+s13+$0x0] =	vst.idx.msk $0xffff, v2;
	v2 =	vor.u32 v12, v57;
	v17 =	vld.idx.msk [tilespmem:v50+s3+$0x0], $0xffff  }
0x1bf: {  	v39 =	vor.u32 v10, v54;
	v47 =	vor.u32 v10, v7  }
0x1c0: {  	v40 =	vor.u32 v12, v36;
	v45 =	vshll.u32 v33, $0x8;
	v33 =	vshll.u32 v33, $0x7;
	[tilespmem:v23+s13+$0x0] =	vst.idx.msk $0xffff, v19  }
0x1c1: {  	v31 =	vor.u32 v13, v34;
	v25 =	vld.idx.msk [tilespmem:v18+s10+$0x0], $0xffff;
	v42 =	vand.u32 $0xFFFFF800, v45;
	v33 =	vand.u32 $0x380, v33;
	[tilespmem:v38+s13+$0x0] =	vst.idx.msk $0xffff, v29  }
0x1c2: {  	v51 =	vor.u32 v9, v53;
	v42 =	vor.u32 v33, v42;
	[tilespmem:v21+s13+$0x0] =	vst.idx.msk $0xffff, v0;
	v20 =	vld.idx.msk [tilespmem:v20+s3+$0x0], $0xffff  }
0x1c3: {  	v30 =	vor.u32 v6, v16;
	v32 =	vld.idx.msk [tilespmem:v32+s3+$0x0], $0xffff;
	[tilespmem:v2+s13+$0x0] =	vst.idx.msk $0xffff, v17;
	v2 =	vor.u32 v9, v42  }
0x1c4: {  	v63 =	vld.idx.msk [tilespmem:v47+s3+$0x0], $0xffff;
	v19 =	vor.u32 v10, v49;
	[tilespmem:$0x1FE60] =	vst v2  }
0x1c5: {  	v21 =	vor.u32 v12, v26;
	v17 =	vld.idx.msk [tilespmem:v40+s3+$0x0], $0xffff  }
0x1c6: {  	v43 =	vor.u32 v10, v56;
	v39 =	vld.idx.msk [tilespmem:v39+s3+$0x0], $0xffff  }
0x1c7: {  	v31 =	vld.idx.msk [tilespmem:v31+s3+$0x0], $0xffff;
	[tilespmem:v51+s13+$0x0] =	vst.idx.msk $0xffff, v20;
	v20 =	vor.u32 v13, v57  }
0x1c8: {  	[tilespmem:v30+s13+$0x0] =	vst.idx.msk $0xffff, v32  }
0x1c9: {  	[tilespmem:v19+s13+$0x0] =	vst.idx.msk $0xffff, v63  }
0x1ca: {  	v47 =	vor.u32 v46, v42;
	[tilespmem:v21+s13+$0x0] =	vst.idx.msk $0xffff, v17  }
0x1cb: {  	[tilespmem:v43+s13+$0x0] =	vst.idx.msk $0xffff, v39  }
0x1cc: {  	v29 =	vor.u32 v10, v48;
	[tilespmem:v20+s13+$0x0] =	vst.idx.msk $0xffff, v31  }
0x1cd: {  	v18 =	vld [tilespmem:$0x1FE70]  }
0x1ce: {  	v37 =	vor.u32 v8, v55  }
0x1cf: {  	v1 =	vor.u32 v46, v52;
	v40 =	vor.u32 v13, v36;
	v38 =	vld.idx.msk [tilespmem:v47+s3+$0x0], $0xffff;
	_ =	sdelay $0x1  }
0x1d0: {  	v5 =	vor.u32 v10, v53;
	v29 =	vld.idx.msk [tilespmem:v29+s3+$0x0], $0xffff  }
0x1d1: {  	v41 =	vor.u32 v8, v16;
	v30 =	vor.u32 v11, v7  }
0x1d2: {  	v59 =	vor.u32 v11, v56;
	v50 =	vshll.u32 v25, $0x8;
	v25 =	vshll.u32 v25, $0x7;
	v63 =	vld.idx.msk [tilespmem:v37+s3+$0x0], $0xffff  }
0x1d3: {  	v47 =	vor.u32 v13, v26;
	v40 =	vld.idx.msk [tilespmem:v40+s3+$0x0], $0xffff;
	[tilespmem:v1+s13+$0x0] =	vst.idx.msk $0xffff, v38;
	v1 =	vor.u32 v61, v35  }
0x1d4: {  	v25 =	vand.u32 $0x380, v25;
	v2 =	vor.u32 v12, v42;
	v51 =	vand.u32 $0xFFFFF800, v50;
	v18 =	vld.idx.msk [tilespmem:v18+s3+$0x0], $0xffff;
	[tilespmem:$0x1FE80] =	vst v1  }
0x1d5: {  	v50 =	vor.u32 v60, v56;
	v45 =	vor.u32 v25, v51;
	[tilespmem:v5+s13+$0x0] =	vst.idx.msk $0xffff, v29  }
0x1d6: {  	v21 =	vor.u32 v46, v45;
	v1 =	vld.idx.msk [tilespmem:v30+s3+$0x0], $0xffff;
	[tilespmem:$0x1FE90] =	vst v50  }
0x1d7: {  	v44 =	vor.u32 v14, v34;
	[tilespmem:v41+s13+$0x0] =	vst.idx.msk $0xffff, v63  }
0x1d8: {  	[tilespmem:v47+s13+$0x0] =	vst.idx.msk $0xffff, v40  }
0x1d9: {  	v2 =	vld.idx.msk [tilespmem:v2+s3+$0x0], $0xffff;
	[tilespmem:v59+s13+$0x0] =	vst.idx.msk $0xffff, v18  }
0x1da: {  	v0 =	vor.u32 v12, v52;
	v31 =	vor.u32 v14, v36;
	v47 =	vld [tilespmem:$0x1FEA0]  }
0x1db: {  	v28 =	vor.u32 v11, v48;
	v30 =	vor.u32 v46, v35;
	v21 =	vld.idx.msk [tilespmem:v21+s3+$0x0], $0xffff  }
0x1dc: {  	v17 =	vor.u32 v9, v55;
	v63 =	vor.u32 v14, v57;
	v37 =	vld.idx.msk [tilespmem:v44+s3+$0x0], $0xffff  }
0x1dd: {  	v29 =	vor.u32 v13, v42  }
0x1de: {  	v22 =	vor.u32 v10, v16;
	v19 =	vor.u32 v58, v54  }
0x1df: {  	v16 =	vor.u32 v9, v16;
	v31 =	vld.idx.msk [tilespmem:v31+s3+$0x0], $0xffff;
	v18 =	vor.u32 v14, v26;
	[tilespmem:v0+s13+$0x0] =	vst.idx.msk $0xffff, v2  }
0x1e0: {  	v33 =	vor.u32 v11, v53;
	v32 =	vor.u32 v10, v55;
	v28 =	vld.idx.msk [tilespmem:v28+s3+$0x0], $0xffff;
	[tilespmem:v30+s13+$0x0] =	vst.idx.msk $0xffff, v21  }
0x1e1: {  	v10 =	vor.u32 v58, v7;
	v20 =	vor.u32 v13, v52;
	v2 =	vld.idx.msk [tilespmem:v17+s3+$0x0], $0xffff;
	[tilespmem:v63+s13+$0x0] =	vst.idx.msk $0xffff, v37  }
0x1e2: {  	v50 =	vor.u32 v3, v56;
	v21 =	vor.u32 v12, v45;
	v29 =	vld.idx.msk [tilespmem:v29+s3+$0x0], $0xffff;
	[tilespmem:v47+s13+$0x0] =	vst.idx.msk $0xffff, v1  }
0x1e3: {  	v19 =	vld.idx.msk [tilespmem:v19+s3+$0x0], $0xffff;
	v1 =	vor.u32 v15, v36;
	[tilespmem:$0x1FEB0] =	vst v50  }
0x1e4: {  	v25 =	vor.u32 v58, v56;
	[tilespmem:v18+s13+$0x0] =	vst.idx.msk $0xffff, v31  }
0x1e5: {  	[tilespmem:v33+s13+$0x0] =	vst.idx.msk $0xffff, v28  }
0x1e6: {  	v59 =	vld.idx.msk [tilespmem:v10+s3+$0x0], $0xffff;
	[tilespmem:v16+s13+$0x0] =	vst.idx.msk $0xffff, v2  }
0x1e7: {  	v43 =	vor.u32 v11, v34;
	[tilespmem:v20+s13+$0x0] =	vst.idx.msk $0xffff, v29;
	v21 =	vld.idx.msk [tilespmem:v21+s3+$0x0], $0xffff  }
0x1e8: {  	v1 =	vld.idx.msk [tilespmem:v1+s3+$0x0], $0xffff;
	[tilespmem:$0x1FEC0] =	vst v43  }
0x1e9: {  	[tilespmem:v25+s13+$0x0] =	vst.idx.msk $0xffff, v19  }
0x1ea: {  	v46 =	vld [tilespmem:$0x1FED0];
	_ =	sdelay $0x3  }
0x1eb: {  	v30 =	vor.u32 v15, v34;
	_ =	sdelay $0x1  }
0x1ec: {  	v17 =	vor.u32 v58, v48;
	v28 =	vor.u32 v15, v26  }
0x1ed: {  	v16 =	vor.u32 v14, v42;
	v20 =	vor.u32 v12, v35  }
0x1ee: {  	v24 =	vor.u32 v60, v7;
	v47 =	vor.u32 v4, v35;
	[tilespmem:v46+s13+$0x0] =	vst.idx.msk $0xffff, v59  }
0x1ef: {  	v31 =	vor.u32 v15, v57;
	v5 =	vld.idx.msk [tilespmem:v30+s3+$0x0], $0xffff;
	v30 =	vor.u32 v4, v36;
	[tilespmem:$0x1FEE0] =	vst v47  }
0x1f0: {  	v0 =	vor.u32 v60, v54;
	v50 =	vor.u32 v3, v54;
	v54 =	vor.u32 v13, v45;
	v32 =	vld.idx.msk [tilespmem:v32+s3+$0x0], $0xffff  }
0x1f1: {  	v37 =	vor.u32 v58, v53;
	[tilespmem:v28+s13+$0x0] =	vst.idx.msk $0xffff, v1;
	v1 =	vld.idx.msk [tilespmem:v17+s3+$0x0], $0xffff;
	v17 =	vor.u32 v4, v34  }
0x1f2: {  	v40 =	vor.u32 v14, v52;
	[tilespmem:v20+s13+$0x0] =	vst.idx.msk $0xffff, v21;
	v21 =	vld.idx.msk [tilespmem:v16+s3+$0x0], $0xffff  }
0x1f3: {  	v2 =	vor.u32 v60, v49;
	v24 =	vld.idx.msk [tilespmem:v24+s3+$0x0], $0xffff  }
0x1f4: {  	[tilespmem:v31+s13+$0x0] =	vst.idx.msk $0xffff, v5;
	v59 =	vld.idx.msk [tilespmem:v30+s3+$0x0], $0xffff;
	v30 =	vor.u32 v4, v26  }
0x1f5: {  	v10 =	vor.u32 v13, v35;
	v31 =	vld.idx.msk [tilespmem:v54+s3+$0x0], $0xffff;
	[tilespmem:v22+s13+$0x0] =	vst.idx.msk $0xffff, v32  }
0x1f6: {  	v43 =	vor.u32 v4, v57;
	[tilespmem:v37+s13+$0x0] =	vst.idx.msk $0xffff, v1;
	v12 =	vld.idx.msk [tilespmem:v17+s3+$0x0], $0xffff  }
0x1f7: {  	v51 =	vor.u32 v15, v45;
	v39 =	vor.u32 v60, v48;
	[tilespmem:v40+s13+$0x0] =	vst.idx.msk $0xffff, v21  }
0x1f8: {  	v44 =	vor.u32 v62, v48;
	v41 =	vor.u32 v3, v7;
	[tilespmem:v2+s13+$0x0] =	vst.idx.msk $0xffff, v24  }
0x1f9: {  	v63 =	vor.u32 v11, v55;
	v11 =	vor.u32 v15, v42;
	[tilespmem:v30+s13+$0x0] =	vst.idx.msk $0xffff, v59  }
0x1fa: {  	v29 =	vor.u32 v15, v52;
	v18 =	vor.u32 v3, v55;
	[tilespmem:v10+s13+$0x0] =	vst.idx.msk $0xffff, v31  }
0x1fb: {  	v13 =	vor.u32 v61, v36;
	v25 =	vor.u32 v62, v56;
	[tilespmem:v43+s13+$0x0] =	vst.idx.msk $0xffff, v12  }
0x1fc: {  	v23 =	vmovc v27;
	v19 =	vor.u32 v58, v55;
	v58 =	vor.u32 v8, v27;
	v46 =	vor.u32 v61, v34;
	v59 =	vld [tilespmem:$0x1FEF0]  }
0x1fd: {  	v47 =	vor.u32 v62, v7;
	v62 =	vor.u32 v9, v27;
	v16 =	vor.u32 v3, v48;
	v17 =	vld.idx.msk [tilespmem:v0+s3+$0x0], $0xffff  }
0x1fe: {  	v48 =	vor.u32 v3, v49;
	v28 =	vor.u32 v4, v52;
	v2 =	vor.u32 v14, v45;
	v33 =	vld.idx.msk [tilespmem:v63+s3+$0x0], $0xffff  }
0x1ff: {  	v20 =	vor.u32 v60, v53;
	v49 =	vor.u32 v8, v26;
	v54 =	vor.u32 v6, v34;
	v53 =	vld.idx.msk [tilespmem:v39+s3+$0x0], $0xffff  }
0x200: {  	v22 =	vor.u32 v60, v55;
	v60 =	vor.u32 v9, v26;
	v55 =	vor.u32 v61, v57;
	v1 =	vld.idx.msk [tilespmem:v11+s3+$0x0], $0xffff  }
0x201: {  	v24 =	vor.u32 v61, v52;
	v0 =	vor.u32 v8, v52;
	v37 =	vor.u32 v15, v35;
	v21 =	vld.idx.msk [tilespmem:v41+s3+$0x0], $0xffff  }
0x202: {  	v40 =	vor.u32 v14, v35;
	v32 =	vor.u32 v6, v26;
	v63 =	vor.u32 v4, v42;
	v39 =	vld.idx.msk [tilespmem:v13+s3+$0x0], $0xffff  }
0x203: {  	v30 =	vor.u32 v6, v57;
	v41 =	vor.u32 v61, v26;
	v31 =	vor.u32 v8, v34;
	v2 =	vld.idx.msk [tilespmem:v2+s3+$0x0], $0xffff  }
0x204: {  	s19 =	simm.s32 $0x8;
	v43 =	vor.u32 v6, v36;
	v38 =	vld.idx.msk [tilespmem:v46+s3+$0x0], $0xffff;
	[tilespmem:v59+s13+$0x0] =	vst.idx.msk $0xffff, v33;
	v33 =	vor.u32 v8, v36  }
.LBB2_4:
0x205: {  	v7 =	vld [tilespmem:$0x1FDB0];
	_ =	sdelay $0x2  }
0x206: {  	[tilespmem:v20+s13+$0x0] =	vst.idx.msk $0xffff, v53  }
0x207: {  	v61 =	vld [tilespmem:$0x1FDC0];
	[tilespmem:v29+s13+$0x0] =	vst.idx.msk $0xffff, v1  }
0x208: {  	v10 =	vmov v7;
	v7 =	vld.idx.msk [tilespmem:v63+s3+$0x0], $0xffff  }
0x209: {  	v63 =	vld [tilespmem:$0x1FE90];
	_ =	sdelay $0x1  }
0x20a: {  	v12 =	vld [tilespmem:$0x1FE30]  }
0x20b: {  	v8 =	vmov v61;
	v61 =	vld [tilespmem:$0x1FD70];
	_ =	sdelay $0x2  }
0x20c: {  	v6 =	vld.idx.msk [tilespmem:v19+s3+$0x0], $0xffff;
	_ =	sdelay $0x1  }
0x20d: {  	v9 =	vmov v12;
	v12 =	vld [tilespmem:$0x1FE40];
	[tilespmem:v63+s13+$0x0] =	vst.idx.msk $0xffff, v17  }
0x20e: {  	v19 =	vmov v18;
	[tilespmem:v40+s13+$0x0] =	vst.idx.msk $0xffff, v2;
	v18 =	vld.idx.msk [tilespmem:v50+s3+$0x0], $0xffff  }
0x20f: {  	[tilespmem:v55+s13+$0x0] =	vst.idx.msk $0xffff, v38;
	v38 =	vld.idx.msk [tilespmem:v51+s3+$0x0], $0xffff  }
0x210: {  	[tilespmem:v61+s13+$0x0] =	vst.idx.msk $0xffff, v6;
	v6 =	vld [tilespmem:$0x1FE20]  }
0x211: {  	s21 =	smov.u32 s19  }
0x212: {  	v11 =	vld [tilespmem:$0x1FF50];
	s31 =	sadd.s32 $0x3, s21  }
0x213: {  	v13 =	vld [tilespmem:$0x1FD80];
	[tilespmem:$0x1FD20] =	vst v9;
	v9 =	vmov s31  }
0x214: {  	v40 =	vshll.u32 v9, $0x8  }
0x215: {  	v3 =	vmov s19;
	v53 =	vmovc v52;
	v52 =	vmovc v12;
	v12 =	vmov v6;
	v6 =	vand.u32 $0x7800, v40;
	v40 =	vld [tilespmem:$0x1FD50]  }
0x216: {  	s20 =	sadd.s32 $0x1, s19;
	v46 =	vmovc v25;
	v25 =	vor.u32 $0x80, v3;
	v27 =	vshll.u32 v3, $0x8;
	v3 =	vshll.u32 v3, $0x7;
	[tilespmem:v41+s13+$0x0] =	vst.idx.msk $0xffff, v39  }
0x217: {  	v56 =	vmovc v26;
	v26 =	vmov s20;
	v3 =	vand.u32 $0x200, v3;
	v4 =	vor.u32 v11, v45;
	v2 =	vld.idx.msk [tilespmem:v43+s3+$0x0], $0xffff  }
0x218: {  	s30 =	sadd.s32 $0x2, s21;
	v29 =	vor.u32 $0x80, v26;
	v14 =	vmovc v13;
	v13 =	vshll.u32 v26, $0x8;
	v26 =	vshll.u32 v26, $0x7;
	v22 =	vld.idx.msk [tilespmem:v22+s3+$0x0], $0xffff  }
0x219: {  	v20 =	vmovc v34;
	v34 =	vand.u32 $0x7800, v27;
	v1 =	vld.idx.msk [tilespmem:v16+s3+$0x0], $0xffff;
	v16 =	vmovc v36;
	v36 =	vmov s30;
	v43 =	vand.u32 $0x280, v26  }
0x21a: {  	[tilespmem:$0x1FCE0] =	vst v8;
	v8 =	vor.u32 $0x80, v36;
	v59 =	vshll.u32 v36, $0x7;
	v26 =	vshll.u32 v36, $0x8;
	v36 =	vld.idx.msk [tilespmem:v54+s3+$0x0], $0xffff  }
0x21b: {  	v54 =	vor.u32 v3, v34;
	v34 =	vld [tilespmem:$0x1FDD0]  }
0x21c: {  	v63 =	vmov v45;
	v45 =	vld [tilespmem:$0x1FEB0];
	[tilespmem:v37+s13+$0x0] =	vst.idx.msk $0xffff, v38  }
0x21d: {  	v4 =	vld.idx.msk [tilespmem:v4+s3+$0x0], $0xffff;
	[tilespmem:v40+s13+$0x0] =	vst.idx.msk $0xffff, v22  }
0x21e: {  	v38 =	vld.idx.msk [tilespmem:v19+s3+$0x0], $0xffff  }
0x21f: {  	v19 =	vld [tilespmem:$0x1FE00]  }
0x220: {  	v57 =	vld [tilespmem:$0x1FF60];
	_ =	sdelay $0x2  }
0x221: {  	v15 =	vld [tilespmem:$0x1FFB0];
	v41 =	vor.u32 $0x80, v9;
	[tilespmem:v34+s13+$0x0] =	vst.idx.msk $0xffff, v1  }
0x222: {  	v1 =	vld.idx.msk [tilespmem:v25+s10+$0x0], $0xffff;
	[tilespmem:v45+s13+$0x0] =	vst.idx.msk $0xffff, v18;
	v18 =	vmov v19  }
0x223: {  	v5 =	vor.u32 v57, v42;
	v39 =	vand.u32 $0x7800, v13;
	[tilespmem:$0x1FD50] =	vst v18;
	v18 =	vld [tilespmem:$0x1FD40]  }
0x224: {  	v13 =	vand.u32 $0x7800, v26;
	v26 =	vand.u32 $0x300, v59;
	v17 =	vmovc v42;
	v42 =	vshll.u32 v9, $0x7;
	[tilespmem:$0x1FD70] =	vst v12;
	v12 =	vld [tilespmem:$0x1FFC0]  }
0x225: {  	[tilespmem:$0x1FD80] =	vst v52;
	v52 =	vor.u32 v26, v13;
	v26 =	vand.u32 $0x380, v42  }
0x226: {  	v9 =	vld.idx.msk [tilespmem:v41+s10+$0x0], $0xffff;
	[tilespmem:v32+s13+$0x0] =	vst.idx.msk $0xffff, v2;
	v2 =	vor.u32 v3, v27;
	v26 =	vor.u32 v26, v6  }
0x227: {  	[tilespmem:$0x1FCB0] =	vst v2;
	v2 =	vor.u32 v15, v26  }
0x228: {  	[tilespmem:$0x1FDB0] =	vst v2  }
0x229: {  	v51 =	vld [tilespmem:$0x1FFF0];
	[tilespmem:v30+s13+$0x0] =	vst.idx.msk $0xffff, v36;
	v2 =	vor.u32 v12, v26  }
0x22a: {  	[tilespmem:$0x1FDC0] =	vst v2;
	v2 =	vld.idx.msk [tilespmem:v33+s3+$0x0], $0xffff;
	v41 =	vshll.u32 v1, $0x8  }
0x22b: {  	v33 =	vand.u32 $0xFFFFF800, v41;
	v41 =	vld.idx.msk [tilespmem:v18+s3+$0x0], $0xffff  }
0x22c: {  	v18 =	vld [tilespmem:$0x1FDF0];
	_ =	sdelay $0x1  }
0x22d: {  	v1 =	vshll.u32 v1, $0x7  }
0x22e: {  	v1 =	vand.u32 $0x380, v1  }
0x22f: {  	[tilespmem:v48+s13+$0x0] =	vst.idx.msk $0xffff, v21;
	v34 =	vor.u32 v1, v33  }
0x230: {  	[tilespmem:v49+s13+$0x0] =	vst.idx.msk $0xffff, v2;
	v2 =	vmov v18;
	v18 =	vor.u32 v51, v34  }
0x231: {  	[tilespmem:$0x1FDF0] =	vst v18;
	v18 =	vld [tilespmem:$0x1FD30]  }
0x232: {  	[tilespmem:v28+s13+$0x0] =	vst.idx.msk $0xffff, v7  }
0x233: {  	v5 =	vld.idx.msk [tilespmem:v5+s3+$0x0], $0xffff  }
0x234: {  	v55 =	vld.idx.msk [tilespmem:v44+s3+$0x0], $0xffff;
	_ =	sdelay $0x3  }
0x235: {  	v13 =	vld [tilespmem:$0x1FF90];
	v30 =	vor.u32 v43, v39;
	[tilespmem:v24+s13+$0x0] =	vst.idx.msk $0xffff, v5  }
0x236: {  	[tilespmem:v18+s13+$0x0] =	vst.idx.msk $0xffff, v55;
	v18 =	vor.u32 v12, v30  }
0x237: {  	[tilespmem:$0x1FE20] =	vst v18;
	v18 =	vld [tilespmem:$0x1FDE0]  }
0x238: {  	v42 =	vor.u32 v15, v17  }
0x239: {  	[tilespmem:$0x1FCC0] =	vst v42;
	v42 =	vld.idx.msk [tilespmem:v47+s3+$0x0], $0xffff  }
0x23a: {  	v21 =	vor.u32 v13, v16;
	v19 =	vld [tilespmem:$0x1FD90];
	_ =	sdelay $0x1  }
0x23b: {  	v61 =	vld [tilespmem:$0x1FFE0]  }
0x23c: {  	v59 =	vld [tilespmem:$0x1FF70]  }
0x23d: {  	[tilespmem:$0x1FCD0] =	vst v10;
	v10 =	vld [tilespmem:$0x1FFA0]  }
0x23e: {  	v24 =	vld.idx.msk [tilespmem:v21+s3+$0x0], $0xffff;
	[tilespmem:v18+s13+$0x0] =	vst.idx.msk $0xffff, v42;
	v18 =	vmov v19  }
0x23f: {  	[tilespmem:$0x1FD30] =	vst v18;
	v18 =	vor.u32 v15, v30  }
0x240: {  	[tilespmem:$0x1FE30] =	vst v18;
	v18 =	vor.u32 v61, v30  }
0x241: {  	v27 =	vld [tilespmem:$0x1FF80];
	v3 =	vor.u32 v59, v17;
	[tilespmem:$0x1FE40] =	vst v18;
	v18 =	vor.u32 v51, v63  }
0x242: {  	v49 =	vld [tilespmem:$0x1FE50];
	[tilespmem:$0x1FE50] =	vst v18;
	v18 =	vor.u32 v10, v35  }
0x243: {  	[tilespmem:$0x1FD00] =	vst v18;
	v18 =	vld [tilespmem:$0x1FDA0];
	_ =	sdelay $0x1  }
0x244: {  	v43 =	vld [tilespmem:$0x1FEE0]  }
0x245: {  	v3 =	vld.idx.msk [tilespmem:v3+s3+$0x0], $0xffff  }
0x246: {  	v5 =	vor.u32 v27, v17  }
0x247: {  	[tilespmem:v14+s13+$0x0] =	vst.idx.msk $0xffff, v38;
	v14 =	vld [tilespmem:$0x1FFD0]  }
0x248: {  	[tilespmem:$0x1FCA0] =	vst v62  }
0x249: {  	v62 =	vmov v23;
	v23 =	vlaneseq.u32;
	v25 =	vld [tilespmem:$0x1FF10];
	[tilespmem:$0x1FD40] =	vst v2  }
0x24a: {  	v2 =	vor.u32 v23, v34;
	v8 =	vld.idx.msk [tilespmem:v8+s10+$0x0], $0xffff;
	[tilespmem:v18+s13+$0x0] =	vst.idx.msk $0xffff, v3  }
0x24b: {  	v3 =	vld.idx.msk [tilespmem:v5+s3+$0x0], $0xffff  }
0x24c: {  	v31 =	vld.idx.msk [tilespmem:v31+s3+$0x0], $0xffff;
	[tilespmem:v43+s13+$0x0] =	vst.idx.msk $0xffff, v4;
	v18 =	vor.u32 v14, v16  }
0x24d: {  	v1 =	vshll.u32 v9, $0x8;
	v9 =	vshll.u32 v9, $0x7;
	[tilespmem:$0x1FCF0] =	vst v18;
	v18 =	vld [tilespmem:$0x1FD60]  }
0x24e: {  	v40 =	vor.u32 v13, v20;
	v1 =	vand.u32 $0xFFFFF800, v1;
	v9 =	vand.u32 $0x380, v9;
	v4 =	vld.idx.msk [tilespmem:v49+s3+$0x0], $0xffff  }
0x24f: {  	v37 =	vor.u32 v57, v63;
	v36 =	vor.u32 v9, v1;
	v2 =	vld.idx.msk [tilespmem:v2+s3+$0x0], $0xffff;
	v55 =	vor.u32 v23, v54  }
0x250: {  	v6 =	vor.u32 v23, v36;
	[tilespmem:v0+s13+$0x0] =	vst.idx.msk $0xffff, v3;
	v3 =	vld [tilespmem:$0x1FCA0]  }
0x251: {  	[tilespmem:v58+s13+$0x0] =	vst.idx.msk $0xffff, v31  }
0x252: {  	v33 =	vor.u32 v25, v34;
	[tilespmem:v46+s13+$0x0] =	vst.idx.msk $0xffff, v41  }
0x253: {  	v58 =	vld.idx.msk [tilespmem:v40+s3+$0x0], $0xffff  }
0x254: {  	v7 =	vor.u32 v51, v52;
	v31 =	vld.idx.msk [tilespmem:v37+s3+$0x0], $0xffff;
	[tilespmem:v55+s13+$0x0] =	vst.idx.msk $0xffff, v2  }
0x255: {  	v48 =	vor.u32 v10, v16;
	v6 =	vld.idx.msk [tilespmem:v6+s3+$0x0], $0xffff;
	[tilespmem:v18+s13+$0x0] =	vst.idx.msk $0xffff, v4;
	v18 =	vmov v7  }
0x256: {  	v41 =	vor.u32 v23, v26;
	v55 =	vshll.u32 v8, $0x8;
	v8 =	vshll.u32 v8, $0x7;
	[tilespmem:$0x1FD90] =	vst v18;
	v18 =	vld [tilespmem:$0x1FE80]  }
0x257: {  	v28 =	vor.u32 v59, v52;
	v46 =	vld.idx.msk [tilespmem:v33+s3+$0x0], $0xffff;
	v33 =	vand.u32 $0xFFFFF800, v55;
	v8 =	vand.u32 $0x380, v8;
	[tilespmem:v60+s13+$0x0] =	vst.idx.msk $0xffff, v24  }
0x258: {  	v38 =	vor.u32 v25, v36;
	v42 =	vor.u32 v8, v33;
	v60 =	vmov v28;
	[tilespmem:v3+s13+$0x0] =	vst.idx.msk $0xffff, v58;
	v3 =	vld [tilespmem:$0x1FE60]  }
0x259: {  	v47 =	vld [tilespmem:$0x1FF20];
	v0 =	vor.u32 v23, v42  }
0x25a: {  	v45 =	vor.u32 v51, v56;
	v1 =	vor.u32 v59, v63;
	[tilespmem:$0x1FDA0] =	vst v60  }
0x25b: {  	v48 =	vld.idx.msk [tilespmem:v48+s3+$0x0], $0xffff;
	v60 =	vmov v45;
	[tilespmem:v41+s13+$0x0] =	vst.idx.msk $0xffff, v6  }
0x25c: {  	v32 =	vor.u32 v10, v20;
	[tilespmem:$0x1FDE0] =	vst v60;
	v60 =	vld [tilespmem:$0x1FE10]  }
0x25d: {  	v2 =	vor.u32 v25, v54;
	v38 =	vld.idx.msk [tilespmem:v38+s3+$0x0], $0xffff  }
0x25e: {  	v44 =	vor.u32 v47, v34;
	v0 =	vld.idx.msk [tilespmem:v0+s3+$0x0], $0xffff;
	[tilespmem:v18+s13+$0x0] =	vst.idx.msk $0xffff, v31  }
0x25f: {  	v40 =	vor.u32 v59, v35;
	v1 =	vld.idx.msk [tilespmem:v1+s3+$0x0], $0xffff  }
0x260: {  	v50 =	vor.u32 v61, v53;
	v43 =	vor.u32 v27, v63;
	v5 =	vor.u32 v13, v53;
	v3 =	vld.idx.msk [tilespmem:v3+s3+$0x0], $0xffff  }
0x261: {  	[tilespmem:$0x1FDD0] =	vst v50;
	v8 =	vld.idx.msk [tilespmem:v32+s3+$0x0], $0xffff  }
0x262: {  	v50 =	vor.u32 v14, v30;
	[tilespmem:v2+s13+$0x0] =	vst.idx.msk $0xffff, v46;
	v46 =	vld [tilespmem:$0x1FF30]  }
0x263: {  	[tilespmem:$0x1FE00] =	vst v50;
	v28 =	vld.idx.msk [tilespmem:v44+s3+$0x0], $0xffff;
	v31 =	vor.u32 v10, v56  }
0x264: {  	v6 =	vor.u32 v25, v26;
	v29 =	vld.idx.msk [tilespmem:v29+s10+$0x0], $0xffff;
	[tilespmem:v40+s13+$0x0] =	vst.idx.msk $0xffff, v1  }
0x265: {  	v22 =	vor.u32 v10, v62;
	v50 =	vor.u32 v15, v16;
	[tilespmem:v5+s13+$0x0] =	vst.idx.msk $0xffff, v3;
	v5 =	vld.idx.msk [tilespmem:v43+s3+$0x0], $0xffff  }
0x266: {  	v58 =	vor.u32 v13, v42;
	v2 =	vor.u32 v47, v54;
	v43 =	vld [tilespmem:$0x1FEC0]  }
0x267: {  	v41 =	vor.u32 v47, v36;
	[tilespmem:$0x1FE60] =	vst v58  }
0x268: {  	v39 =	vor.u32 v10, v17;
	[tilespmem:v31+s13+$0x0] =	vst.idx.msk $0xffff, v48  }
0x269: {  	v9 =	vor.u32 v51, v30;
	v37 =	vor.u32 v23, v52;
	v48 =	vld [tilespmem:$0x1FF40];
	[tilespmem:v6+s13+$0x0] =	vst.idx.msk $0xffff, v38  }
0x26a: {  	v4 =	vor.u32 v25, v42;
	[tilespmem:v22+s13+$0x0] =	vst.idx.msk $0xffff, v8;
	v44 =	vshll.u32 v29, $0x8;
	v29 =	vshll.u32 v29, $0x7;
	v31 =	vld.idx.msk [tilespmem:v50+s3+$0x0], $0xffff  }
0x26b: {  	v45 =	vmovc v60;
	v58 =	vor.u32 v46, v34;
	[tilespmem:v2+s13+$0x0] =	vst.idx.msk $0xffff, v28;
	v44 =	vand.u32 $0xFFFFF800, v44;
	v29 =	vand.u32 $0x380, v29;
	v50 =	vld [tilespmem:$0x1FCC0]  }
0x26c: {  	[tilespmem:$0x1FD60] =	vst v45;
	v45 =	vor.u32 v29, v44;
	v29 =	vor.u32 v47, v26;
	v3 =	vmov v9;
	v9 =	vld.idx.msk [tilespmem:v41+s3+$0x0], $0xffff  }
0x26d: {  	v49 =	vor.u32 v10, v53;
	[tilespmem:$0x1FE10] =	vst v3;
	v3 =	vor.u32 v23, v45;
	v1 =	vld.idx.msk [tilespmem:v39+s3+$0x0], $0xffff  }
0x26e: {  	v21 =	vor.u32 v15, v62;
	v33 =	vor.u32 v27, v35;
	v22 =	vld.idx.msk [tilespmem:v43+s3+$0x0], $0xffff  }
0x26f: {  	v40 =	vor.u32 v57, v30;
	[tilespmem:v37+s13+$0x0] =	vst.idx.msk $0xffff, v0;
	v0 =	vor.u32 v46, v36  }
0x270: {  	v7 =	vor.u32 v13, v63;
	v6 =	vor.u32 v13, v35;
	v35 =	vmov v30;
	[tilespmem:$0x1FE80] =	vst v40;
	v30 =	vld.idx.msk [tilespmem:v58+s3+$0x0], $0xffff  }
0x271: {  	v19 =	vor.u32 v25, v52;
	v4 =	vld.idx.msk [tilespmem:v4+s3+$0x0], $0xffff;
	[tilespmem:v29+s13+$0x0] =	vst.idx.msk $0xffff, v9  }
0x272: {  	v32 =	vor.u32 v12, v20;
	v2 =	vor.u32 v46, v54;
	[tilespmem:v49+s13+$0x0] =	vst.idx.msk $0xffff, v1;
	v1 =	vld.idx.msk [tilespmem:v3+s3+$0x0], $0xffff  }
0x273: {  	v24 =	vor.u32 v15, v53;
	v40 =	vor.u32 v48, v34;
	[tilespmem:v21+s13+$0x0] =	vst.idx.msk $0xffff, v22;
	v21 =	vld [tilespmem:$0x1FCD0]  }
0x274: {  	v28 =	vor.u32 v12, v16;
	v38 =	vor.u32 v14, v20;
	[tilespmem:v33+s13+$0x0] =	vst.idx.msk $0xffff, v5;
	v0 =	vld.idx.msk [tilespmem:v0+s3+$0x0], $0xffff  }
0x275: {  	v44 =	vor.u32 v51, v17;
	v41 =	vor.u32 v14, v62;
	v18 =	vor.u32 v48, v45;
	v58 =	vld.idx.msk [tilespmem:v7+s3+$0x0], $0xffff  }
0x276: {  	[tilespmem:$0x1FE90] =	vst v41;
	v41 =	vor.u32 v46, v26;
	v7 =	vor.u32 v15, v63;
	v22 =	vld.idx.msk [tilespmem:v50+s3+$0x0], $0xffff  }
0x277: {  	v15 =	vor.u32 v15, v34;
	v50 =	vor.u32 v61, v20;
	v20 =	vld.idx.msk [tilespmem:v32+s3+$0x0], $0xffff;
	[tilespmem:v2+s13+$0x0] =	vst.idx.msk $0xffff, v30  }
0x278: {  	v9 =	vor.u32 v48, v36;
	v43 =	vor.u32 v25, v45;
	[tilespmem:$0x1FEC0] =	vst v15;
	v32 =	vld.idx.msk [tilespmem:v40+s3+$0x0], $0xffff  }
0x279: {  	v15 =	vor.u32 v51, v16;
	v40 =	vor.u32 v25, v35;
	v25 =	vor.u32 v51, v62;
	v51 =	vmovc v18;
	v18 =	vld [tilespmem:$0x1FCE0];
	_ =	sdelay $0x1  }
0x27a: {  	[tilespmem:v21+s13+$0x0] =	vst.idx.msk $0xffff, v31  }
0x27b: {  	v3 =	vor.u32 v47, v42;
	v30 =	vld.idx.msk [tilespmem:v28+s3+$0x0], $0xffff;
	[tilespmem:v41+s13+$0x0] =	vst.idx.msk $0xffff, v0  }
0x27c: {  	v2 =	vor.u32 v48, v26;
	v0 =	vld.idx.msk [tilespmem:v9+s3+$0x0], $0xffff  }
0x27d: {  	v33 =	vor.u32 v23, v35  }
0x27e: {  	[tilespmem:$0x1FD10] =	vst v44  }
0x27f: {  	[tilespmem:v19+s13+$0x0] =	vst.idx.msk $0xffff, v4  }
0x280: {  	v55 =	vor.u32 v12, v62;
	v3 =	vld.idx.msk [tilespmem:v3+s3+$0x0], $0xffff;
	[tilespmem:v18+s13+$0x0] =	vst.idx.msk $0xffff, v30  }
0x281: {  	v60 =	vor.u32 v47, v52;
	v8 =	vor.u32 v10, v63;
	[tilespmem:v2+s13+$0x0] =	vst.idx.msk $0xffff, v0;
	v0 =	vld [tilespmem:$0x1FCF0]  }
0x282: {  	v39 =	vor.u32 v12, v17;
	[tilespmem:v33+s13+$0x0] =	vst.idx.msk $0xffff, v1;
	v1 =	vor.u32 v11, v35  }
0x283: {  	[tilespmem:$0x1FEE0] =	vst v1  }
0x284: {  	v23 =	vld [tilespmem:$0x1FCB0];
	[tilespmem:v24+s13+$0x0] =	vst.idx.msk $0xffff, v22  }
0x285: {  	v24 =	vld.idx.msk [tilespmem:v43+s3+$0x0], $0xffff;
	[tilespmem:v6+s13+$0x0] =	vst.idx.msk $0xffff, v58  }
0x286: {  	v44 =	vor.u32 v48, v54;
	v1 =	vor.u32 v46, v42;
	[tilespmem:v60+s13+$0x0] =	vst.idx.msk $0xffff, v3;
	v6 =	vld.idx.msk [tilespmem:v8+s3+$0x0], $0xffff  }
0x287: {  	v58 =	vor.u32 v11, v34;
	[tilespmem:v55+s13+$0x0] =	vst.idx.msk $0xffff, v20;
	v3 =	vld.idx.msk [tilespmem:v39+s3+$0x0], $0xffff  }
0x288: {  	v10 =	vor.u32 v14, v17;
	v33 =	vor.u32 v61, v16;
	v16 =	vor.u32 v61, v17;
	v17 =	vld.idx.msk [tilespmem:v38+s3+$0x0], $0xffff  }
0x289: {  	v37 =	vor.u32 v46, v52;
	v49 =	vor.u32 v61, v62;
	v4 =	vor.u32 v47, v45;
	v2 =	vld.idx.msk [tilespmem:v0+s3+$0x0], $0xffff  }
0x28a: {  	v29 =	vor.u32 v48, v52;
	v5 =	vor.u32 v12, v53;
	[tilespmem:$0x1FEB0] =	vst v49;
	v41 =	vor.u32 v11, v36;
	v0 =	vld [tilespmem:$0x1FD00]  }
0x28b: {  	v49 =	vor.u32 v27, v26;
	v19 =	vor.u32 v12, v63;
	v1 =	vld.idx.msk [tilespmem:v1+s3+$0x0], $0xffff;
	[tilespmem:v44+s13+$0x0] =	vst.idx.msk $0xffff, v32  }
0x28c: {  	v12 =	vor.u32 v61, v56;
	v62 =	vor.u32 v13, v23;
	v9 =	vor.u32 v11, v54;
	v8 =	vld.idx.msk [tilespmem:v58+s3+$0x0], $0xffff  }
0x28d: {  	v22 =	vor.u32 v14, v63;
	[tilespmem:v40+s13+$0x0] =	vst.idx.msk $0xffff, v24;
	v30 =	vor.u32 v48, v42  }
0x28e: {  	v43 =	vor.u32 v46, v45;
	v20 =	vor.u32 v14, v53;
	v31 =	vor.u32 v14, v56;
	v4 =	vld.idx.msk [tilespmem:v4+s3+$0x0], $0xffff  }
0x28f: {  	v39 =	vor.u32 v11, v26;
	v44 =	vor.u32 v57, v34;
	[tilespmem:v5+s13+$0x0] =	vst.idx.msk $0xffff, v3;
	v38 =	vld.idx.msk [tilespmem:v41+s3+$0x0], $0xffff  }
0x290: {  	v60 =	vor.u32 v13, v26;
	v55 =	vor.u32 v57, v54;
	v3 =	vld [tilespmem:$0x1FD20];
	[tilespmem:v37+s13+$0x0] =	vst.idx.msk $0xffff, v1  }
0x291: {  	v32 =	vor.u32 v59, v26;
	v14 =	vor.u32 v47, v35;
	v53 =	vld.idx.msk [tilespmem:v10+s3+$0x0], $0xffff;
	[tilespmem:v9+s13+$0x0] =	vst.idx.msk $0xffff, v8  }
0x292: {  	v47 =	vmov v15;
	v41 =	vor.u32 v57, v36;
	v1 =	vld.idx.msk [tilespmem:v30+s3+$0x0], $0xffff;
	[tilespmem:v0+s13+$0x0] =	vst.idx.msk $0xffff, v6  }
0x293: {  	p0 =	slt.u32 s19, $0x7C;
	v28 =	vor.u32 v11, v52;
	v24 =	vor.u32 v57, v52;
	[tilespmem:v31+s13+$0x0] =	vst.idx.msk $0xffff, v2;
	v6 =	vld.idx.msk [tilespmem:v7+s3+$0x0], $0xffff  }
.Ltmp1:
0x294: {  	v58 =	vor.u32 v27, v23;
	v40 =	vor.u32 v46, v35;
	[tilespmem:v39+s13+$0x0] =	vst.idx.msk $0xffff, v38;
	v38 =	vld.idx.msk [tilespmem:v44+s3+$0x0], $0xffff;
	(pc) =	sbr.rel @p0 .LBB2_4-.Ltmp1, $4  }
0x295: {  	v37 =	vor.u32 v48, v35;
	v18 =	vor.u32 v61, v63;
	v63 =	vor.u32 v11, v42;
	v48 =	vmovc v12;
	v44 =	vld [tilespmem:$0x1FD10]  }
0x296: {  	v30 =	vor.u32 v59, v54;
	v54 =	vor.u32 v59, v34;
	v31 =	vor.u32 v27, v34;
	v21 =	vld.idx.msk [tilespmem:v33+s3+$0x0], $0xffff  }
0x297: {  	v39 =	vld.idx.msk [tilespmem:v41+s3+$0x0], $0xffff;
	v41 =	vor.u32 v57, v26;
	v33 =	vor.u32 v27, v36;
	[tilespmem:v14+s13+$0x0] =	vst.idx.msk $0xffff, v4  }
0x298: {  	s19 =	sadd.s32 $0x4, s19;
	v0 =	vor.u32 v27, v52;
	v2 =	vld.idx.msk [tilespmem:v43+s3+$0x0], $0xffff;
	v43 =	vor.u32 v59, v36;
	[tilespmem:v3+s13+$0x0] =	vst.idx.msk $0xffff, v6  }
0x299: {  	_ =	sdelay $0x3  }
0x29a: {  	[tilespmem:v40+s13+$0x0] =	vst.idx.msk $0xffff, v2  }
0x29b: {  	v2 =	vld.idx.msk [tilespmem:v51+s3+$0x0], $0xffff  }
0x29c: {  	v56 =	vld [tilespmem:$0x1FF50];
	[tilespmem:v29+s13+$0x0] =	vst.idx.msk $0xffff, v1  }
0x29d: {  	v1 =	vld.idx.msk [tilespmem:v63+s3+$0x0], $0xffff  }
0x29e: {  	v57 =	vld [tilespmem:$0x1FF60];
	_ =	sdelay $0x3  }
0x29f: {  	v3 =	vor.u32 v56, v45;
	[tilespmem:v37+s13+$0x0] =	vst.idx.msk $0xffff, v2  }
0x2a0: {  	v4 =	vor.u32 v57, v42;
	[tilespmem:v28+s13+$0x0] =	vst.idx.msk $0xffff, v1  }
0x2a1: {  	v5 =	vld [tilespmem:$0x1FEE0];
	_ =	sdelay $0x2  }
0x2a2: {  	v2 =	vld.idx.msk [tilespmem:v3+s3+$0x0], $0xffff  }
0x2a3: {  	v1 =	vld.idx.msk [tilespmem:v4+s3+$0x0], $0xffff;
	_ =	sdelay $0x1  }
0x2a4: {  	v51 =	vld [tilespmem:$0x1FF70];
	[tilespmem:v41+s13+$0x0] =	vst.idx.msk $0xffff, v39  }
0x2a5: {  	[tilespmem:v55+s13+$0x0] =	vst.idx.msk $0xffff, v38  }
0x2a6: {  	v3 =	vor.u32 v57, v45;
	[tilespmem:v5+s13+$0x0] =	vst.idx.msk $0xffff, v2  }
0x2a7: {  	[tilespmem:v24+s13+$0x0] =	vst.idx.msk $0xffff, v1  }
0x2a8: {  	v7 =	vld [tilespmem:$0x1FE80];
	_ =	sdelay $0x2  }
0x2a9: {  	v2 =	vld.idx.msk [tilespmem:v3+s3+$0x0], $0xffff;
	_ =	sdelay $0x3  }
0x2aa: {  	v59 =	vld.idx.msk [tilespmem:v43+s3+$0x0], $0xffff;
	v46 =	vor.u32 v51, v42  }
0x2ab: {  	v43 =	vld [tilespmem:$0x1FF80];
	[tilespmem:v7+s13+$0x0] =	vst.idx.msk $0xffff, v2  }
0x2ac: {  	v8 =	vld [tilespmem:$0x1FDA0];
	_ =	sdelay $0x1  }
0x2ad: {  	v3 =	vor.u32 v51, v45  }
0x2ae: {  	v1 =	vld.idx.msk [tilespmem:v46+s3+$0x0], $0xffff  }
0x2af: {  	v61 =	vor.u32 v43, v42;
	_ =	sdelay $0x1  }
0x2b0: {  	v6 =	vld.idx.msk [tilespmem:v54+s3+$0x0], $0xffff  }
0x2b1: {  	v2 =	vor.u32 v51, v35;
	v3 =	vld.idx.msk [tilespmem:v3+s3+$0x0], $0xffff;
	[tilespmem:v32+s13+$0x0] =	vst.idx.msk $0xffff, v59  }
0x2b2: {  	v4 =	vld.idx.msk [tilespmem:v33+s3+$0x0], $0xffff;
	[tilespmem:v8+s13+$0x0] =	vst.idx.msk $0xffff, v1  }
0x2b3: {  	v1 =	vld.idx.msk [tilespmem:v61+s3+$0x0], $0xffff;
	_ =	sdelay $0x1  }
0x2b4: {  	[tilespmem:v30+s13+$0x0] =	vst.idx.msk $0xffff, v6  }
0x2b5: {  	v59 =	vld [tilespmem:$0x1FF90];
	[tilespmem:v2+s13+$0x0] =	vst.idx.msk $0xffff, v3  }
0x2b6: {  	[tilespmem:v49+s13+$0x0] =	vst.idx.msk $0xffff, v4  }
0x2b7: {  	v63 =	vor.u32 v43, v45;
	v6 =	vld.idx.msk [tilespmem:v31+s3+$0x0], $0xffff;
	[tilespmem:v0+s13+$0x0] =	vst.idx.msk $0xffff, v1  }
0x2b8: {  	v1 =	vld [tilespmem:$0x1FE60];
	_ =	sdelay $0x1  }
0x2b9: {  	v32 =	vor.u32 v59, v36;
	_ =	sdelay $0x1  }
0x2ba: {  	v3 =	vor.u32 v43, v35;
	v7 =	vld.idx.msk [tilespmem:v63+s3+$0x0], $0xffff;
	v2 =	vor.u32 v59, v34  }
0x2bb: {  	v33 =	vor.u32 v59, v45;
	[tilespmem:v58+s13+$0x0] =	vst.idx.msk $0xffff, v6  }
0x2bc: {  	v15 =	vld [tilespmem:$0x1FFA0]  }
0x2bd: {  	v4 =	vld.idx.msk [tilespmem:v32+s3+$0x0], $0xffff  }
0x2be: {  	v0 =	vor.u32 v59, v52;
	v1 =	vld.idx.msk [tilespmem:v1+s3+$0x0], $0xffff  }
0x2bf: {  	[tilespmem:v3+s13+$0x0] =	vst.idx.msk $0xffff, v7;
	v2 =	vld.idx.msk [tilespmem:v2+s3+$0x0], $0xffff  }
0x2c0: {  	v39 =	vor.u32 v59, v35;
	v8 =	vld.idx.msk [tilespmem:v33+s3+$0x0], $0xffff  }
0x2c1: {  	v38 =	vor.u32 v15, v36  }
0x2c2: {  	[tilespmem:v60+s13+$0x0] =	vst.idx.msk $0xffff, v4  }
0x2c3: {  	v37 =	vor.u32 v15, v42;
	[tilespmem:v0+s13+$0x0] =	vst.idx.msk $0xffff, v1  }
0x2c4: {  	v3 =	vor.u32 v15, v34;
	v61 =	vld [tilespmem:$0x1FFB0];
	[tilespmem:v62+s13+$0x0] =	vst.idx.msk $0xffff, v2  }
0x2c5: {  	[tilespmem:v39+s13+$0x0] =	vst.idx.msk $0xffff, v8  }
0x2c6: {  	v41 =	vld.idx.msk [tilespmem:v38+s3+$0x0], $0xffff;
	[tilespmem:v20+s13+$0x0] =	vst.idx.msk $0xffff, v53  }
0x2c7: {  	v9 =	vor.u32 v15, v45;
	v46 =	vor.u32 v15, v26;
	v11 =	vld [tilespmem:$0x1FE90]  }
0x2c8: {  	v0 =	vor.u32 v15, v52;
	v1 =	vld.idx.msk [tilespmem:v37+s3+$0x0], $0xffff  }
0x2c9: {  	v2 =	vor.u32 v15, v23;
	v3 =	vld.idx.msk [tilespmem:v3+s3+$0x0], $0xffff;
	_ =	sdelay $0x2  }
0x2ca: {  	v49 =	vor.u32 v15, v35;
	v8 =	vld.idx.msk [tilespmem:v9+s3+$0x0], $0xffff;
	[tilespmem:v46+s13+$0x0] =	vst.idx.msk $0xffff, v41  }
0x2cb: {  	[tilespmem:v0+s13+$0x0] =	vst.idx.msk $0xffff, v1  }
0x2cc: {  	[tilespmem:v2+s13+$0x0] =	vst.idx.msk $0xffff, v3  }
0x2cd: {  	[tilespmem:v11+s13+$0x0] =	vst.idx.msk $0xffff, v17  }
0x2ce: {  	v38 =	vld [tilespmem:$0x1FFC0]  }
0x2cf: {  	v5 =	vld [tilespmem:$0x1FEC0];
	[tilespmem:v49+s13+$0x0] =	vst.idx.msk $0xffff, v8  }
0x2d0: {  	v7 =	vld [tilespmem:$0x1FD70];
	_ =	sdelay $0x2  }
0x2d1: {  	v53 =	vld.idx.msk [tilespmem:v19+s3+$0x0], $0xffff;
	_ =	sdelay $0x2  }
0x2d2: {  	v40 =	vor.u32 v61, v42;
	_ =	sdelay $0x1  }
0x2d3: {  	[tilespmem:v7+s13+$0x0] =	vst.idx.msk $0xffff, v53  }
0x2d4: {  	v62 =	vld [tilespmem:$0x1FDD0];
	_ =	sdelay $0x1  }
0x2d5: {  	v0 =	vor.u32 v61, v52;
	v1 =	vld.idx.msk [tilespmem:v40+s3+$0x0], $0xffff  }
0x2d6: {  	v16 =	vld.idx.msk [tilespmem:v16+s3+$0x0], $0xffff;
	_ =	sdelay $0x3  }
0x2d7: {  	v10 =	vor.u32 v61, v36;
	[tilespmem:v0+s13+$0x0] =	vst.idx.msk $0xffff, v1  }
0x2d8: {  	[tilespmem:v62+s13+$0x0] =	vst.idx.msk $0xffff, v16  }
0x2d9: {  	v1 =	vld [tilespmem:$0x1FDB0];
	_ =	sdelay $0x1  }
0x2da: {  	v54 =	vor.u32 v61, v23;
	v5 =	vld.idx.msk [tilespmem:v5+s3+$0x0], $0xffff  }
0x2db: {  	v2 =	vld.idx.msk [tilespmem:v10+s3+$0x0], $0xffff;
	_ =	sdelay $0x3  }
0x2dc: {  	v17 =	vor.u32 v61, v45;
	[tilespmem:v54+s13+$0x0] =	vst.idx.msk $0xffff, v5  }
0x2dd: {  	[tilespmem:v1+s13+$0x0] =	vst.idx.msk $0xffff, v2  }
0x2de: {  	v37 =	vld [tilespmem:$0x1FE30];
	_ =	sdelay $0x2  }
0x2df: {  	v8 =	vld.idx.msk [tilespmem:v17+s3+$0x0], $0xffff;
	_ =	sdelay $0x4  }
0x2e0: {  	v14 =	vld [tilespmem:$0x1FFD0];
	[tilespmem:v37+s13+$0x0] =	vst.idx.msk $0xffff, v8  }
0x2e1: {  	v7 =	vld [tilespmem:$0x1FEB0];
	_ =	sdelay $0x2  }
0x2e2: {  	v60 =	vld.idx.msk [tilespmem:v50+s3+$0x0], $0xffff;
	_ =	sdelay $0x2  }
0x2e3: {  	v3 =	vor.u32 v38, v42;
	_ =	sdelay $0x1  }
0x2e4: {  	[tilespmem:v7+s13+$0x0] =	vst.idx.msk $0xffff, v60  }
0x2e5: {  	v9 =	vld [tilespmem:$0x1FD50];
	_ =	sdelay $0x1  }
0x2e6: {  	v0 =	vor.u32 v38, v52;
	v1 =	vld.idx.msk [tilespmem:v3+s3+$0x0], $0xffff  }
0x2e7: {  	v16 =	vld.idx.msk [tilespmem:v22+s3+$0x0], $0xffff;
	_ =	sdelay $0x3  }
0x2e8: {  	v55 =	vor.u32 v38, v36;
	[tilespmem:v0+s13+$0x0] =	vst.idx.msk $0xffff, v1  }
0x2e9: {  	v58 =	vor.u32 v38, v34;
	[tilespmem:v9+s13+$0x0] =	vst.idx.msk $0xffff, v16  }
0x2ea: {  	v1 =	vld [tilespmem:$0x1FDC0];
	_ =	sdelay $0x2  }
0x2eb: {  	v63 =	vor.u32 v38, v45;
	v3 =	vld.idx.msk [tilespmem:v55+s3+$0x0], $0xffff  }
0x2ec: {  	v33 =	vor.u32 v38, v23;
	v35 =	vld.idx.msk [tilespmem:v58+s3+$0x0], $0xffff;
	_ =	sdelay $0x3  }
0x2ed: {  	v8 =	vld.idx.msk [tilespmem:v63+s3+$0x0], $0xffff;
	[tilespmem:v1+s13+$0x0] =	vst.idx.msk $0xffff, v3  }
0x2ee: {  	v63 =	vld [tilespmem:$0x1FFE0];
	[tilespmem:v33+s13+$0x0] =	vst.idx.msk $0xffff, v35  }
0x2ef: {  	v11 =	vld [tilespmem:$0x1FE20];
	_ =	sdelay $0x4  }
0x2f0: {  	v2 =	vor.u32 v14, v42  }
0x2f1: {  	v32 =	vor.u32 v14, v36  }
0x2f2: {  	[tilespmem:v48+s13+$0x0] =	vst.idx.msk $0xffff, v21  }
0x2f3: {  	v39 =	vor.u32 v14, v34;
	[tilespmem:v11+s13+$0x0] =	vst.idx.msk $0xffff, v8  }
0x2f4: {  	v11 =	vld [tilespmem:$0x1FD30]  }
0x2f5: {  	v0 =	vor.u32 v14, v52;
	v1 =	vld.idx.msk [tilespmem:v2+s3+$0x0], $0xffff  }
0x2f6: {  	v2 =	vor.u32 v14, v26;
	v4 =	vld.idx.msk [tilespmem:v32+s3+$0x0], $0xffff  }
0x2f7: {  	v41 =	vld.idx.msk [tilespmem:v44+s3+$0x0], $0xffff  }
0x2f8: {  	v44 =	vor.u32 v14, v23;
	v7 =	vld.idx.msk [tilespmem:v39+s3+$0x0], $0xffff;
	_ =	sdelay $0x1  }
0x2f9: {  	[tilespmem:v0+s13+$0x0] =	vst.idx.msk $0xffff, v1  }
0x2fa: {  	[tilespmem:v2+s13+$0x0] =	vst.idx.msk $0xffff, v4  }
0x2fb: {  	v40 =	vor.u32 v14, v45;
	[tilespmem:v11+s13+$0x0] =	vst.idx.msk $0xffff, v41  }
0x2fc: {  	v22 =	vld [tilespmem:$0x1FFF0];
	[tilespmem:v44+s13+$0x0] =	vst.idx.msk $0xffff, v7  }
0x2fd: {  	v54 =	vld [tilespmem:$0x1FE00];
	_ =	sdelay $0x2  }
0x2fe: {  	v9 =	vld.idx.msk [tilespmem:v40+s3+$0x0], $0xffff;
	_ =	sdelay $0x4  }
0x2ff: {  	[tilespmem:v54+s13+$0x0] =	vst.idx.msk $0xffff, v9  }
0x300: {  	v8 =	vld [tilespmem:$0x1FD80];
	_ =	sdelay $0x2  }
0x301: {  	v16 =	vld.idx.msk [tilespmem:v18+s3+$0x0], $0xffff;
	_ =	sdelay $0x3  }
0x302: {  	v3 =	vor.u32 v63, v42  }
0x303: {  	v46 =	vor.u32 v63, v36;
	[tilespmem:v8+s13+$0x0] =	vst.idx.msk $0xffff, v16  }
0x304: {  	v49 =	vor.u32 v63, v34;
	v58 =	vld [tilespmem:$0x1FDE0];
	_ =	sdelay $0x1  }
0x305: {  	v17 =	vld.idx.msk [tilespmem:v47+s3+$0x0], $0xffff  }
0x306: {  	v1 =	vld.idx.msk [tilespmem:v3+s3+$0x0], $0xffff  }
0x307: {  	v0 =	vor.u32 v63, v52;
	v4 =	vld.idx.msk [tilespmem:v46+s3+$0x0], $0xffff  }
0x308: {  	v3 =	vor.u32 v63, v26;
	v7 =	vld.idx.msk [tilespmem:v49+s3+$0x0], $0xffff  }
0x309: {  	v52 =	vor.u32 v63, v23;
	v9 =	vld [tilespmem:$0x1FD40];
	_ =	sdelay $0x1  }
0x30a: {  	[tilespmem:v58+s13+$0x0] =	vst.idx.msk $0xffff, v17  }
0x30b: {  	v11 =	vld [tilespmem:$0x1FE50];
	[tilespmem:v0+s13+$0x0] =	vst.idx.msk $0xffff, v1  }
0x30c: {  	v50 =	vor.u32 v63, v45;
	[tilespmem:v3+s13+$0x0] =	vst.idx.msk $0xffff, v4  }
0x30d: {  	[tilespmem:v52+s13+$0x0] =	vst.idx.msk $0xffff, v7  }
0x30e: {  	v5 =	vld [tilespmem:$0x1FE40];
	_ =	sdelay $0x1  }
0x30f: {  	v9 =	vld.idx.msk [tilespmem:v9+s3+$0x0], $0xffff  }
0x310: {  	v55 =	vld.idx.msk [tilespmem:v50+s3+$0x0], $0xffff;
	_ =	sdelay $0x3  }
0x311: {  	v4 =	vld [tilespmem:$0x1FDF0];
	[tilespmem:v25+s13+$0x0] =	vst.idx.msk $0xffff, v9  }
0x312: {  	[tilespmem:v5+s13+$0x0] =	vst.idx.msk $0xffff, v55  }
0x313: {  	v62 =	vld [tilespmem:$0x1FD60];
	_ =	sdelay $0x2  }
0x314: {  	v2 =	vor.u32 v22, v42;
	v16 =	vld.idx.msk [tilespmem:v11+s3+$0x0], $0xffff;
	_ =	sdelay $0x1  }
0x315: {  	v53 =	vor.u32 v22, v36;
	_ =	sdelay $0x2  }
0x316: {  	v0 =	vld.idx.msk [tilespmem:v2+s3+$0x0], $0xffff;
	[tilespmem:v62+s13+$0x0] =	vst.idx.msk $0xffff, v16  }
0x317: {  	v7 =	vld [tilespmem:$0x1FD90]  }
0x318: {  	v1 =	vor.u32 v22, v26;
	v2 =	vld.idx.msk [tilespmem:v53+s3+$0x0], $0xffff  }
0x319: {  	v3 =	vor.u32 v22, v23;
	v4 =	vld.idx.msk [tilespmem:v4+s3+$0x0], $0xffff;
	_ =	sdelay $0x3  }
0x31a: {  	[tilespmem:v1+s13+$0x0] =	vst.idx.msk $0xffff, v2  }
0x31b: {  	v60 =	vor.u32 v22, v45;
	[tilespmem:v3+s13+$0x0] =	vst.idx.msk $0xffff, v4  }
0x31c: {  	[tilespmem:v7+s13+$0x0] =	vst.idx.msk $0xffff, v0  }
0x31d: {  	v3 =	vld [tilespmem:$0x1FE10];
	_ =	sdelay $0x2  }
0x31e: {  	s19 =	simm.s32 $0x3;
	v5 =	vld.idx.msk [tilespmem:v60+s3+$0x0], $0xffff  }
0x31f: {  	s24 =	simm.s32 $0x0;
	v9 =	vmov s19  }
0x320: {  	v1 =	vmov s24;
	v0 =	vor.u32 $0x100, v9  }
0x321: {  	v2 =	vor.u32 $0x100, v1;
	_ =	sdelay $0x1  }
0x322: {  	[tilespmem:v3+s13+$0x0] =	vst.idx.msk $0xffff, v5  }
0x323: {  	[hbm4b:s6+s24] =	stream.linear.scatter [tilespmem:s13], [sflag:$0x2], $0x8000, $0x38;
	[tilespmem:$0x18A00] =	vst v63  }
0x324: {  	v0 =	vld.idx.msk [tilespmem:v0+s10+$0x0], $0xffff  }
0x325: {  	v2 =	vld.idx.msk [tilespmem:v2+s10+$0x0], $0xffff;
	_ =	sdelay $0x1  }
0x326: {  	s25 =	simm.s32 $0x2  }
0x327: {  	v3 =	vmov s25  }
0x328: {  	v49 =	vlaneseq.u32;
	v10 =	vor.u32 $0x100, v3  }
0x329: {  	v11 =	vshll.u32 v0, $0x8;
	v0 =	vshll.u32 v0, $0x7;
	v32 =	vshll.u32 v2, $0x8  }
0x32a: {  	v2 =	vshll.u32 v2, $0x7;
	v5 =	vand.u32 $0xFFFFF800, v11;
	v0 =	vand.u32 $0x380, v0  }
0x32b: {  	v2 =	vand.u32 $0x380, v2;
	v46 =	vor.u32 v0, v5;
	v0 =	vand.u32 $0xFFFFF800, v32  }
0x32c: {  	v5 =	vor.u32 v49, v46;
	v48 =	vor.u32 v2, v0  }
0x32d: {  	v34 =	vor.u32 v49, v48  }
0x32e: {  	v33 =	vshll.u32 v1, $0x8;
	v0 =	vshll.u32 v9, $0x7;
	v2 =	vshll.u32 v9, $0x8  }
0x32f: {  	v1 =	vshll.u32 v1, $0x7;
	v62 =	vld [tilespmem:$0x1FF10];
	v2 =	vand.u32 $0x7800, v2;
	v0 =	vand.u32 $0x380, v0  }
0x330: {  	s26 =	simm.s32 $0x1;
	v36 =	vand.u32 $0x7800, v33;
	v1 =	vand.u32 $0x200, v1;
	v4 =	vld.idx.msk [tilespmem:v10+s10+$0x0], $0xffff;
	v13 =	vor.u32 v0, v2  }
0x331: {  	v35 =	vmov s26;
	v9 =	vor.u32 v1, v36;
	v37 =	vor.u32 v49, v13;
	v2 =	vld.idx.msk [tilespmem:v5+s3+$0x0], $0xffff  }
0x332: {  	v16 =	vor.u32 v49, v9;
	v0 =	vor.u32 $0x100, v35;
	v6 =	vld.idx.msk [tilespmem:v34+s3+$0x0], $0xffff;
	_ =	sdelay $0x2  }
0x333: {  	v17 =	vshll.u32 v4, $0x8;
	v4 =	vshll.u32 v4, $0x7  }
0x334: {  	v39 =	vor.u32 v62, v46;
	v17 =	vand.u32 $0xFFFFF800, v17;
	v4 =	vand.u32 $0x380, v4;
	[tilespmem:v37+s14+$0x0] =	vst.idx.msk $0xffff, v2  }
0x335: {  	v18 =	vor.u32 v62, v48;
	v52 =	vor.u32 v4, v17;
	v17 =	vld.idx.msk [tilespmem:v0+s10+$0x0], $0xffff;
	[tilespmem:v16+s14+$0x0] =	vst.idx.msk $0xffff, v6  }
0x336: {  	v0 =	vshll.u32 v3, $0x7;
	v3 =	vshll.u32 v3, $0x8;
	v50 =	vld [tilespmem:$0x1FF20]  }
0x337: {  	v3 =	vand.u32 $0x7800, v3;
	v0 =	vand.u32 $0x300, v0;
	v2 =	vor.u32 v49, v52  }
0x338: {  	v53 =	vor.u32 v0, v3  }
0x339: {  	v41 =	vor.u32 v62, v13;
	v0 =	vor.u32 v22, v53;
	v10 =	vld.idx.msk [tilespmem:v39+s3+$0x0], $0xffff  }
0x33a: {  	v3 =	vor.u32 v62, v9;
	v16 =	vld.idx.msk [tilespmem:v18+s3+$0x0], $0xffff;
	[tilespmem:$0x1FAD0] =	vst v0;
	v0 =	vor.u32 v61, v13  }
0x33b: {  	[tilespmem:$0x1FC60] =	vst v0;
	v42 =	vor.u32 v50, v46  }
0x33c: {  	v60 =	vor.u32 v1, v33;
	v1 =	vor.u32 v49, v53;
	v2 =	vld.idx.msk [tilespmem:v2+s3+$0x0], $0xffff  }
0x33d: {  	v19 =	vshll.u32 v35, $0x8;
	v18 =	vor.u32 v50, v48  }
0x33e: {  	v40 =	vand.u32 $0x7800, v19;
	v8 =	vshll.u32 v35, $0x7;
	v44 =	vor.u32 v62, v52;
	[tilespmem:v41+s14+$0x0] =	vst.idx.msk $0xffff, v10  }
0x33f: {  	v20 =	vshll.u32 v17, $0x8;
	v17 =	vshll.u32 v17, $0x7;
	v0 =	vor.u32 v38, v13;
	[tilespmem:v3+s14+$0x0] =	vst.idx.msk $0xffff, v16  }
0x340: {  	v8 =	vand.u32 $0x280, v8;
	v47 =	vand.u32 $0x380, v17;
	v17 =	vor.u32 v50, v13;
	v6 =	vld.idx.msk [tilespmem:v42+s3+$0x0], $0xffff;
	[tilespmem:$0x1FC80] =	vst v0  }
0x341: {  	v16 =	vor.u32 v8, v40;
	v12 =	vld [tilespmem:$0x1FF30];
	v0 =	vor.u32 v22, v48;
	[tilespmem:v1+s14+$0x0] =	vst.idx.msk $0xffff, v2  }
0x342: {  	v58 =	vld.idx.msk [tilespmem:v18+s3+$0x0], $0xffff;
	[tilespmem:$0x1FAE0] =	vst v0;
	v0 =	vor.u32 v14, v16  }
0x343: {  	v54 =	vor.u32 v50, v9;
	[tilespmem:$0x1FAF0] =	vst v0;
	v0 =	vor.u32 v22, v16  }
0x344: {  	v2 =	vld.idx.msk [tilespmem:v44+s3+$0x0], $0xffff;
	[tilespmem:$0x1FB00] =	vst v0  }
0x345: {  	v0 =	vor.u32 v38, v16;
	[tilespmem:v17+s14+$0x0] =	vst.idx.msk $0xffff, v6  }
0x346: {  	v45 =	vand.u32 $0xFFFFF800, v20;
	[tilespmem:$0x1FB10] =	vst v0;
	v0 =	vor.u32 v61, v16  }
0x347: {  	v55 =	vor.u32 v47, v45;
	v3 =	vor.u32 v12, v46;
	[tilespmem:$0x1FC90] =	vst v0  }
0x348: {  	v18 =	vor.u32 v49, v55;
	[tilespmem:v54+s14+$0x0] =	vst.idx.msk $0xffff, v58  }
0x349: {  	v32 =	vor.u32 v12, v48;
	v11 =	vld [tilespmem:$0x1FF40]  }
0x34a: {  	v1 =	vor.u32 v62, v53  }
0x34b: {  	v33 =	vor.u32 v50, v52  }
0x34c: {  	v34 =	vor.u32 v12, v13;
	v0 =	vor.u32 v63, v16;
	v3 =	vld.idx.msk [tilespmem:v3+s3+$0x0], $0xffff  }
0x34d: {  	v8 =	vor.u32 v49, v16;
	v35 =	vld.idx.msk [tilespmem:v18+s3+$0x0], $0xffff;
	[tilespmem:$0x1FB20] =	vst v0  }
0x34e: {  	v18 =	vor.u32 v12, v9;
	v4 =	vld.idx.msk [tilespmem:v32+s3+$0x0], $0xffff;
	v36 =	vor.u32 v11, v46  }
0x34f: {  	v21 =	vor.u32 v62, v55;
	[tilespmem:v1+s14+$0x0] =	vst.idx.msk $0xffff, v2  }
0x350: {  	v1 =	vor.u32 v50, v53;
	v7 =	vld.idx.msk [tilespmem:v33+s3+$0x0], $0xffff  }
0x351: {  	[tilespmem:v34+s14+$0x0] =	vst.idx.msk $0xffff, v3;
	v23 =	vor.u32 v11, v48  }
0x352: {  	v24 =	vor.u32 v12, v52;
	[tilespmem:v8+s14+$0x0] =	vst.idx.msk $0xffff, v35  }
0x353: {  	v0 =	vor.u32 v61, v48;
	v37 =	vor.u32 v11, v13;
	[tilespmem:v18+s14+$0x0] =	vst.idx.msk $0xffff, v4;
	v6 =	vld.idx.msk [tilespmem:v36+s3+$0x0], $0xffff  }
0x354: {  	v40 =	vor.u32 v56, v46;
	v39 =	vor.u32 v62, v16;
	v8 =	vld.idx.msk [tilespmem:v21+s3+$0x0], $0xffff;
	[tilespmem:$0x1FC10] =	vst v0  }
0x355: {  	[tilespmem:v1+s14+$0x0] =	vst.idx.msk $0xffff, v7;
	v1 =	vor.u32 v50, v55  }
0x356: {  	v3 =	vor.u32 v11, v9;
	v21 =	vld.idx.msk [tilespmem:v23+s3+$0x0], $0xffff  }
0x357: {  	v28 =	vor.u32 v56, v48;
	v25 =	vor.u32 v12, v53;
	v29 =	vld.idx.msk [tilespmem:v24+s3+$0x0], $0xffff  }
0x358: {  	[tilespmem:v37+s14+$0x0] =	vst.idx.msk $0xffff, v6  }
0x359: {  	v44 =	vor.u32 v56, v13;
	v30 =	vor.u32 v11, v52;
	[tilespmem:v39+s14+$0x0] =	vst.idx.msk $0xffff, v8;
	v41 =	vld.idx.msk [tilespmem:v40+s3+$0x0], $0xffff  }
0x35a: {  	v45 =	vor.u32 v57, v46;
	v42 =	vor.u32 v50, v16;
	v1 =	vld.idx.msk [tilespmem:v1+s3+$0x0], $0xffff  }
0x35b: {  	v47 =	vor.u32 v12, v55;
	[tilespmem:v3+s14+$0x0] =	vst.idx.msk $0xffff, v21  }
0x35c: {  	v27 =	vor.u32 v56, v9;
	[tilespmem:v25+s14+$0x0] =	vst.idx.msk $0xffff, v29;
	v25 =	vld.idx.msk [tilespmem:v28+s3+$0x0], $0xffff  }
0x35d: {  	v31 =	vor.u32 v57, v48;
	v35 =	vor.u32 v12, v16;
	v2 =	vor.u32 v11, v55  }
0x35e: {  	v26 =	vor.u32 v11, v53;
	v34 =	vor.u32 v11, v16;
	v6 =	vld.idx.msk [tilespmem:v30+s3+$0x0], $0xffff;
	[tilespmem:v44+s14+$0x0] =	vst.idx.msk $0xffff, v41  }
0x35f: {  	v28 =	vor.u32 v56, v52;
	v30 =	vor.u32 v57, v13;
	[tilespmem:v42+s14+$0x0] =	vst.idx.msk $0xffff, v1;
	v8 =	vld.idx.msk [tilespmem:v45+s3+$0x0], $0xffff  }
0x360: {  	s28 =	simm.s32 $0x4;
	v4 =	vor.u32 v51, v13;
	v36 =	vor.u32 v43, v46;
	v0 =	vor.u32 v51, v48;
	v10 =	vld.idx.msk [tilespmem:v47+s3+$0x0], $0xffff  }
0x361: {  	s30 =	simm.s32 $0x6;
	v7 =	vor.u32 v56, v53;
	v39 =	vor.u32 v51, v46;
	v1 =	vmov s28;
	[tilespmem:v27+s14+$0x0] =	vst.idx.msk $0xffff, v25  }
0x362: {  	s29 =	simm.s32 $0x5;
	v3 =	vor.u32 v57, v9;
	v44 =	vmov s30;
	v27 =	vor.u32 $0x100, v1;
	v31 =	vld.idx.msk [tilespmem:v31+s3+$0x0], $0xffff  }
0x363: {  	v25 =	vmov s29;
	v45 =	vor.u32 $0x100, v44;
	v47 =	vshll.u32 v44, $0x7;
	[tilespmem:v26+s14+$0x0] =	vst.idx.msk $0xffff, v6  }
0x364: {  	v44 =	vshll.u32 v44, $0x8;
	v18 =	vor.u32 $0x100, v25;
	v6 =	vshll.u32 v25, $0x8;
	v28 =	vld.idx.msk [tilespmem:v28+s3+$0x0], $0xffff;
	[tilespmem:v30+s14+$0x0] =	vst.idx.msk $0xffff, v8  }
0x365: {  	s31 =	simm.s32 $0x7;
	[tilespmem:v35+s14+$0x0] =	vst.idx.msk $0xffff, v10;
	v10 =	vshll.u32 v25, $0x7;
	v25 =	vand.u32 $0x7800, v44;
	v44 =	vand.u32 $0x300, v47  }
0x366: {  	v40 =	vor.u32 v57, v52;
	v26 =	vmov s31;
	v39 =	vld.idx.msk [tilespmem:v39+s3+$0x0], $0xffff;
	v23 =	vor.u32 v44, v25  }
0x367: {  	v41 =	vshll.u32 v1, $0x8;
	v8 =	vor.u32 $0x100, v26;
	[tilespmem:v3+s14+$0x0] =	vst.idx.msk $0xffff, v31;
	v25 =	vor.u32 v22, v23  }
0x368: {  	v1 =	vshll.u32 v1, $0x7;
	v30 =	vshll.u32 v26, $0x7;
	v47 =	vld.idx.msk [tilespmem:v27+s10+$0x0], $0xffff;
	v26 =	vshll.u32 v26, $0x8;
	[tilespmem:$0x1FB30] =	vst v25  }
0x369: {  	v35 =	vand.u32 $0x7800, v26;
	v26 =	vand.u32 $0x380, v30;
	v25 =	vor.u32 v51, v23;
	[tilespmem:v7+s14+$0x0] =	vst.idx.msk $0xffff, v28  }
0x36a: {  	v42 =	vand.u32 $0x7800, v41;
	v1 =	vand.u32 $0x200, v1;
	v26 =	vor.u32 v26, v35;
	v2 =	vld.idx.msk [tilespmem:v2+s3+$0x0], $0xffff;
	[tilespmem:$0x1FB40] =	vst v25  }
0x36b: {  	v41 =	vor.u32 v1, v41;
	v30 =	vld.idx.msk [tilespmem:v0+s3+$0x0], $0xffff;
	[tilespmem:v4+s14+$0x0] =	vst.idx.msk $0xffff, v39;
	v0 =	vor.u32 v61, v26  }
0x36c: {  	v44 =	vor.u32 v1, v42;
	v1 =	vld.idx.msk [tilespmem:v8+s10+$0x0], $0xffff;
	[tilespmem:$0x1FB50] =	vst v0;
	v0 =	vor.u32 v38, v26  }
0x36d: {  	v32 =	vor.u32 v56, v55;
	[tilespmem:$0x1FB60] =	vst v0;
	v0 =	vor.u32 v63, v53  }
0x36e: {  	v9 =	vor.u32 v51, v9;
	v7 =	vld.idx.msk [tilespmem:v40+s3+$0x0], $0xffff;
	[tilespmem:$0x1FB70] =	vst v0;
	v0 =	vor.u32 v22, v13  }
0x36f: {  	v5 =	vor.u32 v43, v13;
	v33 =	vor.u32 v57, v53;
	v37 =	vor.u32 v43, v48;
	[tilespmem:$0x1FB80] =	vst v0  }
0x370: {  	v3 =	vand.u32 $0x280, v10;
	v28 =	vshll.u32 v47, $0x8;
	v10 =	vshll.u32 v47, $0x7;
	v31 =	vld.idx.msk [tilespmem:v36+s3+$0x0], $0xffff  }
0x371: {  	v35 =	vor.u32 v59, v46;
	v42 =	vand.u32 $0xFFFFF800, v28;
	v10 =	vand.u32 $0x380, v10;
	[tilespmem:v34+s14+$0x0] =	vst.idx.msk $0xffff, v2  }
0x372: {  	v17 =	vor.u32 v56, v16;
	v4 =	vor.u32 v51, v52;
	v34 =	vor.u32 v10, v42;
	v32 =	vld.idx.msk [tilespmem:v32+s3+$0x0], $0xffff  }
0x373: {  	[tilespmem:v9+s14+$0x0] =	vst.idx.msk $0xffff, v30;
	v30 =	vor.u32 v49, v34;
	v25 =	vor.u32 v22, v34  }
0x374: {  	v6 =	vand.u32 $0x7800, v6;
	v47 =	vshll.u32 v1, $0x8;
	v1 =	vshll.u32 v1, $0x7;
	[tilespmem:$0x1FB90] =	vst v25  }
0x375: {  	v2 =	vor.u32 v57, v55;
	v40 =	vand.u32 $0xFFFFF800, v47;
	v1 =	vand.u32 $0x380, v1;
	v42 =	vld.idx.msk [tilespmem:v37+s3+$0x0], $0xffff;
	[tilespmem:v5+s14+$0x0] =	vst.idx.msk $0xffff, v31  }
0x376: {  	v36 =	vor.u32 v1, v40;
	[tilespmem:v33+s14+$0x0] =	vst.idx.msk $0xffff, v7;
	v1 =	vld.idx.msk [tilespmem:v35+s3+$0x0], $0xffff;
	v35 =	vor.u32 v3, v6  }
0x377: {  	v4 =	vld.idx.msk [tilespmem:v4+s3+$0x0], $0xffff;
	[tilespmem:v17+s14+$0x0] =	vst.idx.msk $0xffff, v32;
	v17 =	vor.u32 v14, v35  }
0x378: {  	v19 =	vor.u32 v51, v53;
	v6 =	vld.idx.msk [tilespmem:v30+s3+$0x0], $0xffff;
	[tilespmem:$0x1FBA0] =	vst v17;
	v17 =	vor.u32 v22, v35  }
0x379: {  	v29 =	vor.u32 v43, v60;
	[tilespmem:$0x1FBB0] =	vst v17;
	v17 =	vor.u32 v38, v35  }
0x37a: {  	[tilespmem:$0x1FBC0] =	vst v17;
	v17 =	vor.u32 v61, v35  }
0x37b: {  	v31 =	vor.u32 v43, v52;
	v2 =	vld.idx.msk [tilespmem:v2+s3+$0x0], $0xffff;
	[tilespmem:$0x1FBD0] =	vst v17;
	v17 =	vor.u32 v63, v35  }
0x37c: {  	v54 =	vor.u32 v57, v16;
	v24 =	vor.u32 v59, v13;
	v3 =	vor.u32 v49, v36;
	[tilespmem:$0x1FBE0] =	vst v17  }
0x37d: {  	v9 =	vor.u32 v59, v48;
	v47 =	vor.u32 v49, v44;
	[tilespmem:v19+s14+$0x0] =	vst.idx.msk $0xffff, v4  }
0x37e: {  	v39 =	vor.u32 v62, v34;
	[tilespmem:v29+s14+$0x0] =	vst.idx.msk $0xffff, v42;
	v42 =	vor.u32 v22, v55  }
0x37f: {  	v40 =	vld.idx.msk [tilespmem:v45+s10+$0x0], $0xffff;
	[tilespmem:$0x1FBF0] =	vst v42  }
0x380: {  	v20 =	vor.u32 v43, v53;
	v10 =	vld.idx.msk [tilespmem:v31+s3+$0x0], $0xffff  }
0x381: {  	v33 =	vor.u32 v15, v46;
	v19 =	vor.u32 v49, v26;
	v3 =	vld.idx.msk [tilespmem:v3+s3+$0x0], $0xffff;
	[tilespmem:v24+s14+$0x0] =	vst.idx.msk $0xffff, v1  }
0x382: {  	v58 =	vor.u32 v59, v52;
	v21 =	vor.u32 v59, v60;
	v1 =	vld.idx.msk [tilespmem:v9+s3+$0x0], $0xffff;
	[tilespmem:v47+s14+$0x0] =	vst.idx.msk $0xffff, v6  }
0x383: {  	[tilespmem:v54+s14+$0x0] =	vst.idx.msk $0xffff, v2;
	v2 =	vor.u32 v62, v44;
	v17 =	vld.idx.msk [tilespmem:v39+s3+$0x0], $0xffff  }
0x384: {  	v8 =	vor.u32 v15, v48;
	v7 =	vor.u32 v51, v55  }
0x385: {  	v30 =	vor.u32 v62, v36;
	v45 =	vshll.u32 v40, $0x8;
	v37 =	vshll.u32 v40, $0x7;
	[tilespmem:v20+s14+$0x0] =	vst.idx.msk $0xffff, v10  }
0x386: {  	v5 =	vor.u32 v50, v34;
	v32 =	vld.idx.msk [tilespmem:v33+s3+$0x0], $0xffff;
	v33 =	vand.u32 $0xFFFFF800, v45;
	v37 =	vand.u32 $0x380, v37;
	[tilespmem:v19+s14+$0x0] =	vst.idx.msk $0xffff, v3  }
0x387: {  	v29 =	vor.u32 v59, v53;
	v42 =	vor.u32 v37, v33;
	[tilespmem:v21+s14+$0x0] =	vst.idx.msk $0xffff, v1;
	v20 =	vld.idx.msk [tilespmem:v58+s3+$0x0], $0xffff  }
0x388: {  	v47 =	vor.u32 v15, v13;
	v18 =	vld.idx.msk [tilespmem:v18+s10+$0x0], $0xffff;
	[tilespmem:v2+s14+$0x0] =	vst.idx.msk $0xffff, v17;
	v2 =	vor.u32 v59, v42  }
0x389: {  	v9 =	vor.u32 v51, v16;
	v7 =	vld.idx.msk [tilespmem:v7+s3+$0x0], $0xffff;
	[tilespmem:$0x1FC00] =	vst v2  }
0x38a: {  	v21 =	vor.u32 v62, v26;
	v17 =	vld.idx.msk [tilespmem:v30+s3+$0x0], $0xffff  }
0x38b: {  	v0 =	vor.u32 v15, v60;
	v8 =	vld.idx.msk [tilespmem:v8+s3+$0x0], $0xffff  }
0x38c: {  	v5 =	vld.idx.msk [tilespmem:v5+s3+$0x0], $0xffff;
	[tilespmem:v29+s14+$0x0] =	vst.idx.msk $0xffff, v20;
	v20 =	vor.u32 v50, v44  }
0x38d: {  	[tilespmem:v47+s14+$0x0] =	vst.idx.msk $0xffff, v32  }
0x38e: {  	[tilespmem:v9+s14+$0x0] =	vst.idx.msk $0xffff, v7  }
0x38f: {  	v19 =	vor.u32 v49, v42;
	[tilespmem:v21+s14+$0x0] =	vst.idx.msk $0xffff, v17  }
0x390: {  	v29 =	vshll.u32 v18, $0x8;
	v18 =	vshll.u32 v18, $0x7;
	[tilespmem:v0+s14+$0x0] =	vst.idx.msk $0xffff, v8  }
0x391: {  	v54 =	vand.u32 $0xFFFFF800, v29;
	v18 =	vand.u32 $0x380, v18;
	[tilespmem:v20+s14+$0x0] =	vst.idx.msk $0xffff, v5  }
0x392: {  	v3 =	vor.u32 v15, v52;
	v45 =	vor.u32 v18, v54;
	v18 =	vld [tilespmem:$0x1FC10]  }
0x393: {  	v6 =	vor.u32 v43, v55  }
0x394: {  	v4 =	vor.u32 v49, v23;
	v30 =	vor.u32 v50, v36;
	v19 =	vld.idx.msk [tilespmem:v19+s3+$0x0], $0xffff;
	_ =	sdelay $0x2  }
0x395: {  	v39 =	vor.u32 v15, v53;
	v3 =	vld.idx.msk [tilespmem:v3+s3+$0x0], $0xffff  }
0x396: {  	v40 =	vor.u32 v57, v35;
	v7 =	vor.u32 v61, v46;
	v6 =	vld.idx.msk [tilespmem:v6+s3+$0x0], $0xffff  }
0x397: {  	v2 =	vor.u32 v62, v42;
	v30 =	vld.idx.msk [tilespmem:v30+s3+$0x0], $0xffff;
	v37 =	vor.u32 v11, v45;
	[tilespmem:v4+s14+$0x0] =	vst.idx.msk $0xffff, v19  }
0x398: {  	v29 =	vor.u32 v43, v16;
	v21 =	vor.u32 v49, v45;
	v18 =	vld.idx.msk [tilespmem:v18+s3+$0x0], $0xffff;
	[tilespmem:$0x1FC20] =	vst v37  }
0x399: {  	v31 =	vor.u32 v61, v60;
	v58 =	vor.u32 v12, v34;
	v0 =	vor.u32 v50, v26;
	[tilespmem:$0x1FC30] =	vst v40  }
0x39a: {  	v20 =	vor.u32 v12, v36;
	[tilespmem:v39+s14+$0x0] =	vst.idx.msk $0xffff, v3;
	v3 =	vor.u32 v14, v60  }
0x39b: {  	v4 =	vld.idx.msk [tilespmem:v7+s3+$0x0], $0xffff;
	[tilespmem:$0x1FC40] =	vst v3  }
0x39c: {  	v2 =	vld.idx.msk [tilespmem:v2+s3+$0x0], $0xffff  }
0x39d: {  	v3 =	vld.idx.msk [tilespmem:v21+s3+$0x0], $0xffff;
	[tilespmem:v29+s14+$0x0] =	vst.idx.msk $0xffff, v6  }
0x39e: {  	[tilespmem:v0+s14+$0x0] =	vst.idx.msk $0xffff, v30;
	v8 =	vld.idx.msk [tilespmem:v58+s3+$0x0], $0xffff  }
0x39f: {  	v0 =	vor.u32 v22, v52;
	v20 =	vld.idx.msk [tilespmem:v20+s3+$0x0], $0xffff;
	[tilespmem:v31+s14+$0x0] =	vst.idx.msk $0xffff, v18  }
0x3a0: {  	v1 =	vor.u32 v62, v23;
	[tilespmem:$0x1FC50] =	vst v0;
	v0 =	vld [tilespmem:$0x1FC60]  }
0x3a1: {  	v28 =	vor.u32 v61, v52;
	v54 =	vor.u32 v49, v35  }
0x3a2: {  	v17 =	vor.u32 v59, v55;
	v21 =	vor.u32 v12, v44  }
0x3a3: {  	v27 =	vor.u32 v15, v16;
	v47 =	vor.u32 v59, v16;
	v16 =	vor.u32 v50, v42  }
0x3a4: {  	v10 =	vor.u32 v38, v48  }
0x3a5: {  	v18 =	vor.u32 v12, v26;
	[tilespmem:v1+s14+$0x0] =	vst.idx.msk $0xffff, v2  }
0x3a6: {  	v33 =	vor.u32 v61, v53;
	v58 =	vld.idx.msk [tilespmem:v28+s3+$0x0], $0xffff;
	[tilespmem:v54+s14+$0x0] =	vst.idx.msk $0xffff, v3  }
0x3a7: {  	v2 =	vld.idx.msk [tilespmem:v17+s3+$0x0], $0xffff;
	[tilespmem:v21+s14+$0x0] =	vst.idx.msk $0xffff, v8  }
0x3a8: {  	v5 =	vor.u32 v50, v23;
	v21 =	vor.u32 v63, v60;
	v37 =	vld.idx.msk [tilespmem:v16+s3+$0x0], $0xffff;
	[tilespmem:v0+s14+$0x0] =	vst.idx.msk $0xffff, v4  }
0x3a9: {  	v9 =	vor.u32 v38, v60;
	v10 =	vld.idx.msk [tilespmem:v10+s3+$0x0], $0xffff;
	[tilespmem:$0x1FC70] =	vst v21  }
0x3aa: {  	[tilespmem:v18+s14+$0x0] =	vst.idx.msk $0xffff, v20  }
0x3ab: {  	v3 =	vor.u32 v62, v45;
	[tilespmem:v33+s14+$0x0] =	vst.idx.msk $0xffff, v58  }
0x3ac: {  	v0 =	vor.u32 v11, v36;
	[tilespmem:v47+s14+$0x0] =	vst.idx.msk $0xffff, v2  }
0x3ad: {  	v19 =	vor.u32 v15, v55;
	v15 =	vor.u32 v38, v46;
	[tilespmem:v5+s14+$0x0] =	vst.idx.msk $0xffff, v37  }
0x3ae: {  	[tilespmem:v9+s14+$0x0] =	vst.idx.msk $0xffff, v10  }
0x3af: {  	v16 =	vor.u32 v11, v34;
	v10 =	vld [tilespmem:$0x1FC80]  }
0x3b0: {  	v40 =	vor.u32 v12, v42;
	v54 =	vor.u32 v62, v35;
	v3 =	vld.idx.msk [tilespmem:v3+s3+$0x0], $0xffff  }
0x3b1: {  	v39 =	vor.u32 v11, v26;
	v17 =	vor.u32 v38, v52;
	v0 =	vld.idx.msk [tilespmem:v0+s3+$0x0], $0xffff  }
0x3b2: {  	v21 =	vld.idx.msk [tilespmem:v15+s3+$0x0], $0xffff;
	_ =	sdelay $0x1  }
0x3b3: {  	v32 =	vor.u32 v56, v36;
	v58 =	vld.idx.msk [tilespmem:v16+s3+$0x0], $0xffff  }
0x3b4: {  	v24 =	vor.u32 v14, v46;
	v20 =	vor.u32 v11, v44;
	[tilespmem:v54+s14+$0x0] =	vst.idx.msk $0xffff, v3;
	v3 =	vld.idx.msk [tilespmem:v40+s3+$0x0], $0xffff  }
0x3b5: {  	v30 =	vor.u32 v12, v23;
	[tilespmem:v39+s14+$0x0] =	vst.idx.msk $0xffff, v0;
	v0 =	vld.idx.msk [tilespmem:v17+s3+$0x0], $0xffff;
	v17 =	vor.u32 v56, v34  }
0x3b6: {  	v33 =	vor.u32 v50, v45;
	[tilespmem:v10+s14+$0x0] =	vst.idx.msk $0xffff, v21;
	v21 =	vld.idx.msk [tilespmem:v19+s3+$0x0], $0xffff  }
0x3b7: {  	v31 =	vor.u32 v61, v55;
	v8 =	vor.u32 v38, v53  }
0x3b8: {  	v4 =	vor.u32 v63, v46;
	v39 =	vor.u32 v56, v26;
	v19 =	vor.u32 v38, v55;
	v38 =	vld.idx.msk [tilespmem:v32+s3+$0x0], $0xffff  }
0x3b9: {  	v2 =	vor.u32 v14, v13;
	v18 =	vor.u32 v61, v34;
	[tilespmem:v20+s14+$0x0] =	vst.idx.msk $0xffff, v58;
	v37 =	vld.idx.msk [tilespmem:v24+s3+$0x0], $0xffff  }
0x3ba: {  	v61 =	vor.u32 v22, v46;
	v5 =	vor.u32 v56, v44;
	[tilespmem:v30+s14+$0x0] =	vst.idx.msk $0xffff, v3;
	v46 =	vld.idx.msk [tilespmem:v17+s3+$0x0], $0xffff  }
0x3bb: {  	v10 =	vld.idx.msk [tilespmem:v33+s3+$0x0], $0xffff;
	[tilespmem:v27+s14+$0x0] =	vst.idx.msk $0xffff, v21;
	v21 =	vor.u32 v50, v35  }
0x3bc: {  	[tilespmem:v8+s14+$0x0] =	vst.idx.msk $0xffff, v0  }
0x3bd: {  	v49 =	vor.u32 v22, v60;
	v1 =	vor.u32 v14, v48;
	[tilespmem:v39+s14+$0x0] =	vst.idx.msk $0xffff, v38  }
0x3be: {  	v29 =	vor.u32 v11, v23;
	v40 =	vor.u32 v11, v42;
	[tilespmem:v2+s14+$0x0] =	vst.idx.msk $0xffff, v37  }
0x3bf: {  	v28 =	vor.u32 v56, v23;
	v60 =	vor.u32 v63, v13;
	[tilespmem:v5+s14+$0x0] =	vst.idx.msk $0xffff, v46  }
0x3c0: {  	v15 =	vor.u32 v14, v52;
	v16 =	vor.u32 v63, v52;
	[tilespmem:v21+s14+$0x0] =	vst.idx.msk $0xffff, v10  }
0x3c1: {  	v52 =	vor.u32 v59, v26;
	v3 =	vor.u32 v57, v36;
	v50 =	vor.u32 v59, v41;
	v59 =	vld [tilespmem:$0x1FC90]  }
0x3c2: {  	v62 =	vor.u32 v63, v55;
	v47 =	vor.u32 v63, v48;
	v48 =	vor.u32 v56, v35;
	v17 =	vld.idx.msk [tilespmem:v1+s3+$0x0], $0xffff  }
0x3c3: {  	v13 =	vmov v41;
	v22 =	vor.u32 v14, v55;
	v58 =	vor.u32 v57, v34;
	v1 =	vld.idx.msk [tilespmem:v40+s3+$0x0], $0xffff  }
0x3c4: {  	v63 =	vor.u32 v56, v42;
	v20 =	vor.u32 v14, v53;
	v31 =	vld.idx.msk [tilespmem:v31+s3+$0x0], $0xffff;
	v2 =	vor.u32 v12, v45  }
0x3c5: {  	v14 =	vor.u32 v43, v26;
	v54 =	vor.u32 v51, v34;
	v55 =	vor.u32 v57, v44;
	v53 =	vld.idx.msk [tilespmem:v15+s3+$0x0], $0xffff  }
0x3c6: {  	v32 =	vor.u32 v51, v26;
	v33 =	vor.u32 v43, v36;
	v24 =	vor.u32 v57, v23;
	v39 =	vld.idx.msk [tilespmem:v3+s3+$0x0], $0xffff  }
0x3c7: {  	v30 =	vor.u32 v51, v44;
	v0 =	vor.u32 v43, v23;
	v40 =	vor.u32 v12, v35;
	v21 =	vld.idx.msk [tilespmem:v4+s3+$0x0], $0xffff  }
0x3c8: {  	v37 =	vor.u32 v11, v35;
	v46 =	vor.u32 v43, v41;
	v41 =	vor.u32 v57, v26;
	v38 =	vld.idx.msk [tilespmem:v58+s3+$0x0], $0xffff  }
0x3c9: {  	s19 =	simm.s32 $0x8;
	v2 =	vld.idx.msk [tilespmem:v2+s3+$0x0], $0xffff;
	[tilespmem:v59+s14+$0x0] =	vst.idx.msk $0xffff, v31;
	v31 =	vor.u32 v43, v34;
	v43 =	vor.u32 v51, v36  }
.LBB2_6:
0x3ca: {  	v11 =	vld [tilespmem:$0x1FB60];
	_ =	sdelay $0x4  }
0x3cb: {  	v8 =	vmov v11;
	v11 =	vld [tilespmem:$0x1FC40];
	_ =	sdelay $0x5  }
0x3cc: {  	v57 =	vld [tilespmem:$0x1FF50]  }
0x3cd: {  	v58 =	vld [tilespmem:$0x1FF60];
	[tilespmem:v20+s14+$0x0] =	vst.idx.msk $0xffff, v53  }
0x3ce: {  	v20 =	vmov v34;
	v34 =	vld [tilespmem:$0x1FBD0];
	[tilespmem:v11+s14+$0x0] =	vst.idx.msk $0xffff, v17  }
0x3cf: {  	[tilespmem:$0x1FA60] =	vst v18;
	v18 =	vld.idx.msk [tilespmem:v47+s3+$0x0], $0xffff  }
0x3d0: {  	v47 =	vld [tilespmem:$0x1FC20]  }
0x3d1: {  	[tilespmem:v55+s14+$0x0] =	vst.idx.msk $0xffff, v38;
	v55 =	vld [tilespmem:$0x1FB10]  }
0x3d2: {  	v7 =	vld [tilespmem:$0x1FB50]  }
0x3d3: {  	v6 =	vld.idx.msk [tilespmem:v19+s3+$0x0], $0xffff;
	[tilespmem:v41+s14+$0x0] =	vst.idx.msk $0xffff, v39  }
0x3d4: {  	v59 =	vmov v62;
	v62 =	vmov v13;
	v13 =	vld [tilespmem:$0x1FAF0];
	[tilespmem:v40+s14+$0x0] =	vst.idx.msk $0xffff, v2  }
0x3d5: {  	[tilespmem:v29+s14+$0x0] =	vst.idx.msk $0xffff, v1;
	v2 =	vld.idx.msk [tilespmem:v43+s3+$0x0], $0xffff  }
0x3d6: {  	v1 =	vld.idx.msk [tilespmem:v16+s3+$0x0], $0xffff;
	v12 =	vmov v34  }
0x3d7: {  	v9 =	vmov v7;
	[tilespmem:$0x1FAC0] =	vst v12;
	v12 =	vld [tilespmem:$0x1FBE0]  }
0x3d8: {  	s20 =	sadd.s32 $0x1, s19;
	s21 =	smov.u32 s19;
	[tilespmem:$0x1FA70] =	vst v9;
	v38 =	vld.idx.msk [tilespmem:v47+s3+$0x0], $0xffff  }
0x3d9: {  	s31 =	sadd.s32 $0x3, s21;
	v9 =	vmov s20;
	[tilespmem:v55+s14+$0x0] =	vst.idx.msk $0xffff, v6;
	v55 =	vld [tilespmem:$0x1FB70]  }
0x3da: {  	v56 =	vmov v26;
	v26 =	vld.idx.msk [tilespmem:v63+s3+$0x0], $0xffff;
	v27 =	vshll.u32 v9, $0x8;
	v34 =	vmov s31  }
0x3db: {  	v16 =	vmov v36;
	v36 =	vld [tilespmem:$0x1FB20];
	v39 =	vand.u32 $0x7800, v27;
	v27 =	vor.u32 $0x100, v34  }
0x3dc: {  	v5 =	vor.u32 v58, v42;
	v17 =	vmov v42;
	v42 =	vld [tilespmem:$0x1FBC0]  }
0x3dd: {  	v3 =	vmov s19;
	v4 =	vor.u32 v57, v45;
	[tilespmem:$0x1FA80] =	vst v8;
	v41 =	vmov v12;
	v12 =	vld [tilespmem:$0x1FFC0]  }
0x3de: {  	v7 =	vor.u32 $0x100, v3;
	v8 =	vshll.u32 v3, $0x8;
	v3 =	vshll.u32 v3, $0x7;
	[tilespmem:$0x1FB20] =	vst v41;
	v41 =	vld.idx.msk [tilespmem:v54+s3+$0x0], $0xffff  }
0x3df: {  	v10 =	vand.u32 $0x7800, v8;
	v3 =	vand.u32 $0x200, v3;
	v22 =	vld.idx.msk [tilespmem:v22+s3+$0x0], $0xffff  }
0x3e0: {  	v54 =	vor.u32 v3, v10;
	v10 =	vld.idx.msk [tilespmem:v27+s10+$0x0], $0xffff;
	[tilespmem:v37+s14+$0x0] =	vst.idx.msk $0xffff, v38  }
0x3e1: {  	[tilespmem:v55+s14+$0x0] =	vst.idx.msk $0xffff, v1;
	v55 =	vld [tilespmem:$0x1FFB0]  }
0x3e2: {  	v51 =	vmov v36;
	v36 =	vshll.u32 v34, $0x7;
	v4 =	vld.idx.msk [tilespmem:v4+s3+$0x0], $0xffff  }
0x3e3: {  	v34 =	vshll.u32 v34, $0x8;
	[tilespmem:v28+s14+$0x0] =	vst.idx.msk $0xffff, v26;
	v26 =	vand.u32 $0x380, v36;
	v36 =	vld [tilespmem:$0x1FC70]  }
0x3e4: {  	v19 =	vmov v60;
	v6 =	vand.u32 $0x7800, v34;
	[tilespmem:v13+s14+$0x0] =	vst.idx.msk $0xffff, v22;
	v13 =	vld [tilespmem:$0x1FF90]  }
0x3e5: {  	[tilespmem:v32+s14+$0x0] =	vst.idx.msk $0xffff, v2;
	v2 =	vor.u32 v3, v8;
	v43 =	vmov v42;
	v42 =	vld [tilespmem:$0x1FC50];
	v26 =	vor.u32 v26, v6  }
0x3e6: {  	[tilespmem:$0x1FAB0] =	vst v2;
	v2 =	vor.u32 v55, v26  }
0x3e7: {  	v60 =	vld [tilespmem:$0x1FFF0];
	[tilespmem:$0x1FB50] =	vst v2;
	v2 =	vor.u32 v12, v26  }
0x3e8: {  	s30 =	sadd.s32 $0x2, s21;
	[tilespmem:$0x1FB60] =	vst v2;
	v2 =	vld.idx.msk [tilespmem:v33+s3+$0x0], $0xffff  }
0x3e9: {  	v25 =	vmov s30;
	v5 =	vld.idx.msk [tilespmem:v5+s3+$0x0], $0xffff;
	[tilespmem:v19+s14+$0x0] =	vst.idx.msk $0xffff, v21;
	v21 =	vor.u32 v13, v16  }
0x3ea: {  	v44 =	vor.u32 $0x100, v25;
	v40 =	vshll.u32 v25, $0x7;
	v37 =	vld.idx.msk [tilespmem:v59+s3+$0x0], $0xffff  }
0x3eb: {  	v25 =	vshll.u32 v25, $0x8;
	v29 =	vor.u32 $0x100, v9;
	v9 =	vshll.u32 v9, $0x7;
	v1 =	vld.idx.msk [tilespmem:v7+s10+$0x0], $0xffff;
	[tilespmem:v36+s14+$0x0] =	vst.idx.msk $0xffff, v18  }
0x3ec: {  	v63 =	vmov v45;
	v45 =	vand.u32 $0x7800, v25;
	v25 =	vld [tilespmem:$0x1FBA0];
	v9 =	vand.u32 $0x280, v9;
	[tilespmem:v30+s14+$0x0] =	vst.idx.msk $0xffff, v41  }
0x3ed: {  	v6 =	vld.idx.msk [tilespmem:v42+s3+$0x0], $0xffff;
	v30 =	vor.u32 v9, v39;
	[tilespmem:v14+s14+$0x0] =	vst.idx.msk $0xffff, v2  }
0x3ee: {  	[tilespmem:v24+s14+$0x0] =	vst.idx.msk $0xffff, v5;
	v24 =	vld.idx.msk [tilespmem:v21+s3+$0x0], $0xffff;
	v21 =	vor.u32 v12, v30  }
0x3ef: {  	[tilespmem:$0x1FBC0] =	vst v21;
	v21 =	vld [tilespmem:$0x1FB80]  }
0x3f0: {  	[tilespmem:v51+s14+$0x0] =	vst.idx.msk $0xffff, v37;
	v14 =	vld [tilespmem:$0x1FB90]  }
0x3f1: {  	[tilespmem:v48+s14+$0x0] =	vst.idx.msk $0xffff, v4;
	v48 =	vld [tilespmem:$0x1FB30]  }
0x3f2: {  	[tilespmem:$0x1FB10] =	vst v43;
	v43 =	vshll.u32 v1, $0x8;
	v1 =	vshll.u32 v1, $0x7;
	v41 =	vld.idx.msk [tilespmem:v61+s3+$0x0], $0xffff  }
0x3f3: {  	v15 =	vld [tilespmem:$0x1FFE0];
	v32 =	vand.u32 $0xFFFFF800, v43;
	v1 =	vand.u32 $0x380, v1  }
0x3f4: {  	v11 =	vld [tilespmem:$0x1FFA0];
	v34 =	vor.u32 v1, v32;
	v18 =	vmov v25  }
0x3f5: {  	v27 =	vld [tilespmem:$0x1FF70];
	[tilespmem:$0x1FAF0] =	vst v18;
	v2 =	vmov v14;
	v14 =	vor.u32 v60, v34  }
0x3f6: {  	[tilespmem:$0x1FB90] =	vst v14;
	v14 =	vld [tilespmem:$0x1FAD0]  }
0x3f7: {  	[tilespmem:v21+s14+$0x0] =	vst.idx.msk $0xffff, v41;
	v21 =	vmov v48  }
0x3f8: {  	[tilespmem:$0x1FAD0] =	vst v21;
	v21 =	vor.u32 v55, v30  }
0x3f9: {  	v53 =	vmov v23;
	v47 =	vand.u32 $0x300, v40;
	[tilespmem:$0x1FBD0] =	vst v21;
	v21 =	vor.u32 v15, v30  }
0x3fa: {  	v3 =	vor.u32 v27, v17;
	v23 =	vor.u32 v47, v45;
	v47 =	vld [tilespmem:$0x1FBF0];
	[tilespmem:$0x1FBE0] =	vst v21;
	v21 =	vor.u32 v60, v63  }
0x3fb: {  	v18 =	vld [tilespmem:$0x1FAE0];
	[tilespmem:$0x1FBF0] =	vst v21;
	v21 =	vor.u32 v11, v35  }
0x3fc: {  	[tilespmem:$0x1FAA0] =	vst v21;
	v21 =	vld [tilespmem:$0x1FB40]  }
0x3fd: {  	v59 =	vld [tilespmem:$0x1FF80]  }
0x3fe: {  	[tilespmem:v14+s14+$0x0] =	vst.idx.msk $0xffff, v6;
	v14 =	vld [tilespmem:$0x1FFD0]  }
0x3ff: {  	v3 =	vld.idx.msk [tilespmem:v3+s3+$0x0], $0xffff;
	_ =	sdelay $0x1  }
0x400: {  	v40 =	vor.u32 v15, v53  }
0x401: {  	[tilespmem:$0x1FB70] =	vst v40;
	v5 =	vor.u32 v59, v17;
	v31 =	vld.idx.msk [tilespmem:v31+s3+$0x0], $0xffff  }
0x402: {  	v40 =	vld.idx.msk [tilespmem:v18+s3+$0x0], $0xffff;
	[tilespmem:$0x1FAE0] =	vst v2  }
0x403: {  	v18 =	vlaneseq.u32;
	v51 =	vld.idx.msk [tilespmem:v44+s10+$0x0], $0xffff;
	[tilespmem:v21+s14+$0x0] =	vst.idx.msk $0xffff, v3;
	v21 =	vor.u32 v14, v16  }
0x404: {  	v1 =	vshll.u32 v10, $0x8;
	v10 =	vshll.u32 v10, $0x7;
	v2 =	vor.u32 v18, v34;
	[tilespmem:$0x1FA90] =	vst v21;
	v21 =	vld [tilespmem:$0x1FB00]  }
0x405: {  	v33 =	vor.u32 v58, v63;
	v1 =	vand.u32 $0xFFFFF800, v1;
	v10 =	vand.u32 $0x380, v10;
	v25 =	vld [tilespmem:$0x1FF10]  }
0x406: {  	v36 =	vor.u32 v10, v1;
	v3 =	vld.idx.msk [tilespmem:v5+s3+$0x0], $0xffff  }
0x407: {  	v4 =	vld.idx.msk [tilespmem:v47+s3+$0x0], $0xffff;
	v6 =	vor.u32 v18, v36  }
0x408: {  	v61 =	vld [tilespmem:$0x1FF20]  }
0x409: {  	v38 =	vor.u32 v13, v20;
	v37 =	vor.u32 v18, v54;
	v2 =	vld.idx.msk [tilespmem:v2+s3+$0x0], $0xffff;
	[tilespmem:v46+s14+$0x0] =	vst.idx.msk $0xffff, v31  }
0x40a: {  	v32 =	vor.u32 v25, v34;
	v31 =	vld.idx.msk [tilespmem:v33+s3+$0x0], $0xffff;
	[tilespmem:v49+s14+$0x0] =	vst.idx.msk $0xffff, v40  }
0x40b: {  	v7 =	vor.u32 v60, v23;
	v42 =	vor.u32 v11, v16;
	[tilespmem:v0+s14+$0x0] =	vst.idx.msk $0xffff, v3;
	v3 =	vld [tilespmem:$0x1FC00]  }
0x40c: {  	v40 =	vor.u32 v18, v26;
	v6 =	vld.idx.msk [tilespmem:v6+s3+$0x0], $0xffff;
	[tilespmem:v21+s14+$0x0] =	vst.idx.msk $0xffff, v4;
	v21 =	vmov v7  }
0x40d: {  	v10 =	vor.u32 v25, v36;
	[tilespmem:$0x1FB30] =	vst v21;
	v21 =	vld [tilespmem:$0x1FC30]  }
0x40e: {  	v4 =	vld.idx.msk [tilespmem:v38+s3+$0x0], $0xffff;
	[tilespmem:v37+s14+$0x0] =	vst.idx.msk $0xffff, v2  }
0x40f: {  	v8 =	vor.u32 v11, v20;
	[tilespmem:v52+s14+$0x0] =	vst.idx.msk $0xffff, v24;
	v2 =	vor.u32 v25, v54;
	v52 =	vld.idx.msk [tilespmem:v32+s3+$0x0], $0xffff  }
0x410: {  	v1 =	vor.u32 v27, v63;
	v49 =	vshll.u32 v51, $0x8;
	v33 =	vshll.u32 v51, $0x7  }
0x411: {  	v9 =	vor.u32 v14, v30;
	v47 =	vld.idx.msk [tilespmem:v42+s3+$0x0], $0xffff;
	v33 =	vand.u32 $0x380, v33;
	[tilespmem:v40+s14+$0x0] =	vst.idx.msk $0xffff, v6;
	v32 =	vand.u32 $0xFFFFF800, v49  }
0x412: {  	v43 =	vor.u32 v61, v34;
	[tilespmem:$0x1FBA0] =	vst v9;
	v10 =	vld.idx.msk [tilespmem:v10+s3+$0x0], $0xffff;
	v42 =	vor.u32 v33, v32  }
0x413: {  	v28 =	vor.u32 v27, v23;
	v0 =	vor.u32 v18, v42;
	[tilespmem:v50+s14+$0x0] =	vst.idx.msk $0xffff, v4;
	v3 =	vld.idx.msk [tilespmem:v3+s3+$0x0], $0xffff  }
0x414: {  	v5 =	vor.u32 v13, v53;
	v8 =	vld.idx.msk [tilespmem:v8+s3+$0x0], $0xffff;
	[tilespmem:v2+s14+$0x0] =	vst.idx.msk $0xffff, v52;
	v52 =	vmov v28  }
0x415: {  	v49 =	vld [tilespmem:$0x1FF30];
	v51 =	vor.u32 v13, v42;
	[tilespmem:v21+s14+$0x0] =	vst.idx.msk $0xffff, v31;
	v31 =	vor.u32 v11, v56  }
0x416: {  	v45 =	vor.u32 v60, v56;
	v38 =	vor.u32 v27, v35;
	[tilespmem:$0x1FC00] =	vst v51;
	v1 =	vld.idx.msk [tilespmem:v1+s3+$0x0], $0xffff  }
0x417: {  	v6 =	vor.u32 v25, v26;
	v37 =	vor.u32 v11, v17;
	[tilespmem:$0x1FB40] =	vst v52;
	v28 =	vld.idx.msk [tilespmem:v43+s3+$0x0], $0xffff;
	v52 =	vmov v45  }
0x418: {  	v22 =	vor.u32 v11, v62;
	v40 =	vor.u32 v61, v36;
	v0 =	vld.idx.msk [tilespmem:v0+s3+$0x0], $0xffff;
	[tilespmem:$0x1FB80] =	vst v52  }
0x419: {  	v2 =	vor.u32 v61, v54;
	v29 =	vld.idx.msk [tilespmem:v29+s10+$0x0], $0xffff;
	[tilespmem:v5+s14+$0x0] =	vst.idx.msk $0xffff, v3  }
0x41a: {  	v43 =	vor.u32 v49, v34;
	v52 =	vld [tilespmem:$0x1FBB0];
	[tilespmem:v31+s14+$0x0] =	vst.idx.msk $0xffff, v47  }
0x41b: {  	v39 =	vor.u32 v18, v23;
	v41 =	vor.u32 v59, v63;
	[tilespmem:v38+s14+$0x0] =	vst.idx.msk $0xffff, v1  }
0x41c: {  	v46 =	vor.u32 v11, v53;
	v50 =	vor.u32 v55, v16;
	v1 =	vld.idx.msk [tilespmem:v37+s3+$0x0], $0xffff;
	[tilespmem:v6+s14+$0x0] =	vst.idx.msk $0xffff, v10  }
0x41d: {  	v9 =	vor.u32 v60, v30;
	v33 =	vor.u32 v59, v35;
	[tilespmem:v22+s14+$0x0] =	vst.idx.msk $0xffff, v8;
	v47 =	vld.idx.msk [tilespmem:v40+s3+$0x0], $0xffff  }
0x41e: {  	v4 =	vor.u32 v25, v42;
	[tilespmem:v2+s14+$0x0] =	vst.idx.msk $0xffff, v28;
	v51 =	vshll.u32 v29, $0x8;
	v29 =	vshll.u32 v29, $0x7;
	v40 =	vld [tilespmem:$0x1FA60]  }
0x41f: {  	v45 =	vmovc v52;
	v38 =	vor.u32 v58, v30;
	v6 =	vor.u32 v13, v35;
	v35 =	vmov v30;
	v30 =	vld.idx.msk [tilespmem:v43+s3+$0x0], $0xffff  }
0x420: {  	v19 =	vor.u32 v55, v17;
	v3 =	vmovc v9;
	[tilespmem:$0x1FB00] =	vst v45;
	v45 =	vand.u32 $0xFFFFF800, v51;
	v29 =	vand.u32 $0x380, v29;
	v51 =	vld [tilespmem:$0x1FF40]  }
0x421: {  	[tilespmem:$0x1FBB0] =	vst v3;
	v28 =	vld.idx.msk [tilespmem:v50+s3+$0x0], $0xffff;
	v45 =	vor.u32 v29, v45;
	v29 =	vor.u32 v61, v26  }
0x422: {  	[tilespmem:v39+s14+$0x0] =	vst.idx.msk $0xffff, v0;
	v0 =	vor.u32 v49, v36;
	v50 =	vld [tilespmem:$0x1FA70]  }
0x423: {  	[tilespmem:$0x1FC30] =	vst v38;
	v5 =	vld.idx.msk [tilespmem:v41+s3+$0x0], $0xffff;
	v3 =	vor.u32 v18, v45  }
0x424: {  	v44 =	vor.u32 v55, v62;
	v38 =	vor.u32 v14, v62;
	v4 =	vld.idx.msk [tilespmem:v4+s3+$0x0], $0xffff;
	[tilespmem:v46+s14+$0x0] =	vst.idx.msk $0xffff, v1  }
0x425: {  	v32 =	vor.u32 v12, v20;
	v21 =	vor.u32 v12, v62;
	[tilespmem:$0x1FC40] =	vst v38;
	v43 =	vld.idx.msk [tilespmem:v19+s3+$0x0], $0xffff  }
0x426: {  	v22 =	vor.u32 v12, v16;
	v9 =	vor.u32 v51, v45;
	[tilespmem:v29+s14+$0x0] =	vst.idx.msk $0xffff, v47;
	v10 =	vld.idx.msk [tilespmem:v40+s3+$0x0], $0xffff  }
0x427: {  	v2 =	vor.u32 v49, v54;
	[tilespmem:$0x1FC20] =	vst v9;
	v0 =	vld.idx.msk [tilespmem:v0+s3+$0x0], $0xffff;
	v40 =	vor.u32 v49, v26  }
0x428: {  	v9 =	vor.u32 v51, v36;
	v47 =	vor.u32 v15, v62;
	v1 =	vld.idx.msk [tilespmem:v3+s3+$0x0], $0xffff;
	[tilespmem:v33+s14+$0x0] =	vst.idx.msk $0xffff, v5  }
0x429: {  	v38 =	vor.u32 v12, v17;
	v19 =	vor.u32 v12, v63;
	v5 =	vor.u32 v12, v53;
	[tilespmem:$0x1FC70] =	vst v47;
	v12 =	vld [tilespmem:$0x1FA80]  }
0x42a: {  	v48 =	vor.u32 v25, v23;
	[tilespmem:v50+s14+$0x0] =	vst.idx.msk $0xffff, v28  }
0x42b: {  	v7 =	vor.u32 v13, v63;
	v37 =	vor.u32 v14, v20;
	v22 =	vld.idx.msk [tilespmem:v22+s3+$0x0], $0xffff;
	[tilespmem:v44+s14+$0x0] =	vst.idx.msk $0xffff, v10  }
0x42c: {  	v3 =	vor.u32 v61, v42;
	v47 =	vor.u32 v15, v20;
	[tilespmem:v40+s14+$0x0] =	vst.idx.msk $0xffff, v0;
	v20 =	vld.idx.msk [tilespmem:v32+s3+$0x0], $0xffff  }
0x42d: {  	[tilespmem:v2+s14+$0x0] =	vst.idx.msk $0xffff, v30;
	v2 =	vor.u32 v51, v26;
	v0 =	vld.idx.msk [tilespmem:v9+s3+$0x0], $0xffff  }
0x42e: {  	v41 =	vor.u32 v60, v17;
	v33 =	vor.u32 v18, v35  }
0x42f: {  	v24 =	vor.u32 v55, v53;
	[tilespmem:$0x1FC50] =	vst v41  }
0x430: {  	v41 =	vor.u32 v25, v45;
	[tilespmem:v48+s14+$0x0] =	vst.idx.msk $0xffff, v4;
	v4 =	vld.idx.msk [tilespmem:v7+s3+$0x0], $0xffff  }
0x431: {  	v8 =	vor.u32 v11, v63;
	v52 =	vor.u32 v61, v23;
	v3 =	vld.idx.msk [tilespmem:v3+s3+$0x0], $0xffff;
	[tilespmem:v12+s14+$0x0] =	vst.idx.msk $0xffff, v22  }
0x432: {  	[tilespmem:v2+s14+$0x0] =	vst.idx.msk $0xffff, v0;
	v0 =	vld [tilespmem:$0x1FA90]  }
0x433: {  	v39 =	vor.u32 v51, v34;
	[tilespmem:v33+s14+$0x0] =	vst.idx.msk $0xffff, v1  }
0x434: {  	v1 =	vor.u32 v49, v42;
	[tilespmem:v24+s14+$0x0] =	vst.idx.msk $0xffff, v43  }
0x435: {  	v24 =	vld.idx.msk [tilespmem:v41+s3+$0x0], $0xffff;
	[tilespmem:v6+s14+$0x0] =	vst.idx.msk $0xffff, v4  }
0x436: {  	v33 =	vor.u32 v25, v35;
	v6 =	vld.idx.msk [tilespmem:v8+s3+$0x0], $0xffff;
	[tilespmem:v52+s14+$0x0] =	vst.idx.msk $0xffff, v3  }
0x437: {  	v11 =	vor.u32 v14, v56;
	v31 =	vor.u32 v49, v23;
	v3 =	vld.idx.msk [tilespmem:v38+s3+$0x0], $0xffff  }
0x438: {  	v46 =	vor.u32 v61, v45;
	v48 =	vor.u32 v57, v35;
	v29 =	vor.u32 v51, v23;
	v32 =	vld.idx.msk [tilespmem:v39+s3+$0x0], $0xffff  }
0x439: {  	v18 =	vor.u32 v55, v34;
	v7 =	vor.u32 v55, v63;
	v10 =	vor.u32 v51, v54;
	v1 =	vld.idx.msk [tilespmem:v1+s3+$0x0], $0xffff  }
0x43a: {  	v28 =	vor.u32 v57, v23;
	v50 =	vor.u32 v57, v34;
	v55 =	vor.u32 v58, v54;
	v2 =	vld.idx.msk [tilespmem:v0+s3+$0x0], $0xffff  }
0x43b: {  	v25 =	vor.u32 v60, v62;
	v43 =	vor.u32 v57, v36;
	[tilespmem:v33+s14+$0x0] =	vst.idx.msk $0xffff, v24;
	v0 =	vld [tilespmem:$0x1FAA0]  }
0x43c: {  	v62 =	vor.u32 v15, v63;
	v44 =	vor.u32 v14, v17;
	[tilespmem:v5+s14+$0x0] =	vst.idx.msk $0xffff, v3;
	v3 =	vld [tilespmem:$0x1FAB0]  }
0x43d: {  	v40 =	vor.u32 v60, v16;
	v60 =	vor.u32 v15, v56;
	[tilespmem:v21+s14+$0x0] =	vst.idx.msk $0xffff, v20;
	v4 =	vld.idx.msk [tilespmem:v46+s3+$0x0], $0xffff  }
0x43e: {  	v30 =	vor.u32 v15, v16;
	v16 =	vor.u32 v15, v17;
	v17 =	vld.idx.msk [tilespmem:v37+s3+$0x0], $0xffff;
	[tilespmem:v10+s14+$0x0] =	vst.idx.msk $0xffff, v32  }
0x43f: {  	v41 =	vor.u32 v58, v36;
	v56 =	vor.u32 v61, v35;
	v9 =	vor.u32 v57, v54;
	v8 =	vld.idx.msk [tilespmem:v50+s3+$0x0], $0xffff  }
0x440: {  	v39 =	vor.u32 v57, v26;
	v52 =	vor.u32 v13, v26;
	v38 =	vor.u32 v51, v42;
	v33 =	vld.idx.msk [tilespmem:v43+s3+$0x0], $0xffff  }
0x441: {  	v43 =	vor.u32 v58, v34;
	v50 =	vor.u32 v13, v3;
	v13 =	vmovc v3;
	v46 =	vor.u32 v59, v3;
	v3 =	vld [tilespmem:$0x1FAC0]  }
0x442: {  	v61 =	vmov v40;
	v40 =	vor.u32 v49, v35;
	v22 =	vor.u32 v14, v63;
	[tilespmem:v31+s14+$0x0] =	vst.idx.msk $0xffff, v1  }
0x443: {  	v63 =	vor.u32 v57, v42;
	v20 =	vor.u32 v14, v53;
	v53 =	vld.idx.msk [tilespmem:v44+s3+$0x0], $0xffff;
	[tilespmem:v0+s14+$0x0] =	vst.idx.msk $0xffff, v6  }
0x444: {  	p0 =	slt.u32 s19, $0x7C;
	v24 =	vor.u32 v58, v23;
	v10 =	vor.u32 v49, v45;
	[tilespmem:v9+s14+$0x0] =	vst.idx.msk $0xffff, v8;
	v6 =	vld.idx.msk [tilespmem:v7+s3+$0x0], $0xffff  }
.Ltmp2:
0x445: {  	v14 =	vor.u32 v59, v26;
	v37 =	vor.u32 v51, v35;
	v1 =	vld.idx.msk [tilespmem:v38+s3+$0x0], $0xffff;
	[tilespmem:v11+s14+$0x0] =	vst.idx.msk $0xffff, v2;
	(pc) =	sbr.rel @p0 .LBB2_6-.Ltmp2, $4  }
0x446: {  	v49 =	vmov v25;
	v32 =	vor.u32 v27, v26;
	v38 =	vld.idx.msk [tilespmem:v43+s3+$0x0], $0xffff;
	[tilespmem:v39+s14+$0x0] =	vst.idx.msk $0xffff, v33  }
0x447: {  	v31 =	vor.u32 v59, v34;
	v43 =	vor.u32 v27, v36;
	v33 =	vor.u32 v59, v36;
	v21 =	vld.idx.msk [tilespmem:v30+s3+$0x0], $0xffff  }
0x448: {  	v39 =	vld.idx.msk [tilespmem:v41+s3+$0x0], $0xffff;
	v41 =	vor.u32 v58, v26;
	v30 =	vor.u32 v27, v54;
	[tilespmem:v56+s14+$0x0] =	vst.idx.msk $0xffff, v4  }
0x449: {  	s19 =	sadd.s32 $0x4, s19;
	v54 =	vor.u32 v27, v34;
	v0 =	vor.u32 v59, v23;
	v2 =	vld.idx.msk [tilespmem:v10+s3+$0x0], $0xffff;
	[tilespmem:v3+s14+$0x0] =	vst.idx.msk $0xffff, v6  }
0x44a: {  	_ =	sdelay $0x3  }
0x44b: {  	[tilespmem:v40+s14+$0x0] =	vst.idx.msk $0xffff, v2  }
0x44c: {  	v2 =	vld [tilespmem:$0x1FC20];
	_ =	sdelay $0x1  }
0x44d: {  	v57 =	vld [tilespmem:$0x1FF50];
	[tilespmem:v29+s14+$0x0] =	vst.idx.msk $0xffff, v1  }
0x44e: {  	v25 =	vld [tilespmem:$0x1FF60];
	_ =	sdelay $0x3  }
0x44f: {  	v1 =	vld.idx.msk [tilespmem:v63+s3+$0x0], $0xffff  }
0x450: {  	v4 =	vor.u32 v25, v42;
	v2 =	vld.idx.msk [tilespmem:v2+s3+$0x0], $0xffff  }
0x451: {  	v3 =	vor.u32 v57, v45;
	_ =	sdelay $0x2  }
0x452: {  	[tilespmem:v28+s14+$0x0] =	vst.idx.msk $0xffff, v1  }
0x453: {  	v1 =	vld.idx.msk [tilespmem:v4+s3+$0x0], $0xffff;
	[tilespmem:v37+s14+$0x0] =	vst.idx.msk $0xffff, v2  }
0x454: {  	v2 =	vld.idx.msk [tilespmem:v3+s3+$0x0], $0xffff;
	_ =	sdelay $0x1  }
0x455: {  	v58 =	vld [tilespmem:$0x1FF70];
	[tilespmem:v41+s14+$0x0] =	vst.idx.msk $0xffff, v39  }
0x456: {  	[tilespmem:v55+s14+$0x0] =	vst.idx.msk $0xffff, v38  }
0x457: {  	v3 =	vor.u32 v25, v45;
	[tilespmem:v24+s14+$0x0] =	vst.idx.msk $0xffff, v1  }
0x458: {  	[tilespmem:v48+s14+$0x0] =	vst.idx.msk $0xffff, v2  }
0x459: {  	v7 =	vld [tilespmem:$0x1FC30];
	_ =	sdelay $0x2  }
0x45a: {  	v2 =	vld.idx.msk [tilespmem:v3+s3+$0x0], $0xffff;
	_ =	sdelay $0x3  }
0x45b: {  	v44 =	vor.u32 v58, v42  }
0x45c: {  	v56 =	vld [tilespmem:$0x1FF80];
	[tilespmem:v7+s14+$0x0] =	vst.idx.msk $0xffff, v2  }
0x45d: {  	v8 =	vld [tilespmem:$0x1FB40];
	_ =	sdelay $0x1  }
0x45e: {  	v51 =	vld.idx.msk [tilespmem:v43+s3+$0x0], $0xffff;
	v3 =	vor.u32 v58, v45  }
0x45f: {  	v1 =	vld.idx.msk [tilespmem:v44+s3+$0x0], $0xffff  }
0x460: {  	v5 =	vor.u32 v56, v42;
	_ =	sdelay $0x1  }
0x461: {  	v6 =	vld.idx.msk [tilespmem:v54+s3+$0x0], $0xffff  }
0x462: {  	v2 =	vor.u32 v58, v35;
	v3 =	vld.idx.msk [tilespmem:v3+s3+$0x0], $0xffff;
	[tilespmem:v32+s14+$0x0] =	vst.idx.msk $0xffff, v51  }
0x463: {  	v4 =	vld.idx.msk [tilespmem:v33+s3+$0x0], $0xffff;
	[tilespmem:v8+s14+$0x0] =	vst.idx.msk $0xffff, v1  }
0x464: {  	v1 =	vld.idx.msk [tilespmem:v5+s3+$0x0], $0xffff;
	_ =	sdelay $0x1  }
0x465: {  	[tilespmem:v30+s14+$0x0] =	vst.idx.msk $0xffff, v6  }
0x466: {  	v63 =	vld [tilespmem:$0x1FF90];
	[tilespmem:v2+s14+$0x0] =	vst.idx.msk $0xffff, v3  }
0x467: {  	[tilespmem:v14+s14+$0x0] =	vst.idx.msk $0xffff, v4  }
0x468: {  	v54 =	vor.u32 v56, v45;
	v6 =	vld.idx.msk [tilespmem:v31+s3+$0x0], $0xffff;
	[tilespmem:v0+s14+$0x0] =	vst.idx.msk $0xffff, v1  }
0x469: {  	v1 =	vld [tilespmem:$0x1FC00];
	_ =	sdelay $0x1  }
0x46a: {  	v55 =	vor.u32 v63, v36;
	_ =	sdelay $0x1  }
0x46b: {  	v3 =	vor.u32 v56, v35;
	v7 =	vld.idx.msk [tilespmem:v54+s3+$0x0], $0xffff;
	v2 =	vor.u32 v63, v34  }
0x46c: {  	v59 =	vor.u32 v63, v45;
	[tilespmem:v46+s14+$0x0] =	vst.idx.msk $0xffff, v6  }
0x46d: {  	v14 =	vld [tilespmem:$0x1FFA0]  }
0x46e: {  	v4 =	vld.idx.msk [tilespmem:v55+s3+$0x0], $0xffff  }
0x46f: {  	v0 =	vor.u32 v63, v23;
	v1 =	vld.idx.msk [tilespmem:v1+s3+$0x0], $0xffff  }
0x470: {  	[tilespmem:v3+s14+$0x0] =	vst.idx.msk $0xffff, v7;
	v2 =	vld.idx.msk [tilespmem:v2+s3+$0x0], $0xffff  }
0x471: {  	v37 =	vor.u32 v63, v35;
	v8 =	vld.idx.msk [tilespmem:v59+s3+$0x0], $0xffff  }
0x472: {  	v33 =	vor.u32 v14, v36  }
0x473: {  	[tilespmem:v52+s14+$0x0] =	vst.idx.msk $0xffff, v4  }
0x474: {  	v32 =	vor.u32 v14, v42;
	[tilespmem:v0+s14+$0x0] =	vst.idx.msk $0xffff, v1  }
0x475: {  	v3 =	vor.u32 v14, v34;
	v59 =	vld [tilespmem:$0x1FFB0];
	[tilespmem:v50+s14+$0x0] =	vst.idx.msk $0xffff, v2  }
0x476: {  	[tilespmem:v37+s14+$0x0] =	vst.idx.msk $0xffff, v8  }
0x477: {  	v9 =	vor.u32 v14, v45;
	v39 =	vld.idx.msk [tilespmem:v33+s3+$0x0], $0xffff;
	[tilespmem:v20+s14+$0x0] =	vst.idx.msk $0xffff, v53  }
0x478: {  	v40 =	vor.u32 v14, v26;
	v11 =	vld [tilespmem:$0x1FC40]  }
0x479: {  	v0 =	vor.u32 v14, v23;
	v1 =	vld.idx.msk [tilespmem:v32+s3+$0x0], $0xffff  }
0x47a: {  	v2 =	vor.u32 v14, v13;
	v3 =	vld.idx.msk [tilespmem:v3+s3+$0x0], $0xffff;
	_ =	sdelay $0x1  }
0x47b: {  	v41 =	vor.u32 v14, v35;
	v8 =	vld.idx.msk [tilespmem:v9+s3+$0x0], $0xffff  }
0x47c: {  	[tilespmem:v40+s14+$0x0] =	vst.idx.msk $0xffff, v39  }
0x47d: {  	[tilespmem:v0+s14+$0x0] =	vst.idx.msk $0xffff, v1  }
0x47e: {  	[tilespmem:v2+s14+$0x0] =	vst.idx.msk $0xffff, v3  }
0x47f: {  	[tilespmem:v11+s14+$0x0] =	vst.idx.msk $0xffff, v17  }
0x480: {  	v54 =	vld [tilespmem:$0x1FFC0];
	[tilespmem:v41+s14+$0x0] =	vst.idx.msk $0xffff, v8  }
0x481: {  	v7 =	vld [tilespmem:$0x1FB10];
	_ =	sdelay $0x2  }
0x482: {  	v43 =	vld.idx.msk [tilespmem:v19+s3+$0x0], $0xffff;
	_ =	sdelay $0x2  }
0x483: {  	v38 =	vor.u32 v59, v42;
	_ =	sdelay $0x1  }
0x484: {  	[tilespmem:v7+s14+$0x0] =	vst.idx.msk $0xffff, v43  }
0x485: {  	v53 =	vld [tilespmem:$0x1FB70];
	_ =	sdelay $0x1  }
0x486: {  	v0 =	vor.u32 v59, v23;
	v1 =	vld.idx.msk [tilespmem:v38+s3+$0x0], $0xffff  }
0x487: {  	v16 =	vld.idx.msk [tilespmem:v16+s3+$0x0], $0xffff;
	_ =	sdelay $0x3  }
0x488: {  	v10 =	vor.u32 v59, v36;
	[tilespmem:v0+s14+$0x0] =	vst.idx.msk $0xffff, v1  }
0x489: {  	[tilespmem:v53+s14+$0x0] =	vst.idx.msk $0xffff, v16  }
0x48a: {  	v1 =	vld [tilespmem:$0x1FB50];
	_ =	sdelay $0x1  }
0x48b: {  	v46 =	vor.u32 v59, v13;
	v48 =	vld.idx.msk [tilespmem:v18+s3+$0x0], $0xffff  }
0x48c: {  	v2 =	vld.idx.msk [tilespmem:v10+s3+$0x0], $0xffff;
	_ =	sdelay $0x3  }
0x48d: {  	v44 =	vor.u32 v59, v45;
	[tilespmem:v46+s14+$0x0] =	vst.idx.msk $0xffff, v48  }
0x48e: {  	[tilespmem:v1+s14+$0x0] =	vst.idx.msk $0xffff, v2  }
0x48f: {  	v38 =	vld [tilespmem:$0x1FBD0];
	_ =	sdelay $0x2  }
0x490: {  	v8 =	vld.idx.msk [tilespmem:v44+s3+$0x0], $0xffff;
	_ =	sdelay $0x3  }
0x491: {  	v32 =	vld.idx.msk [tilespmem:v22+s3+$0x0], $0xffff  }
0x492: {  	v22 =	vld [tilespmem:$0x1FFD0];
	[tilespmem:v38+s14+$0x0] =	vst.idx.msk $0xffff, v8  }
0x493: {  	v7 =	vld [tilespmem:$0x1FC70];
	_ =	sdelay $0x2  }
0x494: {  	v52 =	vld.idx.msk [tilespmem:v47+s3+$0x0], $0xffff;
	_ =	sdelay $0x4  }
0x495: {  	v3 =	vor.u32 v54, v42;
	[tilespmem:v7+s14+$0x0] =	vst.idx.msk $0xffff, v52  }
0x496: {  	v9 =	vld [tilespmem:$0x1FAF0];
	_ =	sdelay $0x3  }
0x497: {  	v0 =	vor.u32 v54, v23;
	v1 =	vld.idx.msk [tilespmem:v3+s3+$0x0], $0xffff;
	_ =	sdelay $0x3  }
0x498: {  	v50 =	vor.u32 v54, v36;
	[tilespmem:v9+s14+$0x0] =	vst.idx.msk $0xffff, v32  }
0x499: {  	v51 =	vor.u32 v54, v34;
	v41 =	vld [tilespmem:$0x1FC50];
	[tilespmem:v0+s14+$0x0] =	vst.idx.msk $0xffff, v1  }
0x49a: {  	v1 =	vld [tilespmem:$0x1FB60];
	_ =	sdelay $0x2  }
0x49b: {  	v3 =	vld.idx.msk [tilespmem:v50+s3+$0x0], $0xffff  }
0x49c: {  	v35 =	vor.u32 v54, v13;
	v37 =	vld.idx.msk [tilespmem:v51+s3+$0x0], $0xffff;
	_ =	sdelay $0x3  }
0x49d: {  	v55 =	vor.u32 v54, v45;
	[tilespmem:v1+s14+$0x0] =	vst.idx.msk $0xffff, v3  }
0x49e: {  	v15 =	vld [tilespmem:$0x1FFE0];
	[tilespmem:v35+s14+$0x0] =	vst.idx.msk $0xffff, v37  }
0x49f: {  	v11 =	vld [tilespmem:$0x1FBC0];
	_ =	sdelay $0x2  }
0x4a0: {  	v8 =	vld.idx.msk [tilespmem:v55+s3+$0x0], $0xffff;
	_ =	sdelay $0x1  }
0x4a1: {  	v2 =	vor.u32 v22, v42  }
0x4a2: {  	v33 =	vor.u32 v22, v36  }
0x4a3: {  	[tilespmem:v60+s14+$0x0] =	vst.idx.msk $0xffff, v21  }
0x4a4: {  	v39 =	vor.u32 v22, v34;
	[tilespmem:v11+s14+$0x0] =	vst.idx.msk $0xffff, v8  }
0x4a5: {  	v12 =	vld [tilespmem:$0x1FAD0]  }
0x4a6: {  	v0 =	vor.u32 v22, v23;
	v1 =	vld.idx.msk [tilespmem:v2+s3+$0x0], $0xffff  }
0x4a7: {  	v2 =	vor.u32 v22, v26;
	v4 =	vld.idx.msk [tilespmem:v33+s3+$0x0], $0xffff  }
0x4a8: {  	v10 =	vld.idx.msk [tilespmem:v41+s3+$0x0], $0xffff  }
0x4a9: {  	v43 =	vor.u32 v22, v13;
	v7 =	vld.idx.msk [tilespmem:v39+s3+$0x0], $0xffff;
	_ =	sdelay $0x1  }
0x4aa: {  	[tilespmem:v0+s14+$0x0] =	vst.idx.msk $0xffff, v1  }
0x4ab: {  	[tilespmem:v2+s14+$0x0] =	vst.idx.msk $0xffff, v4  }
0x4ac: {  	v40 =	vor.u32 v22, v45;
	[tilespmem:v12+s14+$0x0] =	vst.idx.msk $0xffff, v10  }
0x4ad: {  	v50 =	vld [tilespmem:$0x1FFF0];
	[tilespmem:v43+s14+$0x0] =	vst.idx.msk $0xffff, v7  }
0x4ae: {  	v60 =	vld [tilespmem:$0x1FBA0];
	_ =	sdelay $0x2  }
0x4af: {  	v9 =	vld.idx.msk [tilespmem:v40+s3+$0x0], $0xffff;
	_ =	sdelay $0x4  }
0x4b0: {  	[tilespmem:v60+s14+$0x0] =	vst.idx.msk $0xffff, v9  }
0x4b1: {  	v8 =	vld [tilespmem:$0x1FB20];
	_ =	sdelay $0x2  }
0x4b2: {  	v47 =	vld.idx.msk [tilespmem:v62+s3+$0x0], $0xffff;
	_ =	sdelay $0x3  }
0x4b3: {  	v3 =	vor.u32 v15, v42  }
0x4b4: {  	v44 =	vor.u32 v15, v36;
	[tilespmem:v8+s14+$0x0] =	vst.idx.msk $0xffff, v47  }
0x4b5: {  	v46 =	vor.u32 v15, v34;
	v62 =	vld [tilespmem:$0x1FB80];
	_ =	sdelay $0x1  }
0x4b6: {  	v16 =	vld.idx.msk [tilespmem:v61+s3+$0x0], $0xffff  }
0x4b7: {  	v1 =	vld.idx.msk [tilespmem:v3+s3+$0x0], $0xffff  }
0x4b8: {  	v0 =	vor.u32 v15, v23;
	v4 =	vld.idx.msk [tilespmem:v44+s3+$0x0], $0xffff  }
0x4b9: {  	v3 =	vor.u32 v15, v26;
	v7 =	vld.idx.msk [tilespmem:v46+s3+$0x0], $0xffff  }
0x4ba: {  	v53 =	vor.u32 v15, v13;
	v9 =	vld [tilespmem:$0x1FAE0];
	_ =	sdelay $0x1  }
0x4bb: {  	[tilespmem:v62+s14+$0x0] =	vst.idx.msk $0xffff, v16  }
0x4bc: {  	v11 =	vld [tilespmem:$0x1FBF0];
	[tilespmem:v0+s14+$0x0] =	vst.idx.msk $0xffff, v1  }
0x4bd: {  	v52 =	vor.u32 v15, v45;
	[tilespmem:v3+s14+$0x0] =	vst.idx.msk $0xffff, v4  }
0x4be: {  	[tilespmem:v53+s14+$0x0] =	vst.idx.msk $0xffff, v7  }
0x4bf: {  	v5 =	vld [tilespmem:$0x1FBE0];
	_ =	sdelay $0x1  }
0x4c0: {  	v9 =	vld.idx.msk [tilespmem:v9+s3+$0x0], $0xffff  }
0x4c1: {  	v61 =	vld.idx.msk [tilespmem:v52+s3+$0x0], $0xffff;
	_ =	sdelay $0x3  }
0x4c2: {  	v4 =	vld [tilespmem:$0x1FB90];
	[tilespmem:v49+s14+$0x0] =	vst.idx.msk $0xffff, v9  }
0x4c3: {  	[tilespmem:v5+s14+$0x0] =	vst.idx.msk $0xffff, v61  }
0x4c4: {  	v33 =	vld [tilespmem:$0x1FB00];
	_ =	sdelay $0x2  }
0x4c5: {  	v2 =	vor.u32 v50, v42;
	v11 =	vld.idx.msk [tilespmem:v11+s3+$0x0], $0xffff;
	_ =	sdelay $0x1  }
0x4c6: {  	v55 =	vor.u32 v50, v36;
	_ =	sdelay $0x2  }
0x4c7: {  	v0 =	vld.idx.msk [tilespmem:v2+s3+$0x0], $0xffff;
	[tilespmem:v33+s14+$0x0] =	vst.idx.msk $0xffff, v11  }
0x4c8: {  	v6 =	vld [tilespmem:$0x1FB30]  }
0x4c9: {  	v1 =	vor.u32 v50, v26;
	v2 =	vld.idx.msk [tilespmem:v55+s3+$0x0], $0xffff  }
0x4ca: {  	v3 =	vor.u32 v50, v13;
	v4 =	vld.idx.msk [tilespmem:v4+s3+$0x0], $0xffff;
	_ =	sdelay $0x3  }
0x4cb: {  	[tilespmem:v1+s14+$0x0] =	vst.idx.msk $0xffff, v2  }
0x4cc: {  	v32 =	vor.u32 v50, v45;
	[tilespmem:v3+s14+$0x0] =	vst.idx.msk $0xffff, v4  }
0x4cd: {  	[tilespmem:v6+s14+$0x0] =	vst.idx.msk $0xffff, v0  }
0x4ce: {  	v1 =	vld [tilespmem:$0x1FBB0];
	_ =	sdelay $0x2  }
0x4cf: {  	v5 =	vld.idx.msk [tilespmem:v32+s3+$0x0], $0xffff;
	_ =	sdelay $0x2  }
0x4d0: {  	s19 =	simm.s32 $0x3  }
0x4d1: {  	s24 =	simm.s32 $0x0;
	v0 =	vmov s19  }
0x4d2: {  	v2 =	vmov s24;
	[tilespmem:v1+s14+$0x0] =	vst.idx.msk $0xffff, v5;
	v1 =	vor.u32 $0x180, v0  }
0x4d3: {  	v3 =	vor.u32 $0x180, v2;
	[hbm4b:s7+s24] =	stream.linear.scatter [tilespmem:s14], [sflag:$0x3], $0x8000, $0x38;
	[tilespmem:$0x18A00] =	vst v63  }
0x4d4: {  	_ =	swait.ge [sflag:s15], $0x8000  }
0x4d5: {  	[sflag:s15] =	ssyncset.done $0x0  }
0x4d6: {  	[sflag:s15] =	ssyncadd.s32 $0xFFFF8000  }
0x4d7: {  	v1 =	vld.idx.msk [tilespmem:v1+s10+$0x0], $0xffff  }
0x4d8: {  	v3 =	vld.idx.msk [tilespmem:v3+s10+$0x0], $0xffff;
	_ =	sdelay $0x1  }
0x4d9: {  	s25 =	simm.s32 $0x2  }
0x4da: {  	v34 =	vmov s25  }
0x4db: {  	v35 =	vor.u32 $0x180, v34;
	v46 =	vlaneseq.u32  }
0x4dc: {  	v36 =	vshll.u32 v1, $0x8;
	v1 =	vshll.u32 v1, $0x7;
	v37 =	vshll.u32 v3, $0x8  }
0x4dd: {  	v3 =	vshll.u32 v3, $0x7;
	v6 =	vand.u32 $0xFFFFF800, v36;
	v1 =	vand.u32 $0x380, v1  }
0x4de: {  	v3 =	vand.u32 $0x380, v3;
	v60 =	vor.u32 v1, v6;
	v1 =	vand.u32 $0xFFFFF800, v37  }
0x4df: {  	v6 =	vor.u32 v46, v60;
	v48 =	vor.u32 v3, v1  }
0x4e0: {  	v3 =	vor.u32 v46, v48  }
0x4e1: {  	v38 =	vshll.u32 v2, $0x8;
	v1 =	vshll.u32 v0, $0x7;
	v0 =	vshll.u32 v0, $0x8  }
0x4e2: {  	v2 =	vshll.u32 v2, $0x7;
	v12 =	vld [tilespmem:$0x1FF10];
	v0 =	vand.u32 $0x7800, v0;
	v1 =	vand.u32 $0x380, v1  }
0x4e3: {  	s26 =	simm.s32 $0x1;
	v40 =	vand.u32 $0x7800, v38;
	v5 =	vld.idx.msk [tilespmem:v35+s10+$0x0], $0xffff;
	v13 =	vor.u32 v1, v0;
	v1 =	vand.u32 $0x200, v2  }
0x4e4: {  	v39 =	vmov s26;
	v41 =	vor.u32 v46, v13;
	v9 =	vor.u32 v1, v40;
	v2 =	vld.idx.msk [tilespmem:v6+s3+$0x0], $0xffff  }
0x4e5: {  	v0 =	vor.u32 $0x180, v39;
	v43 =	vor.u32 v46, v9;
	v3 =	vld.idx.msk [tilespmem:v3+s3+$0x0], $0xffff;
	_ =	sdelay $0x2  }
0x4e6: {  	v16 =	vshll.u32 v5, $0x8;
	v5 =	vshll.u32 v5, $0x7;
	v42 =	vor.u32 v12, v60  }
0x4e7: {  	v16 =	vand.u32 $0xFFFFF800, v16;
	v5 =	vand.u32 $0x380, v5;
	v17 =	vor.u32 v12, v48;
	[tilespmem:v41+s12+$0x0] =	vst.idx.msk $0xffff, v2  }
0x4e8: {  	v51 =	vor.u32 v5, v16;
	v16 =	vld.idx.msk [tilespmem:v0+s10+$0x0], $0xffff;
	[tilespmem:v43+s12+$0x0] =	vst.idx.msk $0xffff, v3  }
0x4e9: {  	v4 =	vshll.u32 v34, $0x8;
	v0 =	vshll.u32 v34, $0x7;
	v24 =	vld [tilespmem:$0x1FF20]  }
0x4ea: {  	v4 =	vand.u32 $0x7800, v4;
	v0 =	vand.u32 $0x300, v0;
	v2 =	vor.u32 v46, v51  }
0x4eb: {  	v45 =	vor.u32 v12, v13;
	v53 =	vor.u32 v0, v4;
	v10 =	vld.idx.msk [tilespmem:v42+s3+$0x0], $0xffff  }
0x4ec: {  	v47 =	vor.u32 v12, v9;
	v0 =	vor.u32 v50, v53;
	v11 =	vld.idx.msk [tilespmem:v17+s3+$0x0], $0xffff  }
0x4ed: {  	[tilespmem:$0x1F890] =	vst v0;
	v0 =	vor.u32 v59, v13  }
0x4ee: {  	v18 =	vshll.u32 v39, $0x8;
	[tilespmem:$0x1FA10] =	vst v0;
	v3 =	vor.u32 v24, v60  }
0x4ef: {  	v44 =	vand.u32 $0x7800, v18;
	v61 =	vor.u32 v1, v38;
	v1 =	vor.u32 v46, v53;
	v2 =	vld.idx.msk [tilespmem:v2+s3+$0x0], $0xffff  }
0x4f0: {  	v18 =	vshll.u32 v16, $0x8;
	v16 =	vshll.u32 v16, $0x7;
	[tilespmem:v45+s12+$0x0] =	vst.idx.msk $0xffff, v10;
	v17 =	vor.u32 v24, v48  }
0x4f1: {  	v8 =	vshll.u32 v39, $0x7;
	v62 =	vand.u32 $0xFFFFF800, v18;
	v32 =	vand.u32 $0x380, v16;
	[tilespmem:v47+s12+$0x0] =	vst.idx.msk $0xffff, v11  }
0x4f2: {  	v49 =	vor.u32 v12, v51;
	v0 =	vor.u32 v54, v13;
	v55 =	vor.u32 v32, v62;
	v62 =	vld [tilespmem:$0x1FF30]  }
0x4f3: {  	v8 =	vand.u32 $0x280, v8;
	v18 =	vor.u32 v24, v13;
	v3 =	vld.idx.msk [tilespmem:v3+s3+$0x0], $0xffff;
	[tilespmem:$0x1FA30] =	vst v0  }
0x4f4: {  	v16 =	vor.u32 v8, v44;
	v0 =	vor.u32 v50, v48;
	[tilespmem:v1+s12+$0x0] =	vst.idx.msk $0xffff, v2  }
0x4f5: {  	v35 =	vld.idx.msk [tilespmem:v17+s3+$0x0], $0xffff;
	[tilespmem:$0x1F8A0] =	vst v0;
	v0 =	vor.u32 v22, v16  }
0x4f6: {  	v34 =	vor.u32 v24, v9;
	[tilespmem:$0x1F8B0] =	vst v0;
	v0 =	vor.u32 v50, v16  }
0x4f7: {  	v2 =	vld.idx.msk [tilespmem:v49+s3+$0x0], $0xffff;
	[tilespmem:$0x1F8C0] =	vst v0  }
0x4f8: {  	v33 =	vor.u32 v62, v60;
	v0 =	vor.u32 v54, v16;
	[tilespmem:v18+s12+$0x0] =	vst.idx.msk $0xffff, v3  }
0x4f9: {  	v36 =	vor.u32 v46, v55;
	[tilespmem:$0x1F8D0] =	vst v0;
	v0 =	vor.u32 v59, v16  }
0x4fa: {  	v37 =	vor.u32 v62, v48;
	[tilespmem:$0x1FA50] =	vst v0  }
0x4fb: {  	v1 =	vor.u32 v12, v53;
	[tilespmem:v34+s12+$0x0] =	vst.idx.msk $0xffff, v35  }
0x4fc: {  	v38 =	vor.u32 v24, v51;
	v52 =	vld [tilespmem:$0x1FF40]  }
0x4fd: {  	v0 =	vor.u32 v15, v16;
	v4 =	vld.idx.msk [tilespmem:v33+s3+$0x0], $0xffff  }
0x4fe: {  	v39 =	vld.idx.msk [tilespmem:v36+s3+$0x0], $0xffff;
	[tilespmem:$0x1F8E0] =	vst v0;
	v0 =	vor.u32 v63, v51  }
0x4ff: {  	v8 =	vor.u32 v46, v16;
	v5 =	vld.idx.msk [tilespmem:v37+s3+$0x0], $0xffff;
	[tilespmem:$0x1F9B0] =	vst v0  }
0x500: {  	v3 =	vor.u32 v62, v13;
	v18 =	vor.u32 v12, v55;
	[tilespmem:v1+s12+$0x0] =	vst.idx.msk $0xffff, v2  }
0x501: {  	v1 =	vor.u32 v24, v53;
	v7 =	vld.idx.msk [tilespmem:v38+s3+$0x0], $0xffff;
	v40 =	vor.u32 v52, v60  }
0x502: {  	v41 =	vor.u32 v62, v9  }
0x503: {  	v21 =	vor.u32 v52, v48  }
0x504: {  	v23 =	vor.u32 v62, v51;
	[tilespmem:v8+s12+$0x0] =	vst.idx.msk $0xffff, v39  }
0x505: {  	v44 =	vor.u32 v12, v16;
	[tilespmem:v3+s12+$0x0] =	vst.idx.msk $0xffff, v4;
	v8 =	vld.idx.msk [tilespmem:v18+s3+$0x0], $0xffff  }
0x506: {  	v42 =	vor.u32 v52, v13;
	[tilespmem:v1+s12+$0x0] =	vst.idx.msk $0xffff, v7;
	v1 =	vor.u32 v24, v55;
	v43 =	vld.idx.msk [tilespmem:v40+s3+$0x0], $0xffff  }
0x507: {  	v45 =	vor.u32 v57, v60;
	[tilespmem:v41+s12+$0x0] =	vst.idx.msk $0xffff, v5  }
0x508: {  	v27 =	vor.u32 v57, v48;
	v3 =	vor.u32 v52, v9;
	v21 =	vld.idx.msk [tilespmem:v21+s3+$0x0], $0xffff  }
0x509: {  	v20 =	vor.u32 v25, v16;
	v47 =	vmov v25;
	v25 =	vor.u32 v62, v53;
	v28 =	vld.idx.msk [tilespmem:v23+s3+$0x0], $0xffff  }
0x50a: {  	[tilespmem:v44+s12+$0x0] =	vst.idx.msk $0xffff, v8  }
0x50b: {  	v31 =	vor.u32 v24, v16;
	v29 =	vor.u32 v52, v51;
	v1 =	vld.idx.msk [tilespmem:v1+s3+$0x0], $0xffff;
	[tilespmem:v42+s12+$0x0] =	vst.idx.msk $0xffff, v43  }
0x50c: {  	v26 =	vor.u32 v57, v9;
	v44 =	vor.u32 v62, v55;
	v42 =	vor.u32 v57, v13;
	v41 =	vld.idx.msk [tilespmem:v45+s3+$0x0], $0xffff  }
0x50d: {  	v30 =	vor.u32 v47, v48;
	v43 =	vor.u32 v47, v60;
	[tilespmem:v3+s12+$0x0] =	vst.idx.msk $0xffff, v21  }
0x50e: {  	v34 =	vor.u32 v62, v16;
	v35 =	vor.u32 v56, v60;
	[tilespmem:v25+s12+$0x0] =	vst.idx.msk $0xffff, v28;
	v25 =	vld.idx.msk [tilespmem:v27+s3+$0x0], $0xffff  }
0x50f: {  	v37 =	vor.u32 v58, v48;
	v38 =	vor.u32 v58, v60;
	v39 =	vor.u32 v47, v51  }
0x510: {  	v2 =	vor.u32 v52, v55;
	v49 =	vor.u32 v52, v53;
	v45 =	vld.idx.msk [tilespmem:v29+s3+$0x0], $0xffff;
	[tilespmem:v31+s12+$0x0] =	vst.idx.msk $0xffff, v1  }
0x511: {  	v5 =	vor.u32 v58, v13;
	v27 =	vor.u32 v57, v51;
	v10 =	vld.idx.msk [tilespmem:v44+s3+$0x0], $0xffff;
	[tilespmem:v42+s12+$0x0] =	vst.idx.msk $0xffff, v41  }
0x512: {  	s28 =	simm.s32 $0x4;
	v7 =	vor.u32 v57, v53;
	v28 =	vor.u32 v52, v16;
	v29 =	vor.u32 v47, v13;
	v8 =	vld.idx.msk [tilespmem:v43+s3+$0x0], $0xffff  }
0x513: {  	s29 =	simm.s32 $0x5;
	s30 =	simm.s32 $0x6;
	v3 =	vor.u32 v47, v9;
	v1 =	vmov s28;
	v31 =	vor.u32 v57, v55;
	[tilespmem:v26+s12+$0x0] =	vst.idx.msk $0xffff, v25  }
0x514: {  	v26 =	vor.u32 $0x180, v1;
	v25 =	vmov s29;
	v30 =	vld.idx.msk [tilespmem:v30+s3+$0x0], $0xffff;
	v43 =	vmov s30  }
0x515: {  	[tilespmem:v49+s12+$0x0] =	vst.idx.msk $0xffff, v45;
	v42 =	vor.u32 $0x180, v25;
	v49 =	vshll.u32 v25, $0x8;
	v11 =	vor.u32 $0x180, v43  }
0x516: {  	v27 =	vld.idx.msk [tilespmem:v27+s3+$0x0], $0xffff;
	v6 =	vand.u32 $0x7800, v49;
	v49 =	vshll.u32 v43, $0x7;
	v43 =	vshll.u32 v43, $0x8;
	[tilespmem:v34+s12+$0x0] =	vst.idx.msk $0xffff, v10  }
0x517: {  	s31 =	simm.s32 $0x7;
	v10 =	vshll.u32 v25, $0x7;
	v25 =	vand.u32 $0x7800, v43;
	v49 =	vand.u32 $0x300, v49;
	[tilespmem:v29+s12+$0x0] =	vst.idx.msk $0xffff, v8  }
0x518: {  	v40 =	vshll.u32 v1, $0x8;
	v44 =	vmov s31;
	v49 =	vor.u32 v49, v25;
	v38 =	vld.idx.msk [tilespmem:v38+s3+$0x0], $0xffff  }
0x519: {  	v1 =	vshll.u32 v1, $0x7;
	v25 =	vor.u32 v50, v49;
	v8 =	vor.u32 $0x180, v44;
	[tilespmem:v3+s12+$0x0] =	vst.idx.msk $0xffff, v30  }
0x51a: {  	v29 =	vshll.u32 v44, $0x7;
	v3 =	vand.u32 $0x280, v10;
	v10 =	vld.idx.msk [tilespmem:v26+s10+$0x0], $0xffff;
	v26 =	vshll.u32 v44, $0x8;
	[tilespmem:$0x1F8F0] =	vst v25  }
0x51b: {  	v34 =	vand.u32 $0x7800, v26;
	v26 =	vand.u32 $0x380, v29;
	v25 =	vor.u32 v58, v49;
	[tilespmem:v7+s12+$0x0] =	vst.idx.msk $0xffff, v27  }
0x51c: {  	v41 =	vand.u32 $0x7800, v40;
	v1 =	vand.u32 $0x200, v1;
	v2 =	vld.idx.msk [tilespmem:v2+s3+$0x0], $0xffff;
	v26 =	vor.u32 v26, v34;
	[tilespmem:$0x1F900] =	vst v25  }
0x51d: {  	v41 =	vor.u32 v1, v41;
	v29 =	vld.idx.msk [tilespmem:v37+s3+$0x0], $0xffff;
	[tilespmem:v5+s12+$0x0] =	vst.idx.msk $0xffff, v38;
	v38 =	vor.u32 v59, v26  }
0x51e: {  	v40 =	vor.u32 v1, v40;
	v25 =	vor.u32 v50, v13;
	v1 =	vld.idx.msk [tilespmem:v8+s10+$0x0], $0xffff;
	[tilespmem:$0x1F910] =	vst v38  }
0x51f: {  	v9 =	vor.u32 v58, v9;
	v7 =	vld.idx.msk [tilespmem:v39+s3+$0x0], $0xffff;
	v39 =	vor.u32 v15, v53;
	[tilespmem:$0x1F930] =	vst v25  }
0x520: {  	v32 =	vor.u32 v47, v53;
	v36 =	vor.u32 v56, v48;
	[tilespmem:$0x1F920] =	vst v39  }
0x521: {  	v4 =	vor.u32 v56, v13;
	v43 =	vshll.u32 v10, $0x8;
	v10 =	vshll.u32 v10, $0x7;
	v30 =	vld.idx.msk [tilespmem:v35+s3+$0x0], $0xffff  }
0x522: {  	v34 =	vand.u32 $0xFFFFF800, v43;
	v10 =	vand.u32 $0x380, v10;
	[tilespmem:v28+s12+$0x0] =	vst.idx.msk $0xffff, v2;
	v35 =	vor.u32 v63, v60  }
0x523: {  	v0 =	vor.u32 v57, v16;
	v5 =	vor.u32 v58, v51;
	v34 =	vor.u32 v10, v34;
	v31 =	vld.idx.msk [tilespmem:v31+s3+$0x0], $0xffff  }
0x524: {  	v25 =	vor.u32 v50, v34;
	[tilespmem:v9+s12+$0x0] =	vst.idx.msk $0xffff, v29;
	v29 =	vor.u32 v46, v34  }
0x525: {  	v45 =	vshll.u32 v1, $0x8;
	v1 =	vshll.u32 v1, $0x7;
	[tilespmem:$0x1F940] =	vst v25  }
0x526: {  	v2 =	vor.u32 v47, v55;
	v39 =	vand.u32 $0xFFFFF800, v45;
	v1 =	vand.u32 $0x380, v1;
	v10 =	vld.idx.msk [tilespmem:v36+s3+$0x0], $0xffff;
	[tilespmem:v4+s12+$0x0] =	vst.idx.msk $0xffff, v30  }
0x527: {  	v36 =	vor.u32 v1, v39;
	[tilespmem:v32+s12+$0x0] =	vst.idx.msk $0xffff, v7;
	v1 =	vld.idx.msk [tilespmem:v35+s3+$0x0], $0xffff;
	v35 =	vor.u32 v3, v6  }
0x528: {  	v5 =	vld.idx.msk [tilespmem:v5+s3+$0x0], $0xffff;
	[tilespmem:v0+s12+$0x0] =	vst.idx.msk $0xffff, v31;
	v0 =	vor.u32 v22, v35  }
0x529: {  	v19 =	vor.u32 v58, v53;
	v45 =	vld.idx.msk [tilespmem:v29+s3+$0x0], $0xffff;
	[tilespmem:$0x1F950] =	vst v0;
	v0 =	vor.u32 v50, v35  }
0x52a: {  	v33 =	vor.u32 v56, v61;
	[tilespmem:$0x1F960] =	vst v0;
	v0 =	vor.u32 v54, v35  }
0x52b: {  	[tilespmem:$0x1F970] =	vst v0;
	v0 =	vor.u32 v59, v35  }
0x52c: {  	v30 =	vor.u32 v56, v51;
	v2 =	vld.idx.msk [tilespmem:v2+s3+$0x0], $0xffff;
	[tilespmem:$0x1F980] =	vst v0;
	v0 =	vor.u32 v15, v35  }
0x52d: {  	[tilespmem:$0x1F990] =	vst v0  }
0x52e: {  	v17 =	vor.u32 v63, v13;
	[tilespmem:v19+s12+$0x0] =	vst.idx.msk $0xffff, v5  }
0x52f: {  	v31 =	vor.u32 v46, v41;
	v0 =	vor.u32 v50, v55;
	[tilespmem:v33+s12+$0x0] =	vst.idx.msk $0xffff, v10  }
0x530: {  	v11 =	vld.idx.msk [tilespmem:v11+s10+$0x0], $0xffff;
	[tilespmem:$0x1F9A0] =	vst v0  }
0x531: {  	v23 =	vor.u32 v56, v53;
	v39 =	vld.idx.msk [tilespmem:v30+s3+$0x0], $0xffff;
	_ =	sdelay $0x1  }
0x532: {  	v3 =	vor.u32 v46, v36;
	[tilespmem:v17+s12+$0x0] =	vst.idx.msk $0xffff, v1  }
0x533: {  	v9 =	vor.u32 v63, v48;
	[tilespmem:v31+s12+$0x0] =	vst.idx.msk $0xffff, v45  }
0x534: {  	v38 =	vor.u32 v12, v34;
	[tilespmem:v20+s12+$0x0] =	vst.idx.msk $0xffff, v2  }
0x535: {  	v43 =	vor.u32 v14, v60;
	[tilespmem:v23+s12+$0x0] =	vst.idx.msk $0xffff, v39  }
0x536: {  	v0 =	vld [tilespmem:$0x1F9B0]  }
0x537: {  	v19 =	vor.u32 v46, v26;
	v3 =	vld.idx.msk [tilespmem:v3+s3+$0x0], $0xffff  }
0x538: {  	v21 =	vor.u32 v63, v61;
	v1 =	vld.idx.msk [tilespmem:v9+s3+$0x0], $0xffff  }
0x539: {  	v8 =	vor.u32 v14, v48;
	v2 =	vor.u32 v12, v41;
	v17 =	vld.idx.msk [tilespmem:v38+s3+$0x0], $0xffff  }
0x53a: {  	v7 =	vor.u32 v58, v55;
	v32 =	vld.idx.msk [tilespmem:v43+s3+$0x0], $0xffff;
	v43 =	vshll.u32 v11, $0x8;
	v11 =	vshll.u32 v11, $0x7  }
0x53b: {  	v29 =	vor.u32 v12, v36;
	v33 =	vand.u32 $0xFFFFF800, v43;
	v11 =	vand.u32 $0x380, v11  }
0x53c: {  	v4 =	vor.u32 v24, v34;
	v23 =	vld.idx.msk [tilespmem:v42+s10+$0x0], $0xffff;
	v42 =	vor.u32 v11, v33;
	[tilespmem:v19+s12+$0x0] =	vst.idx.msk $0xffff, v3  }
0x53d: {  	v45 =	vor.u32 v14, v13;
	v19 =	vor.u32 v46, v42;
	[tilespmem:v21+s12+$0x0] =	vst.idx.msk $0xffff, v1  }
0x53e: {  	v30 =	vor.u32 v63, v53;
	[tilespmem:v2+s12+$0x0] =	vst.idx.msk $0xffff, v17;
	v20 =	vld.idx.msk [tilespmem:v0+s3+$0x0], $0xffff;
	v0 =	vor.u32 v63, v42  }
0x53f: {  	v9 =	vor.u32 v58, v16;
	v7 =	vld.idx.msk [tilespmem:v7+s3+$0x0], $0xffff;
	[tilespmem:$0x1F9C0] =	vst v0  }
0x540: {  	v21 =	vor.u32 v12, v26;
	v17 =	vld.idx.msk [tilespmem:v29+s3+$0x0], $0xffff  }
0x541: {  	v37 =	vor.u32 v14, v61;
	v3 =	vor.u32 v14, v51;
	v8 =	vld.idx.msk [tilespmem:v8+s3+$0x0], $0xffff  }
0x542: {  	v6 =	vor.u32 v56, v55;
	v5 =	vor.u32 v46, v49;
	[tilespmem:v45+s12+$0x0] =	vst.idx.msk $0xffff, v32;
	v19 =	vld.idx.msk [tilespmem:v19+s3+$0x0], $0xffff  }
0x543: {  	v29 =	vor.u32 v24, v36;
	v4 =	vld.idx.msk [tilespmem:v4+s3+$0x0], $0xffff;
	[tilespmem:v30+s12+$0x0] =	vst.idx.msk $0xffff, v20;
	v20 =	vor.u32 v24, v41  }
0x544: {  	v18 =	vor.u32 v59, v48;
	[tilespmem:v9+s12+$0x0] =	vst.idx.msk $0xffff, v7  }
0x545: {  	v38 =	vor.u32 v14, v53;
	v30 =	vshll.u32 v23, $0x8;
	v23 =	vshll.u32 v23, $0x7;
	[tilespmem:v21+s12+$0x0] =	vst.idx.msk $0xffff, v17  }
0x546: {  	v43 =	vor.u32 v59, v60;
	v45 =	vand.u32 $0xFFFFF800, v30;
	v23 =	vand.u32 $0x380, v23;
	v3 =	vld.idx.msk [tilespmem:v3+s3+$0x0], $0xffff;
	[tilespmem:v37+s12+$0x0] =	vst.idx.msk $0xffff, v8  }
0x547: {  	v2 =	vor.u32 v12, v42;
	v6 =	vld.idx.msk [tilespmem:v6+s3+$0x0], $0xffff;
	v45 =	vor.u32 v23, v45;
	[tilespmem:v5+s12+$0x0] =	vst.idx.msk $0xffff, v19  }
0x548: {  	v30 =	vor.u32 v56, v16;
	v29 =	vld.idx.msk [tilespmem:v29+s3+$0x0], $0xffff;
	v0 =	vor.u32 v52, v45;
	[tilespmem:v20+s12+$0x0] =	vst.idx.msk $0xffff, v4  }
0x549: {  	v21 =	vor.u32 v46, v45;
	v18 =	vld.idx.msk [tilespmem:v18+s3+$0x0], $0xffff;
	[tilespmem:$0x1F9D0] =	vst v0;
	v0 =	vor.u32 v47, v35  }
0x54a: {  	v31 =	vor.u32 v59, v61;
	v33 =	vor.u32 v62, v34;
	v23 =	vor.u32 v24, v26;
	[tilespmem:$0x1F9E0] =	vst v0  }
0x54b: {  	v20 =	vor.u32 v62, v36;
	v0 =	vor.u32 v22, v61;
	[tilespmem:v38+s12+$0x0] =	vst.idx.msk $0xffff, v3  }
0x54c: {  	v37 =	vld.idx.msk [tilespmem:v43+s3+$0x0], $0xffff;
	[tilespmem:$0x1F9F0] =	vst v0  }
0x54d: {  	v2 =	vld.idx.msk [tilespmem:v2+s3+$0x0], $0xffff  }
0x54e: {  	v3 =	vld.idx.msk [tilespmem:v21+s3+$0x0], $0xffff;
	[tilespmem:v30+s12+$0x0] =	vst.idx.msk $0xffff, v6  }
0x54f: {  	[tilespmem:v23+s12+$0x0] =	vst.idx.msk $0xffff, v29;
	v8 =	vld.idx.msk [tilespmem:v33+s3+$0x0], $0xffff  }
0x550: {  	v0 =	vor.u32 v50, v51;
	[tilespmem:v31+s12+$0x0] =	vst.idx.msk $0xffff, v18;
	v20 =	vld.idx.msk [tilespmem:v20+s3+$0x0], $0xffff  }
0x551: {  	v1 =	vor.u32 v12, v49;
	[tilespmem:$0x1FA00] =	vst v0;
	v0 =	vld [tilespmem:$0x1FA10]  }
0x552: {  	v28 =	vor.u32 v59, v51;
	v43 =	vor.u32 v46, v35  }
0x553: {  	v17 =	vor.u32 v63, v55;
	v21 =	vor.u32 v62, v41  }
0x554: {  	v25 =	vor.u32 v14, v16;
	v39 =	vor.u32 v63, v16;
	v16 =	vor.u32 v24, v42  }
0x555: {  	v10 =	vor.u32 v54, v48  }
0x556: {  	v18 =	vor.u32 v62, v26;
	[tilespmem:v1+s12+$0x0] =	vst.idx.msk $0xffff, v2  }
0x557: {  	v11 =	vor.u32 v59, v53;
	v46 =	vld.idx.msk [tilespmem:v28+s3+$0x0], $0xffff;
	[tilespmem:v43+s12+$0x0] =	vst.idx.msk $0xffff, v3  }
0x558: {  	v2 =	vld.idx.msk [tilespmem:v17+s3+$0x0], $0xffff;
	[tilespmem:v21+s12+$0x0] =	vst.idx.msk $0xffff, v8  }
0x559: {  	v4 =	vor.u32 v24, v49;
	v21 =	vor.u32 v15, v61;
	v32 =	vld.idx.msk [tilespmem:v16+s3+$0x0], $0xffff;
	[tilespmem:v0+s12+$0x0] =	vst.idx.msk $0xffff, v37  }
0x55a: {  	v9 =	vor.u32 v54, v61;
	v10 =	vld.idx.msk [tilespmem:v10+s3+$0x0], $0xffff;
	[tilespmem:$0x1FA20] =	vst v21  }
0x55b: {  	[tilespmem:v18+s12+$0x0] =	vst.idx.msk $0xffff, v20  }
0x55c: {  	[tilespmem:v11+s12+$0x0] =	vst.idx.msk $0xffff, v46  }
0x55d: {  	v0 =	vor.u32 v52, v36;
	[tilespmem:v39+s12+$0x0] =	vst.idx.msk $0xffff, v2  }
0x55e: {  	v23 =	vor.u32 v54, v60;
	[tilespmem:v4+s12+$0x0] =	vst.idx.msk $0xffff, v32  }
0x55f: {  	[tilespmem:v9+s12+$0x0] =	vst.idx.msk $0xffff, v10  }
0x560: {  	v10 =	vld [tilespmem:$0x1FA30]  }
0x561: {  	v3 =	vor.u32 v12, v45  }
0x562: {  	v33 =	vor.u32 v52, v26;
	v0 =	vld.idx.msk [tilespmem:v0+s3+$0x0], $0xffff  }
0x563: {  	v16 =	vor.u32 v52, v34;
	v21 =	vld.idx.msk [tilespmem:v23+s3+$0x0], $0xffff  }
0x564: {  	v19 =	vor.u32 v14, v55  }
0x565: {  	v17 =	vor.u32 v54, v51  }
0x566: {  	v38 =	vor.u32 v12, v35;
	v37 =	vor.u32 v62, v42;
	v3 =	vld.idx.msk [tilespmem:v3+s3+$0x0], $0xffff  }
0x567: {  	v27 =	vor.u32 v22, v60;
	v43 =	vor.u32 v57, v36;
	[tilespmem:v33+s12+$0x0] =	vst.idx.msk $0xffff, v0  }
0x568: {  	v20 =	vor.u32 v52, v41;
	v39 =	vld.idx.msk [tilespmem:v16+s3+$0x0], $0xffff;
	v0 =	vor.u32 v50, v60;
	[tilespmem:v10+s12+$0x0] =	vst.idx.msk $0xffff, v21  }
0x569: {  	v32 =	vor.u32 v24, v45;
	v21 =	vld.idx.msk [tilespmem:v19+s3+$0x0], $0xffff;
	[tilespmem:$0x1FA40] =	vst v0  }
0x56a: {  	v8 =	vor.u32 v54, v53;
	v0 =	vld.idx.msk [tilespmem:v17+s3+$0x0], $0xffff;
	v17 =	vor.u32 v57, v34  }
0x56b: {  	v30 =	vor.u32 v62, v49;
	[tilespmem:v38+s12+$0x0] =	vst.idx.msk $0xffff, v3;
	v3 =	vld.idx.msk [tilespmem:v37+s3+$0x0], $0xffff  }
0x56c: {  	v2 =	vor.u32 v22, v13;
	v37 =	vld.idx.msk [tilespmem:v27+s3+$0x0], $0xffff  }
0x56d: {  	v44 =	vor.u32 v54, v26;
	[tilespmem:v20+s12+$0x0] =	vst.idx.msk $0xffff, v39;
	v38 =	vld.idx.msk [tilespmem:v43+s3+$0x0], $0xffff;
	v39 =	vor.u32 v57, v26  }
0x56e: {  	v5 =	vor.u32 v15, v60;
	v10 =	vld.idx.msk [tilespmem:v32+s3+$0x0], $0xffff;
	[tilespmem:v25+s12+$0x0] =	vst.idx.msk $0xffff, v21;
	v21 =	vor.u32 v24, v35  }
0x56f: {  	v29 =	vor.u32 v52, v49;
	v33 =	vor.u32 v57, v41;
	[tilespmem:v8+s12+$0x0] =	vst.idx.msk $0xffff, v0;
	v43 =	vld.idx.msk [tilespmem:v17+s3+$0x0], $0xffff  }
0x570: {  	v31 =	vor.u32 v52, v42;
	v6 =	vor.u32 v47, v34;
	[tilespmem:v30+s12+$0x0] =	vst.idx.msk $0xffff, v3  }
0x571: {  	v28 =	vor.u32 v57, v49;
	v11 =	vor.u32 v59, v55;
	[tilespmem:v2+s12+$0x0] =	vst.idx.msk $0xffff, v37  }
0x572: {  	v1 =	vor.u32 v22, v48;
	v23 =	vor.u32 v22, v51;
	[tilespmem:v39+s12+$0x0] =	vst.idx.msk $0xffff, v38  }
0x573: {  	v18 =	vor.u32 v59, v34;
	v59 =	vor.u32 v15, v48;
	[tilespmem:v21+s12+$0x0] =	vst.idx.msk $0xffff, v10  }
0x574: {  	v48 =	vor.u32 v57, v35;
	v46 =	vor.u32 v50, v61;
	[tilespmem:v33+s12+$0x0] =	vst.idx.msk $0xffff, v43  }
0x575: {  	v16 =	vor.u32 v15, v51;
	v61 =	vor.u32 v15, v13;
	v51 =	vor.u32 v56, v26;
	v4 =	vld [tilespmem:$0x1FA50]  }
0x576: {  	v14 =	vmovc v40;
	v9 =	vmov v47;
	v60 =	vor.u32 v15, v55;
	v11 =	vld.idx.msk [tilespmem:v11+s3+$0x0], $0xffff;
	v3 =	vor.u32 v47, v36  }
0x577: {  	v50 =	vor.u32 v63, v26;
	v19 =	vor.u32 v54, v55;
	v17 =	vld.idx.msk [tilespmem:v1+s3+$0x0], $0xffff;
	v2 =	vor.u32 v62, v45  }
0x578: {  	v54 =	vor.u32 v58, v34;
	v20 =	vor.u32 v22, v53;
	v22 =	vor.u32 v22, v55;
	v53 =	vld.idx.msk [tilespmem:v23+s3+$0x0], $0xffff  }
0x579: {  	v55 =	vor.u32 v47, v41;
	v32 =	vor.u32 v58, v26;
	v24 =	vor.u32 v47, v49;
	v1 =	vld.idx.msk [tilespmem:v31+s3+$0x0], $0xffff  }
0x57a: {  	v0 =	vor.u32 v56, v49;
	v47 =	vor.u32 v63, v40;
	v63 =	vor.u32 v57, v42;
	v21 =	vld.idx.msk [tilespmem:v5+s3+$0x0], $0xffff  }
0x57b: {  	v37 =	vor.u32 v52, v35;
	v30 =	vor.u32 v58, v41;
	v41 =	vor.u32 v9, v26;
	v39 =	vld.idx.msk [tilespmem:v3+s3+$0x0], $0xffff  }
0x57c: {  	v23 =	vor.u32 v56, v40;
	v40 =	vor.u32 v62, v35;
	v31 =	vor.u32 v56, v34;
	v2 =	vld.idx.msk [tilespmem:v2+s3+$0x0], $0xffff  }
0x57d: {  	s19 =	simm.s32 $0x8;
	v33 =	vor.u32 v56, v36;
	v43 =	vor.u32 v58, v36;
	v38 =	vld.idx.msk [tilespmem:v6+s3+$0x0], $0xffff;
	[tilespmem:v4+s12+$0x0] =	vst.idx.msk $0xffff, v11  }
.LBB2_8:
0x57e: {  	v12 =	vld [tilespmem:$0x1F9F0];
	_ =	sdelay $0x7  }
0x57f: {  	[tilespmem:v12+s12+$0x0] =	vst.idx.msk $0xffff, v17;
	v12 =	vld [tilespmem:$0x1F980];
	_ =	sdelay $0x4  }
0x580: {  	v13 =	vmov v12;
	v12 =	vld [tilespmem:$0x1F8E0]  }
0x581: {  	[tilespmem:$0x1F880] =	vst v13;
	v13 =	vld [tilespmem:$0x1F990];
	_ =	sdelay $0x4  }
0x582: {  	v62 =	vmov v14;
	v14 =	vmov v12;
	v12 =	vmov v13  }
0x583: {  	[tilespmem:$0x1F8E0] =	vst v12;
	v12 =	vld [tilespmem:$0x1F9D0];
	_ =	sdelay $0x2  }
0x584: {  	v57 =	vld [tilespmem:$0x1FF50];
	_ =	sdelay $0x1  }
0x585: {  	[tilespmem:v20+s12+$0x0] =	vst.idx.msk $0xffff, v53  }
0x586: {  	v6 =	vld.idx.msk [tilespmem:v19+s3+$0x0], $0xffff;
	[tilespmem:v29+s12+$0x0] =	vst.idx.msk $0xffff, v1  }
0x587: {  	v56 =	vmov v26;
	[tilespmem:v40+s12+$0x0] =	vst.idx.msk $0xffff, v2;
	v26 =	vld.idx.msk [tilespmem:v63+s3+$0x0], $0xffff  }
0x588: {  	v4 =	vor.u32 v57, v45;
	v63 =	vmov v45;
	v45 =	vld.idx.msk [tilespmem:v12+s3+$0x0], $0xffff  }
0x589: {  	v12 =	vld [tilespmem:$0x1F8D0];
	_ =	sdelay $0x7  }
0x58a: {  	[tilespmem:v12+s12+$0x0] =	vst.idx.msk $0xffff, v6;
	v12 =	vld [tilespmem:$0x1F970];
	_ =	sdelay $0x3  }
0x58b: {  	[tilespmem:$0x1F810] =	vst v18;
	v18 =	vld.idx.msk [tilespmem:v59+s3+$0x0], $0xffff  }
0x58c: {  	v59 =	vmov v12;
	v12 =	vld [tilespmem:$0x1F920]  }
0x58d: {  	v7 =	vld [tilespmem:$0x1F910];
	_ =	sdelay $0x1  }
0x58e: {  	s21 =	smov.u32 s19;
	v1 =	vld.idx.msk [tilespmem:v16+s3+$0x0], $0xffff  }
0x58f: {  	s31 =	sadd.s32 $0x3, s21  }
0x590: {  	v27 =	vmov s31  }
0x591: {  	v20 =	vmov v34;
	[tilespmem:v41+s12+$0x0] =	vst.idx.msk $0xffff, v39;
	v34 =	vor.u32 $0x180, v27;
	v8 =	vmov v7  }
0x592: {  	[tilespmem:$0x1F830] =	vst v8  }
0x593: {  	v3 =	vmov s19;
	[tilespmem:v12+s12+$0x0] =	vst.idx.msk $0xffff, v1;
	v12 =	vld [tilespmem:$0x1FA20]  }
0x594: {  	v53 =	vmovc v49;
	v49 =	vor.u32 $0x180, v3;
	v2 =	vld.idx.msk [tilespmem:v43+s3+$0x0], $0xffff;
	v8 =	vshll.u32 v3, $0x8;
	v3 =	vshll.u32 v3, $0x7;
	[tilespmem:v55+s12+$0x0] =	vst.idx.msk $0xffff, v38  }
0x595: {  	v10 =	vand.u32 $0x7800, v8;
	v3 =	vand.u32 $0x200, v3;
	v40 =	vld.idx.msk [tilespmem:v54+s3+$0x0], $0xffff  }
0x596: {  	v54 =	vor.u32 v3, v10;
	v10 =	vld.idx.msk [tilespmem:v34+s10+$0x0], $0xffff  }
0x597: {  	v13 =	vld [tilespmem:$0x1F8B0]  }
0x598: {  	v43 =	vld.idx.msk [tilespmem:v22+s3+$0x0], $0xffff;
	[tilespmem:$0x1F8D0] =	vst v59;
	v59 =	vshll.u32 v27, $0x8  }
0x599: {  	v6 =	vand.u32 $0x7800, v59;
	v59 =	vld [tilespmem:$0x1FFB0]  }
0x59a: {  	[tilespmem:v32+s12+$0x0] =	vst.idx.msk $0xffff, v2;
	v1 =	vld.idx.msk [tilespmem:v49+s10+$0x0], $0xffff  }
0x59b: {  	v2 =	vor.u32 v3, v8;
	[tilespmem:v12+s12+$0x0] =	vst.idx.msk $0xffff, v18;
	v12 =	vld [tilespmem:$0x1FFC0]  }
0x59c: {  	v16 =	vmov v36;
	v36 =	vshll.u32 v27, $0x7;
	[tilespmem:$0x1F850] =	vst v2  }
0x59d: {  	v22 =	vand.u32 $0x380, v36;
	[tilespmem:v37+s12+$0x0] =	vst.idx.msk $0xffff, v45;
	v18 =	vmov v60  }
0x59e: {  	[tilespmem:v28+s12+$0x0] =	vst.idx.msk $0xffff, v26;
	v26 =	vor.u32 v22, v6  }
0x59f: {  	v4 =	vld.idx.msk [tilespmem:v4+s3+$0x0], $0xffff;
	[tilespmem:v13+s12+$0x0] =	vst.idx.msk $0xffff, v43;
	v2 =	vor.u32 v59, v26  }
0x5a0: {  	[tilespmem:$0x1F910] =	vst v2;
	v2 =	vor.u32 v12, v26  }
0x5a1: {  	[tilespmem:$0x1F870] =	vst v2;
	v2 =	vld.idx.msk [tilespmem:v33+s3+$0x0], $0xffff  }
0x5a2: {  	v33 =	vld.idx.msk [tilespmem:v18+s3+$0x0], $0xffff  }
0x5a3: {  	v18 =	vld [tilespmem:$0x1F950];
	_ =	sdelay $0x4  }
0x5a4: {  	s20 =	sadd.s32 $0x1, s19;
	v58 =	vld [tilespmem:$0x1FF60];
	v13 =	vmov v18  }
0x5a5: {  	v9 =	vmov s20;
	[tilespmem:$0x1F8B0] =	vst v13;
	v13 =	vld [tilespmem:$0x1F8A0]  }
0x5a6: {  	v15 =	vmov v61;
	s30 =	sadd.s32 $0x2, s21;
	v25 =	vshll.u32 v9, $0x8;
	v11 =	vmov v44  }
0x5a7: {  	v39 =	vand.u32 $0x7800, v25;
	[tilespmem:$0x1F840] =	vst v11;
	v11 =	vmov s30;
	v60 =	vld [tilespmem:$0x1FFE0]  }
0x5a8: {  	v44 =	vor.u32 $0x180, v11;
	v25 =	vshll.u32 v11, $0x7;
	v11 =	vshll.u32 v11, $0x8  }
0x5a9: {  	v5 =	vor.u32 v58, v42;
	v41 =	vand.u32 $0x7800, v11;
	v17 =	vmovc v42;
	v42 =	vand.u32 $0x300, v25  }
0x5aa: {  	v49 =	vor.u32 v42, v41;
	v41 =	vld [tilespmem:$0x1FA00]  }
0x5ab: {  	[tilespmem:v15+s12+$0x0] =	vst.idx.msk $0xffff, v21;
	v15 =	vld [tilespmem:$0x1FF90]  }
0x5ac: {  	v61 =	vld [tilespmem:$0x1FFF0];
	[tilespmem:v30+s12+$0x0] =	vst.idx.msk $0xffff, v40;
	v38 =	vor.u32 v60, v53  }
0x5ad: {  	[tilespmem:$0x1F920] =	vst v38;
	v38 =	vld.idx.msk [tilespmem:v13+s3+$0x0], $0xffff  }
0x5ae: {  	v13 =	vld [tilespmem:$0x1F940];
	_ =	sdelay $0x1  }
0x5af: {  	v5 =	vld.idx.msk [tilespmem:v5+s3+$0x0], $0xffff;
	v42 =	vshll.u32 v1, $0x8;
	v1 =	vshll.u32 v1, $0x7;
	v21 =	vor.u32 v15, v16  }
0x5b0: {  	v11 =	vand.u32 $0xFFFFF800, v42;
	v1 =	vand.u32 $0x380, v1  }
0x5b1: {  	v34 =	vor.u32 v1, v11  }
0x5b2: {  	v6 =	vld.idx.msk [tilespmem:v41+s3+$0x0], $0xffff;
	[tilespmem:v51+s12+$0x0] =	vst.idx.msk $0xffff, v2;
	v2 =	vmov v13;
	v13 =	vor.u32 v61, v34  }
0x5b3: {  	[tilespmem:$0x1F940] =	vst v13;
	v13 =	vld [tilespmem:$0x1FA40]  }
0x5b4: {  	v29 =	vor.u32 $0x180, v9;
	v9 =	vshll.u32 v9, $0x7;
	[tilespmem:v24+s12+$0x0] =	vst.idx.msk $0xffff, v5;
	v24 =	vld.idx.msk [tilespmem:v21+s3+$0x0], $0xffff  }
0x5b5: {  	v9 =	vand.u32 $0x280, v9;
	v21 =	vld [tilespmem:$0x1F890]  }
0x5b6: {  	v19 =	vor.u32 v59, v17;
	v30 =	vor.u32 v9, v39  }
0x5b7: {  	v25 =	vld [tilespmem:$0x1F8F0];
	[tilespmem:$0x1F820] =	vst v19;
	v19 =	vor.u32 v12, v30  }
0x5b8: {  	[tilespmem:$0x1F970] =	vst v19;
	v19 =	vld [tilespmem:$0x1F930];
	_ =	sdelay $0x2  }
0x5b9: {  	v40 =	vld.idx.msk [tilespmem:v13+s3+$0x0], $0xffff  }
0x5ba: {  	v55 =	vld [tilespmem:$0x1FFA0];
	[tilespmem:v14+s12+$0x0] =	vst.idx.msk $0xffff, v33  }
0x5bb: {  	v27 =	vld [tilespmem:$0x1FF70];
	[tilespmem:v21+s12+$0x0] =	vst.idx.msk $0xffff, v6;
	v21 =	vmov v25  }
0x5bc: {  	v43 =	vld [tilespmem:$0x1F9A0];
	[tilespmem:$0x1F890] =	vst v21  }
0x5bd: {  	[tilespmem:$0x1F8A0] =	vst v2  }
0x5be: {  	v52 =	vld [tilespmem:$0x1FF20];
	[tilespmem:v19+s12+$0x0] =	vst.idx.msk $0xffff, v40;
	v19 =	vor.u32 v59, v30  }
0x5bf: {  	v11 =	vld.idx.msk [tilespmem:v31+s3+$0x0], $0xffff;
	[tilespmem:$0x1F980] =	vst v19;
	v19 =	vor.u32 v60, v30  }
0x5c0: {  	v3 =	vor.u32 v27, v17;
	v21 =	vld [tilespmem:$0x1F8C0];
	[tilespmem:$0x1F990] =	vst v19;
	v19 =	vor.u32 v61, v63  }
0x5c1: {  	v18 =	vlaneseq.u32;
	v13 =	vld [tilespmem:$0x1FF80];
	[tilespmem:$0x1F9A0] =	vst v19;
	v19 =	vor.u32 v55, v35  }
0x5c2: {  	v2 =	vor.u32 v18, v34;
	[tilespmem:$0x1F860] =	vst v19;
	v19 =	vld [tilespmem:$0x1F900]  }
0x5c3: {  	v32 =	vor.u32 v58, v63;
	v51 =	vld [tilespmem:$0x1FF10];
	[tilespmem:v48+s12+$0x0] =	vst.idx.msk $0xffff, v4  }
0x5c4: {  	v1 =	vshll.u32 v10, $0x8;
	v10 =	vshll.u32 v10, $0x7;
	v37 =	vor.u32 v15, v20;
	v4 =	vld.idx.msk [tilespmem:v43+s3+$0x0], $0xffff  }
0x5c5: {  	v1 =	vand.u32 $0xFFFFF800, v1;
	v10 =	vand.u32 $0x380, v10;
	v3 =	vld.idx.msk [tilespmem:v3+s3+$0x0], $0xffff  }
0x5c6: {  	v36 =	vor.u32 v10, v1;
	v48 =	vld.idx.msk [tilespmem:v44+s10+$0x0], $0xffff;
	v5 =	vor.u32 v13, v17  }
0x5c7: {  	v6 =	vor.u32 v18, v36;
	v2 =	vld.idx.msk [tilespmem:v2+s3+$0x0], $0xffff;
	[tilespmem:v23+s12+$0x0] =	vst.idx.msk $0xffff, v11  }
0x5c8: {  	v33 =	vor.u32 v18, v54;
	v11 =	vld.idx.msk [tilespmem:v32+s3+$0x0], $0xffff;
	[tilespmem:v46+s12+$0x0] =	vst.idx.msk $0xffff, v38  }
0x5c9: {  	v31 =	vor.u32 v51, v34;
	[tilespmem:v21+s12+$0x0] =	vst.idx.msk $0xffff, v4;
	v4 =	vld.idx.msk [tilespmem:v37+s3+$0x0], $0xffff  }
0x5ca: {  	[tilespmem:v19+s12+$0x0] =	vst.idx.msk $0xffff, v3;
	v19 =	vld [tilespmem:$0x1F9E0]  }
0x5cb: {  	v3 =	vld.idx.msk [tilespmem:v5+s3+$0x0], $0xffff  }
0x5cc: {  	v8 =	vor.u32 v55, v20;
	v42 =	vor.u32 v55, v16;
	v38 =	vor.u32 v18, v26;
	v6 =	vld.idx.msk [tilespmem:v6+s3+$0x0], $0xffff  }
0x5cd: {  	v7 =	vor.u32 v61, v49;
	v14 =	vld [tilespmem:$0x1FFD0];
	v10 =	vor.u32 v51, v36;
	[tilespmem:v33+s12+$0x0] =	vst.idx.msk $0xffff, v2  }
0x5ce: {  	v21 =	vmov v7;
	v2 =	vor.u32 v51, v54;
	v7 =	vld.idx.msk [tilespmem:v31+s3+$0x0], $0xffff;
	[tilespmem:v47+s12+$0x0] =	vst.idx.msk $0xffff, v4  }
0x5cf: {  	v41 =	vor.u32 v52, v34;
	v25 =	vld [tilespmem:$0x1FF30];
	[tilespmem:v50+s12+$0x0] =	vst.idx.msk $0xffff, v24  }
0x5d0: {  	v45 =	vor.u32 v61, v56;
	v1 =	vor.u32 v27, v63;
	[tilespmem:v0+s12+$0x0] =	vst.idx.msk $0xffff, v3;
	v3 =	vld [tilespmem:$0x1F9C0]  }
0x5d1: {  	v28 =	vor.u32 v27, v49;
	v22 =	vor.u32 v55, v62;
	v46 =	vld.idx.msk [tilespmem:v42+s3+$0x0], $0xffff;
	[tilespmem:v38+s12+$0x0] =	vst.idx.msk $0xffff, v6  }
0x5d2: {  	v39 =	vor.u32 v18, v49;
	v8 =	vld.idx.msk [tilespmem:v8+s3+$0x0], $0xffff;
	[tilespmem:v19+s12+$0x0] =	vst.idx.msk $0xffff, v11;
	v19 =	vmov v28  }
0x5d3: {  	v9 =	vor.u32 v14, v30;
	v32 =	vshll.u32 v48, $0x7;
	v31 =	vshll.u32 v48, $0x8;
	[tilespmem:v2+s12+$0x0] =	vst.idx.msk $0xffff, v7;
	v10 =	vld.idx.msk [tilespmem:v10+s3+$0x0], $0xffff  }
0x5d4: {  	[tilespmem:$0x1F950] =	vst v9;
	v32 =	vand.u32 $0x380, v32;
	v31 =	vand.u32 $0xFFFFF800, v31;
	v11 =	vor.u32 v55, v56;
	v28 =	vld.idx.msk [tilespmem:v41+s3+$0x0], $0xffff  }
0x5d5: {  	v37 =	vor.u32 v27, v35;
	v42 =	vor.u32 v32, v31;
	v1 =	vld.idx.msk [tilespmem:v1+s3+$0x0], $0xffff;
	[tilespmem:$0x1F900] =	vst v19;
	v19 =	vmov v45  }
0x5d6: {  	v50 =	vor.u32 v15, v42;
	v6 =	vor.u32 v51, v26;
	v0 =	vor.u32 v18, v42;
	[tilespmem:$0x1F930] =	vst v19;
	v19 =	vld [tilespmem:$0x1F960]  }
0x5d7: {  	v9 =	vor.u32 v61, v30;
	v44 =	vor.u32 v55, v53;
	[tilespmem:$0x1F9C0] =	vst v50;
	v29 =	vld.idx.msk [tilespmem:v29+s10+$0x0], $0xffff  }
0x5d8: {  	v40 =	vor.u32 v13, v63;
	v5 =	vor.u32 v15, v53;
	[tilespmem:v22+s12+$0x0] =	vst.idx.msk $0xffff, v8;
	v3 =	vld.idx.msk [tilespmem:v3+s3+$0x0], $0xffff  }
0x5d9: {  	v33 =	vor.u32 v55, v17;
	v32 =	vor.u32 v13, v35;
	[tilespmem:v11+s12+$0x0] =	vst.idx.msk $0xffff, v46  }
0x5da: {  	v4 =	vor.u32 v51, v42;
	v2 =	vor.u32 v52, v54;
	[tilespmem:v37+s12+$0x0] =	vst.idx.msk $0xffff, v1  }
0x5db: {  	v38 =	vor.u32 v52, v36;
	v0 =	vld.idx.msk [tilespmem:v0+s3+$0x0], $0xffff;
	[tilespmem:v6+s12+$0x0] =	vst.idx.msk $0xffff, v10;
	v45 =	vmov v19  }
0x5dc: {  	v41 =	vor.u32 v25, v34;
	v46 =	vld [tilespmem:$0x1FF40];
	v47 =	vshll.u32 v29, $0x8;
	v29 =	vshll.u32 v29, $0x7;
	[tilespmem:$0x1F8C0] =	vst v45  }
0x5dd: {  	v50 =	vor.u32 v59, v16;
	v29 =	vand.u32 $0x380, v29;
	v45 =	vand.u32 $0xFFFFF800, v47;
	[tilespmem:v5+s12+$0x0] =	vst.idx.msk $0xffff, v3;
	v5 =	vld.idx.msk [tilespmem:v40+s3+$0x0], $0xffff  }
0x5de: {  	v6 =	vor.u32 v15, v35;
	v35 =	vmovc v30;
	v45 =	vor.u32 v29, v45;
	v3 =	vmov v9;
	v40 =	vld [tilespmem:$0x1F810]  }
0x5df: {  	v8 =	vor.u32 v55, v63;
	v55 =	vor.u32 v18, v35;
	[tilespmem:$0x1F960] =	vst v3;
	v3 =	vor.u32 v18, v45;
	v18 =	vld [tilespmem:$0x1F820]  }
0x5e0: {  	[tilespmem:v2+s12+$0x0] =	vst.idx.msk $0xffff, v28;
	v1 =	vld.idx.msk [tilespmem:v33+s3+$0x0], $0xffff  }
0x5e1: {  	[tilespmem:$0x1F8F0] =	vst v21;
	v37 =	vor.u32 v58, v30;
	v30 =	vld.idx.msk [tilespmem:v41+s3+$0x0], $0xffff  }
0x5e2: {  	v28 =	vld.idx.msk [tilespmem:v50+s3+$0x0], $0xffff;
	v9 =	vor.u32 v46, v45;
	[tilespmem:v39+s12+$0x0] =	vst.idx.msk $0xffff, v0  }
0x5e3: {  	v11 =	vor.u32 v52, v26;
	[tilespmem:$0x1F9D0] =	vst v9;
	v9 =	vld.idx.msk [tilespmem:v38+s3+$0x0], $0xffff  }
0x5e4: {  	v48 =	vor.u32 v51, v49;
	v7 =	vor.u32 v15, v63;
	[tilespmem:$0x1F9E0] =	vst v37;
	v4 =	vld.idx.msk [tilespmem:v4+s3+$0x0], $0xffff  }
0x5e5: {  	v19 =	vor.u32 v61, v17;
	[tilespmem:v44+s12+$0x0] =	vst.idx.msk $0xffff, v1;
	v1 =	vld.idx.msk [tilespmem:v3+s3+$0x0], $0xffff;
	v3 =	vor.u32 v52, v42  }
0x5e6: {  	[tilespmem:$0x1FA00] =	vst v19;
	v10 =	vld.idx.msk [tilespmem:v40+s3+$0x0], $0xffff  }
0x5e7: {  	v43 =	vor.u32 v59, v62;
	v21 =	vor.u32 v12, v62;
	[tilespmem:v32+s12+$0x0] =	vst.idx.msk $0xffff, v5;
	v41 =	vld.idx.msk [tilespmem:v18+s3+$0x0], $0xffff  }
0x5e8: {  	v24 =	vor.u32 v59, v53;
	v0 =	vor.u32 v25, v36;
	[tilespmem:v11+s12+$0x0] =	vst.idx.msk $0xffff, v9;
	v18 =	vld [tilespmem:$0x1F830]  }
0x5e9: {  	v38 =	vor.u32 v14, v62;
	v11 =	vor.u32 v51, v45;
	[tilespmem:v48+s12+$0x0] =	vst.idx.msk $0xffff, v4;
	v4 =	vld.idx.msk [tilespmem:v7+s3+$0x0], $0xffff  }
0x5ea: {  	v31 =	vor.u32 v12, v20;
	v47 =	vor.u32 v52, v49;
	[tilespmem:$0x1F9F0] =	vst v38;
	v3 =	vld.idx.msk [tilespmem:v3+s3+$0x0], $0xffff  }
0x5eb: {  	v22 =	vor.u32 v12, v16;
	v2 =	vor.u32 v25, v54;
	[tilespmem:v55+s12+$0x0] =	vst.idx.msk $0xffff, v1  }
0x5ec: {  	v37 =	vor.u32 v14, v20;
	v19 =	vor.u32 v12, v63;
	[tilespmem:v43+s12+$0x0] =	vst.idx.msk $0xffff, v10  }
0x5ed: {  	v39 =	vor.u32 v46, v34;
	v40 =	vor.u32 v25, v26;
	v0 =	vld.idx.msk [tilespmem:v0+s3+$0x0], $0xffff;
	[tilespmem:v24+s12+$0x0] =	vst.idx.msk $0xffff, v41  }
0x5ee: {  	v38 =	vor.u32 v12, v17;
	v9 =	vor.u32 v46, v36;
	v11 =	vld.idx.msk [tilespmem:v11+s3+$0x0], $0xffff;
	[tilespmem:v6+s12+$0x0] =	vst.idx.msk $0xffff, v4  }
0x5ef: {  	v5 =	vor.u32 v12, v53;
	v12 =	vld [tilespmem:$0x1F840];
	v7 =	vor.u32 v59, v63;
	[tilespmem:v47+s12+$0x0] =	vst.idx.msk $0xffff, v3  }
0x5f0: {  	v1 =	vor.u32 v25, v42;
	v55 =	vor.u32 v51, v35;
	v6 =	vld.idx.msk [tilespmem:v8+s3+$0x0], $0xffff;
	[tilespmem:v18+s12+$0x0] =	vst.idx.msk $0xffff, v28  }
0x5f1: {  	v18 =	vor.u32 v59, v34;
	v59 =	vor.u32 v60, v20;
	v20 =	vld.idx.msk [tilespmem:v31+s3+$0x0], $0xffff;
	[tilespmem:v2+s12+$0x0] =	vst.idx.msk $0xffff, v30  }
0x5f2: {  	v4 =	vor.u32 v52, v45;
	v22 =	vld.idx.msk [tilespmem:v22+s3+$0x0], $0xffff;
	[tilespmem:v40+s12+$0x0] =	vst.idx.msk $0xffff, v0;
	v0 =	vor.u32 v61, v16  }
0x5f3: {  	v50 =	vor.u32 v60, v62;
	v2 =	vor.u32 v46, v26;
	[tilespmem:$0x1FA40] =	vst v0;
	v0 =	vld.idx.msk [tilespmem:v9+s3+$0x0], $0xffff  }
0x5f4: {  	[tilespmem:$0x1FA20] =	vst v50;
	v3 =	vld.idx.msk [tilespmem:v38+s3+$0x0], $0xffff  }
0x5f5: {  	v23 =	vor.u32 v14, v16;
	v50 =	vor.u32 v15, v26;
	v1 =	vld.idx.msk [tilespmem:v1+s3+$0x0], $0xffff;
	[tilespmem:v55+s12+$0x0] =	vst.idx.msk $0xffff, v11  }
0x5f6: {  	v29 =	vor.u32 v46, v49;
	v10 =	vor.u32 v46, v54;
	v31 =	vld.idx.msk [tilespmem:v39+s3+$0x0], $0xffff;
	[tilespmem:v21+s12+$0x0] =	vst.idx.msk $0xffff, v20  }
0x5f7: {  	v33 =	vor.u32 v25, v49;
	v47 =	vor.u32 v57, v34;
	v4 =	vld.idx.msk [tilespmem:v4+s3+$0x0], $0xffff;
	[tilespmem:v12+s12+$0x0] =	vst.idx.msk $0xffff, v22  }
0x5f8: {  	v44 =	vor.u32 v14, v56;
	v32 =	vor.u32 v57, v26;
	[tilespmem:v2+s12+$0x0] =	vst.idx.msk $0xffff, v0;
	v0 =	vld [tilespmem:$0x1F860]  }
0x5f9: {  	v43 =	vor.u32 v14, v17;
	v24 =	vor.u32 v57, v36;
	[tilespmem:v5+s12+$0x0] =	vst.idx.msk $0xffff, v3;
	v3 =	vld [tilespmem:$0x1F880]  }
0x5fa: {  	v30 =	vor.u32 v60, v16;
	v38 =	vor.u32 v46, v42;
	v16 =	vor.u32 v60, v17;
	v17 =	vld.idx.msk [tilespmem:v37+s3+$0x0], $0xffff  }
0x5fb: {  	v20 =	vor.u32 v14, v53;
	v22 =	vor.u32 v14, v63;
	v14 =	vld [tilespmem:$0x1F850];
	[tilespmem:v10+s12+$0x0] =	vst.idx.msk $0xffff, v31  }
0x5fc: {  	v48 =	vor.u32 v57, v35;
	v51 =	vor.u32 v13, v26;
	v9 =	vor.u32 v57, v54;
	v8 =	vld.idx.msk [tilespmem:v47+s3+$0x0], $0xffff  }
0x5fd: {  	v41 =	vor.u32 v58, v26;
	v28 =	vor.u32 v57, v49;
	v40 =	vor.u32 v61, v62;
	v2 =	vld.idx.msk [tilespmem:v23+s3+$0x0], $0xffff  }
0x5fe: {  	v61 =	vor.u32 v60, v56;
	v56 =	vor.u32 v58, v34;
	[tilespmem:v33+s12+$0x0] =	vst.idx.msk $0xffff, v1;
	v11 =	vld.idx.msk [tilespmem:v24+s3+$0x0], $0xffff  }
0x5ff: {  	v55 =	vor.u32 v58, v54;
	v60 =	vor.u32 v60, v63;
	v39 =	vor.u32 v58, v36;
	v53 =	vld.idx.msk [tilespmem:v43+s3+$0x0], $0xffff  }
0x600: {  	v10 =	vor.u32 v25, v45;
	v31 =	vor.u32 v52, v35;
	v1 =	vld.idx.msk [tilespmem:v38+s3+$0x0], $0xffff;
	[tilespmem:v0+s12+$0x0] =	vst.idx.msk $0xffff, v6  }
0x601: {  	p0 =	slt.u32 s19, $0x7C;
	v63 =	vor.u32 v57, v42;
	v37 =	vor.u32 v46, v35;
	[tilespmem:v9+s12+$0x0] =	vst.idx.msk $0xffff, v8;
	v6 =	vld.idx.msk [tilespmem:v7+s3+$0x0], $0xffff  }
.Ltmp3:
0x602: {  	v46 =	vmov v40;
	v40 =	vor.u32 v25, v35;
	v33 =	vor.u32 v13, v36;
	[tilespmem:v44+s12+$0x0] =	vst.idx.msk $0xffff, v2;
	v44 =	vld [tilespmem:$0x1F870];
	(pc) =	sbr.rel @p0 .LBB2_8-.Ltmp3, $4  }
0x603: {  	v43 =	vor.u32 v27, v36;
	v24 =	vor.u32 v58, v49;
	v38 =	vld.idx.msk [tilespmem:v56+s3+$0x0], $0xffff;
	[tilespmem:v32+s12+$0x0] =	vst.idx.msk $0xffff, v11  }
0x604: {  	v47 =	vor.u32 v15, v14;
	v23 =	vor.u32 v13, v14;
	v32 =	vor.u32 v27, v26;
	v21 =	vld.idx.msk [tilespmem:v30+s3+$0x0], $0xffff  }
0x605: {  	v0 =	vor.u32 v13, v49;
	v39 =	vld.idx.msk [tilespmem:v39+s3+$0x0], $0xffff;
	v30 =	vor.u32 v27, v54;
	[tilespmem:v31+s12+$0x0] =	vst.idx.msk $0xffff, v4  }
0x606: {  	s19 =	sadd.s32 $0x4, s19;
	v54 =	vor.u32 v27, v34;
	v31 =	vor.u32 v13, v34;
	v2 =	vld.idx.msk [tilespmem:v10+s3+$0x0], $0xffff;
	[tilespmem:v3+s12+$0x0] =	vst.idx.msk $0xffff, v6  }
0x607: {  	_ =	sdelay $0x3  }
0x608: {  	[tilespmem:v40+s12+$0x0] =	vst.idx.msk $0xffff, v2  }
0x609: {  	v2 =	vld [tilespmem:$0x1F9D0];
	_ =	sdelay $0x1  }
0x60a: {  	v3 =	vld [tilespmem:$0x1FF50];
	[tilespmem:v29+s12+$0x0] =	vst.idx.msk $0xffff, v1  }
0x60b: {  	v5 =	vld [tilespmem:$0x1FF60];
	_ =	sdelay $0x3  }
0x60c: {  	v1 =	vld.idx.msk [tilespmem:v63+s3+$0x0], $0xffff  }
0x60d: {  	v4 =	vor.u32 v5, v42;
	v2 =	vld.idx.msk [tilespmem:v2+s3+$0x0], $0xffff  }
0x60e: {  	v3 =	vor.u32 v3, v45;
	_ =	sdelay $0x2  }
0x60f: {  	[tilespmem:v28+s12+$0x0] =	vst.idx.msk $0xffff, v1  }
0x610: {  	v1 =	vld.idx.msk [tilespmem:v4+s3+$0x0], $0xffff;
	[tilespmem:v37+s12+$0x0] =	vst.idx.msk $0xffff, v2  }
0x611: {  	v2 =	vld.idx.msk [tilespmem:v3+s3+$0x0], $0xffff;
	_ =	sdelay $0x1  }
0x612: {  	v7 =	vld [tilespmem:$0x1FF70];
	[tilespmem:v41+s12+$0x0] =	vst.idx.msk $0xffff, v39  }
0x613: {  	[tilespmem:v55+s12+$0x0] =	vst.idx.msk $0xffff, v38  }
0x614: {  	v12 =	vor.u32 v5, v45;
	[tilespmem:v24+s12+$0x0] =	vst.idx.msk $0xffff, v1  }
0x615: {  	[tilespmem:v48+s12+$0x0] =	vst.idx.msk $0xffff, v2  }
0x616: {  	v9 =	vld [tilespmem:$0x1F9E0];
	_ =	sdelay $0x2  }
0x617: {  	v2 =	vld.idx.msk [tilespmem:v12+s3+$0x0], $0xffff;
	_ =	sdelay $0x3  }
0x618: {  	v13 =	vor.u32 v7, v42  }
0x619: {  	v8 =	vld [tilespmem:$0x1FF80];
	[tilespmem:v9+s12+$0x0] =	vst.idx.msk $0xffff, v2  }
0x61a: {  	v9 =	vld [tilespmem:$0x1F900];
	_ =	sdelay $0x1  }
0x61b: {  	v24 =	vld.idx.msk [tilespmem:v43+s3+$0x0], $0xffff;
	v15 =	vor.u32 v7, v45  }
0x61c: {  	v1 =	vld.idx.msk [tilespmem:v13+s3+$0x0], $0xffff  }
0x61d: {  	v25 =	vor.u32 v8, v42  }
0x61e: {  	v6 =	vld.idx.msk [tilespmem:v54+s3+$0x0], $0xffff;
	_ =	sdelay $0x1  }
0x61f: {  	v27 =	vor.u32 v7, v35;
	v3 =	vld.idx.msk [tilespmem:v15+s3+$0x0], $0xffff;
	[tilespmem:v32+s12+$0x0] =	vst.idx.msk $0xffff, v24  }
0x620: {  	v4 =	vld.idx.msk [tilespmem:v33+s3+$0x0], $0xffff;
	[tilespmem:v9+s12+$0x0] =	vst.idx.msk $0xffff, v1  }
0x621: {  	v1 =	vld.idx.msk [tilespmem:v25+s3+$0x0], $0xffff  }
0x622: {  	[tilespmem:v30+s12+$0x0] =	vst.idx.msk $0xffff, v6  }
0x623: {  	v9 =	vld [tilespmem:$0x1FF90]  }
0x624: {  	[tilespmem:v27+s12+$0x0] =	vst.idx.msk $0xffff, v3  }
0x625: {  	v28 =	vor.u32 v8, v45;
	[tilespmem:v51+s12+$0x0] =	vst.idx.msk $0xffff, v4  }
0x626: {  	v6 =	vld.idx.msk [tilespmem:v31+s3+$0x0], $0xffff;
	[tilespmem:v0+s12+$0x0] =	vst.idx.msk $0xffff, v1  }
0x627: {  	v1 =	vld [tilespmem:$0x1F9C0]  }
0x628: {  	v29 =	vor.u32 v9, v36  }
0x629: {  	v30 =	vor.u32 v9, v34  }
0x62a: {  	v31 =	vor.u32 v8, v35;
	v7 =	vld.idx.msk [tilespmem:v28+s3+$0x0], $0xffff  }
0x62b: {  	v32 =	vor.u32 v9, v45;
	[tilespmem:v23+s12+$0x0] =	vst.idx.msk $0xffff, v6  }
0x62c: {  	v10 =	vld [tilespmem:$0x1FFA0]  }
0x62d: {  	v4 =	vld.idx.msk [tilespmem:v29+s3+$0x0], $0xffff  }
0x62e: {  	v2 =	vld.idx.msk [tilespmem:v30+s3+$0x0], $0xffff  }
0x62f: {  	v33 =	vor.u32 v9, v49;
	[tilespmem:v31+s12+$0x0] =	vst.idx.msk $0xffff, v7;
	v1 =	vld.idx.msk [tilespmem:v1+s3+$0x0], $0xffff  }
0x630: {  	v40 =	vor.u32 v9, v35;
	v8 =	vld.idx.msk [tilespmem:v32+s3+$0x0], $0xffff  }
0x631: {  	v38 =	vor.u32 v10, v36  }
0x632: {  	[tilespmem:v50+s12+$0x0] =	vst.idx.msk $0xffff, v4  }
0x633: {  	v39 =	vor.u32 v10, v34;
	[tilespmem:v47+s12+$0x0] =	vst.idx.msk $0xffff, v2  }
0x634: {  	v37 =	vor.u32 v10, v42;
	[tilespmem:v33+s12+$0x0] =	vst.idx.msk $0xffff, v1  }
0x635: {  	v13 =	vld [tilespmem:$0x1FFB0];
	[tilespmem:v40+s12+$0x0] =	vst.idx.msk $0xffff, v8  }
0x636: {  	v41 =	vor.u32 v10, v45;
	v4 =	vld.idx.msk [tilespmem:v38+s3+$0x0], $0xffff;
	[tilespmem:v20+s12+$0x0] =	vst.idx.msk $0xffff, v53  }
0x637: {  	v50 =	vor.u32 v10, v26;
	v55 =	vld [tilespmem:$0x1F9F0]  }
0x638: {  	v51 =	vor.u32 v10, v14;
	v3 =	vld.idx.msk [tilespmem:v39+s3+$0x0], $0xffff  }
0x639: {  	v43 =	vor.u32 v10, v49;
	v1 =	vld.idx.msk [tilespmem:v37+s3+$0x0], $0xffff;
	_ =	sdelay $0x1  }
0x63a: {  	v54 =	vor.u32 v10, v35;
	v9 =	vld.idx.msk [tilespmem:v41+s3+$0x0], $0xffff  }
0x63b: {  	[tilespmem:v50+s12+$0x0] =	vst.idx.msk $0xffff, v4  }
0x63c: {  	[tilespmem:v51+s12+$0x0] =	vst.idx.msk $0xffff, v3  }
0x63d: {  	[tilespmem:v43+s12+$0x0] =	vst.idx.msk $0xffff, v1  }
0x63e: {  	[tilespmem:v55+s12+$0x0] =	vst.idx.msk $0xffff, v17  }
0x63f: {  	v12 =	vld [tilespmem:$0x1FFC0];
	[tilespmem:v54+s12+$0x0] =	vst.idx.msk $0xffff, v9  }
0x640: {  	v8 =	vld [tilespmem:$0x1F8D0];
	_ =	sdelay $0x2  }
0x641: {  	v56 =	vld.idx.msk [tilespmem:v19+s3+$0x0], $0xffff;
	_ =	sdelay $0x2  }
0x642: {  	v48 =	vor.u32 v13, v42;
	_ =	sdelay $0x1  }
0x643: {  	[tilespmem:v8+s12+$0x0] =	vst.idx.msk $0xffff, v56  }
0x644: {  	v10 =	vld [tilespmem:$0x1F920];
	_ =	sdelay $0x1  }
0x645: {  	v58 =	vor.u32 v13, v49;
	v2 =	vld.idx.msk [tilespmem:v48+s3+$0x0], $0xffff  }
0x646: {  	v57 =	vld.idx.msk [tilespmem:v16+s3+$0x0], $0xffff;
	_ =	sdelay $0x3  }
0x647: {  	v52 =	vor.u32 v13, v36;
	[tilespmem:v58+s12+$0x0] =	vst.idx.msk $0xffff, v2  }
0x648: {  	[tilespmem:v10+s12+$0x0] =	vst.idx.msk $0xffff, v57  }
0x649: {  	v2 =	vld [tilespmem:$0x1F910];
	_ =	sdelay $0x1  }
0x64a: {  	v6 =	vld.idx.msk [tilespmem:v18+s3+$0x0], $0xffff;
	v11 =	vor.u32 v13, v45;
	v13 =	vor.u32 v13, v14  }
0x64b: {  	v62 =	vld.idx.msk [tilespmem:v52+s3+$0x0], $0xffff;
	_ =	sdelay $0x3  }
0x64c: {  	[tilespmem:v13+s12+$0x0] =	vst.idx.msk $0xffff, v6  }
0x64d: {  	[tilespmem:v2+s12+$0x0] =	vst.idx.msk $0xffff, v62  }
0x64e: {  	v6 =	vld [tilespmem:$0x1F980];
	_ =	sdelay $0x2  }
0x64f: {  	v9 =	vld.idx.msk [tilespmem:v11+s3+$0x0], $0xffff;
	_ =	sdelay $0x4  }
0x650: {  	v23 =	vld [tilespmem:$0x1FFD0];
	[tilespmem:v6+s12+$0x0] =	vst.idx.msk $0xffff, v9  }
0x651: {  	v9 =	vld [tilespmem:$0x1FA20];
	_ =	sdelay $0x2  }
0x652: {  	v17 =	vld.idx.msk [tilespmem:v59+s3+$0x0], $0xffff;
	_ =	sdelay $0x2  }
0x653: {  	v63 =	vor.u32 v12, v42;
	_ =	sdelay $0x1  }
0x654: {  	v15 =	vor.u32 v12, v36;
	[tilespmem:v9+s12+$0x0] =	vst.idx.msk $0xffff, v17  }
0x655: {  	v16 =	vor.u32 v12, v34;
	v31 =	vld [tilespmem:$0x1F8B0]  }
0x656: {  	v19 =	vld.idx.msk [tilespmem:v22+s3+$0x0], $0xffff  }
0x657: {  	v20 =	vor.u32 v12, v49;
	v22 =	vld.idx.msk [tilespmem:v63+s3+$0x0], $0xffff;
	_ =	sdelay $0x1  }
0x658: {  	v25 =	vld.idx.msk [tilespmem:v15+s3+$0x0], $0xffff  }
0x659: {  	v28 =	vor.u32 v12, v14;
	v8 =	vld.idx.msk [tilespmem:v16+s3+$0x0], $0xffff;
	_ =	sdelay $0x1  }
0x65a: {  	[tilespmem:v20+s12+$0x0] =	vst.idx.msk $0xffff, v22  }
0x65b: {  	[tilespmem:v31+s12+$0x0] =	vst.idx.msk $0xffff, v19  }
0x65c: {  	v18 =	vor.u32 v12, v45;
	v2 =	vld [tilespmem:$0x1FA00];
	[tilespmem:v44+s12+$0x0] =	vst.idx.msk $0xffff, v25  }
0x65d: {  	[tilespmem:v28+s12+$0x0] =	vst.idx.msk $0xffff, v8  }
0x65e: {  	v8 =	vld [tilespmem:$0x1F970];
	_ =	sdelay $0x2  }
0x65f: {  	v30 =	vld.idx.msk [tilespmem:v18+s3+$0x0], $0xffff;
	_ =	sdelay $0x2  }
0x660: {  	v24 =	vor.u32 v23, v42  }
0x661: {  	v37 =	vld [tilespmem:$0x1FFE0];
	[tilespmem:v61+s12+$0x0] =	vst.idx.msk $0xffff, v21  }
0x662: {  	v27 =	vor.u32 v23, v36;
	[tilespmem:v8+s12+$0x0] =	vst.idx.msk $0xffff, v30  }
0x663: {  	v29 =	vor.u32 v23, v34;
	v43 =	vld [tilespmem:$0x1F890];
	_ =	sdelay $0x1  }
0x664: {  	v33 =	vor.u32 v23, v49;
	v4 =	vld.idx.msk [tilespmem:v24+s3+$0x0], $0xffff  }
0x665: {  	v2 =	vld.idx.msk [tilespmem:v2+s3+$0x0], $0xffff  }
0x666: {  	v35 =	vor.u32 v23, v26;
	v6 =	vld.idx.msk [tilespmem:v27+s3+$0x0], $0xffff  }
0x667: {  	v39 =	vor.u32 v23, v14;
	v0 =	vld.idx.msk [tilespmem:v29+s3+$0x0], $0xffff;
	_ =	sdelay $0x1  }
0x668: {  	[tilespmem:v33+s12+$0x0] =	vst.idx.msk $0xffff, v4  }
0x669: {  	[tilespmem:v43+s12+$0x0] =	vst.idx.msk $0xffff, v2  }
0x66a: {  	v32 =	vor.u32 v23, v45;
	v3 =	vld [tilespmem:$0x1FA40];
	[tilespmem:v35+s12+$0x0] =	vst.idx.msk $0xffff, v6  }
0x66b: {  	[tilespmem:v39+s12+$0x0] =	vst.idx.msk $0xffff, v0  }
0x66c: {  	v8 =	vld [tilespmem:$0x1F950];
	_ =	sdelay $0x2  }
0x66d: {  	v1 =	vld.idx.msk [tilespmem:v32+s3+$0x0], $0xffff;
	_ =	sdelay $0x4  }
0x66e: {  	v50 =	vld [tilespmem:$0x1FFF0];
	[tilespmem:v8+s12+$0x0] =	vst.idx.msk $0xffff, v1  }
0x66f: {  	v57 =	vld [tilespmem:$0x1F8E0];
	_ =	sdelay $0x2  }
0x670: {  	v44 =	vld.idx.msk [tilespmem:v60+s3+$0x0], $0xffff;
	_ =	sdelay $0x4  }
0x671: {  	[tilespmem:v57+s12+$0x0] =	vst.idx.msk $0xffff, v44  }
0x672: {  	v38 =	vor.u32 v37, v42;
	v10 =	vld [tilespmem:$0x1F930]  }
0x673: {  	v40 =	vor.u32 v37, v36  }
0x674: {  	v41 =	vor.u32 v37, v34  }
0x675: {  	v3 =	vld.idx.msk [tilespmem:v3+s3+$0x0], $0xffff;
	_ =	sdelay $0x1  }
0x676: {  	v48 =	vor.u32 v37, v49;
	v49 =	vld.idx.msk [tilespmem:v38+s3+$0x0], $0xffff  }
0x677: {  	v52 =	vor.u32 v37, v26;
	v53 =	vld.idx.msk [tilespmem:v40+s3+$0x0], $0xffff  }
0x678: {  	v54 =	vor.u32 v37, v14;
	v56 =	vld.idx.msk [tilespmem:v41+s3+$0x0], $0xffff  }
0x679: {  	[tilespmem:v10+s12+$0x0] =	vst.idx.msk $0xffff, v3  }
0x67a: {  	v3 =	vld [tilespmem:$0x1F8A0]  }
0x67b: {  	[tilespmem:v48+s12+$0x0] =	vst.idx.msk $0xffff, v49  }
0x67c: {  	v47 =	vor.u32 v37, v45;
	v4 =	vld [tilespmem:$0x1F9A0];
	[tilespmem:v52+s12+$0x0] =	vst.idx.msk $0xffff, v53  }
0x67d: {  	[tilespmem:v54+s12+$0x0] =	vst.idx.msk $0xffff, v56  }
0x67e: {  	v6 =	vld [tilespmem:$0x1F990];
	_ =	sdelay $0x2  }
0x67f: {  	v58 =	vld.idx.msk [tilespmem:v47+s3+$0x0], $0xffff  }
0x680: {  	v3 =	vld.idx.msk [tilespmem:v3+s3+$0x0], $0xffff;
	_ =	sdelay $0x3  }
0x681: {  	[tilespmem:v6+s12+$0x0] =	vst.idx.msk $0xffff, v58  }
0x682: {  	v6 =	vld [tilespmem:$0x1F940];
	[tilespmem:v46+s12+$0x0] =	vst.idx.msk $0xffff, v3  }
0x683: {  	v7 =	vld [tilespmem:$0x1F8C0];
	_ =	sdelay $0x2  }
0x684: {  	v4 =	vld.idx.msk [tilespmem:v4+s3+$0x0], $0xffff;
	_ =	sdelay $0x1  }
0x685: {  	v55 =	vor.u32 v50, v36;
	_ =	sdelay $0x1  }
0x686: {  	v51 =	vor.u32 v50, v42  }
0x687: {  	[tilespmem:v7+s12+$0x0] =	vst.idx.msk $0xffff, v4  }
0x688: {  	v4 =	vld [tilespmem:$0x1F8F0]  }
0x689: {  	v60 =	vor.u32 v50, v26;
	v61 =	vld.idx.msk [tilespmem:v55+s3+$0x0], $0xffff  }
0x68a: {  	v62 =	vor.u32 v50, v14;
	v6 =	vld.idx.msk [tilespmem:v6+s3+$0x0], $0xffff  }
0x68b: {  	v0 =	vld.idx.msk [tilespmem:v51+s3+$0x0], $0xffff;
	_ =	sdelay $0x2  }
0x68c: {  	[tilespmem:v60+s12+$0x0] =	vst.idx.msk $0xffff, v61  }
0x68d: {  	v59 =	vor.u32 v50, v45;
	[tilespmem:v62+s12+$0x0] =	vst.idx.msk $0xffff, v6  }
0x68e: {  	[tilespmem:v4+s12+$0x0] =	vst.idx.msk $0xffff, v0  }
0x68f: {  	v0 =	vld [tilespmem:$0x1F960];
	_ =	sdelay $0x2  }
0x690: {  	v63 =	vld.idx.msk [tilespmem:v59+s3+$0x0], $0xffff;
	_ =	sdelay $0x4  }
0x691: {  	[tilespmem:v0+s12+$0x0] =	vst.idx.msk $0xffff, v63  }
0x692: {  	[hbm4b:s8+s3] =	stream.linear.scatter [tilespmem:s12], [sflag:$0x1], $0x8000, $0x38;
	[tilespmem:$0x18A00] =	vst v63  }
0x693: {  	_ =	swait.ge [sflag:s16], $0x8000  }
0x694: {  	[sflag:s16] =	ssyncset.done $0x0  }
0x695: {  	s18 =	sadd.s32 $0x1, s18;
	[sflag:s16] =	ssyncadd.s32 $0xFFFF8000  }
0x696: {  	p0 =	sne.s32 s18, s9;
	_ =	swait.ge [sflag:s17], $0x8000  }
.Ltmp4:
0x697: {  	[sflag:s17] =	ssyncset.done $0x0;
	(pc) =	sbr.rel @p0 .LBB2_1-.Ltmp4, $4  }
0x698: {  	[sflag:s17] =	ssyncadd.s32 $0xFFFF8000  }
0x699: {  	_ =	swait.ge [sflag:s15], $0x8000  }
0x69a: {  	[sflag:s15] =	ssyncset.done $0x0  }
0x69b: {  	[sflag:s15] =	ssyncadd.s32 $0xFFFF8000  }
0x69c: {  	_ =	sfence.sel $0x180000  }
0x69d: {  	[bflag:$0x0] =	sbarrier.arrive $0xFFFF  }
0x69e: {  	p0 =	sne.s32 s1, $0x0;
	_ =	strace $0x90000047  }
0x69f: {  	s0 =	sadd.s32 @!p0 $0x100000, s0;
	[bflag:$0x2] =	sbarrier.arrive $0xFFFF  }
0x6a0: {  	[sflag:s0] =	ssyncadd.tile.s32 @!p0 $0x1;
	_ =	shalt  }
.Lfunc_end2:
_tile_overlayer_lowered:
.L_overlay_start_2:
0x6a1: {  	(tag) =	ssettag $0x2  }
0x6a2: {  	s0 =	rddreg [dreg:$0x0];
	s2 =	stileid.u32  }
0x6a3: {  	s1 =	rddreg [dreg:$0x1];
	p0 =	sne.s32 s2, $0x0  }
0x6a4: {  	s3 =	rddreg [dreg:$0x2];
	[bflag:$0x3] =	sbarrier.arrive $0xFFFF;
	s2 =	simm.s32 @!p0 $0x1C05  }
0x6a5: {  	[timem:s3], [sflag:s2] =	dma.local @!p0 [hbm:s0], s1  }
0x6a6: {  	s0 =	simm.s32 @!p0 $0x5  }
0x6a7: {  	_ =	swait.ge @!p0 [sflag:s0], s1  }
0x6a8: {  	s1 =	ssub.s32 @!p0 $0x0, s1;
	[sflag:s0] =	ssyncset.done @!p0 $0x0  }
0x6a9: {  	[sflag:s0] =	ssyncadd.s32 @!p0 s1  }
0x6aa: {  	[bflag:$0x3] =	sbarrier.arrive $0xFFFF  }
0x6ab: {  	_ =	shalt  }

</sc_bundles>
